<compile_context>
chip_gen: v7x
topology: tpu7x:2x2x1
jax: 0.10.2.dev20260603
libtpu: 0.0.44.dev20260713+nightly
codegen_flags: <defaults>
</compile_context>

<pallas_src>
import functools

import jax
import jax.numpy as jnp
from jax import lax
from jax.experimental import pallas as pl
from jax.experimental.pallas import tpu as pltpu
from jax.experimental.pallas import tpu_sc as plsc

N_NODES = 10000
N_EDGES = 320000
D_FEAT = 128

NC = 2
NS = 16
NW = NC * NS
E_PER_W = N_EDGES // NW
CHUNK = 80
NCHUNK = E_PER_W // CHUNK
N_PAD = 10240
ROWS_PER_TILE = N_PAD // NS
ZROWS = 128

_MESH = plsc.VectorSubcoreMesh(core_axis_name="c", subcore_axis_name="s")


def _fill_const(ref, nrows, width, val):
    def body(i, _):
        for j in range(width // 16):
            ref[i, pl.ds(j * 16, 16)] = jnp.full((16,), val, jnp.float32)
        return 0
    lax.fori_loop(0, nrows, body, 0)


def _zero_agg(z_v, agg_sh, sid):
    for r in range(ROWS_PER_TILE // ZROWS):
        pltpu.sync_copy(z_v, agg_sh.at[pl.ds(sid * ROWS_PER_TILE + r * ZROWS,
                                             ZROWS)])


def _write_out(z_v, agg_sh, out_slot, sid):
    for r in range(ROWS_PER_TILE // ZROWS):
        rs = sid * ROWS_PER_TILE + r * ZROWS
        pltpu.sync_copy(agg_sh.at[pl.ds(rs, ZROWS)], z_v)
        pltpu.sync_copy(z_v, out_slot.at[pl.ds(rs, ZROWS)])


def _deg_body(src_hbm, dst_hbm, out_hbm, idx_v, ones_v, z_v, hist_sh):
    core = lax.axis_index("c")
    sid = lax.axis_index("s")
    wid = sid * NC + core

    _fill_const(ones_v, CHUNK, D_FEAT, 1.0)

    for phase, edge_hbm in enumerate((src_hbm, dst_hbm)):
        _fill_const(z_v, ZROWS, D_FEAT, 0.0)
        _zero_agg(z_v, hist_sh, sid)
        plsc.subcore_barrier()

        def body(ci, _):
            base = wid * E_PER_W + ci * CHUNK
            pltpu.sync_copy(edge_hbm.at[pl.ds(base, CHUNK)], idx_v)
            pltpu.sync_copy(ones_v, hist_sh.at[idx_v], add=True)
            return 0
        lax.fori_loop(0, NCHUNK, body, 0)

        plsc.subcore_barrier()
        _write_out(z_v, hist_sh, out_hbm.at[core, phase], sid)
        plsc.subcore_barrier()


_deg_call = functools.partial(
    pl.kernel,
    out_type=jax.ShapeDtypeStruct((NC, 2, N_PAD, D_FEAT), jnp.float32),
    mesh=_MESH,
    scratch_types=[
        pltpu.VMEM((CHUNK,), jnp.int32),
        pltpu.VMEM((CHUNK, D_FEAT), jnp.float32),
        pltpu.VMEM((ZROWS, D_FEAT), jnp.float32),
        pltpu.VMEM_SHARED((N_PAD, D_FEAT), jnp.float32),
    ],
)(_deg_body)


def _gather_body(m_hbm, src_hbm, dst_hbm, out_hbm,
                 sidx_v, didx_v, rows_v, z_v, agg_sh, sem):
    core = lax.axis_index("c")
    sid = lax.axis_index("s")
    wid = sid * NC + core

    _fill_const(z_v, ZROWS, D_FEAT, 0.0)
    _zero_agg(z_v, agg_sh, sid)
    plsc.subcore_barrier()

    def body(ci, _):
        base = wid * E_PER_W + ci * CHUNK
        pltpu.sync_copy(src_hbm.at[pl.ds(base, CHUNK)], sidx_v)
        pltpu.async_copy(m_hbm.at[sidx_v], rows_v, sem).wait()
        pltpu.sync_copy(dst_hbm.at[pl.ds(base, CHUNK)], didx_v)
        pltpu.sync_copy(rows_v, agg_sh.at[didx_v], add=True)
        return 0
    lax.fori_loop(0, NCHUNK, body, 0)

    plsc.subcore_barrier()
    _write_out(z_v, agg_sh, out_hbm.at[core], sid)


_gather_call = functools.partial(
    pl.kernel,
    out_type=jax.ShapeDtypeStruct((NC, N_PAD, D_FEAT), jnp.float32),
    mesh=_MESH,
    scratch_types=[
        pltpu.VMEM((CHUNK,), jnp.int32),
        pltpu.VMEM((CHUNK,), jnp.int32),
        pltpu.VMEM((CHUNK, D_FEAT), jnp.float32),
        pltpu.VMEM((ZROWS, D_FEAT), jnp.float32),
        pltpu.VMEM_SHARED((N_PAD, D_FEAT), jnp.float32),
        pltpu.SemaphoreType.DMA,
    ],
)(_gather_body)


def _norm_m0_body(degp_ref, x_ref, ns_ref, nd_ref, m0_ref):
    dsrc = degp_ref[0, 0] + degp_ref[1, 0]
    ddst = degp_ref[0, 1] + degp_ref[1, 1]
    ns = 1.0 / jnp.sqrt(jnp.maximum(dsrc[:, 0:1], 1.0))
    nd = 1.0 / jnp.sqrt(jnp.maximum(ddst[:, 0:1], 1.0))
    ns_ref[...] = ns
    nd_ref[...] = nd
    m0_ref[...] = x_ref[...] * ns[0:N_NODES, :]


def _norm_m0(degp, x):
    return pl.pallas_call(
        _norm_m0_body,
        out_shape=[
            jax.ShapeDtypeStruct((N_PAD, 1), jnp.float32),
            jax.ShapeDtypeStruct((N_PAD, 1), jnp.float32),
            jax.ShapeDtypeStruct((N_NODES, D_FEAT), jnp.float32),
        ],
    )(degp, x)


_TC_ROWS = 1000


def _layer_tc_body(p_ref, nd_ref, ns_ref, w_ref, b_ref, o_ref, *, last):
    agg = (p_ref[0] + p_ref[1]) * nd_ref[...]
    h = jnp.dot(agg, w_ref[...], preferred_element_type=jnp.float32)
    h = jnp.maximum(h + b_ref[...], 0.0)
    o_ref[...] = h if last else h * ns_ref[...]


def _layer_tc(parts, nd, ns, w, b, last):
    grid = (N_NODES // _TC_ROWS,)
    return pl.pallas_call(
        functools.partial(_layer_tc_body, last=last),
        grid=grid,
        in_specs=[
            pl.BlockSpec((NC, _TC_ROWS, D_FEAT), lambda i: (0, i, 0)),
            pl.BlockSpec((_TC_ROWS, 1), lambda i: (i, 0)),
            pl.BlockSpec((_TC_ROWS, 1), lambda i: (i, 0)),
            pl.BlockSpec((D_FEAT, D_FEAT), lambda i: (0, 0)),
            pl.BlockSpec((1, D_FEAT), lambda i: (0, 0)),
        ],
        out_specs=pl.BlockSpec((_TC_ROWS, D_FEAT), lambda i: (i, 0)),
        out_shape=jax.ShapeDtypeStruct((N_NODES, D_FEAT), jnp.float32),
    )(parts, nd, ns, w, b)


def kernel(x, edge_index, W0, b0, W1, b1, W2, b2, W3, b3, W4, b4):
    src = edge_index[0].astype(jnp.int32)
    dst = edge_index[1].astype(jnp.int32)
    Ws = [W0, W1, W2, W3, W4]
    bs = [b0, b1, b2, b3, b4]

    degp = _deg_call(src, dst)
    ns, nd, m = _norm_m0(degp, x)
    for i in range(5):
        parts = _gather_call(m, src, dst)
        m = _layer_tc(parts, nd, ns, Ws[i], bs[i].reshape(1, D_FEAT),
                      last=(i == 4))
    return m

# --- scband reference (transcript-rebuilt; emitter-appended) ---
"""Pipeline reference for scband-gcngnn-6614249636268 (READ-ONLY COPY).

The authoritative reference and input builder live on the scoring server;
editing this copy changes nothing except your own understanding.
"""

import jax, jax.numpy as jnp
import numpy as np

N_NODES = 10000
N_EDGES = 320000
D_FEAT = 128
HIDDEN = 128
DEPTH = 5


def setup_inputs(seed: int = 0) -> dict:
    key = jax.random.key(seed)
    ks = jax.random.split(key, 2 + 2 * DEPTH)
    x = jax.random.normal(ks[0], (N_NODES, D_FEAT), dtype=jnp.float32)
    edge_index = jax.random.randint(ks[1], (2, N_EDGES), 0, N_NODES, dtype=jnp.int64)
    inp = {"x": x, "edge_index": edge_index}
    dims = [D_FEAT] + [HIDDEN] * DEPTH
    for i in range(DEPTH):
        fan_in = dims[i]
        inp[f"W{i}"] = jax.random.normal(ks[2 + 2 * i], (dims[i], dims[i + 1]), dtype=jnp.float32) / np.sqrt(fan_in)
        inp[f"b{i}"] = jnp.zeros((dims[i + 1],), dtype=jnp.float32)
    return inp


def _gcn_forward(x, edge_index, Ws, bs):
    # DGL GraphConv with norm='both': h' = D_in^{-1/2} A D_out^{-1/2} h W + b
    src = edge_index[0]
    dst = edge_index[1]
    n = x.shape[0]
    ones = jnp.ones((src.shape[0],), dtype=jnp.float32)
    deg_out = jnp.zeros((n,), dtype=jnp.float32).at[src].add(ones)
    deg_in = jnp.zeros((n,), dtype=jnp.float32).at[dst].add(ones)
    norm_src = 1.0 / jnp.sqrt(jnp.clip(deg_out, 1.0))
    norm_dst = 1.0 / jnp.sqrt(jnp.clip(deg_in, 1.0))
    h = x
    for W, b in zip(Ws, bs):
        m = h * norm_src[:, None]
        gathered = jnp.take(m, src, axis=0)
        agg = jnp.zeros((n, h.shape[1]), dtype=h.dtype).at[dst].add(gathered)
        agg = agg * norm_dst[:, None]
        h = jax.nn.relu(agg @ W + b)
    return h


def reference(x, edge_index, W0, b0, W1, b1, W2, b2, W3, b3, W4, b4):
    Ws = [W0, W1, W2, W3, W4]
    bs = [b0, b1, b2, b3, b4]
    return _gcn_forward(x, edge_index, Ws, bs)

if __name__ == "__main__":
    import jax
    _d = setup_inputs()
    print(jax.jit(kernel)(*tuple(_d.values())))

</pallas_src>

<mosaic_0001>
#map = affine_map<(d0, d1) -> (0, 0)>
#map1 = affine_map<(d0, d1) -> (0)>
#map2 = affine_map<(d0, d1) -> (0, 0, 0)>
module attributes {stable_mosaic.version = 14 : i64} {
  func.func @_gather_body(%arg0: i32, %arg1: i32, %arg2: memref<10000x128xf32, #tpu.memory_space<hbm>>, %arg3: memref<320000xi32, #tpu.memory_space<hbm>>, %arg4: memref<320000xi32, #tpu.memory_space<hbm>>, %arg5: memref<2x10240x128xf32, #tpu.memory_space<hbm>>, %arg6: memref<80xi32, #tpu.memory_space<vmem>>, %arg7: memref<80xi32, #tpu.memory_space<vmem>>, %arg8: memref<80x128xf32, #tpu.memory_space<vmem>>, %arg9: memref<128x128xf32, #tpu.memory_space<vmem>>, %arg10: memref<10240x128xf32, #tpu.memory_space<vmem_shared>>, %arg11: memref<!tpu.dma_semaphore, #tpu.memory_space<semaphore_mem>>) attributes {dimension_semantics = [#tpu.dimension_semantics<core_parallel>, #tpu.dimension_semantics<subcore_parallel>], iteration_bounds = array<i64: 2, 16>, scalar_prefetch = 0 : i64, scratch_operands = 6 : i64, tpu.core_type = #tpu.core_type<sc_vector_subcore>, window_params = [{transform_indices = #map}, {transform_indices = #map1}, {transform_indices = #map1}, {transform_indices = #map2}]} {
    %mul3A = arith.constant 2 : i32
    %mul3A_0 = arith.muli %arg1, %mul3A : i32
    %add3A = arith.addi %mul3A_0, %arg0 : i32
    %scan3A = arith.constant 0 : i32
    %scan3A_1 = arith.constant 0 : i32
    %scan3A_2 = arith.constant 128 : i32
    %scan3A_3 = arith.addi %scan3A_1, %scan3A_2 : i32
    %scan3A_4 = arith.constant 1 : i32
    %scan3A_5 = scf.for %scan3A_55 = %scan3A_1 to %scan3A_3 step %scan3A_4 iter_args(%scan3A_56 = %scan3A) -> (i32)  : i32 {
      %broadcast_in_dim3A = arith.constant 0.000000e+00 : f32
      %broadcast_in_dim3A_57 = vector.broadcast %broadcast_in_dim3A : f32 to vector<16xf32>
      %swap3A = arith.index_cast %scan3A_55 : i32 to index
      %swap3A_58 = arith.constant 0 : index
      %swap3A_59 = tpu.vector_load %arg9[%swap3A, %swap3A_58] {strides = array<i32>} : memref<128x128xf32, #tpu.memory_space<vmem>>, vector<1x16xf32>,
      %swap3A_60 = vector.shape_cast %swap3A_59 : vector<1x16xf32> to vector<16xf32>
      %swap3A_61 = vector.shape_cast %broadcast_in_dim3A_57 : vector<16xf32> to vector<1x16xf32>
      tpu.vector_store %arg9[%swap3A, %swap3A_58], %swap3A_61 {strides = array<i32>} : memref<128x128xf32, #tpu.memory_space<vmem>>, vector<1x16xf32>,
      %broadcast_in_dim3A_62 = arith.constant 0.000000e+00 : f32
      %broadcast_in_dim3A_63 = vector.broadcast %broadcast_in_dim3A_62 : f32 to vector<16xf32>
      %swap3A_64 = arith.index_cast %scan3A_55 : i32 to index
      %swap3A_65 = arith.constant 16 : index
      %swap3A_66 = tpu.vector_load %arg9[%swap3A_64, %swap3A_65] {strides = array<i32>} : memref<128x128xf32, #tpu.memory_space<vmem>>, vector<1x16xf32>,
      %swap3A_67 = vector.shape_cast %swap3A_66 : vector<1x16xf32> to vector<16xf32>
      %swap3A_68 = vector.shape_cast %broadcast_in_dim3A_63 : vector<16xf32> to vector<1x16xf32>
      tpu.vector_store %arg9[%swap3A_64, %swap3A_65], %swap3A_68 {strides = array<i32>} : memref<128x128xf32, #tpu.memory_space<vmem>>, vector<1x16xf32>,
      %broadcast_in_dim3A_69 = arith.constant 0.000000e+00 : f32
      %broadcast_in_dim3A_70 = vector.broadcast %broadcast_in_dim3A_69 : f32 to vector<16xf32>
      %swap3A_71 = arith.index_cast %scan3A_55 : i32 to index
      %swap3A_72 = arith.constant 32 : index
      %swap3A_73 = tpu.vector_load %arg9[%swap3A_71, %swap3A_72] {strides = array<i32>} : memref<128x128xf32, #tpu.memory_space<vmem>>, vector<1x16xf32>,
      %swap3A_74 = vector.shape_cast %swap3A_73 : vector<1x16xf32> to vector<16xf32>
      %swap3A_75 = vector.shape_cast %broadcast_in_dim3A_70 : vector<16xf32> to vector<1x16xf32>
      tpu.vector_store %arg9[%swap3A_71, %swap3A_72], %swap3A_75 {strides = array<i32>} : memref<128x128xf32, #tpu.memory_space<vmem>>, vector<1x16xf32>,
      %broadcast_in_dim3A_76 = arith.constant 0.000000e+00 : f32
      %broadcast_in_dim3A_77 = vector.broadcast %broadcast_in_dim3A_76 : f32 to vector<16xf32>
      %swap3A_78 = arith.index_cast %scan3A_55 : i32 to index
      %swap3A_79 = arith.constant 48 : index
      %swap3A_80 = tpu.vector_load %arg9[%swap3A_78, %swap3A_79] {strides = array<i32>} : memref<128x128xf32, #tpu.memory_space<vmem>>, vector<1x16xf32>,
      %swap3A_81 = vector.shape_cast %swap3A_80 : vector<1x16xf32> to vector<16xf32>
      %swap3A_82 = vector.shape_cast %broadcast_in_dim3A_77 : vector<16xf32> to vector<1x16xf32>
      tpu.vector_store %arg9[%swap3A_78, %swap3A_79], %swap3A_82 {strides = array<i32>} : memref<128x128xf32, #tpu.memory_space<vmem>>, vector<1x16xf32>,
      %broadcast_in_dim3A_83 = arith.constant 0.000000e+00 : f32
      %broadcast_in_dim3A_84 = vector.broadcast %broadcast_in_dim3A_83 : f32 to vector<16xf32>
      %swap3A_85 = arith.index_cast %scan3A_55 : i32 to index
      %swap3A_86 = arith.constant 64 : index
      %swap3A_87 = tpu.vector_load %arg9[%swap3A_85, %swap3A_86] {strides = array<i32>} : memref<128x128xf32, #tpu.memory_space<vmem>>, vector<1x16xf32>,
      %swap3A_88 = vector.shape_cast %swap3A_87 : vector<1x16xf32> to vector<16xf32>
      %swap3A_89 = vector.shape_cast %broadcast_in_dim3A_84 : vector<16xf32> to vector<1x16xf32>
      tpu.vector_store %arg9[%swap3A_85, %swap3A_86], %swap3A_89 {strides = array<i32>} : memref<128x128xf32, #tpu.memory_space<vmem>>, vector<1x16xf32>,
      %broadcast_in_dim3A_90 = arith.constant 0.000000e+00 : f32
      %broadcast_in_dim3A_91 = vector.broadcast %broadcast_in_dim3A_90 : f32 to vector<16xf32>
      %swap3A_92 = arith.index_cast %scan3A_55 : i32 to index
      %swap3A_93 = arith.constant 80 : index
      %swap3A_94 = tpu.vector_load %arg9[%swap3A_92, %swap3A_93] {strides = array<i32>} : memref<128x128xf32, #tpu.memory_space<vmem>>, vector<1x16xf32>,
      %swap3A_95 = vector.shape_cast %swap3A_94 : vector<1x16xf32> to vector<16xf32>
      %swap3A_96 = vector.shape_cast %broadcast_in_dim3A_91 : vector<16xf32> to vector<1x16xf32>
      tpu.vector_store %arg9[%swap3A_92, %swap3A_93], %swap3A_96 {strides = array<i32>} : memref<128x128xf32, #tpu.memory_space<vmem>>, vector<1x16xf32>,
      %broadcast_in_dim3A_97 = arith.constant 0.000000e+00 : f32
      %broadcast_in_dim3A_98 = vector.broadcast %broadcast_in_dim3A_97 : f32 to vector<16xf32>
      %swap3A_99 = arith.index_cast %scan3A_55 : i32 to index
      %swap3A_100 = arith.constant 96 : index
      %swap3A_101 = tpu.vector_load %arg9[%swap3A_99, %swap3A_100] {strides = array<i32>} : memref<128x128xf32, #tpu.memory_space<vmem>>, vector<1x16xf32>,
      %swap3A_102 = vector.shape_cast %swap3A_101 : vector<1x16xf32> to vector<16xf32>
      %swap3A_103 = vector.shape_cast %broadcast_in_dim3A_98 : vector<16xf32> to vector<1x16xf32>
      tpu.vector_store %arg9[%swap3A_99, %swap3A_100], %swap3A_103 {strides = array<i32>} : memref<128x128xf32, #tpu.memory_space<vmem>>, vector<1x16xf32>,
      %broadcast_in_dim3A_104 = arith.constant 0.000000e+00 : f32
      %broadcast_in_dim3A_105 = vector.broadcast %broadcast_in_dim3A_104 : f32 to vector<16xf32>
      %swap3A_106 = arith.index_cast %scan3A_55 : i32 to index
      %swap3A_107 = arith.constant 112 : index
      %swap3A_108 = tpu.vector_load %arg9[%swap3A_106, %swap3A_107] {strides = array<i32>} : memref<128x128xf32, #tpu.memory_space<vmem>>, vector<1x16xf32>,
      %swap3A_109 = vector.shape_cast %swap3A_108 : vector<1x16xf32> to vector<16xf32>
      %swap3A_110 = vector.shape_cast %broadcast_in_dim3A_105 : vector<16xf32> to vector<1x16xf32>
      tpu.vector_store %arg9[%swap3A_106, %swap3A_107], %swap3A_110 {strides = array<i32>} : memref<128x128xf32, #tpu.memory_space<vmem>>, vector<1x16xf32>,
      %scan3A_111 = arith.constant 0 : i32
      scf.yield %scan3A_111 : i32
    }
    %scan3A_6 = arith.constant 128 : i32
    %mul3A_7 = arith.constant 640 : i32
    %mul3A_8 = arith.muli %arg1, %mul3A_7 : i32
    %add3A_9 = arith.constant 0 : i32
    %add3A_10 = arith.addi %mul3A_8, %add3A_9 : i32
    "tpu.region"() ({
      %run_scoped3A = tpu.sem_alloc : memref<!tpu.dma_semaphore, #tpu.memory_space<semaphore_mem>>
      %dma_start3A = arith.constant 0 : i32
      %dma_start3A_55 = tpu.memref_slice %arg10[%add3A_10, %dma_start3A] : memref<10240x128xf32, #tpu.memory_space<vmem_shared>> -> memref<128x128xf32, #tpu.memory_space<vmem_shared>>
      %dma_start3A_56 = arith.constant 0 : i32
      %dma_start3A_57 = tpu.memref_slice %arg10[%add3A_10, %dma_start3A_56] : memref<10240x128xf32, #tpu.memory_space<vmem_shared>> -> memref<128x128xf32, #tpu.memory_space<vmem_shared>>
      tpu.enqueue_dma source(%arg9 : memref<128x128xf32, #tpu.memory_space<vmem>>) target(%dma_start3A_57 : memref<128x128xf32, #tpu.memory_space<vmem_shared>>) target_semaphore(%run_scoped3A : memref<!tpu.dma_semaphore, #tpu.memory_space<semaphore_mem>>)
      %dma_wait3A = arith.constant 0 : i32
      %dma_wait3A_58 = tpu.memref_slice %arg10[%add3A_10, %dma_wait3A] : memref<10240x128xf32, #tpu.memory_space<vmem_shared>> -> memref<128x128xf32, #tpu.memory_space<vmem_shared>>
      %dma_wait3A_59 = arith.constant 0 : i32
      %dma_wait3A_60 = tpu.memref_slice %arg10[%add3A_10, %dma_wait3A_59] : memref<10240x128xf32, #tpu.memory_space<vmem_shared>> -> memref<128x128xf32, #tpu.memory_space<vmem_shared>>
      tpu.wait_dma2 semaphore(%run_scoped3A : memref<!tpu.dma_semaphore, #tpu.memory_space<semaphore_mem>>) src(%arg9 : memref<128x128xf32, #tpu.memory_space<vmem>>) dst(%dma_wait3A_60 : memref<128x128xf32, #tpu.memory_space<vmem_shared>>)
      tpu.yield
    }) : () -> ()
    %mul3A_11 = arith.constant 640 : i32
    %mul3A_12 = arith.muli %arg1, %mul3A_11 : i32
    %add3A_13 = arith.constant 128 : i32
    %add3A_14 = arith.addi %mul3A_12, %add3A_13 : i32
    "tpu.region"() ({
      %run_scoped3A = tpu.sem_alloc : memref<!tpu.dma_semaphore, #tpu.memory_space<semaphore_mem>>
      %dma_start3A = arith.constant 0 : i32
      %dma_start3A_55 = tpu.memref_slice %arg10[%add3A_14, %dma_start3A] : memref<10240x128xf32, #tpu.memory_space<vmem_shared>> -> memref<128x128xf32, #tpu.memory_space<vmem_shared>>
      %dma_start3A_56 = arith.constant 0 : i32
      %dma_start3A_57 = tpu.memref_slice %arg10[%add3A_14, %dma_start3A_56] : memref<10240x128xf32, #tpu.memory_space<vmem_shared>> -> memref<128x128xf32, #tpu.memory_space<vmem_shared>>
      tpu.enqueue_dma source(%arg9 : memref<128x128xf32, #tpu.memory_space<vmem>>) target(%dma_start3A_57 : memref<128x128xf32, #tpu.memory_space<vmem_shared>>) target_semaphore(%run_scoped3A : memref<!tpu.dma_semaphore, #tpu.memory_space<semaphore_mem>>)
      %dma_wait3A = arith.constant 0 : i32
      %dma_wait3A_58 = tpu.memref_slice %arg10[%add3A_14, %dma_wait3A] : memref<10240x128xf32, #tpu.memory_space<vmem_shared>> -> memref<128x128xf32, #tpu.memory_space<vmem_shared>>
      %dma_wait3A_59 = arith.constant 0 : i32
      %dma_wait3A_60 = tpu.memref_slice %arg10[%add3A_14, %dma_wait3A_59] : memref<10240x128xf32, #tpu.memory_space<vmem_shared>> -> memref<128x128xf32, #tpu.memory_space<vmem_shared>>
      tpu.wait_dma2 semaphore(%run_scoped3A : memref<!tpu.dma_semaphore, #tpu.memory_space<semaphore_mem>>) src(%arg9 : memref<128x128xf32, #tpu.memory_space<vmem>>) dst(%dma_wait3A_60 : memref<128x128xf32, #tpu.memory_space<vmem_shared>>)
      tpu.yield
    }) : () -> ()
    %mul3A_15 = arith.constant 640 : i32
    %mul3A_16 = arith.muli %arg1, %mul3A_15 : i32
    %add3A_17 = arith.constant 256 : i32
    %add3A_18 = arith.addi %mul3A_16, %add3A_17 : i32
    "tpu.region"() ({
      %run_scoped3A = tpu.sem_alloc : memref<!tpu.dma_semaphore, #tpu.memory_space<semaphore_mem>>
      %dma_start3A = arith.constant 0 : i32
      %dma_start3A_55 = tpu.memref_slice %arg10[%add3A_18, %dma_start3A] : memref<10240x128xf32, #tpu.memory_space<vmem_shared>> -> memref<128x128xf32, #tpu.memory_space<vmem_shared>>
      %dma_start3A_56 = arith.constant 0 : i32
      %dma_start3A_57 = tpu.memref_slice %arg10[%add3A_18, %dma_start3A_56] : memref<10240x128xf32, #tpu.memory_space<vmem_shared>> -> memref<128x128xf32, #tpu.memory_space<vmem_shared>>
      tpu.enqueue_dma source(%arg9 : memref<128x128xf32, #tpu.memory_space<vmem>>) target(%dma_start3A_57 : memref<128x128xf32, #tpu.memory_space<vmem_shared>>) target_semaphore(%run_scoped3A : memref<!tpu.dma_semaphore, #tpu.memory_space<semaphore_mem>>)
      %dma_wait3A = arith.constant 0 : i32
      %dma_wait3A_58 = tpu.memref_slice %arg10[%add3A_18, %dma_wait3A] : memref<10240x128xf32, #tpu.memory_space<vmem_shared>> -> memref<128x128xf32, #tpu.memory_space<vmem_shared>>
      %dma_wait3A_59 = arith.constant 0 : i32
      %dma_wait3A_60 = tpu.memref_slice %arg10[%add3A_18, %dma_wait3A_59] : memref<10240x128xf32, #tpu.memory_space<vmem_shared>> -> memref<128x128xf32, #tpu.memory_space<vmem_shared>>
      tpu.wait_dma2 semaphore(%run_scoped3A : memref<!tpu.dma_semaphore, #tpu.memory_space<semaphore_mem>>) src(%arg9 : memref<128x128xf32, #tpu.memory_space<vmem>>) dst(%dma_wait3A_60 : memref<128x128xf32, #tpu.memory_space<vmem_shared>>)
      tpu.yield
    }) : () -> ()
    %mul3A_19 = arith.constant 640 : i32
    %mul3A_20 = arith.muli %arg1, %mul3A_19 : i32
    %add3A_21 = arith.constant 384 : i32
    %add3A_22 = arith.addi %mul3A_20, %add3A_21 : i32
    "tpu.region"() ({
      %run_scoped3A = tpu.sem_alloc : memref<!tpu.dma_semaphore, #tpu.memory_space<semaphore_mem>>
      %dma_start3A = arith.constant 0 : i32
      %dma_start3A_55 = tpu.memref_slice %arg10[%add3A_22, %dma_start3A] : memref<10240x128xf32, #tpu.memory_space<vmem_shared>> -> memref<128x128xf32, #tpu.memory_space<vmem_shared>>
      %dma_start3A_56 = arith.constant 0 : i32
      %dma_start3A_57 = tpu.memref_slice %arg10[%add3A_22, %dma_start3A_56] : memref<10240x128xf32, #tpu.memory_space<vmem_shared>> -> memref<128x128xf32, #tpu.memory_space<vmem_shared>>
      tpu.enqueue_dma source(%arg9 : memref<128x128xf32, #tpu.memory_space<vmem>>) target(%dma_start3A_57 : memref<128x128xf32, #tpu.memory_space<vmem_shared>>) target_semaphore(%run_scoped3A : memref<!tpu.dma_semaphore, #tpu.memory_space<semaphore_mem>>)
      %dma_wait3A = arith.constant 0 : i32
      %dma_wait3A_58 = tpu.memref_slice %arg10[%add3A_22, %dma_wait3A] : memref<10240x128xf32, #tpu.memory_space<vmem_shared>> -> memref<128x128xf32, #tpu.memory_space<vmem_shared>>
      %dma_wait3A_59 = arith.constant 0 : i32
      %dma_wait3A_60 = tpu.memref_slice %arg10[%add3A_22, %dma_wait3A_59] : memref<10240x128xf32, #tpu.memory_space<vmem_shared>> -> memref<128x128xf32, #tpu.memory_space<vmem_shared>>
      tpu.wait_dma2 semaphore(%run_scoped3A : memref<!tpu.dma_semaphore, #tpu.memory_space<semaphore_mem>>) src(%arg9 : memref<128x128xf32, #tpu.memory_space<vmem>>) dst(%dma_wait3A_60 : memref<128x128xf32, #tpu.memory_space<vmem_shared>>)
      tpu.yield
    }) : () -> ()
    %mul3A_23 = arith.constant 640 : i32
    %mul3A_24 = arith.muli %arg1, %mul3A_23 : i32
    %add3A_25 = arith.constant 512 : i32
    %add3A_26 = arith.addi %mul3A_24, %add3A_25 : i32
    "tpu.region"() ({
      %run_scoped3A = tpu.sem_alloc : memref<!tpu.dma_semaphore, #tpu.memory_space<semaphore_mem>>
      %dma_start3A = arith.constant 0 : i32
      %dma_start3A_55 = tpu.memref_slice %arg10[%add3A_26, %dma_start3A] : memref<10240x128xf32, #tpu.memory_space<vmem_shared>> -> memref<128x128xf32, #tpu.memory_space<vmem_shared>>
      %dma_start3A_56 = arith.constant 0 : i32
      %dma_start3A_57 = tpu.memref_slice %arg10[%add3A_26, %dma_start3A_56] : memref<10240x128xf32, #tpu.memory_space<vmem_shared>> -> memref<128x128xf32, #tpu.memory_space<vmem_shared>>
      tpu.enqueue_dma source(%arg9 : memref<128x128xf32, #tpu.memory_space<vmem>>) target(%dma_start3A_57 : memref<128x128xf32, #tpu.memory_space<vmem_shared>>) target_semaphore(%run_scoped3A : memref<!tpu.dma_semaphore, #tpu.memory_space<semaphore_mem>>)
      %dma_wait3A = arith.constant 0 : i32
      %dma_wait3A_58 = tpu.memref_slice %arg10[%add3A_26, %dma_wait3A] : memref<10240x128xf32, #tpu.memory_space<vmem_shared>> -> memref<128x128xf32, #tpu.memory_space<vmem_shared>>
      %dma_wait3A_59 = arith.constant 0 : i32
      %dma_wait3A_60 = tpu.memref_slice %arg10[%add3A_26, %dma_wait3A_59] : memref<10240x128xf32, #tpu.memory_space<vmem_shared>> -> memref<128x128xf32, #tpu.memory_space<vmem_shared>>
      tpu.wait_dma2 semaphore(%run_scoped3A : memref<!tpu.dma_semaphore, #tpu.memory_space<semaphore_mem>>) src(%arg9 : memref<128x128xf32, #tpu.memory_space<vmem>>) dst(%dma_wait3A_60 : memref<128x128xf32, #tpu.memory_space<vmem_shared>>)
      tpu.yield
    }) : () -> ()
    %barrier3A = arith.constant 0 : index
    tpu.barrier barrier_id(%barrier3A)
    %scan3A_27 = arith.constant 0 : i32
    %scan3A_28 = arith.constant 0 : i32
    %scan3A_29 = arith.constant 125 : i32
    %scan3A_30 = arith.addi %scan3A_28, %scan3A_29 : i32
    %scan3A_31 = arith.constant 1 : i32
    %scan3A_32 = scf.for %scan3A_55 = %scan3A_28 to %scan3A_30 step %scan3A_31 iter_args(%scan3A_56 = %scan3A_27) -> (i32)  : i32 {
      %mul3A_57 = arith.constant 10000 : i32
      %mul3A_58 = arith.muli %add3A, %mul3A_57 : i32
      %mul3A_59 = arith.constant 80 : i32
      %mul3A_60 = arith.muli %scan3A_55, %mul3A_59 : i32
      %add3A_61 = arith.addi %mul3A_58, %mul3A_60 : i32
      "tpu.region"() ({
        %run_scoped3A = tpu.sem_alloc : memref<!tpu.dma_semaphore, #tpu.memory_space<semaphore_mem>>
        %dma_start3A_67 = tpu.memref_slice %arg3[%add3A_61] : memref<320000xi32, #tpu.memory_space<hbm>> -> memref<80xi32, #tpu.memory_space<hbm>>
        %dma_start3A_68 = tpu.memref_slice %arg3[%add3A_61] : memref<320000xi32, #tpu.memory_space<hbm>> -> memref<80xi32, #tpu.memory_space<hbm>>
        tpu.enqueue_dma source(%dma_start3A_68 : memref<80xi32, #tpu.memory_space<hbm>>) target(%arg6 : memref<80xi32, #tpu.memory_space<vmem>>) target_semaphore(%run_scoped3A : memref<!tpu.dma_semaphore, #tpu.memory_space<semaphore_mem>>)
        %dma_wait3A_69 = tpu.memref_slice %arg3[%add3A_61] : memref<320000xi32, #tpu.memory_space<hbm>> -> memref<80xi32, #tpu.memory_space<hbm>>
        %dma_wait3A_70 = tpu.memref_slice %arg3[%add3A_61] : memref<320000xi32, #tpu.memory_space<hbm>> -> memref<80xi32, #tpu.memory_space<hbm>>
        tpu.wait_dma2 semaphore(%run_scoped3A : memref<!tpu.dma_semaphore, #tpu.memory_space<semaphore_mem>>) src(%dma_wait3A_70 : memref<80xi32, #tpu.memory_space<hbm>>) dst(%arg6 : memref<80xi32, #tpu.memory_space<vmem>>)
        tpu.yield
      }) : () -> ()
      %dma_start3A = arith.constant 0 : i32
      %dma_start3A_62 = arith.constant 0 : i32
      %dma_start3A_63 = tpu.memref_slice %arg2[%dma_start3A, %dma_start3A_62] : memref<10000x128xf32, #tpu.memory_space<hbm>> -> memref<10000x128xf32, #tpu.memory_space<hbm>>
      tpu.enqueue_indirect_dma source(%dma_start3A_63 : memref<10000x128xf32, #tpu.memory_space<hbm>>) target(%arg8 : memref<80x128xf32, #tpu.memory_space<vmem>>) offsets(%arg6 : memref<80xi32, #tpu.memory_space<vmem>>) semaphore(%arg11 : memref<!tpu.dma_semaphore, #tpu.memory_space<semaphore_mem>>)
      %dma_wait3A = arith.constant 0 : i32
      %dma_wait3A_64 = arith.constant 0 : i32
      %dma_wait3A_65 = tpu.memref_slice %arg2[%dma_wait3A, %dma_wait3A_64] : memref<10000x128xf32, #tpu.memory_space<hbm>> -> memref<10000x128xf32, #tpu.memory_space<hbm>>
      tpu.wait_indirect_dma semaphore(%arg11 : memref<!tpu.dma_semaphore, #tpu.memory_space<semaphore_mem>>) src(%dma_wait3A_65 : memref<10000x128xf32, #tpu.memory_space<hbm>>) dst(%arg8 : memref<80x128xf32, #tpu.memory_space<vmem>>)
      "tpu.region"() ({
        %run_scoped3A = tpu.sem_alloc : memref<!tpu.dma_semaphore, #tpu.memory_space<semaphore_mem>>
        %dma_start3A_67 = tpu.memref_slice %arg4[%add3A_61] : memref<320000xi32, #tpu.memory_space<hbm>> -> memref<80xi32, #tpu.memory_space<hbm>>
        %dma_start3A_68 = tpu.memref_slice %arg4[%add3A_61] : memref<320000xi32, #tpu.memory_space<hbm>> -> memref<80xi32, #tpu.memory_space<hbm>>
        tpu.enqueue_dma source(%dma_start3A_68 : memref<80xi32, #tpu.memory_space<hbm>>) target(%arg7 : memref<80xi32, #tpu.memory_space<vmem>>) target_semaphore(%run_scoped3A : memref<!tpu.dma_semaphore, #tpu.memory_space<semaphore_mem>>)
        %dma_wait3A_69 = tpu.memref_slice %arg4[%add3A_61] : memref<320000xi32, #tpu.memory_space<hbm>> -> memref<80xi32, #tpu.memory_space<hbm>>
        %dma_wait3A_70 = tpu.memref_slice %arg4[%add3A_61] : memref<320000xi32, #tpu.memory_space<hbm>> -> memref<80xi32, #tpu.memory_space<hbm>>
        tpu.wait_dma2 semaphore(%run_scoped3A : memref<!tpu.dma_semaphore, #tpu.memory_space<semaphore_mem>>) src(%dma_wait3A_70 : memref<80xi32, #tpu.memory_space<hbm>>) dst(%arg7 : memref<80xi32, #tpu.memory_space<vmem>>)
        tpu.yield
      }) : () -> ()
      "tpu.region"() ({
        %run_scoped3A = tpu.sem_alloc : memref<!tpu.dma_semaphore, #tpu.memory_space<semaphore_mem>>
        %dma_start3A_67 = arith.constant 0 : i32
        %dma_start3A_68 = arith.constant 0 : i32
        %dma_start3A_69 = tpu.memref_slice %arg10[%dma_start3A_67, %dma_start3A_68] : memref<10240x128xf32, #tpu.memory_space<vmem_shared>> -> memref<10240x128xf32, #tpu.memory_space<vmem_shared>>
        tpu.enqueue_indirect_dma source(%arg8 : memref<80x128xf32, #tpu.memory_space<vmem>>) target(%dma_start3A_69 : memref<10240x128xf32, #tpu.memory_space<vmem_shared>>) offsets(%arg7 : memref<80xi32, #tpu.memory_space<vmem>>) semaphore(%run_scoped3A : memref<!tpu.dma_semaphore, #tpu.memory_space<semaphore_mem>>) {add = true}
        %dma_wait3A_70 = arith.constant 0 : i32
        %dma_wait3A_71 = arith.constant 0 : i32
        %dma_wait3A_72 = tpu.memref_slice %arg10[%dma_wait3A_70, %dma_wait3A_71] : memref<10240x128xf32, #tpu.memory_space<vmem_shared>> -> memref<10240x128xf32, #tpu.memory_space<vmem_shared>>
        tpu.wait_indirect_dma semaphore(%run_scoped3A : memref<!tpu.dma_semaphore, #tpu.memory_space<semaphore_mem>>) src(%arg8 : memref<80x128xf32, #tpu.memory_space<vmem>>) dst(%dma_wait3A_72 : memref<10240x128xf32, #tpu.memory_space<vmem_shared>>)
        tpu.yield
      }) : () -> ()
      %scan3A_66 = arith.constant 0 : i32
      scf.yield %scan3A_66 : i32
    }
    %scan3A_33 = arith.constant 125 : i32
    %barrier3A_34 = arith.constant 0 : index
    tpu.barrier barrier_id(%barrier3A_34)
    %mul3A_35 = arith.constant 640 : i32
    %mul3A_36 = arith.muli %arg1, %mul3A_35 : i32
    %add3A_37 = arith.constant 0 : i32
    %add3A_38 = arith.addi %mul3A_36, %add3A_37 : i32
    "tpu.region"() ({
      %run_scoped3A = tpu.sem_alloc : memref<!tpu.dma_semaphore, #tpu.memory_space<semaphore_mem>>
      %dma_start3A = arith.constant 0 : i32
      %dma_start3A_55 = tpu.memref_slice %arg10[%add3A_38, %dma_start3A] : memref<10240x128xf32, #tpu.memory_space<vmem_shared>> -> memref<128x128xf32, #tpu.memory_space<vmem_shared>>
      %dma_start3A_56 = arith.constant 0 : i32
      %dma_start3A_57 = tpu.memref_slice %arg10[%add3A_38, %dma_start3A_56] : memref<10240x128xf32, #tpu.memory_space<vmem_shared>> -> memref<128x128xf32, #tpu.memory_space<vmem_shared>>
      tpu.enqueue_dma source(%dma_start3A_57 : memref<128x128xf32, #tpu.memory_space<vmem_shared>>) target(%arg9 : memref<128x128xf32, #tpu.memory_space<vmem>>) target_semaphore(%run_scoped3A : memref<!tpu.dma_semaphore, #tpu.memory_space<semaphore_mem>>)
      %dma_wait3A = arith.constant 0 : i32
      %dma_wait3A_58 = tpu.memref_slice %arg10[%add3A_38, %dma_wait3A] : memref<10240x128xf32, #tpu.memory_space<vmem_shared>> -> memref<128x128xf32, #tpu.memory_space<vmem_shared>>
      %dma_wait3A_59 = arith.constant 0 : i32
      %dma_wait3A_60 = tpu.memref_slice %arg10[%add3A_38, %dma_wait3A_59] : memref<10240x128xf32, #tpu.memory_space<vmem_shared>> -> memref<128x128xf32, #tpu.memory_space<vmem_shared>>
      tpu.wait_dma2 semaphore(%run_scoped3A : memref<!tpu.dma_semaphore, #tpu.memory_space<semaphore_mem>>) src(%dma_wait3A_60 : memref<128x128xf32, #tpu.memory_space<vmem_shared>>) dst(%arg9 : memref<128x128xf32, #tpu.memory_space<vmem>>)
      tpu.yield
    }) : () -> ()
    "tpu.region"() ({
      %run_scoped3A = tpu.sem_alloc : memref<!tpu.dma_semaphore, #tpu.memory_space<semaphore_mem>>
      %dma_start3A = arith.constant 0 : i32
      %dma_start3A_55 = arith.constant 0 : i32
      %dma_start3A_56 = tpu.memref_slice %arg5[%arg0, %dma_start3A, %dma_start3A_55] : memref<2x10240x128xf32, #tpu.memory_space<hbm>> -> memref<1x10240x128xf32, #tpu.memory_space<hbm>>
      %dma_start3A_57 = tpu.memref_squeeze %dma_start3A_56 : memref<1x10240x128xf32, #tpu.memory_space<hbm>> -> memref<10240x128xf32, #tpu.memory_space<hbm>>
      %dma_start3A_58 = arith.constant 0 : i32
      %dma_start3A_59 = tpu.memref_slice %dma_start3A_57[%add3A_38, %dma_start3A_58] : memref<10240x128xf32, #tpu.memory_space<hbm>> -> memref<128x128xf32, #tpu.memory_space<hbm>>
      %dma_start3A_60 = arith.constant 0 : i32
      %dma_start3A_61 = arith.constant 0 : i32
      %dma_start3A_62 = tpu.memref_slice %arg5[%arg0, %dma_start3A_60, %dma_start3A_61] : memref<2x10240x128xf32, #tpu.memory_space<hbm>> -> memref<1x10240x128xf32, #tpu.memory_space<hbm>>
      %dma_start3A_63 = tpu.memref_squeeze %dma_start3A_62 : memref<1x10240x128xf32, #tpu.memory_space<hbm>> -> memref<10240x128xf32, #tpu.memory_space<hbm>>
      %dma_start3A_64 = arith.constant 0 : i32
      %dma_start3A_65 = tpu.memref_slice %dma_start3A_63[%add3A_38, %dma_start3A_64] : memref<10240x128xf32, #tpu.memory_space<hbm>> -> memref<128x128xf32, #tpu.memory_space<hbm>>
      tpu.enqueue_dma source(%arg9 : memref<128x128xf32, #tpu.memory_space<vmem>>) target(%dma_start3A_65 : memref<128x128xf32, #tpu.memory_space<hbm>>) target_semaphore(%run_scoped3A : memref<!tpu.dma_semaphore, #tpu.memory_space<semaphore_mem>>)
      %dma_wait3A = arith.constant 0 : i32
      %dma_wait3A_66 = arith.constant 0 : i32
      %dma_wait3A_67 = tpu.memref_slice %arg5[%arg0, %dma_wait3A, %dma_wait3A_66] : memref<2x10240x128xf32, #tpu.memory_space<hbm>> -> memref<1x10240x128xf32, #tpu.memory_space<hbm>>
      %dma_wait3A_68 = tpu.memref_squeeze %dma_wait3A_67 : memref<1x10240x128xf32, #tpu.memory_space<hbm>> -> memref<10240x128xf32, #tpu.memory_space<hbm>>
      %dma_wait3A_69 = arith.constant 0 : i32
      %dma_wait3A_70 = tpu.memref_slice %dma_wait3A_68[%add3A_38, %dma_wait3A_69] : memref<10240x128xf32, #tpu.memory_space<hbm>> -> memref<128x128xf32, #tpu.memory_space<hbm>>
      %dma_wait3A_71 = arith.constant 0 : i32
      %dma_wait3A_72 = arith.constant 0 : i32
      %dma_wait3A_73 = tpu.memref_slice %arg5[%arg0, %dma_wait3A_71, %dma_wait3A_72] : memref<2x10240x128xf32, #tpu.memory_space<hbm>> -> memref<1x10240x128xf32, #tpu.memory_space<hbm>>
      %dma_wait3A_74 = tpu.memref_squeeze %dma_wait3A_73 : memref<1x10240x128xf32, #tpu.memory_space<hbm>> -> memref<10240x128xf32, #tpu.memory_space<hbm>>
      %dma_wait3A_75 = arith.constant 0 : i32
      %dma_wait3A_76 = tpu.memref_slice %dma_wait3A_74[%add3A_38, %dma_wait3A_75] : memref<10240x128xf32, #tpu.memory_space<hbm>> -> memref<128x128xf32, #tpu.memory_space<hbm>>
      tpu.wait_dma2 semaphore(%run_scoped3A : memref<!tpu.dma_semaphore, #tpu.memory_space<semaphore_mem>>) src(%arg9 : memref<128x128xf32, #tpu.memory_space<vmem>>) dst(%dma_wait3A_76 : memref<128x128xf32, #tpu.memory_space<hbm>>)
      tpu.yield
    }) : () -> ()
    %mul3A_39 = arith.constant 640 : i32
    %mul3A_40 = arith.muli %arg1, %mul3A_39 : i32
    %add3A_41 = arith.constant 128 : i32
    %add3A_42 = arith.addi %mul3A_40, %add3A_41 : i32
    "tpu.region"() ({
      %run_scoped3A = tpu.sem_alloc : memref<!tpu.dma_semaphore, #tpu.memory_space<semaphore_mem>>
      %dma_start3A = arith.constant 0 : i32
      %dma_start3A_55 = tpu.memref_slice %arg10[%add3A_42, %dma_start3A] : memref<10240x128xf32, #tpu.memory_space<vmem_shared>> -> memref<128x128xf32, #tpu.memory_space<vmem_shared>>
      %dma_start3A_56 = arith.constant 0 : i32
      %dma_start3A_57 = tpu.memref_slice %arg10[%add3A_42, %dma_start3A_56] : memref<10240x128xf32, #tpu.memory_space<vmem_shared>> -> memref<128x128xf32, #tpu.memory_space<vmem_shared>>
      tpu.enqueue_dma source(%dma_start3A_57 : memref<128x128xf32, #tpu.memory_space<vmem_shared>>) target(%arg9 : memref<128x128xf32, #tpu.memory_space<vmem>>) target_semaphore(%run_scoped3A : memref<!tpu.dma_semaphore, #tpu.memory_space<semaphore_mem>>)
      %dma_wait3A = arith.constant 0 : i32
      %dma_wait3A_58 = tpu.memref_slice %arg10[%add3A_42, %dma_wait3A] : memref<10240x128xf32, #tpu.memory_space<vmem_shared>> -> memref<128x128xf32, #tpu.memory_space<vmem_shared>>
      %dma_wait3A_59 = arith.constant 0 : i32
      %dma_wait3A_60 = tpu.memref_slice %arg10[%add3A_42, %dma_wait3A_59] : memref<10240x128xf32, #tpu.memory_space<vmem_shared>> -> memref<128x128xf32, #tpu.memory_space<vmem_shared>>
      tpu.wait_dma2 semaphore(%run_scoped3A : memref<!tpu.dma_semaphore, #tpu.memory_space<semaphore_mem>>) src(%dma_wait3A_60 : memref<128x128xf32, #tpu.memory_space<vmem_shared>>) dst(%arg9 : memref<128x128xf32, #tpu.memory_space<vmem>>)
      tpu.yield
    }) : () -> ()
    "tpu.region"() ({
      %run_scoped3A = tpu.sem_alloc : memref<!tpu.dma_semaphore, #tpu.memory_space<semaphore_mem>>
      %dma_start3A = arith.constant 0 : i32
      %dma_start3A_55 = arith.constant 0 : i32
      %dma_start3A_56 = tpu.memref_slice %arg5[%arg0, %dma_start3A, %dma_start3A_55] : memref<2x10240x128xf32, #tpu.memory_space<hbm>> -> memref<1x10240x128xf32, #tpu.memory_space<hbm>>
      %dma_start3A_57 = tpu.memref_squeeze %dma_start3A_56 : memref<1x10240x128xf32, #tpu.memory_space<hbm>> -> memref<10240x128xf32, #tpu.memory_space<hbm>>
      %dma_start3A_58 = arith.constant 0 : i32
      %dma_start3A_59 = tpu.memref_slice %dma_start3A_57[%add3A_42, %dma_start3A_58] : memref<10240x128xf32, #tpu.memory_space<hbm>> -> memref<128x128xf32, #tpu.memory_space<hbm>>
      %dma_start3A_60 = arith.constant 0 : i32
      %dma_start3A_61 = arith.constant 0 : i32
      %dma_start3A_62 = tpu.memref_slice %arg5[%arg0, %dma_start3A_60, %dma_start3A_61] : memref<2x10240x128xf32, #tpu.memory_space<hbm>> -> memref<1x10240x128xf32, #tpu.memory_space<hbm>>
      %dma_start3A_63 = tpu.memref_squeeze %dma_start3A_62 : memref<1x10240x128xf32, #tpu.memory_space<hbm>> -> memref<10240x128xf32, #tpu.memory_space<hbm>>
      %dma_start3A_64 = arith.constant 0 : i32
      %dma_start3A_65 = tpu.memref_slice %dma_start3A_63[%add3A_42, %dma_start3A_64] : memref<10240x128xf32, #tpu.memory_space<hbm>> -> memref<128x128xf32, #tpu.memory_space<hbm>>
      tpu.enqueue_dma source(%arg9 : memref<128x128xf32, #tpu.memory_space<vmem>>) target(%dma_start3A_65 : memref<128x128xf32, #tpu.memory_space<hbm>>) target_semaphore(%run_scoped3A : memref<!tpu.dma_semaphore, #tpu.memory_space<semaphore_mem>>)
      %dma_wait3A = arith.constant 0 : i32
      %dma_wait3A_66 = arith.constant 0 : i32
      %dma_wait3A_67 = tpu.memref_slice %arg5[%arg0, %dma_wait3A, %dma_wait3A_66] : memref<2x10240x128xf32, #tpu.memory_space<hbm>> -> memref<1x10240x128xf32, #tpu.memory_space<hbm>>
      %dma_wait3A_68 = tpu.memref_squeeze %dma_wait3A_67 : memref<1x10240x128xf32, #tpu.memory_space<hbm>> -> memref<10240x128xf32, #tpu.memory_space<hbm>>
      %dma_wait3A_69 = arith.constant 0 : i32
      %dma_wait3A_70 = tpu.memref_slice %dma_wait3A_68[%add3A_42, %dma_wait3A_69] : memref<10240x128xf32, #tpu.memory_space<hbm>> -> memref<128x128xf32, #tpu.memory_space<hbm>>
      %dma_wait3A_71 = arith.constant 0 : i32
      %dma_wait3A_72 = arith.constant 0 : i32
      %dma_wait3A_73 = tpu.memref_slice %arg5[%arg0, %dma_wait3A_71, %dma_wait3A_72] : memref<2x10240x128xf32, #tpu.memory_space<hbm>> -> memref<1x10240x128xf32, #tpu.memory_space<hbm>>
      %dma_wait3A_74 = tpu.memref_squeeze %dma_wait3A_73 : memref<1x10240x128xf32, #tpu.memory_space<hbm>> -> memref<10240x128xf32, #tpu.memory_space<hbm>>
      %dma_wait3A_75 = arith.constant 0 : i32
      %dma_wait3A_76 = tpu.memref_slice %dma_wait3A_74[%add3A_42, %dma_wait3A_75] : memref<10240x128xf32, #tpu.memory_space<hbm>> -> memref<128x128xf32, #tpu.memory_space<hbm>>
      tpu.wait_dma2 semaphore(%run_scoped3A : memref<!tpu.dma_semaphore, #tpu.memory_space<semaphore_mem>>) src(%arg9 : memref<128x128xf32, #tpu.memory_space<vmem>>) dst(%dma_wait3A_76 : memref<128x128xf32, #tpu.memory_space<hbm>>)
      tpu.yield
    }) : () -> ()
    %mul3A_43 = arith.constant 640 : i32
    %mul3A_44 = arith.muli %arg1, %mul3A_43 : i32
    %add3A_45 = arith.constant 256 : i32
    %add3A_46 = arith.addi %mul3A_44, %add3A_45 : i32
    "tpu.region"() ({
      %run_scoped3A = tpu.sem_alloc : memref<!tpu.dma_semaphore, #tpu.memory_space<semaphore_mem>>
      %dma_start3A = arith.constant 0 : i32
      %dma_start3A_55 = tpu.memref_slice %arg10[%add3A_46, %dma_start3A] : memref<10240x128xf32, #tpu.memory_space<vmem_shared>> -> memref<128x128xf32, #tpu.memory_space<vmem_shared>>
      %dma_start3A_56 = arith.constant 0 : i32
      %dma_start3A_57 = tpu.memref_slice %arg10[%add3A_46, %dma_start3A_56] : memref<10240x128xf32, #tpu.memory_space<vmem_shared>> -> memref<128x128xf32, #tpu.memory_space<vmem_shared>>
      tpu.enqueue_dma source(%dma_start3A_57 : memref<128x128xf32, #tpu.memory_space<vmem_shared>>) target(%arg9 : memref<128x128xf32, #tpu.memory_space<vmem>>) target_semaphore(%run_scoped3A : memref<!tpu.dma_semaphore, #tpu.memory_space<semaphore_mem>>)
      %dma_wait3A = arith.constant 0 : i32
      %dma_wait3A_58 = tpu.memref_slice %arg10[%add3A_46, %dma_wait3A] : memref<10240x128xf32, #tpu.memory_space<vmem_shared>> -> memref<128x128xf32, #tpu.memory_space<vmem_shared>>
      %dma_wait3A_59 = arith.constant 0 : i32
      %dma_wait3A_60 = tpu.memref_slice %arg10[%add3A_46, %dma_wait3A_59] : memref<10240x128xf32, #tpu.memory_space<vmem_shared>> -> memref<128x128xf32, #tpu.memory_space<vmem_shared>>
      tpu.wait_dma2 semaphore(%run_scoped3A : memref<!tpu.dma_semaphore, #tpu.memory_space<semaphore_mem>>) src(%dma_wait3A_60 : memref<128x128xf32, #tpu.memory_space<vmem_shared>>) dst(%arg9 : memref<128x128xf32, #tpu.memory_space<vmem>>)
      tpu.yield
    }) : () -> ()
    "tpu.region"() ({
      %run_scoped3A = tpu.sem_alloc : memref<!tpu.dma_semaphore, #tpu.memory_space<semaphore_mem>>
      %dma_start3A = arith.constant 0 : i32
      %dma_start3A_55 = arith.constant 0 : i32
      %dma_start3A_56 = tpu.memref_slice %arg5[%arg0, %dma_start3A, %dma_start3A_55] : memref<2x10240x128xf32, #tpu.memory_space<hbm>> -> memref<1x10240x128xf32, #tpu.memory_space<hbm>>
      %dma_start3A_57 = tpu.memref_squeeze %dma_start3A_56 : memref<1x10240x128xf32, #tpu.memory_space<hbm>> -> memref<10240x128xf32, #tpu.memory_space<hbm>>
      %dma_start3A_58 = arith.constant 0 : i32
      %dma_start3A_59 = tpu.memref_slice %dma_start3A_57[%add3A_46, %dma_start3A_58] : memref<10240x128xf32, #tpu.memory_space<hbm>> -> memref<128x128xf32, #tpu.memory_space<hbm>>
      %dma_start3A_60 = arith.constant 0 : i32
      %dma_start3A_61 = arith.constant 0 : i32
      %dma_start3A_62 = tpu.memref_slice %arg5[%arg0, %dma_start3A_60, %dma_start3A_61] : memref<2x10240x128xf32, #tpu.memory_space<hbm>> -> memref<1x10240x128xf32, #tpu.memory_space<hbm>>
      %dma_start3A_63 = tpu.memref_squeeze %dma_start3A_62 : memref<1x10240x128xf32, #tpu.memory_space<hbm>> -> memref<10240x128xf32, #tpu.memory_space<hbm>>
      %dma_start3A_64 = arith.constant 0 : i32
      %dma_start3A_65 = tpu.memref_slice %dma_start3A_63[%add3A_46, %dma_start3A_64] : memref<10240x128xf32, #tpu.memory_space<hbm>> -> memref<128x128xf32, #tpu.memory_space<hbm>>
      tpu.enqueue_dma source(%arg9 : memref<128x128xf32, #tpu.memory_space<vmem>>) target(%dma_start3A_65 : memref<128x128xf32, #tpu.memory_space<hbm>>) target_semaphore(%run_scoped3A : memref<!tpu.dma_semaphore, #tpu.memory_space<semaphore_mem>>)
      %dma_wait3A = arith.constant 0 : i32
      %dma_wait3A_66 = arith.constant 0 : i32
      %dma_wait3A_67 = tpu.memref_slice %arg5[%arg0, %dma_wait3A, %dma_wait3A_66] : memref<2x10240x128xf32, #tpu.memory_space<hbm>> -> memref<1x10240x128xf32, #tpu.memory_space<hbm>>
      %dma_wait3A_68 = tpu.memref_squeeze %dma_wait3A_67 : memref<1x10240x128xf32, #tpu.memory_space<hbm>> -> memref<10240x128xf32, #tpu.memory_space<hbm>>
      %dma_wait3A_69 = arith.constant 0 : i32
      %dma_wait3A_70 = tpu.memref_slice %dma_wait3A_68[%add3A_46, %dma_wait3A_69] : memref<10240x128xf32, #tpu.memory_space<hbm>> -> memref<128x128xf32, #tpu.memory_space<hbm>>
      %dma_wait3A_71 = arith.constant 0 : i32
      %dma_wait3A_72 = arith.constant 0 : i32
      %dma_wait3A_73 = tpu.memref_slice %arg5[%arg0, %dma_wait3A_71, %dma_wait3A_72] : memref<2x10240x128xf32, #tpu.memory_space<hbm>> -> memref<1x10240x128xf32, #tpu.memory_space<hbm>>
      %dma_wait3A_74 = tpu.memref_squeeze %dma_wait3A_73 : memref<1x10240x128xf32, #tpu.memory_space<hbm>> -> memref<10240x128xf32, #tpu.memory_space<hbm>>
      %dma_wait3A_75 = arith.constant 0 : i32
      %dma_wait3A_76 = tpu.memref_slice %dma_wait3A_74[%add3A_46, %dma_wait3A_75] : memref<10240x128xf32, #tpu.memory_space<hbm>> -> memref<128x128xf32, #tpu.memory_space<hbm>>
      tpu.wait_dma2 semaphore(%run_scoped3A : memref<!tpu.dma_semaphore, #tpu.memory_space<semaphore_mem>>) src(%arg9 : memref<128x128xf32, #tpu.memory_space<vmem>>) dst(%dma_wait3A_76 : memref<128x128xf32, #tpu.memory_space<hbm>>)
      tpu.yield
    }) : () -> ()
    %mul3A_47 = arith.constant 640 : i32
    %mul3A_48 = arith.muli %arg1, %mul3A_47 : i32
    %add3A_49 = arith.constant 384 : i32
    %add3A_50 = arith.addi %mul3A_48, %add3A_49 : i32
    "tpu.region"() ({
      %run_scoped3A = tpu.sem_alloc : memref<!tpu.dma_semaphore, #tpu.memory_space<semaphore_mem>>
      %dma_start3A = arith.constant 0 : i32
      %dma_start3A_55 = tpu.memref_slice %arg10[%add3A_50, %dma_start3A] : memref<10240x128xf32, #tpu.memory_space<vmem_shared>> -> memref<128x128xf32, #tpu.memory_space<vmem_shared>>
      %dma_start3A_56 = arith.constant 0 : i32
      %dma_start3A_57 = tpu.memref_slice %arg10[%add3A_50, %dma_start3A_56] : memref<10240x128xf32, #tpu.memory_space<vmem_shared>> -> memref<128x128xf32, #tpu.memory_space<vmem_shared>>
      tpu.enqueue_dma source(%dma_start3A_57 : memref<128x128xf32, #tpu.memory_space<vmem_shared>>) target(%arg9 : memref<128x128xf32, #tpu.memory_space<vmem>>) target_semaphore(%run_scoped3A : memref<!tpu.dma_semaphore, #tpu.memory_space<semaphore_mem>>)
      %dma_wait3A = arith.constant 0 : i32
      %dma_wait3A_58 = tpu.memref_slice %arg10[%add3A_50, %dma_wait3A] : memref<10240x128xf32, #tpu.memory_space<vmem_shared>> -> memref<128x128xf32, #tpu.memory_space<vmem_shared>>
      %dma_wait3A_59 = arith.constant 0 : i32
      %dma_wait3A_60 = tpu.memref_slice %arg10[%add3A_50, %dma_wait3A_59] : memref<10240x128xf32, #tpu.memory_space<vmem_shared>> -> memref<128x128xf32, #tpu.memory_space<vmem_shared>>
      tpu.wait_dma2 semaphore(%run_scoped3A : memref<!tpu.dma_semaphore, #tpu.memory_space<semaphore_mem>>) src(%dma_wait3A_60 : memref<128x128xf32, #tpu.memory_space<vmem_shared>>) dst(%arg9 : memref<128x128xf32, #tpu.memory_space<vmem>>)
      tpu.yield
    }) : () -> ()
    "tpu.region"() ({
      %run_scoped3A = tpu.sem_alloc : memref<!tpu.dma_semaphore, #tpu.memory_space<semaphore_mem>>
      %dma_start3A = arith.constant 0 : i32
      %dma_start3A_55 = arith.constant 0 : i32
      %dma_start3A_56 = tpu.memref_slice %arg5[%arg0, %dma_start3A, %dma_start3A_55] : memref<2x10240x128xf32, #tpu.memory_space<hbm>> -> memref<1x10240x128xf32, #tpu.memory_space<hbm>>
      %dma_start3A_57 = tpu.memref_squeeze %dma_start3A_56 : memref<1x10240x128xf32, #tpu.memory_space<hbm>> -> memref<10240x128xf32, #tpu.memory_space<hbm>>
      %dma_start3A_58 = arith.constant 0 : i32
      %dma_start3A_59 = tpu.memref_slice %dma_start3A_57[%add3A_50, %dma_start3A_58] : memref<10240x128xf32, #tpu.memory_space<hbm>> -> memref<128x128xf32, #tpu.memory_space<hbm>>
      %dma_start3A_60 = arith.constant 0 : i32
      %dma_start3A_61 = arith.constant 0 : i32
      %dma_start3A_62 = tpu.memref_slice %arg5[%arg0, %dma_start3A_60, %dma_start3A_61] : memref<2x10240x128xf32, #tpu.memory_space<hbm>> -> memref<1x10240x128xf32, #tpu.memory_space<hbm>>
      %dma_start3A_63 = tpu.memref_squeeze %dma_start3A_62 : memref<1x10240x128xf32, #tpu.memory_space<hbm>> -> memref<10240x128xf32, #tpu.memory_space<hbm>>
      %dma_start3A_64 = arith.constant 0 : i32
      %dma_start3A_65 = tpu.memref_slice %dma_start3A_63[%add3A_50, %dma_start3A_64] : memref<10240x128xf32, #tpu.memory_space<hbm>> -> memref<128x128xf32, #tpu.memory_space<hbm>>
      tpu.enqueue_dma source(%arg9 : memref<128x128xf32, #tpu.memory_space<vmem>>) target(%dma_start3A_65 : memref<128x128xf32, #tpu.memory_space<hbm>>) target_semaphore(%run_scoped3A : memref<!tpu.dma_semaphore, #tpu.memory_space<semaphore_mem>>)
      %dma_wait3A = arith.constant 0 : i32
      %dma_wait3A_66 = arith.constant 0 : i32
      %dma_wait3A_67 = tpu.memref_slice %arg5[%arg0, %dma_wait3A, %dma_wait3A_66] : memref<2x10240x128xf32, #tpu.memory_space<hbm>> -> memref<1x10240x128xf32, #tpu.memory_space<hbm>>
      %dma_wait3A_68 = tpu.memref_squeeze %dma_wait3A_67 : memref<1x10240x128xf32, #tpu.memory_space<hbm>> -> memref<10240x128xf32, #tpu.memory_space<hbm>>
      %dma_wait3A_69 = arith.constant 0 : i32
      %dma_wait3A_70 = tpu.memref_slice %dma_wait3A_68[%add3A_50, %dma_wait3A_69] : memref<10240x128xf32, #tpu.memory_space<hbm>> -> memref<128x128xf32, #tpu.memory_space<hbm>>
      %dma_wait3A_71 = arith.constant 0 : i32
      %dma_wait3A_72 = arith.constant 0 : i32
      %dma_wait3A_73 = tpu.memref_slice %arg5[%arg0, %dma_wait3A_71, %dma_wait3A_72] : memref<2x10240x128xf32, #tpu.memory_space<hbm>> -> memref<1x10240x128xf32, #tpu.memory_space<hbm>>
      %dma_wait3A_74 = tpu.memref_squeeze %dma_wait3A_73 : memref<1x10240x128xf32, #tpu.memory_space<hbm>> -> memref<10240x128xf32, #tpu.memory_space<hbm>>
      %dma_wait3A_75 = arith.constant 0 : i32
      %dma_wait3A_76 = tpu.memref_slice %dma_wait3A_74[%add3A_50, %dma_wait3A_75] : memref<10240x128xf32, #tpu.memory_space<hbm>> -> memref<128x128xf32, #tpu.memory_space<hbm>>
      tpu.wait_dma2 semaphore(%run_scoped3A : memref<!tpu.dma_semaphore, #tpu.memory_space<semaphore_mem>>) src(%arg9 : memref<128x128xf32, #tpu.memory_space<vmem>>) dst(%dma_wait3A_76 : memref<128x128xf32, #tpu.memory_space<hbm>>)
      tpu.yield
    }) : () -> ()
    %mul3A_51 = arith.constant 640 : i32
    %mul3A_52 = arith.muli %arg1, %mul3A_51 : i32
    %add3A_53 = arith.constant 512 : i32
    %add3A_54 = arith.addi %mul3A_52, %add3A_53 : i32
    "tpu.region"() ({
      %run_scoped3A = tpu.sem_alloc : memref<!tpu.dma_semaphore, #tpu.memory_space<semaphore_mem>>
      %dma_start3A = arith.constant 0 : i32
      %dma_start3A_55 = tpu.memref_slice %arg10[%add3A_54, %dma_start3A] : memref<10240x128xf32, #tpu.memory_space<vmem_shared>> -> memref<128x128xf32, #tpu.memory_space<vmem_shared>>
      %dma_start3A_56 = arith.constant 0 : i32
      %dma_start3A_57 = tpu.memref_slice %arg10[%add3A_54, %dma_start3A_56] : memref<10240x128xf32, #tpu.memory_space<vmem_shared>> -> memref<128x128xf32, #tpu.memory_space<vmem_shared>>
      tpu.enqueue_dma source(%dma_start3A_57 : memref<128x128xf32, #tpu.memory_space<vmem_shared>>) target(%arg9 : memref<128x128xf32, #tpu.memory_space<vmem>>) target_semaphore(%run_scoped3A : memref<!tpu.dma_semaphore, #tpu.memory_space<semaphore_mem>>)
      %dma_wait3A = arith.constant 0 : i32
      %dma_wait3A_58 = tpu.memref_slice %arg10[%add3A_54, %dma_wait3A] : memref<10240x128xf32, #tpu.memory_space<vmem_shared>> -> memref<128x128xf32, #tpu.memory_space<vmem_shared>>
      %dma_wait3A_59 = arith.constant 0 : i32
      %dma_wait3A_60 = tpu.memref_slice %arg10[%add3A_54, %dma_wait3A_59] : memref<10240x128xf32, #tpu.memory_space<vmem_shared>> -> memref<128x128xf32, #tpu.memory_space<vmem_shared>>
      tpu.wait_dma2 semaphore(%run_scoped3A : memref<!tpu.dma_semaphore, #tpu.memory_space<semaphore_mem>>) src(%dma_wait3A_60 : memref<128x128xf32, #tpu.memory_space<vmem_shared>>) dst(%arg9 : memref<128x128xf32, #tpu.memory_space<vmem>>)
      tpu.yield
    }) : () -> ()
    "tpu.region"() ({
      %run_scoped3A = tpu.sem_alloc : memref<!tpu.dma_semaphore, #tpu.memory_space<semaphore_mem>>
      %dma_start3A = arith.constant 0 : i32
      %dma_start3A_55 = arith.constant 0 : i32
      %dma_start3A_56 = tpu.memref_slice %arg5[%arg0, %dma_start3A, %dma_start3A_55] : memref<2x10240x128xf32, #tpu.memory_space<hbm>> -> memref<1x10240x128xf32, #tpu.memory_space<hbm>>
      %dma_start3A_57 = tpu.memref_squeeze %dma_start3A_56 : memref<1x10240x128xf32, #tpu.memory_space<hbm>> -> memref<10240x128xf32, #tpu.memory_space<hbm>>
      %dma_start3A_58 = arith.constant 0 : i32
      %dma_start3A_59 = tpu.memref_slice %dma_start3A_57[%add3A_54, %dma_start3A_58] : memref<10240x128xf32, #tpu.memory_space<hbm>> -> memref<128x128xf32, #tpu.memory_space<hbm>>
      %dma_start3A_60 = arith.constant 0 : i32
      %dma_start3A_61 = arith.constant 0 : i32
      %dma_start3A_62 = tpu.memref_slice %arg5[%arg0, %dma_start3A_60, %dma_start3A_61] : memref<2x10240x128xf32, #tpu.memory_space<hbm>> -> memref<1x10240x128xf32, #tpu.memory_space<hbm>>
      %dma_start3A_63 = tpu.memref_squeeze %dma_start3A_62 : memref<1x10240x128xf32, #tpu.memory_space<hbm>> -> memref<10240x128xf32, #tpu.memory_space<hbm>>
      %dma_start3A_64 = arith.constant 0 : i32
      %dma_start3A_65 = tpu.memref_slice %dma_start3A_63[%add3A_54, %dma_start3A_64] : memref<10240x128xf32, #tpu.memory_space<hbm>> -> memref<128x128xf32, #tpu.memory_space<hbm>>
      tpu.enqueue_dma source(%arg9 : memref<128x128xf32, #tpu.memory_space<vmem>>) target(%dma_start3A_65 : memref<128x128xf32, #tpu.memory_space<hbm>>) target_semaphore(%run_scoped3A : memref<!tpu.dma_semaphore, #tpu.memory_space<semaphore_mem>>)
      %dma_wait3A = arith.constant 0 : i32
      %dma_wait3A_66 = arith.constant 0 : i32
      %dma_wait3A_67 = tpu.memref_slice %arg5[%arg0, %dma_wait3A, %dma_wait3A_66] : memref<2x10240x128xf32, #tpu.memory_space<hbm>> -> memref<1x10240x128xf32, #tpu.memory_space<hbm>>
      %dma_wait3A_68 = tpu.memref_squeeze %dma_wait3A_67 : memref<1x10240x128xf32, #tpu.memory_space<hbm>> -> memref<10240x128xf32, #tpu.memory_space<hbm>>
      %dma_wait3A_69 = arith.constant 0 : i32
      %dma_wait3A_70 = tpu.memref_slice %dma_wait3A_68[%add3A_54, %dma_wait3A_69] : memref<10240x128xf32, #tpu.memory_space<hbm>> -> memref<128x128xf32, #tpu.memory_space<hbm>>
      %dma_wait3A_71 = arith.constant 0 : i32
      %dma_wait3A_72 = arith.constant 0 : i32
      %dma_wait3A_73 = tpu.memref_slice %arg5[%arg0, %dma_wait3A_71, %dma_wait3A_72] : memref<2x10240x128xf32, #tpu.memory_space<hbm>> -> memref<1x10240x128xf32, #tpu.memory_space<hbm>>
      %dma_wait3A_74 = tpu.memref_squeeze %dma_wait3A_73 : memref<1x10240x128xf32, #tpu.memory_space<hbm>> -> memref<10240x128xf32, #tpu.memory_space<hbm>>
      %dma_wait3A_75 = arith.constant 0 : i32
      %dma_wait3A_76 = tpu.memref_slice %dma_wait3A_74[%add3A_54, %dma_wait3A_75] : memref<10240x128xf32, #tpu.memory_space<hbm>> -> memref<128x128xf32, #tpu.memory_space<hbm>>
      tpu.wait_dma2 semaphore(%run_scoped3A : memref<!tpu.dma_semaphore, #tpu.memory_space<semaphore_mem>>) src(%arg9 : memref<128x128xf32, #tpu.memory_space<vmem>>) dst(%dma_wait3A_76 : memref<128x128xf32, #tpu.memory_space<hbm>>)
      tpu.yield
    }) : () -> ()
    return
  }
}

#map = affine_map<(d0, d1) -> (0)>
#map1 = affine_map<(d0, d1) -> (0, 0, 0, 0)>
module attributes {stable_mosaic.version = 14 : i64} {
  func.func @_deg_body(%arg0: i32, %arg1: i32, %arg2: memref<320000xi32, #tpu.memory_space<hbm>>, %arg3: memref<320000xi32, #tpu.memory_space<hbm>>, %arg4: memref<2x2x10240x128xf32, #tpu.memory_space<hbm>>, %arg5: memref<80xi32, #tpu.memory_space<vmem>>, %arg6: memref<80x128xf32, #tpu.memory_space<vmem>>, %arg7: memref<128x128xf32, #tpu.memory_space<vmem>>, %arg8: memref<10240x128xf32, #tpu.memory_space<vmem_shared>>) attributes {dimension_semantics = [#tpu.dimension_semantics<core_parallel>, #tpu.dimension_semantics<subcore_parallel>], iteration_bounds = array<i64: 2, 16>, scalar_prefetch = 0 : i64, scratch_operands = 4 : i64, tpu.core_type = #tpu.core_type<sc_vector_subcore>, window_params = [{transform_indices = #map}, {transform_indices = #map}, {transform_indices = #map1}]} {
    %mul3A = arith.constant 2 : i32
    %mul3A_0 = arith.muli %arg1, %mul3A : i32
    %add3A = arith.addi %mul3A_0, %arg0 : i32
    %scan3A = arith.constant 0 : i32
    %scan3A_1 = arith.constant 0 : i32
    %scan3A_2 = arith.constant 80 : i32
    %scan3A_3 = arith.addi %scan3A_1, %scan3A_2 : i32
    %scan3A_4 = arith.constant 1 : i32
    %scan3A_5 = scf.for %scan3A_129 = %scan3A_1 to %scan3A_3 step %scan3A_4 iter_args(%scan3A_130 = %scan3A) -> (i32)  : i32 {
      %broadcast_in_dim3A = arith.constant 1.000000e+00 : f32
      %broadcast_in_dim3A_131 = vector.broadcast %broadcast_in_dim3A : f32 to vector<16xf32>
      %swap3A = arith.index_cast %scan3A_129 : i32 to index
      %swap3A_132 = arith.constant 0 : index
      %swap3A_133 = tpu.vector_load %arg6[%swap3A, %swap3A_132] {strides = array<i32>} : memref<80x128xf32, #tpu.memory_space<vmem>>, vector<1x16xf32>,
      %swap3A_134 = vector.shape_cast %swap3A_133 : vector<1x16xf32> to vector<16xf32>
      %swap3A_135 = vector.shape_cast %broadcast_in_dim3A_131 : vector<16xf32> to vector<1x16xf32>
      tpu.vector_store %arg6[%swap3A, %swap3A_132], %swap3A_135 {strides = array<i32>} : memref<80x128xf32, #tpu.memory_space<vmem>>, vector<1x16xf32>,
      %broadcast_in_dim3A_136 = arith.constant 1.000000e+00 : f32
      %broadcast_in_dim3A_137 = vector.broadcast %broadcast_in_dim3A_136 : f32 to vector<16xf32>
      %swap3A_138 = arith.index_cast %scan3A_129 : i32 to index
      %swap3A_139 = arith.constant 16 : index
      %swap3A_140 = tpu.vector_load %arg6[%swap3A_138, %swap3A_139] {strides = array<i32>} : memref<80x128xf32, #tpu.memory_space<vmem>>, vector<1x16xf32>,
      %swap3A_141 = vector.shape_cast %swap3A_140 : vector<1x16xf32> to vector<16xf32>
      %swap3A_142 = vector.shape_cast %broadcast_in_dim3A_137 : vector<16xf32> to vector<1x16xf32>
      tpu.vector_store %arg6[%swap3A_138, %swap3A_139], %swap3A_142 {strides = array<i32>} : memref<80x128xf32, #tpu.memory_space<vmem>>, vector<1x16xf32>,
      %broadcast_in_dim3A_143 = arith.constant 1.000000e+00 : f32
      %broadcast_in_dim3A_144 = vector.broadcast %broadcast_in_dim3A_143 : f32 to vector<16xf32>
      %swap3A_145 = arith.index_cast %scan3A_129 : i32 to index
      %swap3A_146 = arith.constant 32 : index
      %swap3A_147 = tpu.vector_load %arg6[%swap3A_145, %swap3A_146] {strides = array<i32>} : memref<80x128xf32, #tpu.memory_space<vmem>>, vector<1x16xf32>,
      %swap3A_148 = vector.shape_cast %swap3A_147 : vector<1x16xf32> to vector<16xf32>
      %swap3A_149 = vector.shape_cast %broadcast_in_dim3A_144 : vector<16xf32> to vector<1x16xf32>
      tpu.vector_store %arg6[%swap3A_145, %swap3A_146], %swap3A_149 {strides = array<i32>} : memref<80x128xf32, #tpu.memory_space<vmem>>, vector<1x16xf32>,
      %broadcast_in_dim3A_150 = arith.constant 1.000000e+00 : f32
      %broadcast_in_dim3A_151 = vector.broadcast %broadcast_in_dim3A_150 : f32 to vector<16xf32>
      %swap3A_152 = arith.index_cast %scan3A_129 : i32 to index
      %swap3A_153 = arith.constant 48 : index
      %swap3A_154 = tpu.vector_load %arg6[%swap3A_152, %swap3A_153] {strides = array<i32>} : memref<80x128xf32, #tpu.memory_space<vmem>>, vector<1x16xf32>,
      %swap3A_155 = vector.shape_cast %swap3A_154 : vector<1x16xf32> to vector<16xf32>
      %swap3A_156 = vector.shape_cast %broadcast_in_dim3A_151 : vector<16xf32> to vector<1x16xf32>
      tpu.vector_store %arg6[%swap3A_152, %swap3A_153], %swap3A_156 {strides = array<i32>} : memref<80x128xf32, #tpu.memory_space<vmem>>, vector<1x16xf32>,
      %broadcast_in_dim3A_157 = arith.constant 1.000000e+00 : f32
      %broadcast_in_dim3A_158 = vector.broadcast %broadcast_in_dim3A_157 : f32 to vector<16xf32>
      %swap3A_159 = arith.index_cast %scan3A_129 : i32 to index
      %swap3A_160 = arith.constant 64 : index
      %swap3A_161 = tpu.vector_load %arg6[%swap3A_159, %swap3A_160] {strides = array<i32>} : memref<80x128xf32, #tpu.memory_space<vmem>>, vector<1x16xf32>,
      %swap3A_162 = vector.shape_cast %swap3A_161 : vector<1x16xf32> to vector<16xf32>
      %swap3A_163 = vector.shape_cast %broadcast_in_dim3A_158 : vector<16xf32> to vector<1x16xf32>
      tpu.vector_store %arg6[%swap3A_159, %swap3A_160], %swap3A_163 {strides = array<i32>} : memref<80x128xf32, #tpu.memory_space<vmem>>, vector<1x16xf32>,
      %broadcast_in_dim3A_164 = arith.constant 1.000000e+00 : f32
      %broadcast_in_dim3A_165 = vector.broadcast %broadcast_in_dim3A_164 : f32 to vector<16xf32>
      %swap3A_166 = arith.index_cast %scan3A_129 : i32 to index
      %swap3A_167 = arith.constant 80 : index
      %swap3A_168 = tpu.vector_load %arg6[%swap3A_166, %swap3A_167] {strides = array<i32>} : memref<80x128xf32, #tpu.memory_space<vmem>>, vector<1x16xf32>,
      %swap3A_169 = vector.shape_cast %swap3A_168 : vector<1x16xf32> to vector<16xf32>
      %swap3A_170 = vector.shape_cast %broadcast_in_dim3A_165 : vector<16xf32> to vector<1x16xf32>
      tpu.vector_store %arg6[%swap3A_166, %swap3A_167], %swap3A_170 {strides = array<i32>} : memref<80x128xf32, #tpu.memory_space<vmem>>, vector<1x16xf32>,
      %broadcast_in_dim3A_171 = arith.constant 1.000000e+00 : f32
      %broadcast_in_dim3A_172 = vector.broadcast %broadcast_in_dim3A_171 : f32 to vector<16xf32>
      %swap3A_173 = arith.index_cast %scan3A_129 : i32 to index
      %swap3A_174 = arith.constant 96 : index
      %swap3A_175 = tpu.vector_load %arg6[%swap3A_173, %swap3A_174] {strides = array<i32>} : memref<80x128xf32, #tpu.memory_space<vmem>>, vector<1x16xf32>,
      %swap3A_176 = vector.shape_cast %swap3A_175 : vector<1x16xf32> to vector<16xf32>
      %swap3A_177 = vector.shape_cast %broadcast_in_dim3A_172 : vector<16xf32> to vector<1x16xf32>
      tpu.vector_store %arg6[%swap3A_173, %swap3A_174], %swap3A_177 {strides = array<i32>} : memref<80x128xf32, #tpu.memory_space<vmem>>, vector<1x16xf32>,
      %broadcast_in_dim3A_178 = arith.constant 1.000000e+00 : f32
      %broadcast_in_dim3A_179 = vector.broadcast %broadcast_in_dim3A_178 : f32 to vector<16xf32>
      %swap3A_180 = arith.index_cast %scan3A_129 : i32 to index
      %swap3A_181 = arith.constant 112 : index
      %swap3A_182 = tpu.vector_load %arg6[%swap3A_180, %swap3A_181] {strides = array<i32>} : memref<80x128xf32, #tpu.memory_space<vmem>>, vector<1x16xf32>,
      %swap3A_183 = vector.shape_cast %swap3A_182 : vector<1x16xf32> to vector<16xf32>
      %swap3A_184 = vector.shape_cast %broadcast_in_dim3A_179 : vector<16xf32> to vector<1x16xf32>
      tpu.vector_store %arg6[%swap3A_180, %swap3A_181], %swap3A_184 {strides = array<i32>} : memref<80x128xf32, #tpu.memory_space<vmem>>, vector<1x16xf32>,
      %scan3A_185 = arith.constant 0 : i32
      scf.yield %scan3A_185 : i32
    }
    %scan3A_6 = arith.constant 80 : i32
    %scan3A_7 = arith.constant 0 : i32
    %scan3A_8 = arith.constant 0 : i32
    %scan3A_9 = arith.constant 128 : i32
    %scan3A_10 = arith.addi %scan3A_8, %scan3A_9 : i32
    %scan3A_11 = arith.constant 1 : i32
    %scan3A_12 = scf.for %scan3A_129 = %scan3A_8 to %scan3A_10 step %scan3A_11 iter_args(%scan3A_130 = %scan3A_7) -> (i32)  : i32 {
      %broadcast_in_dim3A = arith.constant 0.000000e+00 : f32
      %broadcast_in_dim3A_131 = vector.broadcast %broadcast_in_dim3A : f32 to vector<16xf32>
      %swap3A = arith.index_cast %scan3A_129 : i32 to index
      %swap3A_132 = arith.constant 0 : index
      %swap3A_133 = tpu.vector_load %arg7[%swap3A, %swap3A_132] {strides = array<i32>} : memref<128x128xf32, #tpu.memory_space<vmem>>, vector<1x16xf32>,
      %swap3A_134 = vector.shape_cast %swap3A_133 : vector<1x16xf32> to vector<16xf32>
      %swap3A_135 = vector.shape_cast %broadcast_in_dim3A_131 : vector<16xf32> to vector<1x16xf32>
      tpu.vector_store %arg7[%swap3A, %swap3A_132], %swap3A_135 {strides = array<i32>} : memref<128x128xf32, #tpu.memory_space<vmem>>, vector<1x16xf32>,
      %broadcast_in_dim3A_136 = arith.constant 0.000000e+00 : f32
      %broadcast_in_dim3A_137 = vector.broadcast %broadcast_in_dim3A_136 : f32 to vector<16xf32>
      %swap3A_138 = arith.index_cast %scan3A_129 : i32 to index
      %swap3A_139 = arith.constant 16 : index
      %swap3A_140 = tpu.vector_load %arg7[%swap3A_138, %swap3A_139] {strides = array<i32>} : memref<128x128xf32, #tpu.memory_space<vmem>>, vector<1x16xf32>,
      %swap3A_141 = vector.shape_cast %swap3A_140 : vector<1x16xf32> to vector<16xf32>
      %swap3A_142 = vector.shape_cast %broadcast_in_dim3A_137 : vector<16xf32> to vector<1x16xf32>
      tpu.vector_store %arg7[%swap3A_138, %swap3A_139], %swap3A_142 {strides = array<i32>} : memref<128x128xf32, #tpu.memory_space<vmem>>, vector<1x16xf32>,
      %broadcast_in_dim3A_143 = arith.constant 0.000000e+00 : f32
      %broadcast_in_dim3A_144 = vector.broadcast %broadcast_in_dim3A_143 : f32 to vector<16xf32>
      %swap3A_145 = arith.index_cast %scan3A_129 : i32 to index
      %swap3A_146 = arith.constant 32 : index
      %swap3A_147 = tpu.vector_load %arg7[%swap3A_145, %swap3A_146] {strides = array<i32>} : memref<128x128xf32, #tpu.memory_space<vmem>>, vector<1x16xf32>,
      %swap3A_148 = vector.shape_cast %swap3A_147 : vector<1x16xf32> to vector<16xf32>
      %swap3A_149 = vector.shape_cast %broadcast_in_dim3A_144 : vector<16xf32> to vector<1x16xf32>
      tpu.vector_store %arg7[%swap3A_145, %swap3A_146], %swap3A_149 {strides = array<i32>} : memref<128x128xf32, #tpu.memory_space<vmem>>, vector<1x16xf32>,
      %broadcast_in_dim3A_150 = arith.constant 0.000000e+00 : f32
      %broadcast_in_dim3A_151 = vector.broadcast %broadcast_in_dim3A_150 : f32 to vector<16xf32>
      %swap3A_152 = arith.index_cast %scan3A_129 : i32 to index
      %swap3A_153 = arith.constant 48 : index
      %swap3A_154 = tpu.vector_load %arg7[%swap3A_152, %swap3A_153] {strides = array<i32>} : memref<128x128xf32, #tpu.memory_space<vmem>>, vector<1x16xf32>,
      %swap3A_155 = vector.shape_cast %swap3A_154 : vector<1x16xf32> to vector<16xf32>
      %swap3A_156 = vector.shape_cast %broadcast_in_dim3A_151 : vector<16xf32> to vector<1x16xf32>
      tpu.vector_store %arg7[%swap3A_152, %swap3A_153], %swap3A_156 {strides = array<i32>} : memref<128x128xf32, #tpu.memory_space<vmem>>, vector<1x16xf32>,
      %broadcast_in_dim3A_157 = arith.constant 0.000000e+00 : f32
      %broadcast_in_dim3A_158 = vector.broadcast %broadcast_in_dim3A_157 : f32 to vector<16xf32>
      %swap3A_159 = arith.index_cast %scan3A_129 : i32 to index
      %swap3A_160 = arith.constant 64 : index
      %swap3A_161 = tpu.vector_load %arg7[%swap3A_159, %swap3A_160] {strides = array<i32>} : memref<128x128xf32, #tpu.memory_space<vmem>>, vector<1x16xf32>,
      %swap3A_162 = vector.shape_cast %swap3A_161 : vector<1x16xf32> to vector<16xf32>
      %swap3A_163 = vector.shape_cast %broadcast_in_dim3A_158 : vector<16xf32> to vector<1x16xf32>
      tpu.vector_store %arg7[%swap3A_159, %swap3A_160], %swap3A_163 {strides = array<i32>} : memref<128x128xf32, #tpu.memory_space<vmem>>, vector<1x16xf32>,
      %broadcast_in_dim3A_164 = arith.constant 0.000000e+00 : f32
      %broadcast_in_dim3A_165 = vector.broadcast %broadcast_in_dim3A_164 : f32 to vector<16xf32>
      %swap3A_166 = arith.index_cast %scan3A_129 : i32 to index
      %swap3A_167 = arith.constant 80 : index
      %swap3A_168 = tpu.vector_load %arg7[%swap3A_166, %swap3A_167] {strides = array<i32>} : memref<128x128xf32, #tpu.memory_space<vmem>>, vector<1x16xf32>,
      %swap3A_169 = vector.shape_cast %swap3A_168 : vector<1x16xf32> to vector<16xf32>
      %swap3A_170 = vector.shape_cast %broadcast_in_dim3A_165 : vector<16xf32> to vector<1x16xf32>
      tpu.vector_store %arg7[%swap3A_166, %swap3A_167], %swap3A_170 {strides = array<i32>} : memref<128x128xf32, #tpu.memory_space<vmem>>, vector<1x16xf32>,
      %broadcast_in_dim3A_171 = arith.constant 0.000000e+00 : f32
      %broadcast_in_dim3A_172 = vector.broadcast %broadcast_in_dim3A_171 : f32 to vector<16xf32>
      %swap3A_173 = arith.index_cast %scan3A_129 : i32 to index
      %swap3A_174 = arith.constant 96 : index
      %swap3A_175 = tpu.vector_load %arg7[%swap3A_173, %swap3A_174] {strides = array<i32>} : memref<128x128xf32, #tpu.memory_space<vmem>>, vector<1x16xf32>,
      %swap3A_176 = vector.shape_cast %swap3A_175 : vector<1x16xf32> to vector<16xf32>
      %swap3A_177 = vector.shape_cast %broadcast_in_dim3A_172 : vector<16xf32> to vector<1x16xf32>
      tpu.vector_store %arg7[%swap3A_173, %swap3A_174], %swap3A_177 {strides = array<i32>} : memref<128x128xf32, #tpu.memory_space<vmem>>, vector<1x16xf32>,
      %broadcast_in_dim3A_178 = arith.constant 0.000000e+00 : f32
      %broadcast_in_dim3A_179 = vector.broadcast %broadcast_in_dim3A_178 : f32 to vector<16xf32>
      %swap3A_180 = arith.index_cast %scan3A_129 : i32 to index
      %swap3A_181 = arith.constant 112 : index
      %swap3A_182 = tpu.vector_load %arg7[%swap3A_180, %swap3A_181] {strides = array<i32>} : memref<128x128xf32, #tpu.memory_space<vmem>>, vector<1x16xf32>,
      %swap3A_183 = vector.shape_cast %swap3A_182 : vector<1x16xf32> to vector<16xf32>
      %swap3A_184 = vector.shape_cast %broadcast_in_dim3A_179 : vector<16xf32> to vector<1x16xf32>
      tpu.vector_store %arg7[%swap3A_180, %swap3A_181], %swap3A_184 {strides = array<i32>} : memref<128x128xf32, #tpu.memory_space<vmem>>, vector<1x16xf32>,
      %scan3A_185 = arith.constant 0 : i32
      scf.yield %scan3A_185 : i32
    }
    %scan3A_13 = arith.constant 128 : i32
    %mul3A_14 = arith.constant 640 : i32
    %mul3A_15 = arith.muli %arg1, %mul3A_14 : i32
    %add3A_16 = arith.constant 0 : i32
    %add3A_17 = arith.addi %mul3A_15, %add3A_16 : i32
    "tpu.region"() ({
      %run_scoped3A_129 = tpu.sem_alloc : memref<!tpu.dma_semaphore, #tpu.memory_space<semaphore_mem>>
      %dma_start3A = arith.constant 0 : i32
      %dma_start3A_130 = tpu.memref_slice %arg8[%add3A_17, %dma_start3A] : memref<10240x128xf32, #tpu.memory_space<vmem_shared>> -> memref<128x128xf32, #tpu.memory_space<vmem_shared>>
      %dma_start3A_131 = arith.constant 0 : i32
      %dma_start3A_132 = tpu.memref_slice %arg8[%add3A_17, %dma_start3A_131] : memref<10240x128xf32, #tpu.memory_space<vmem_shared>> -> memref<128x128xf32, #tpu.memory_space<vmem_shared>>
      tpu.enqueue_dma source(%arg7 : memref<128x128xf32, #tpu.memory_space<vmem>>) target(%dma_start3A_132 : memref<128x128xf32, #tpu.memory_space<vmem_shared>>) target_semaphore(%run_scoped3A_129 : memref<!tpu.dma_semaphore, #tpu.memory_space<semaphore_mem>>)
      %dma_wait3A = arith.constant 0 : i32
      %dma_wait3A_133 = tpu.memref_slice %arg8[%add3A_17, %dma_wait3A] : memref<10240x128xf32, #tpu.memory_space<vmem_shared>> -> memref<128x128xf32, #tpu.memory_space<vmem_shared>>
      %dma_wait3A_134 = arith.constant 0 : i32
      %dma_wait3A_135 = tpu.memref_slice %arg8[%add3A_17, %dma_wait3A_134] : memref<10240x128xf32, #tpu.memory_space<vmem_shared>> -> memref<128x128xf32, #tpu.memory_space<vmem_shared>>
      tpu.wait_dma2 semaphore(%run_scoped3A_129 : memref<!tpu.dma_semaphore, #tpu.memory_space<semaphore_mem>>) src(%arg7 : memref<128x128xf32, #tpu.memory_space<vmem>>) dst(%dma_wait3A_135 : memref<128x128xf32, #tpu.memory_space<vmem_shared>>)
      tpu.yield
    }) : () -> ()
    %mul3A_18 = arith.constant 640 : i32
    %mul3A_19 = arith.muli %arg1, %mul3A_18 : i32
    %add3A_20 = arith.constant 128 : i32
    %add3A_21 = arith.addi %mul3A_19, %add3A_20 : i32
    "tpu.region"() ({
      %run_scoped3A_129 = tpu.sem_alloc : memref<!tpu.dma_semaphore, #tpu.memory_space<semaphore_mem>>
      %dma_start3A = arith.constant 0 : i32
      %dma_start3A_130 = tpu.memref_slice %arg8[%add3A_21, %dma_start3A] : memref<10240x128xf32, #tpu.memory_space<vmem_shared>> -> memref<128x128xf32, #tpu.memory_space<vmem_shared>>
      %dma_start3A_131 = arith.constant 0 : i32
      %dma_start3A_132 = tpu.memref_slice %arg8[%add3A_21, %dma_start3A_131] : memref<10240x128xf32, #tpu.memory_space<vmem_shared>> -> memref<128x128xf32, #tpu.memory_space<vmem_shared>>
      tpu.enqueue_dma source(%arg7 : memref<128x128xf32, #tpu.memory_space<vmem>>) target(%dma_start3A_132 : memref<128x128xf32, #tpu.memory_space<vmem_shared>>) target_semaphore(%run_scoped3A_129 : memref<!tpu.dma_semaphore, #tpu.memory_space<semaphore_mem>>)
      %dma_wait3A = arith.constant 0 : i32
      %dma_wait3A_133 = tpu.memref_slice %arg8[%add3A_21, %dma_wait3A] : memref<10240x128xf32, #tpu.memory_space<vmem_shared>> -> memref<128x128xf32, #tpu.memory_space<vmem_shared>>
      %dma_wait3A_134 = arith.constant 0 : i32
      %dma_wait3A_135 = tpu.memref_slice %arg8[%add3A_21, %dma_wait3A_134] : memref<10240x128xf32, #tpu.memory_space<vmem_shared>> -> memref<128x128xf32, #tpu.memory_space<vmem_shared>>
      tpu.wait_dma2 semaphore(%run_scoped3A_129 : memref<!tpu.dma_semaphore, #tpu.memory_space<semaphore_mem>>) src(%arg7 : memref<128x128xf32, #tpu.memory_space<vmem>>) dst(%dma_wait3A_135 : memref<128x128xf32, #tpu.memory_space<vmem_shared>>)
      tpu.yield
    }) : () -> ()
    %mul3A_22 = arith.constant 640 : i32
    %mul3A_23 = arith.muli %arg1, %mul3A_22 : i32
    %add3A_24 = arith.constant 256 : i32
    %add3A_25 = arith.addi %mul3A_23, %add3A_24 : i32
    "tpu.region"() ({
      %run_scoped3A_129 = tpu.sem_alloc : memref<!tpu.dma_semaphore, #tpu.memory_space<semaphore_mem>>
      %dma_start3A = arith.constant 0 : i32
      %dma_start3A_130 = tpu.memref_slice %arg8[%add3A_25, %dma_start3A] : memref<10240x128xf32, #tpu.memory_space<vmem_shared>> -> memref<128x128xf32, #tpu.memory_space<vmem_shared>>
      %dma_start3A_131 = arith.constant 0 : i32
      %dma_start3A_132 = tpu.memref_slice %arg8[%add3A_25, %dma_start3A_131] : memref<10240x128xf32, #tpu.memory_space<vmem_shared>> -> memref<128x128xf32, #tpu.memory_space<vmem_shared>>
      tpu.enqueue_dma source(%arg7 : memref<128x128xf32, #tpu.memory_space<vmem>>) target(%dma_start3A_132 : memref<128x128xf32, #tpu.memory_space<vmem_shared>>) target_semaphore(%run_scoped3A_129 : memref<!tpu.dma_semaphore, #tpu.memory_space<semaphore_mem>>)
      %dma_wait3A = arith.constant 0 : i32
      %dma_wait3A_133 = tpu.memref_slice %arg8[%add3A_25, %dma_wait3A] : memref<10240x128xf32, #tpu.memory_space<vmem_shared>> -> memref<128x128xf32, #tpu.memory_space<vmem_shared>>
      %dma_wait3A_134 = arith.constant 0 : i32
      %dma_wait3A_135 = tpu.memref_slice %arg8[%add3A_25, %dma_wait3A_134] : memref<10240x128xf32, #tpu.memory_space<vmem_shared>> -> memref<128x128xf32, #tpu.memory_space<vmem_shared>>
      tpu.wait_dma2 semaphore(%run_scoped3A_129 : memref<!tpu.dma_semaphore, #tpu.memory_space<semaphore_mem>>) src(%arg7 : memref<128x128xf32, #tpu.memory_space<vmem>>) dst(%dma_wait3A_135 : memref<128x128xf32, #tpu.memory_space<vmem_shared>>)
      tpu.yield
    }) : () -> ()
    %mul3A_26 = arith.constant 640 : i32
    %mul3A_27 = arith.muli %arg1, %mul3A_26 : i32
    %add3A_28 = arith.constant 384 : i32
    %add3A_29 = arith.addi %mul3A_27, %add3A_28 : i32
    "tpu.region"() ({
      %run_scoped3A_129 = tpu.sem_alloc : memref<!tpu.dma_semaphore, #tpu.memory_space<semaphore_mem>>
      %dma_start3A = arith.constant 0 : i32
      %dma_start3A_130 = tpu.memref_slice %arg8[%add3A_29, %dma_start3A] : memref<10240x128xf32, #tpu.memory_space<vmem_shared>> -> memref<128x128xf32, #tpu.memory_space<vmem_shared>>
      %dma_start3A_131 = arith.constant 0 : i32
      %dma_start3A_132 = tpu.memref_slice %arg8[%add3A_29, %dma_start3A_131] : memref<10240x128xf32, #tpu.memory_space<vmem_shared>> -> memref<128x128xf32, #tpu.memory_space<vmem_shared>>
      tpu.enqueue_dma source(%arg7 : memref<128x128xf32, #tpu.memory_space<vmem>>) target(%dma_start3A_132 : memref<128x128xf32, #tpu.memory_space<vmem_shared>>) target_semaphore(%run_scoped3A_129 : memref<!tpu.dma_semaphore, #tpu.memory_space<semaphore_mem>>)
      %dma_wait3A = arith.constant 0 : i32
      %dma_wait3A_133 = tpu.memref_slice %arg8[%add3A_29, %dma_wait3A] : memref<10240x128xf32, #tpu.memory_space<vmem_shared>> -> memref<128x128xf32, #tpu.memory_space<vmem_shared>>
      %dma_wait3A_134 = arith.constant 0 : i32
      %dma_wait3A_135 = tpu.memref_slice %arg8[%add3A_29, %dma_wait3A_134] : memref<10240x128xf32, #tpu.memory_space<vmem_shared>> -> memref<128x128xf32, #tpu.memory_space<vmem_shared>>
      tpu.wait_dma2 semaphore(%run_scoped3A_129 : memref<!tpu.dma_semaphore, #tpu.memory_space<semaphore_mem>>) src(%arg7 : memref<128x128xf32, #tpu.memory_space<vmem>>) dst(%dma_wait3A_135 : memref<128x128xf32, #tpu.memory_space<vmem_shared>>)
      tpu.yield
    }) : () -> ()
    %mul3A_30 = arith.constant 640 : i32
    %mul3A_31 = arith.muli %arg1, %mul3A_30 : i32
    %add3A_32 = arith.constant 512 : i32
    %add3A_33 = arith.addi %mul3A_31, %add3A_32 : i32
    "tpu.region"() ({
      %run_scoped3A_129 = tpu.sem_alloc : memref<!tpu.dma_semaphore, #tpu.memory_space<semaphore_mem>>
      %dma_start3A = arith.constant 0 : i32
      %dma_start3A_130 = tpu.memref_slice %arg8[%add3A_33, %dma_start3A] : memref<10240x128xf32, #tpu.memory_space<vmem_shared>> -> memref<128x128xf32, #tpu.memory_space<vmem_shared>>
      %dma_start3A_131 = arith.constant 0 : i32
      %dma_start3A_132 = tpu.memref_slice %arg8[%add3A_33, %dma_start3A_131] : memref<10240x128xf32, #tpu.memory_space<vmem_shared>> -> memref<128x128xf32, #tpu.memory_space<vmem_shared>>
      tpu.enqueue_dma source(%arg7 : memref<128x128xf32, #tpu.memory_space<vmem>>) target(%dma_start3A_132 : memref<128x128xf32, #tpu.memory_space<vmem_shared>>) target_semaphore(%run_scoped3A_129 : memref<!tpu.dma_semaphore, #tpu.memory_space<semaphore_mem>>)
      %dma_wait3A = arith.constant 0 : i32
      %dma_wait3A_133 = tpu.memref_slice %arg8[%add3A_33, %dma_wait3A] : memref<10240x128xf32, #tpu.memory_space<vmem_shared>> -> memref<128x128xf32, #tpu.memory_space<vmem_shared>>
      %dma_wait3A_134 = arith.constant 0 : i32
      %dma_wait3A_135 = tpu.memref_slice %arg8[%add3A_33, %dma_wait3A_134] : memref<10240x128xf32, #tpu.memory_space<vmem_shared>> -> memref<128x128xf32, #tpu.memory_space<vmem_shared>>
      tpu.wait_dma2 semaphore(%run_scoped3A_129 : memref<!tpu.dma_semaphore, #tpu.memory_space<semaphore_mem>>) src(%arg7 : memref<128x128xf32, #tpu.memory_space<vmem>>) dst(%dma_wait3A_135 : memref<128x128xf32, #tpu.memory_space<vmem_shared>>)
      tpu.yield
    }) : () -> ()
    %barrier3A = arith.constant 0 : index
    tpu.barrier barrier_id(%barrier3A)
    %scan3A_34 = arith.constant 0 : i32
    %scan3A_35 = arith.constant 0 : i32
    %scan3A_36 = arith.constant 125 : i32
    %scan3A_37 = arith.addi %scan3A_35, %scan3A_36 : i32
    %scan3A_38 = arith.constant 1 : i32
    %scan3A_39 = scf.for %scan3A_129 = %scan3A_35 to %scan3A_37 step %scan3A_38 iter_args(%scan3A_130 = %scan3A_34) -> (i32)  : i32 {
      %mul3A_131 = arith.constant 10000 : i32
      %mul3A_132 = arith.muli %add3A, %mul3A_131 : i32
      %mul3A_133 = arith.constant 80 : i32
      %mul3A_134 = arith.muli %scan3A_129, %mul3A_133 : i32
      %add3A_135 = arith.addi %mul3A_132, %mul3A_134 : i32
      "tpu.region"() ({
        %run_scoped3A_137 = tpu.sem_alloc : memref<!tpu.dma_semaphore, #tpu.memory_space<semaphore_mem>>
        %dma_start3A = tpu.memref_slice %arg2[%add3A_135] : memref<320000xi32, #tpu.memory_space<hbm>> -> memref<80xi32, #tpu.memory_space<hbm>>
        %dma_start3A_138 = tpu.memref_slice %arg2[%add3A_135] : memref<320000xi32, #tpu.memory_space<hbm>> -> memref<80xi32, #tpu.memory_space<hbm>>
        tpu.enqueue_dma source(%dma_start3A_138 : memref<80xi32, #tpu.memory_space<hbm>>) target(%arg5 : memref<80xi32, #tpu.memory_space<vmem>>) target_semaphore(%run_scoped3A_137 : memref<!tpu.dma_semaphore, #tpu.memory_space<semaphore_mem>>)
        %dma_wait3A = tpu.memref_slice %arg2[%add3A_135] : memref<320000xi32, #tpu.memory_space<hbm>> -> memref<80xi32, #tpu.memory_space<hbm>>
        %dma_wait3A_139 = tpu.memref_slice %arg2[%add3A_135] : memref<320000xi32, #tpu.memory_space<hbm>> -> memref<80xi32, #tpu.memory_space<hbm>>
        tpu.wait_dma2 semaphore(%run_scoped3A_137 : memref<!tpu.dma_semaphore, #tpu.memory_space<semaphore_mem>>) src(%dma_wait3A_139 : memref<80xi32, #tpu.memory_space<hbm>>) dst(%arg5 : memref<80xi32, #tpu.memory_space<vmem>>)
        tpu.yield
      }) : () -> ()
      "tpu.region"() ({
        %run_scoped3A_137 = tpu.sem_alloc : memref<!tpu.dma_semaphore, #tpu.memory_space<semaphore_mem>>
        %dma_start3A = arith.constant 0 : i32
        %dma_start3A_138 = arith.constant 0 : i32
        %dma_start3A_139 = tpu.memref_slice %arg8[%dma_start3A, %dma_start3A_138] : memref<10240x128xf32, #tpu.memory_space<vmem_shared>> -> memref<10240x128xf32, #tpu.memory_space<vmem_shared>>
        tpu.enqueue_indirect_dma source(%arg6 : memref<80x128xf32, #tpu.memory_space<vmem>>) target(%dma_start3A_139 : memref<10240x128xf32, #tpu.memory_space<vmem_shared>>) offsets(%arg5 : memref<80xi32, #tpu.memory_space<vmem>>) semaphore(%run_scoped3A_137 : memref<!tpu.dma_semaphore, #tpu.memory_space<semaphore_mem>>) {add = true}
        %dma_wait3A = arith.constant 0 : i32
        %dma_wait3A_140 = arith.constant 0 : i32
        %dma_wait3A_141 = tpu.memref_slice %arg8[%dma_wait3A, %dma_wait3A_140] : memref<10240x128xf32, #tpu.memory_space<vmem_shared>> -> memref<10240x128xf32, #tpu.memory_space<vmem_shared>>
        tpu.wait_indirect_dma semaphore(%run_scoped3A_137 : memref<!tpu.dma_semaphore, #tpu.memory_space<semaphore_mem>>) src(%arg6 : memref<80x128xf32, #tpu.memory_space<vmem>>) dst(%dma_wait3A_141 : memref<10240x128xf32, #tpu.memory_space<vmem_shared>>)
        tpu.yield
      }) : () -> ()
      %scan3A_136 = arith.constant 0 : i32
      scf.yield %scan3A_136 : i32
    }
    %scan3A_40 = arith.constant 125 : i32
    %barrier3A_41 = arith.constant 0 : index
    tpu.barrier barrier_id(%barrier3A_41)
    %mul3A_42 = arith.constant 640 : i32
    %mul3A_43 = arith.muli %arg1, %mul3A_42 : i32
    %add3A_44 = arith.constant 0 : i32
    %add3A_45 = arith.addi %mul3A_43, %add3A_44 : i32
    "tpu.region"() ({
      %run_scoped3A_129 = tpu.sem_alloc : memref<!tpu.dma_semaphore, #tpu.memory_space<semaphore_mem>>
      %dma_start3A = arith.constant 0 : i32
      %dma_start3A_130 = tpu.memref_slice %arg8[%add3A_45, %dma_start3A] : memref<10240x128xf32, #tpu.memory_space<vmem_shared>> -> memref<128x128xf32, #tpu.memory_space<vmem_shared>>
      %dma_start3A_131 = arith.constant 0 : i32
      %dma_start3A_132 = tpu.memref_slice %arg8[%add3A_45, %dma_start3A_131] : memref<10240x128xf32, #tpu.memory_space<vmem_shared>> -> memref<128x128xf32, #tpu.memory_space<vmem_shared>>
      tpu.enqueue_dma source(%dma_start3A_132 : memref<128x128xf32, #tpu.memory_space<vmem_shared>>) target(%arg7 : memref<128x128xf32, #tpu.memory_space<vmem>>) target_semaphore(%run_scoped3A_129 : memref<!tpu.dma_semaphore, #tpu.memory_space<semaphore_mem>>)
      %dma_wait3A = arith.constant 0 : i32
      %dma_wait3A_133 = tpu.memref_slice %arg8[%add3A_45, %dma_wait3A] : memref<10240x128xf32, #tpu.memory_space<vmem_shared>> -> memref<128x128xf32, #tpu.memory_space<vmem_shared>>
      %dma_wait3A_134 = arith.constant 0 : i32
      %dma_wait3A_135 = tpu.memref_slice %arg8[%add3A_45, %dma_wait3A_134] : memref<10240x128xf32, #tpu.memory_space<vmem_shared>> -> memref<128x128xf32, #tpu.memory_space<vmem_shared>>
      tpu.wait_dma2 semaphore(%run_scoped3A_129 : memref<!tpu.dma_semaphore, #tpu.memory_space<semaphore_mem>>) src(%dma_wait3A_135 : memref<128x128xf32, #tpu.memory_space<vmem_shared>>) dst(%arg7 : memref<128x128xf32, #tpu.memory_space<vmem>>)
      tpu.yield
    }) : () -> ()
    %run_scoped3A = arith.constant 0 : i32
    "tpu.region"() ({
      %run_scoped3A_129 = tpu.sem_alloc : memref<!tpu.dma_semaphore, #tpu.memory_space<semaphore_mem>>
      %dma_start3A = arith.constant 0 : i32
      %dma_start3A_130 = arith.constant 0 : i32
      %dma_start3A_131 = tpu.memref_slice %arg4[%arg0, %run_scoped3A, %dma_start3A, %dma_start3A_130] : memref<2x2x10240x128xf32, #tpu.memory_space<hbm>> -> memref<1x1x10240x128xf32, #tpu.memory_space<hbm>>
      %dma_start3A_132 = tpu.memref_squeeze %dma_start3A_131 : memref<1x1x10240x128xf32, #tpu.memory_space<hbm>> -> memref<10240x128xf32, #tpu.memory_space<hbm>>
      %dma_start3A_133 = arith.constant 0 : i32
      %dma_start3A_134 = tpu.memref_slice %dma_start3A_132[%add3A_45, %dma_start3A_133] : memref<10240x128xf32, #tpu.memory_space<hbm>> -> memref<128x128xf32, #tpu.memory_space<hbm>>
      %dma_start3A_135 = arith.constant 0 : i32
      %dma_start3A_136 = arith.constant 0 : i32
      %dma_start3A_137 = tpu.memref_slice %arg4[%arg0, %run_scoped3A, %dma_start3A_135, %dma_start3A_136] : memref<2x2x10240x128xf32, #tpu.memory_space<hbm>> -> memref<1x1x10240x128xf32, #tpu.memory_space<hbm>>
      %dma_start3A_138 = tpu.memref_squeeze %dma_start3A_137 : memref<1x1x10240x128xf32, #tpu.memory_space<hbm>> -> memref<10240x128xf32, #tpu.memory_space<hbm>>
      %dma_start3A_139 = arith.constant 0 : i32
      %dma_start3A_140 = tpu.memref_slice %dma_start3A_138[%add3A_45, %dma_start3A_139] : memref<10240x128xf32, #tpu.memory_space<hbm>> -> memref<128x128xf32, #tpu.memory_space<hbm>>
      tpu.enqueue_dma source(%arg7 : memref<128x128xf32, #tpu.memory_space<vmem>>) target(%dma_start3A_140 : memref<128x128xf32, #tpu.memory_space<hbm>>) target_semaphore(%run_scoped3A_129 : memref<!tpu.dma_semaphore, #tpu.memory_space<semaphore_mem>>)
      %dma_wait3A = arith.constant 0 : i32
      %dma_wait3A_141 = arith.constant 0 : i32
      %dma_wait3A_142 = tpu.memref_slice %arg4[%arg0, %run_scoped3A, %dma_wait3A, %dma_wait3A_141] : memref<2x2x10240x128xf32, #tpu.memory_space<hbm>> -> memref<1x1x10240x128xf32, #tpu.memory_space<hbm>>
      %dma_wait3A_143 = tpu.memref_squeeze %dma_wait3A_142 : memref<1x1x10240x128xf32, #tpu.memory_space<hbm>> -> memref<10240x128xf32, #tpu.memory_space<hbm>>
      %dma_wait3A_144 = arith.constant 0 : i32
      %dma_wait3A_145 = tpu.memref_slice %dma_wait3A_143[%add3A_45, %dma_wait3A_144] : memref<10240x128xf32, #tpu.memory_space<hbm>> -> memref<128x128xf32, #tpu.memory_space<hbm>>
      %dma_wait3A_146 = arith.constant 0 : i32
      %dma_wait3A_147 = arith.constant 0 : i32
      %dma_wait3A_148 = tpu.memref_slice %arg4[%arg0, %run_scoped3A, %dma_wait3A_146, %dma_wait3A_147] : memref<2x2x10240x128xf32, #tpu.memory_space<hbm>> -> memref<1x1x10240x128xf32, #tpu.memory_space<hbm>>
      %dma_wait3A_149 = tpu.memref_squeeze %dma_wait3A_148 : memref<1x1x10240x128xf32, #tpu.memory_space<hbm>> -> memref<10240x128xf32, #tpu.memory_space<hbm>>
      %dma_wait3A_150 = arith.constant 0 : i32
      %dma_wait3A_151 = tpu.memref_slice %dma_wait3A_149[%add3A_45, %dma_wait3A_150] : memref<10240x128xf32, #tpu.memory_space<hbm>> -> memref<128x128xf32, #tpu.memory_space<hbm>>
      tpu.wait_dma2 semaphore(%run_scoped3A_129 : memref<!tpu.dma_semaphore, #tpu.memory_space<semaphore_mem>>) src(%arg7 : memref<128x128xf32, #tpu.memory_space<vmem>>) dst(%dma_wait3A_151 : memref<128x128xf32, #tpu.memory_space<hbm>>)
      tpu.yield
    }) : () -> ()
    %mul3A_46 = arith.constant 640 : i32
    %mul3A_47 = arith.muli %arg1, %mul3A_46 : i32
    %add3A_48 = arith.constant 128 : i32
    %add3A_49 = arith.addi %mul3A_47, %add3A_48 : i32
    "tpu.region"() ({
      %run_scoped3A_129 = tpu.sem_alloc : memref<!tpu.dma_semaphore, #tpu.memory_space<semaphore_mem>>
      %dma_start3A = arith.constant 0 : i32
      %dma_start3A_130 = tpu.memref_slice %arg8[%add3A_49, %dma_start3A] : memref<10240x128xf32, #tpu.memory_space<vmem_shared>> -> memref<128x128xf32, #tpu.memory_space<vmem_shared>>
      %dma_start3A_131 = arith.constant 0 : i32
      %dma_start3A_132 = tpu.memref_slice %arg8[%add3A_49, %dma_start3A_131] : memref<10240x128xf32, #tpu.memory_space<vmem_shared>> -> memref<128x128xf32, #tpu.memory_space<vmem_shared>>
      tpu.enqueue_dma source(%dma_start3A_132 : memref<128x128xf32, #tpu.memory_space<vmem_shared>>) target(%arg7 : memref<128x128xf32, #tpu.memory_space<vmem>>) target_semaphore(%run_scoped3A_129 : memref<!tpu.dma_semaphore, #tpu.memory_space<semaphore_mem>>)
      %dma_wait3A = arith.constant 0 : i32
      %dma_wait3A_133 = tpu.memref_slice %arg8[%add3A_49, %dma_wait3A] : memref<10240x128xf32, #tpu.memory_space<vmem_shared>> -> memref<128x128xf32, #tpu.memory_space<vmem_shared>>
      %dma_wait3A_134 = arith.constant 0 : i32
      %dma_wait3A_135 = tpu.memref_slice %arg8[%add3A_49, %dma_wait3A_134] : memref<10240x128xf32, #tpu.memory_space<vmem_shared>> -> memref<128x128xf32, #tpu.memory_space<vmem_shared>>
      tpu.wait_dma2 semaphore(%run_scoped3A_129 : memref<!tpu.dma_semaphore, #tpu.memory_space<semaphore_mem>>) src(%dma_wait3A_135 : memref<128x128xf32, #tpu.memory_space<vmem_shared>>) dst(%arg7 : memref<128x128xf32, #tpu.memory_space<vmem>>)
      tpu.yield
    }) : () -> ()
    %run_scoped3A_50 = arith.constant 0 : i32
    "tpu.region"() ({
      %run_scoped3A_129 = tpu.sem_alloc : memref<!tpu.dma_semaphore, #tpu.memory_space<semaphore_mem>>
      %dma_start3A = arith.constant 0 : i32
      %dma_start3A_130 = arith.constant 0 : i32
      %dma_start3A_131 = tpu.memref_slice %arg4[%arg0, %run_scoped3A_50, %dma_start3A, %dma_start3A_130] : memref<2x2x10240x128xf32, #tpu.memory_space<hbm>> -> memref<1x1x10240x128xf32, #tpu.memory_space<hbm>>
      %dma_start3A_132 = tpu.memref_squeeze %dma_start3A_131 : memref<1x1x10240x128xf32, #tpu.memory_space<hbm>> -> memref<10240x128xf32, #tpu.memory_space<hbm>>
      %dma_start3A_133 = arith.constant 0 : i32
      %dma_start3A_134 = tpu.memref_slice %dma_start3A_132[%add3A_49, %dma_start3A_133] : memref<10240x128xf32, #tpu.memory_space<hbm>> -> memref<128x128xf32, #tpu.memory_space<hbm>>
      %dma_start3A_135 = arith.constant 0 : i32
      %dma_start3A_136 = arith.constant 0 : i32
      %dma_start3A_137 = tpu.memref_slice %arg4[%arg0, %run_scoped3A_50, %dma_start3A_135, %dma_start3A_136] : memref<2x2x10240x128xf32, #tpu.memory_space<hbm>> -> memref<1x1x10240x128xf32, #tpu.memory_space<hbm>>
      %dma_start3A_138 = tpu.memref_squeeze %dma_start3A_137 : memref<1x1x10240x128xf32, #tpu.memory_space<hbm>> -> memref<10240x128xf32, #tpu.memory_space<hbm>>
      %dma_start3A_139 = arith.constant 0 : i32
      %dma_start3A_140 = tpu.memref_slice %dma_start3A_138[%add3A_49, %dma_start3A_139] : memref<10240x128xf32, #tpu.memory_space<hbm>> -> memref<128x128xf32, #tpu.memory_space<hbm>>
      tpu.enqueue_dma source(%arg7 : memref<128x128xf32, #tpu.memory_space<vmem>>) target(%dma_start3A_140 : memref<128x128xf32, #tpu.memory_space<hbm>>) target_semaphore(%run_scoped3A_129 : memref<!tpu.dma_semaphore, #tpu.memory_space<semaphore_mem>>)
      %dma_wait3A = arith.constant 0 : i32
      %dma_wait3A_141 = arith.constant 0 : i32
      %dma_wait3A_142 = tpu.memref_slice %arg4[%arg0, %run_scoped3A_50, %dma_wait3A, %dma_wait3A_141] : memref<2x2x10240x128xf32, #tpu.memory_space<hbm>> -> memref<1x1x10240x128xf32, #tpu.memory_space<hbm>>
      %dma_wait3A_143 = tpu.memref_squeeze %dma_wait3A_142 : memref<1x1x10240x128xf32, #tpu.memory_space<hbm>> -> memref<10240x128xf32, #tpu.memory_space<hbm>>
      %dma_wait3A_144 = arith.constant 0 : i32
      %dma_wait3A_145 = tpu.memref_slice %dma_wait3A_143[%add3A_49, %dma_wait3A_144] : memref<10240x128xf32, #tpu.memory_space<hbm>> -> memref<128x128xf32, #tpu.memory_space<hbm>>
      %dma_wait3A_146 = arith.constant 0 : i32
      %dma_wait3A_147 = arith.constant 0 : i32
      %dma_wait3A_148 = tpu.memref_slice %arg4[%arg0, %run_scoped3A_50, %dma_wait3A_146, %dma_wait3A_147] : memref<2x2x10240x128xf32, #tpu.memory_space<hbm>> -> memref<1x1x10240x128xf32, #tpu.memory_space<hbm>>
      %dma_wait3A_149 = tpu.memref_squeeze %dma_wait3A_148 : memref<1x1x10240x128xf32, #tpu.memory_space<hbm>> -> memref<10240x128xf32, #tpu.memory_space<hbm>>
      %dma_wait3A_150 = arith.constant 0 : i32
      %dma_wait3A_151 = tpu.memref_slice %dma_wait3A_149[%add3A_49, %dma_wait3A_150] : memref<10240x128xf32, #tpu.memory_space<hbm>> -> memref<128x128xf32, #tpu.memory_space<hbm>>
      tpu.wait_dma2 semaphore(%run_scoped3A_129 : memref<!tpu.dma_semaphore, #tpu.memory_space<semaphore_mem>>) src(%arg7 : memref<128x128xf32, #tpu.memory_space<vmem>>) dst(%dma_wait3A_151 : memref<128x128xf32, #tpu.memory_space<hbm>>)
      tpu.yield
    }) : () -> ()
    %mul3A_51 = arith.constant 640 : i32
    %mul3A_52 = arith.muli %arg1, %mul3A_51 : i32
    %add3A_53 = arith.constant 256 : i32
    %add3A_54 = arith.addi %mul3A_52, %add3A_53 : i32
    "tpu.region"() ({
      %run_scoped3A_129 = tpu.sem_alloc : memref<!tpu.dma_semaphore, #tpu.memory_space<semaphore_mem>>
      %dma_start3A = arith.constant 0 : i32
      %dma_start3A_130 = tpu.memref_slice %arg8[%add3A_54, %dma_start3A] : memref<10240x128xf32, #tpu.memory_space<vmem_shared>> -> memref<128x128xf32, #tpu.memory_space<vmem_shared>>
      %dma_start3A_131 = arith.constant 0 : i32
      %dma_start3A_132 = tpu.memref_slice %arg8[%add3A_54, %dma_start3A_131] : memref<10240x128xf32, #tpu.memory_space<vmem_shared>> -> memref<128x128xf32, #tpu.memory_space<vmem_shared>>
      tpu.enqueue_dma source(%dma_start3A_132 : memref<128x128xf32, #tpu.memory_space<vmem_shared>>) target(%arg7 : memref<128x128xf32, #tpu.memory_space<vmem>>) target_semaphore(%run_scoped3A_129 : memref<!tpu.dma_semaphore, #tpu.memory_space<semaphore_mem>>)
      %dma_wait3A = arith.constant 0 : i32
      %dma_wait3A_133 = tpu.memref_slice %arg8[%add3A_54, %dma_wait3A] : memref<10240x128xf32, #tpu.memory_space<vmem_shared>> -> memref<128x128xf32, #tpu.memory_space<vmem_shared>>
      %dma_wait3A_134 = arith.constant 0 : i32
      %dma_wait3A_135 = tpu.memref_slice %arg8[%add3A_54, %dma_wait3A_134] : memref<10240x128xf32, #tpu.memory_space<vmem_shared>> -> memref<128x128xf32, #tpu.memory_space<vmem_shared>>
      tpu.wait_dma2 semaphore(%run_scoped3A_129 : memref<!tpu.dma_semaphore, #tpu.memory_space<semaphore_mem>>) src(%dma_wait3A_135 : memref<128x128xf32, #tpu.memory_space<vmem_shared>>) dst(%arg7 : memref<128x128xf32, #tpu.memory_space<vmem>>)
      tpu.yield
    }) : () -> ()
    %run_scoped3A_55 = arith.constant 0 : i32
    "tpu.region"() ({
      %run_scoped3A_129 = tpu.sem_alloc : memref<!tpu.dma_semaphore, #tpu.memory_space<semaphore_mem>>
      %dma_start3A = arith.constant 0 : i32
      %dma_start3A_130 = arith.constant 0 : i32
      %dma_start3A_131 = tpu.memref_slice %arg4[%arg0, %run_scoped3A_55, %dma_start3A, %dma_start3A_130] : memref<2x2x10240x128xf32, #tpu.memory_space<hbm>> -> memref<1x1x10240x128xf32, #tpu.memory_space<hbm>>
      %dma_start3A_132 = tpu.memref_squeeze %dma_start3A_131 : memref<1x1x10240x128xf32, #tpu.memory_space<hbm>> -> memref<10240x128xf32, #tpu.memory_space<hbm>>
      %dma_start3A_133 = arith.constant 0 : i32
      %dma_start3A_134 = tpu.memref_slice %dma_start3A_132[%add3A_54, %dma_start3A_133] : memref<10240x128xf32, #tpu.memory_space<hbm>> -> memref<128x128xf32, #tpu.memory_space<hbm>>
      %dma_start3A_135 = arith.constant 0 : i32
      %dma_start3A_136 = arith.constant 0 : i32
      %dma_start3A_137 = tpu.memref_slice %arg4[%arg0, %run_scoped3A_55, %dma_start3A_135, %dma_start3A_136] : memref<2x2x10240x128xf32, #tpu.memory_space<hbm>> -> memref<1x1x10240x128xf32, #tpu.memory_space<hbm>>
      %dma_start3A_138 = tpu.memref_squeeze %dma_start3A_137 : memref<1x1x10240x128xf32, #tpu.memory_space<hbm>> -> memref<10240x128xf32, #tpu.memory_space<hbm>>
      %dma_start3A_139 = arith.constant 0 : i32
      %dma_start3A_140 = tpu.memref_slice %dma_start3A_138[%add3A_54, %dma_start3A_139] : memref<10240x128xf32, #tpu.memory_space<hbm>> -> memref<128x128xf32, #tpu.memory_space<hbm>>
      tpu.enqueue_dma source(%arg7 : memref<128x128xf32, #tpu.memory_space<vmem>>) target(%dma_start3A_140 : memref<128x128xf32, #tpu.memory_space<hbm>>) target_semaphore(%run_scoped3A_129 : memref<!tpu.dma_semaphore, #tpu.memory_space<semaphore_mem>>)
      %dma_wait3A = arith.constant 0 : i32
      %dma_wait3A_141 = arith.constant 0 : i32
      %dma_wait3A_142 = tpu.memref_slice %arg4[%arg0, %run_scoped3A_55, %dma_wait3A, %dma_wait3A_141] : memref<2x2x10240x128xf32, #tpu.memory_space<hbm>> -> memref<1x1x10240x128xf32, #tpu.memory_space<hbm>>
      %dma_wait3A_143 = tpu.memref_squeeze %dma_wait3A_142 : memref<1x1x10240x128xf32, #tpu.memory_space<hbm>> -> memref<10240x128xf32, #tpu.memory_space<hbm>>
      %dma_wait3A_144 = arith.constant 0 : i32
      %dma_wait3A_145 = tpu.memref_slice %dma_wait3A_143[%add3A_54, %dma_wait3A_144] : memref<10240x128xf32, #tpu.memory_space<hbm>> -> memref<128x128xf32, #tpu.memory_space<hbm>>
      %dma_wait3A_146 = arith.constant 0 : i32
      %dma_wait3A_147 = arith.constant 0 : i32
      %dma_wait3A_148 = tpu.memref_slice %arg4[%arg0, %run_scoped3A_55, %dma_wait3A_146, %dma_wait3A_147] : memref<2x2x10240x128xf32, #tpu.memory_space<hbm>> -> memref<1x1x10240x128xf32, #tpu.memory_space<hbm>>
      %dma_wait3A_149 = tpu.memref_squeeze %dma_wait3A_148 : memref<1x1x10240x128xf32, #tpu.memory_space<hbm>> -> memref<10240x128xf32, #tpu.memory_space<hbm>>
      %dma_wait3A_150 = arith.constant 0 : i32
      %dma_wait3A_151 = tpu.memref_slice %dma_wait3A_149[%add3A_54, %dma_wait3A_150] : memref<10240x128xf32, #tpu.memory_space<hbm>> -> memref<128x128xf32, #tpu.memory_space<hbm>>
      tpu.wait_dma2 semaphore(%run_scoped3A_129 : memref<!tpu.dma_semaphore, #tpu.memory_space<semaphore_mem>>) src(%arg7 : memref<128x128xf32, #tpu.memory_space<vmem>>) dst(%dma_wait3A_151 : memref<128x128xf32, #tpu.memory_space<hbm>>)
      tpu.yield
    }) : () -> ()
    %mul3A_56 = arith.constant 640 : i32
    %mul3A_57 = arith.muli %arg1, %mul3A_56 : i32
    %add3A_58 = arith.constant 384 : i32
    %add3A_59 = arith.addi %mul3A_57, %add3A_58 : i32
    "tpu.region"() ({
      %run_scoped3A_129 = tpu.sem_alloc : memref<!tpu.dma_semaphore, #tpu.memory_space<semaphore_mem>>
      %dma_start3A = arith.constant 0 : i32
      %dma_start3A_130 = tpu.memref_slice %arg8[%add3A_59, %dma_start3A] : memref<10240x128xf32, #tpu.memory_space<vmem_shared>> -> memref<128x128xf32, #tpu.memory_space<vmem_shared>>
      %dma_start3A_131 = arith.constant 0 : i32
      %dma_start3A_132 = tpu.memref_slice %arg8[%add3A_59, %dma_start3A_131] : memref<10240x128xf32, #tpu.memory_space<vmem_shared>> -> memref<128x128xf32, #tpu.memory_space<vmem_shared>>
      tpu.enqueue_dma source(%dma_start3A_132 : memref<128x128xf32, #tpu.memory_space<vmem_shared>>) target(%arg7 : memref<128x128xf32, #tpu.memory_space<vmem>>) target_semaphore(%run_scoped3A_129 : memref<!tpu.dma_semaphore, #tpu.memory_space<semaphore_mem>>)
      %dma_wait3A = arith.constant 0 : i32
      %dma_wait3A_133 = tpu.memref_slice %arg8[%add3A_59, %dma_wait3A] : memref<10240x128xf32, #tpu.memory_space<vmem_shared>> -> memref<128x128xf32, #tpu.memory_space<vmem_shared>>
      %dma_wait3A_134 = arith.constant 0 : i32
      %dma_wait3A_135 = tpu.memref_slice %arg8[%add3A_59, %dma_wait3A_134] : memref<10240x128xf32, #tpu.memory_space<vmem_shared>> -> memref<128x128xf32, #tpu.memory_space<vmem_shared>>
      tpu.wait_dma2 semaphore(%run_scoped3A_129 : memref<!tpu.dma_semaphore, #tpu.memory_space<semaphore_mem>>) src(%dma_wait3A_135 : memref<128x128xf32, #tpu.memory_space<vmem_shared>>) dst(%arg7 : memref<128x128xf32, #tpu.memory_space<vmem>>)
      tpu.yield
    }) : () -> ()
    %run_scoped3A_60 = arith.constant 0 : i32
    "tpu.region"() ({
      %run_scoped3A_129 = tpu.sem_alloc : memref<!tpu.dma_semaphore, #tpu.memory_space<semaphore_mem>>
      %dma_start3A = arith.constant 0 : i32
      %dma_start3A_130 = arith.constant 0 : i32
      %dma_start3A_131 = tpu.memref_slice %arg4[%arg0, %run_scoped3A_60, %dma_start3A, %dma_start3A_130] : memref<2x2x10240x128xf32, #tpu.memory_space<hbm>> -> memref<1x1x10240x128xf32, #tpu.memory_space<hbm>>
      %dma_start3A_132 = tpu.memref_squeeze %dma_start3A_131 : memref<1x1x10240x128xf32, #tpu.memory_space<hbm>> -> memref<10240x128xf32, #tpu.memory_space<hbm>>
      %dma_start3A_133 = arith.constant 0 : i32
      %dma_start3A_134 = tpu.memref_slice %dma_start3A_132[%add3A_59, %dma_start3A_133] : memref<10240x128xf32, #tpu.memory_space<hbm>> -> memref<128x128xf32, #tpu.memory_space<hbm>>
      %dma_start3A_135 = arith.constant 0 : i32
      %dma_start3A_136 = arith.constant 0 : i32
      %dma_start3A_137 = tpu.memref_slice %arg4[%arg0, %run_scoped3A_60, %dma_start3A_135, %dma_start3A_136] : memref<2x2x10240x128xf32, #tpu.memory_space<hbm>> -> memref<1x1x10240x128xf32, #tpu.memory_space<hbm>>
      %dma_start3A_138 = tpu.memref_squeeze %dma_start3A_137 : memref<1x1x10240x128xf32, #tpu.memory_space<hbm>> -> memref<10240x128xf32, #tpu.memory_space<hbm>>
      %dma_start3A_139 = arith.constant 0 : i32
      %dma_start3A_140 = tpu.memref_slice %dma_start3A_138[%add3A_59, %dma_start3A_139] : memref<10240x128xf32, #tpu.memory_space<hbm>> -> memref<128x128xf32, #tpu.memory_space<hbm>>
      tpu.enqueue_dma source(%arg7 : memref<128x128xf32, #tpu.memory_space<vmem>>) target(%dma_start3A_140 : memref<128x128xf32, #tpu.memory_space<hbm>>) target_semaphore(%run_scoped3A_129 : memref<!tpu.dma_semaphore, #tpu.memory_space<semaphore_mem>>)
      %dma_wait3A = arith.constant 0 : i32
      %dma_wait3A_141 = arith.constant 0 : i32
      %dma_wait3A_142 = tpu.memref_slice %arg4[%arg0, %run_scoped3A_60, %dma_wait3A, %dma_wait3A_141] : memref<2x2x10240x128xf32, #tpu.memory_space<hbm>> -> memref<1x1x10240x128xf32, #tpu.memory_space<hbm>>
      %dma_wait3A_143 = tpu.memref_squeeze %dma_wait3A_142 : memref<1x1x10240x128xf32, #tpu.memory_space<hbm>> -> memref<10240x128xf32, #tpu.memory_space<hbm>>
      %dma_wait3A_144 = arith.constant 0 : i32
      %dma_wait3A_145 = tpu.memref_slice %dma_wait3A_143[%add3A_59, %dma_wait3A_144] : memref<10240x128xf32, #tpu.memory_space<hbm>> -> memref<128x128xf32, #tpu.memory_space<hbm>>
      %dma_wait3A_146 = arith.constant 0 : i32
      %dma_wait3A_147 = arith.constant 0 : i32
      %dma_wait3A_148 = tpu.memref_slice %arg4[%arg0, %run_scoped3A_60, %dma_wait3A_146, %dma_wait3A_147] : memref<2x2x10240x128xf32, #tpu.memory_space<hbm>> -> memref<1x1x10240x128xf32, #tpu.memory_space<hbm>>
      %dma_wait3A_149 = tpu.memref_squeeze %dma_wait3A_148 : memref<1x1x10240x128xf32, #tpu.memory_space<hbm>> -> memref<10240x128xf32, #tpu.memory_space<hbm>>
      %dma_wait3A_150 = arith.constant 0 : i32
      %dma_wait3A_151 = tpu.memref_slice %dma_wait3A_149[%add3A_59, %dma_wait3A_150] : memref<10240x128xf32, #tpu.memory_space<hbm>> -> memref<128x128xf32, #tpu.memory_space<hbm>>
      tpu.wait_dma2 semaphore(%run_scoped3A_129 : memref<!tpu.dma_semaphore, #tpu.memory_space<semaphore_mem>>) src(%arg7 : memref<128x128xf32, #tpu.memory_space<vmem>>) dst(%dma_wait3A_151 : memref<128x128xf32, #tpu.memory_space<hbm>>)
      tpu.yield
    }) : () -> ()
    %mul3A_61 = arith.constant 640 : i32
    %mul3A_62 = arith.muli %arg1, %mul3A_61 : i32
    %add3A_63 = arith.constant 512 : i32
    %add3A_64 = arith.addi %mul3A_62, %add3A_63 : i32
    "tpu.region"() ({
      %run_scoped3A_129 = tpu.sem_alloc : memref<!tpu.dma_semaphore, #tpu.memory_space<semaphore_mem>>
      %dma_start3A = arith.constant 0 : i32
      %dma_start3A_130 = tpu.memref_slice %arg8[%add3A_64, %dma_start3A] : memref<10240x128xf32, #tpu.memory_space<vmem_shared>> -> memref<128x128xf32, #tpu.memory_space<vmem_shared>>
      %dma_start3A_131 = arith.constant 0 : i32
      %dma_start3A_132 = tpu.memref_slice %arg8[%add3A_64, %dma_start3A_131] : memref<10240x128xf32, #tpu.memory_space<vmem_shared>> -> memref<128x128xf32, #tpu.memory_space<vmem_shared>>
      tpu.enqueue_dma source(%dma_start3A_132 : memref<128x128xf32, #tpu.memory_space<vmem_shared>>) target(%arg7 : memref<128x128xf32, #tpu.memory_space<vmem>>) target_semaphore(%run_scoped3A_129 : memref<!tpu.dma_semaphore, #tpu.memory_space<semaphore_mem>>)
      %dma_wait3A = arith.constant 0 : i32
      %dma_wait3A_133 = tpu.memref_slice %arg8[%add3A_64, %dma_wait3A] : memref<10240x128xf32, #tpu.memory_space<vmem_shared>> -> memref<128x128xf32, #tpu.memory_space<vmem_shared>>
      %dma_wait3A_134 = arith.constant 0 : i32
      %dma_wait3A_135 = tpu.memref_slice %arg8[%add3A_64, %dma_wait3A_134] : memref<10240x128xf32, #tpu.memory_space<vmem_shared>> -> memref<128x128xf32, #tpu.memory_space<vmem_shared>>
      tpu.wait_dma2 semaphore(%run_scoped3A_129 : memref<!tpu.dma_semaphore, #tpu.memory_space<semaphore_mem>>) src(%dma_wait3A_135 : memref<128x128xf32, #tpu.memory_space<vmem_shared>>) dst(%arg7 : memref<128x128xf32, #tpu.memory_space<vmem>>)
      tpu.yield
    }) : () -> ()
    %run_scoped3A_65 = arith.constant 0 : i32
    "tpu.region"() ({
      %run_scoped3A_129 = tpu.sem_alloc : memref<!tpu.dma_semaphore, #tpu.memory_space<semaphore_mem>>
      %dma_start3A = arith.constant 0 : i32
      %dma_start3A_130 = arith.constant 0 : i32
      %dma_start3A_131 = tpu.memref_slice %arg4[%arg0, %run_scoped3A_65, %dma_start3A, %dma_start3A_130] : memref<2x2x10240x128xf32, #tpu.memory_space<hbm>> -> memref<1x1x10240x128xf32, #tpu.memory_space<hbm>>
      %dma_start3A_132 = tpu.memref_squeeze %dma_start3A_131 : memref<1x1x10240x128xf32, #tpu.memory_space<hbm>> -> memref<10240x128xf32, #tpu.memory_space<hbm>>
      %dma_start3A_133 = arith.constant 0 : i32
      %dma_start3A_134 = tpu.memref_slice %dma_start3A_132[%add3A_64, %dma_start3A_133] : memref<10240x128xf32, #tpu.memory_space<hbm>> -> memref<128x128xf32, #tpu.memory_space<hbm>>
      %dma_start3A_135 = arith.constant 0 : i32
      %dma_start3A_136 = arith.constant 0 : i32
      %dma_start3A_137 = tpu.memref_slice %arg4[%arg0, %run_scoped3A_65, %dma_start3A_135, %dma_start3A_136] : memref<2x2x10240x128xf32, #tpu.memory_space<hbm>> -> memref<1x1x10240x128xf32, #tpu.memory_space<hbm>>
      %dma_start3A_138 = tpu.memref_squeeze %dma_start3A_137 : memref<1x1x10240x128xf32, #tpu.memory_space<hbm>> -> memref<10240x128xf32, #tpu.memory_space<hbm>>
      %dma_start3A_139 = arith.constant 0 : i32
      %dma_start3A_140 = tpu.memref_slice %dma_start3A_138[%add3A_64, %dma_start3A_139] : memref<10240x128xf32, #tpu.memory_space<hbm>> -> memref<128x128xf32, #tpu.memory_space<hbm>>
      tpu.enqueue_dma source(%arg7 : memref<128x128xf32, #tpu.memory_space<vmem>>) target(%dma_start3A_140 : memref<128x128xf32, #tpu.memory_space<hbm>>) target_semaphore(%run_scoped3A_129 : memref<!tpu.dma_semaphore, #tpu.memory_space<semaphore_mem>>)
      %dma_wait3A = arith.constant 0 : i32
      %dma_wait3A_141 = arith.constant 0 : i32
      %dma_wait3A_142 = tpu.memref_slice %arg4[%arg0, %run_scoped3A_65, %dma_wait3A, %dma_wait3A_141] : memref<2x2x10240x128xf32, #tpu.memory_space<hbm>> -> memref<1x1x10240x128xf32, #tpu.memory_space<hbm>>
      %dma_wait3A_143 = tpu.memref_squeeze %dma_wait3A_142 : memref<1x1x10240x128xf32, #tpu.memory_space<hbm>> -> memref<10240x128xf32, #tpu.memory_space<hbm>>
      %dma_wait3A_144 = arith.constant 0 : i32
      %dma_wait3A_145 = tpu.memref_slice %dma_wait3A_143[%add3A_64, %dma_wait3A_144] : memref<10240x128xf32, #tpu.memory_space<hbm>> -> memref<128x128xf32, #tpu.memory_space<hbm>>
      %dma_wait3A_146 = arith.constant 0 : i32
      %dma_wait3A_147 = arith.constant 0 : i32
      %dma_wait3A_148 = tpu.memref_slice %arg4[%arg0, %run_scoped3A_65, %dma_wait3A_146, %dma_wait3A_147] : memref<2x2x10240x128xf32, #tpu.memory_space<hbm>> -> memref<1x1x10240x128xf32, #tpu.memory_space<hbm>>
      %dma_wait3A_149 = tpu.memref_squeeze %dma_wait3A_148 : memref<1x1x10240x128xf32, #tpu.memory_space<hbm>> -> memref<10240x128xf32, #tpu.memory_space<hbm>>
      %dma_wait3A_150 = arith.constant 0 : i32
      %dma_wait3A_151 = tpu.memref_slice %dma_wait3A_149[%add3A_64, %dma_wait3A_150] : memref<10240x128xf32, #tpu.memory_space<hbm>> -> memref<128x128xf32, #tpu.memory_space<hbm>>
      tpu.wait_dma2 semaphore(%run_scoped3A_129 : memref<!tpu.dma_semaphore, #tpu.memory_space<semaphore_mem>>) src(%arg7 : memref<128x128xf32, #tpu.memory_space<vmem>>) dst(%dma_wait3A_151 : memref<128x128xf32, #tpu.memory_space<hbm>>)
      tpu.yield
    }) : () -> ()
    %barrier3A_66 = arith.constant 0 : index
    tpu.barrier barrier_id(%barrier3A_66)
    %scan3A_67 = arith.constant 0 : i32
    %scan3A_68 = arith.constant 0 : i32
    %scan3A_69 = arith.constant 128 : i32
    %scan3A_70 = arith.addi %scan3A_68, %scan3A_69 : i32
    %scan3A_71 = arith.constant 1 : i32
    %scan3A_72 = scf.for %scan3A_129 = %scan3A_68 to %scan3A_70 step %scan3A_71 iter_args(%scan3A_130 = %scan3A_67) -> (i32)  : i32 {
      %broadcast_in_dim3A = arith.constant 0.000000e+00 : f32
      %broadcast_in_dim3A_131 = vector.broadcast %broadcast_in_dim3A : f32 to vector<16xf32>
      %swap3A = arith.index_cast %scan3A_129 : i32 to index
      %swap3A_132 = arith.constant 0 : index
      %swap3A_133 = tpu.vector_load %arg7[%swap3A, %swap3A_132] {strides = array<i32>} : memref<128x128xf32, #tpu.memory_space<vmem>>, vector<1x16xf32>,
      %swap3A_134 = vector.shape_cast %swap3A_133 : vector<1x16xf32> to vector<16xf32>
      %swap3A_135 = vector.shape_cast %broadcast_in_dim3A_131 : vector<16xf32> to vector<1x16xf32>
      tpu.vector_store %arg7[%swap3A, %swap3A_132], %swap3A_135 {strides = array<i32>} : memref<128x128xf32, #tpu.memory_space<vmem>>, vector<1x16xf32>,
      %broadcast_in_dim3A_136 = arith.constant 0.000000e+00 : f32
      %broadcast_in_dim3A_137 = vector.broadcast %broadcast_in_dim3A_136 : f32 to vector<16xf32>
      %swap3A_138 = arith.index_cast %scan3A_129 : i32 to index
      %swap3A_139 = arith.constant 16 : index
      %swap3A_140 = tpu.vector_load %arg7[%swap3A_138, %swap3A_139] {strides = array<i32>} : memref<128x128xf32, #tpu.memory_space<vmem>>, vector<1x16xf32>,
      %swap3A_141 = vector.shape_cast %swap3A_140 : vector<1x16xf32> to vector<16xf32>
      %swap3A_142 = vector.shape_cast %broadcast_in_dim3A_137 : vector<16xf32> to vector<1x16xf32>
      tpu.vector_store %arg7[%swap3A_138, %swap3A_139], %swap3A_142 {strides = array<i32>} : memref<128x128xf32, #tpu.memory_space<vmem>>, vector<1x16xf32>,
      %broadcast_in_dim3A_143 = arith.constant 0.000000e+00 : f32
      %broadcast_in_dim3A_144 = vector.broadcast %broadcast_in_dim3A_143 : f32 to vector<16xf32>
      %swap3A_145 = arith.index_cast %scan3A_129 : i32 to index
      %swap3A_146 = arith.constant 32 : index
      %swap3A_147 = tpu.vector_load %arg7[%swap3A_145, %swap3A_146] {strides = array<i32>} : memref<128x128xf32, #tpu.memory_space<vmem>>, vector<1x16xf32>,
      %swap3A_148 = vector.shape_cast %swap3A_147 : vector<1x16xf32> to vector<16xf32>
      %swap3A_149 = vector.shape_cast %broadcast_in_dim3A_144 : vector<16xf32> to vector<1x16xf32>
      tpu.vector_store %arg7[%swap3A_145, %swap3A_146], %swap3A_149 {strides = array<i32>} : memref<128x128xf32, #tpu.memory_space<vmem>>, vector<1x16xf32>,
      %broadcast_in_dim3A_150 = arith.constant 0.000000e+00 : f32
      %broadcast_in_dim3A_151 = vector.broadcast %broadcast_in_dim3A_150 : f32 to vector<16xf32>
      %swap3A_152 = arith.index_cast %scan3A_129 : i32 to index
      %swap3A_153 = arith.constant 48 : index
      %swap3A_154 = tpu.vector_load %arg7[%swap3A_152, %swap3A_153] {strides = array<i32>} : memref<128x128xf32, #tpu.memory_space<vmem>>, vector<1x16xf32>,
      %swap3A_155 = vector.shape_cast %swap3A_154 : vector<1x16xf32> to vector<16xf32>
      %swap3A_156 = vector.shape_cast %broadcast_in_dim3A_151 : vector<16xf32> to vector<1x16xf32>
      tpu.vector_store %arg7[%swap3A_152, %swap3A_153], %swap3A_156 {strides = array<i32>} : memref<128x128xf32, #tpu.memory_space<vmem>>, vector<1x16xf32>,
      %broadcast_in_dim3A_157 = arith.constant 0.000000e+00 : f32
      %broadcast_in_dim3A_158 = vector.broadcast %broadcast_in_dim3A_157 : f32 to vector<16xf32>
      %swap3A_159 = arith.index_cast %scan3A_129 : i32 to index
      %swap3A_160 = arith.constant 64 : index
      %swap3A_161 = tpu.vector_load %arg7[%swap3A_159, %swap3A_160] {strides = array<i32>} : memref<128x128xf32, #tpu.memory_space<vmem>>, vector<1x16xf32>,
      %swap3A_162 = vector.shape_cast %swap3A_161 : vector<1x16xf32> to vector<16xf32>
      %swap3A_163 = vector.shape_cast %broadcast_in_dim3A_158 : vector<16xf32> to vector<1x16xf32>
      tpu.vector_store %arg7[%swap3A_159, %swap3A_160], %swap3A_163 {strides = array<i32>} : memref<128x128xf32, #tpu.memory_space<vmem>>, vector<1x16xf32>,
      %broadcast_in_dim3A_164 = arith.constant 0.000000e+00 : f32
      %broadcast_in_dim3A_165 = vector.broadcast %broadcast_in_dim3A_164 : f32 to vector<16xf32>
      %swap3A_166 = arith.index_cast %scan3A_129 : i32 to index
      %swap3A_167 = arith.constant 80 : index
      %swap3A_168 = tpu.vector_load %arg7[%swap3A_166, %swap3A_167] {strides = array<i32>} : memref<128x128xf32, #tpu.memory_space<vmem>>, vector<1x16xf32>,
      %swap3A_169 = vector.shape_cast %swap3A_168 : vector<1x16xf32> to vector<16xf32>
      %swap3A_170 = vector.shape_cast %broadcast_in_dim3A_165 : vector<16xf32> to vector<1x16xf32>
      tpu.vector_store %arg7[%swap3A_166, %swap3A_167], %swap3A_170 {strides = array<i32>} : memref<128x128xf32, #tpu.memory_space<vmem>>, vector<1x16xf32>,
      %broadcast_in_dim3A_171 = arith.constant 0.000000e+00 : f32
      %broadcast_in_dim3A_172 = vector.broadcast %broadcast_in_dim3A_171 : f32 to vector<16xf32>
      %swap3A_173 = arith.index_cast %scan3A_129 : i32 to index
      %swap3A_174 = arith.constant 96 : index
      %swap3A_175 = tpu.vector_load %arg7[%swap3A_173, %swap3A_174] {strides = array<i32>} : memref<128x128xf32, #tpu.memory_space<vmem>>, vector<1x16xf32>,
      %swap3A_176 = vector.shape_cast %swap3A_175 : vector<1x16xf32> to vector<16xf32>
      %swap3A_177 = vector.shape_cast %broadcast_in_dim3A_172 : vector<16xf32> to vector<1x16xf32>
      tpu.vector_store %arg7[%swap3A_173, %swap3A_174], %swap3A_177 {strides = array<i32>} : memref<128x128xf32, #tpu.memory_space<vmem>>, vector<1x16xf32>,
      %broadcast_in_dim3A_178 = arith.constant 0.000000e+00 : f32
      %broadcast_in_dim3A_179 = vector.broadcast %broadcast_in_dim3A_178 : f32 to vector<16xf32>
      %swap3A_180 = arith.index_cast %scan3A_129 : i32 to index
      %swap3A_181 = arith.constant 112 : index
      %swap3A_182 = tpu.vector_load %arg7[%swap3A_180, %swap3A_181] {strides = array<i32>} : memref<128x128xf32, #tpu.memory_space<vmem>>, vector<1x16xf32>,
      %swap3A_183 = vector.shape_cast %swap3A_182 : vector<1x16xf32> to vector<16xf32>
      %swap3A_184 = vector.shape_cast %broadcast_in_dim3A_179 : vector<16xf32> to vector<1x16xf32>
      tpu.vector_store %arg7[%swap3A_180, %swap3A_181], %swap3A_184 {strides = array<i32>} : memref<128x128xf32, #tpu.memory_space<vmem>>, vector<1x16xf32>,
      %scan3A_185 = arith.constant 0 : i32
      scf.yield %scan3A_185 : i32
    }
    %scan3A_73 = arith.constant 128 : i32
    %mul3A_74 = arith.constant 640 : i32
    %mul3A_75 = arith.muli %arg1, %mul3A_74 : i32
    %add3A_76 = arith.constant 0 : i32
    %add3A_77 = arith.addi %mul3A_75, %add3A_76 : i32
    "tpu.region"() ({
      %run_scoped3A_129 = tpu.sem_alloc : memref<!tpu.dma_semaphore, #tpu.memory_space<semaphore_mem>>
      %dma_start3A = arith.constant 0 : i32
      %dma_start3A_130 = tpu.memref_slice %arg8[%add3A_77, %dma_start3A] : memref<10240x128xf32, #tpu.memory_space<vmem_shared>> -> memref<128x128xf32, #tpu.memory_space<vmem_shared>>
      %dma_start3A_131 = arith.constant 0 : i32
      %dma_start3A_132 = tpu.memref_slice %arg8[%add3A_77, %dma_start3A_131] : memref<10240x128xf32, #tpu.memory_space<vmem_shared>> -> memref<128x128xf32, #tpu.memory_space<vmem_shared>>
      tpu.enqueue_dma source(%arg7 : memref<128x128xf32, #tpu.memory_space<vmem>>) target(%dma_start3A_132 : memref<128x128xf32, #tpu.memory_space<vmem_shared>>) target_semaphore(%run_scoped3A_129 : memref<!tpu.dma_semaphore, #tpu.memory_space<semaphore_mem>>)
      %dma_wait3A = arith.constant 0 : i32
      %dma_wait3A_133 = tpu.memref_slice %arg8[%add3A_77, %dma_wait3A] : memref<10240x128xf32, #tpu.memory_space<vmem_shared>> -> memref<128x128xf32, #tpu.memory_space<vmem_shared>>
      %dma_wait3A_134 = arith.constant 0 : i32
      %dma_wait3A_135 = tpu.memref_slice %arg8[%add3A_77, %dma_wait3A_134] : memref<10240x128xf32, #tpu.memory_space<vmem_shared>> -> memref<128x128xf32, #tpu.memory_space<vmem_shared>>
      tpu.wait_dma2 semaphore(%run_scoped3A_129 : memref<!tpu.dma_semaphore, #tpu.memory_space<semaphore_mem>>) src(%arg7 : memref<128x128xf32, #tpu.memory_space<vmem>>) dst(%dma_wait3A_135 : memref<128x128xf32, #tpu.memory_space<vmem_shared>>)
      tpu.yield
    }) : () -> ()
    %mul3A_78 = arith.constant 640 : i32
    %mul3A_79 = arith.muli %arg1, %mul3A_78 : i32
    %add3A_80 = arith.constant 128 : i32
    %add3A_81 = arith.addi %mul3A_79, %add3A_80 : i32
    "tpu.region"() ({
      %run_scoped3A_129 = tpu.sem_alloc : memref<!tpu.dma_semaphore, #tpu.memory_space<semaphore_mem>>
      %dma_start3A = arith.constant 0 : i32
      %dma_start3A_130 = tpu.memref_slice %arg8[%add3A_81, %dma_start3A] : memref<10240x128xf32, #tpu.memory_space<vmem_shared>> -> memref<128x128xf32, #tpu.memory_space<vmem_shared>>
      %dma_start3A_131 = arith.constant 0 : i32
      %dma_start3A_132 = tpu.memref_slice %arg8[%add3A_81, %dma_start3A_131] : memref<10240x128xf32, #tpu.memory_space<vmem_shared>> -> memref<128x128xf32, #tpu.memory_space<vmem_shared>>
      tpu.enqueue_dma source(%arg7 : memref<128x128xf32, #tpu.memory_space<vmem>>) target(%dma_start3A_132 : memref<128x128xf32, #tpu.memory_space<vmem_shared>>) target_semaphore(%run_scoped3A_129 : memref<!tpu.dma_semaphore, #tpu.memory_space<semaphore_mem>>)
      %dma_wait3A = arith.constant 0 : i32
      %dma_wait3A_133 = tpu.memref_slice %arg8[%add3A_81, %dma_wait3A] : memref<10240x128xf32, #tpu.memory_space<vmem_shared>> -> memref<128x128xf32, #tpu.memory_space<vmem_shared>>
      %dma_wait3A_134 = arith.constant 0 : i32
      %dma_wait3A_135 = tpu.memref_slice %arg8[%add3A_81, %dma_wait3A_134] : memref<10240x128xf32, #tpu.memory_space<vmem_shared>> -> memref<128x128xf32, #tpu.memory_space<vmem_shared>>
      tpu.wait_dma2 semaphore(%run_scoped3A_129 : memref<!tpu.dma_semaphore, #tpu.memory_space<semaphore_mem>>) src(%arg7 : memref<128x128xf32, #tpu.memory_space<vmem>>) dst(%dma_wait3A_135 : memref<128x128xf32, #tpu.memory_space<vmem_shared>>)
      tpu.yield
    }) : () -> ()
    %mul3A_82 = arith.constant 640 : i32
    %mul3A_83 = arith.muli %arg1, %mul3A_82 : i32
    %add3A_84 = arith.constant 256 : i32
    %add3A_85 = arith.addi %mul3A_83, %add3A_84 : i32
    "tpu.region"() ({
      %run_scoped3A_129 = tpu.sem_alloc : memref<!tpu.dma_semaphore, #tpu.memory_space<semaphore_mem>>
      %dma_start3A = arith.constant 0 : i32
      %dma_start3A_130 = tpu.memref_slice %arg8[%add3A_85, %dma_start3A] : memref<10240x128xf32, #tpu.memory_space<vmem_shared>> -> memref<128x128xf32, #tpu.memory_space<vmem_shared>>
      %dma_start3A_131 = arith.constant 0 : i32
      %dma_start3A_132 = tpu.memref_slice %arg8[%add3A_85, %dma_start3A_131] : memref<10240x128xf32, #tpu.memory_space<vmem_shared>> -> memref<128x128xf32, #tpu.memory_space<vmem_shared>>
      tpu.enqueue_dma source(%arg7 : memref<128x128xf32, #tpu.memory_space<vmem>>) target(%dma_start3A_132 : memref<128x128xf32, #tpu.memory_space<vmem_shared>>) target_semaphore(%run_scoped3A_129 : memref<!tpu.dma_semaphore, #tpu.memory_space<semaphore_mem>>)
      %dma_wait3A = arith.constant 0 : i32
      %dma_wait3A_133 = tpu.memref_slice %arg8[%add3A_85, %dma_wait3A] : memref<10240x128xf32, #tpu.memory_space<vmem_shared>> -> memref<128x128xf32, #tpu.memory_space<vmem_shared>>
      %dma_wait3A_134 = arith.constant 0 : i32
      %dma_wait3A_135 = tpu.memref_slice %arg8[%add3A_85, %dma_wait3A_134] : memref<10240x128xf32, #tpu.memory_space<vmem_shared>> -> memref<128x128xf32, #tpu.memory_space<vmem_shared>>
      tpu.wait_dma2 semaphore(%run_scoped3A_129 : memref<!tpu.dma_semaphore, #tpu.memory_space<semaphore_mem>>) src(%arg7 : memref<128x128xf32, #tpu.memory_space<vmem>>) dst(%dma_wait3A_135 : memref<128x128xf32, #tpu.memory_space<vmem_shared>>)
      tpu.yield
    }) : () -> ()
    %mul3A_86 = arith.constant 640 : i32
    %mul3A_87 = arith.muli %arg1, %mul3A_86 : i32
    %add3A_88 = arith.constant 384 : i32
    %add3A_89 = arith.addi %mul3A_87, %add3A_88 : i32
    "tpu.region"() ({
      %run_scoped3A_129 = tpu.sem_alloc : memref<!tpu.dma_semaphore, #tpu.memory_space<semaphore_mem>>
      %dma_start3A = arith.constant 0 : i32
      %dma_start3A_130 = tpu.memref_slice %arg8[%add3A_89, %dma_start3A] : memref<10240x128xf32, #tpu.memory_space<vmem_shared>> -> memref<128x128xf32, #tpu.memory_space<vmem_shared>>
      %dma_start3A_131 = arith.constant 0 : i32
      %dma_start3A_132 = tpu.memref_slice %arg8[%add3A_89, %dma_start3A_131] : memref<10240x128xf32, #tpu.memory_space<vmem_shared>> -> memref<128x128xf32, #tpu.memory_space<vmem_shared>>
      tpu.enqueue_dma source(%arg7 : memref<128x128xf32, #tpu.memory_space<vmem>>) target(%dma_start3A_132 : memref<128x128xf32, #tpu.memory_space<vmem_shared>>) target_semaphore(%run_scoped3A_129 : memref<!tpu.dma_semaphore, #tpu.memory_space<semaphore_mem>>)
      %dma_wait3A = arith.constant 0 : i32
      %dma_wait3A_133 = tpu.memref_slice %arg8[%add3A_89, %dma_wait3A] : memref<10240x128xf32, #tpu.memory_space<vmem_shared>> -> memref<128x128xf32, #tpu.memory_space<vmem_shared>>
      %dma_wait3A_134 = arith.constant 0 : i32
      %dma_wait3A_135 = tpu.memref_slice %arg8[%add3A_89, %dma_wait3A_134] : memref<10240x128xf32, #tpu.memory_space<vmem_shared>> -> memref<128x128xf32, #tpu.memory_space<vmem_shared>>
      tpu.wait_dma2 semaphore(%run_scoped3A_129 : memref<!tpu.dma_semaphore, #tpu.memory_space<semaphore_mem>>) src(%arg7 : memref<128x128xf32, #tpu.memory_space<vmem>>) dst(%dma_wait3A_135 : memref<128x128xf32, #tpu.memory_space<vmem_shared>>)
      tpu.yield
    }) : () -> ()
    %mul3A_90 = arith.constant 640 : i32
    %mul3A_91 = arith.muli %arg1, %mul3A_90 : i32
    %add3A_92 = arith.constant 512 : i32
    %add3A_93 = arith.addi %mul3A_91, %add3A_92 : i32
    "tpu.region"() ({
      %run_scoped3A_129 = tpu.sem_alloc : memref<!tpu.dma_semaphore, #tpu.memory_space<semaphore_mem>>
      %dma_start3A = arith.constant 0 : i32
      %dma_start3A_130 = tpu.memref_slice %arg8[%add3A_93, %dma_start3A] : memref<10240x128xf32, #tpu.memory_space<vmem_shared>> -> memref<128x128xf32, #tpu.memory_space<vmem_shared>>
      %dma_start3A_131 = arith.constant 0 : i32
      %dma_start3A_132 = tpu.memref_slice %arg8[%add3A_93, %dma_start3A_131] : memref<10240x128xf32, #tpu.memory_space<vmem_shared>> -> memref<128x128xf32, #tpu.memory_space<vmem_shared>>
      tpu.enqueue_dma source(%arg7 : memref<128x128xf32, #tpu.memory_space<vmem>>) target(%dma_start3A_132 : memref<128x128xf32, #tpu.memory_space<vmem_shared>>) target_semaphore(%run_scoped3A_129 : memref<!tpu.dma_semaphore, #tpu.memory_space<semaphore_mem>>)
      %dma_wait3A = arith.constant 0 : i32
      %dma_wait3A_133 = tpu.memref_slice %arg8[%add3A_93, %dma_wait3A] : memref<10240x128xf32, #tpu.memory_space<vmem_shared>> -> memref<128x128xf32, #tpu.memory_space<vmem_shared>>
      %dma_wait3A_134 = arith.constant 0 : i32
      %dma_wait3A_135 = tpu.memref_slice %arg8[%add3A_93, %dma_wait3A_134] : memref<10240x128xf32, #tpu.memory_space<vmem_shared>> -> memref<128x128xf32, #tpu.memory_space<vmem_shared>>
      tpu.wait_dma2 semaphore(%run_scoped3A_129 : memref<!tpu.dma_semaphore, #tpu.memory_space<semaphore_mem>>) src(%arg7 : memref<128x128xf32, #tpu.memory_space<vmem>>) dst(%dma_wait3A_135 : memref<128x128xf32, #tpu.memory_space<vmem_shared>>)
      tpu.yield
    }) : () -> ()
    %barrier3A_94 = arith.constant 0 : index
    tpu.barrier barrier_id(%barrier3A_94)
    %scan3A_95 = arith.constant 0 : i32
    %scan3A_96 = arith.constant 0 : i32
    %scan3A_97 = arith.constant 125 : i32
    %scan3A_98 = arith.addi %scan3A_96, %scan3A_97 : i32
    %scan3A_99 = arith.constant 1 : i32
    %scan3A_100 = scf.for %scan3A_129 = %scan3A_96 to %scan3A_98 step %scan3A_99 iter_args(%scan3A_130 = %scan3A_95) -> (i32)  : i32 {
      %mul3A_131 = arith.constant 10000 : i32
      %mul3A_132 = arith.muli %add3A, %mul3A_131 : i32
      %mul3A_133 = arith.constant 80 : i32
      %mul3A_134 = arith.muli %scan3A_129, %mul3A_133 : i32
      %add3A_135 = arith.addi %mul3A_132, %mul3A_134 : i32
      "tpu.region"() ({
        %run_scoped3A_137 = tpu.sem_alloc : memref<!tpu.dma_semaphore, #tpu.memory_space<semaphore_mem>>
        %dma_start3A = tpu.memref_slice %arg3[%add3A_135] : memref<320000xi32, #tpu.memory_space<hbm>> -> memref<80xi32, #tpu.memory_space<hbm>>
        %dma_start3A_138 = tpu.memref_slice %arg3[%add3A_135] : memref<320000xi32, #tpu.memory_space<hbm>> -> memref<80xi32, #tpu.memory_space<hbm>>
        tpu.enqueue_dma source(%dma_start3A_138 : memref<80xi32, #tpu.memory_space<hbm>>) target(%arg5 : memref<80xi32, #tpu.memory_space<vmem>>) target_semaphore(%run_scoped3A_137 : memref<!tpu.dma_semaphore, #tpu.memory_space<semaphore_mem>>)
        %dma_wait3A = tpu.memref_slice %arg3[%add3A_135] : memref<320000xi32, #tpu.memory_space<hbm>> -> memref<80xi32, #tpu.memory_space<hbm>>
        %dma_wait3A_139 = tpu.memref_slice %arg3[%add3A_135] : memref<320000xi32, #tpu.memory_space<hbm>> -> memref<80xi32, #tpu.memory_space<hbm>>
        tpu.wait_dma2 semaphore(%run_scoped3A_137 : memref<!tpu.dma_semaphore, #tpu.memory_space<semaphore_mem>>) src(%dma_wait3A_139 : memref<80xi32, #tpu.memory_space<hbm>>) dst(%arg5 : memref<80xi32, #tpu.memory_space<vmem>>)
        tpu.yield
      }) : () -> ()
      "tpu.region"() ({
        %run_scoped3A_137 = tpu.sem_alloc : memref<!tpu.dma_semaphore, #tpu.memory_space<semaphore_mem>>
        %dma_start3A = arith.constant 0 : i32
        %dma_start3A_138 = arith.constant 0 : i32
        %dma_start3A_139 = tpu.memref_slice %arg8[%dma_start3A, %dma_start3A_138] : memref<10240x128xf32, #tpu.memory_space<vmem_shared>> -> memref<10240x128xf32, #tpu.memory_space<vmem_shared>>
        tpu.enqueue_indirect_dma source(%arg6 : memref<80x128xf32, #tpu.memory_space<vmem>>) target(%dma_start3A_139 : memref<10240x128xf32, #tpu.memory_space<vmem_shared>>) offsets(%arg5 : memref<80xi32, #tpu.memory_space<vmem>>) semaphore(%run_scoped3A_137 : memref<!tpu.dma_semaphore, #tpu.memory_space<semaphore_mem>>) {add = true}
        %dma_wait3A = arith.constant 0 : i32
        %dma_wait3A_140 = arith.constant 0 : i32
        %dma_wait3A_141 = tpu.memref_slice %arg8[%dma_wait3A, %dma_wait3A_140] : memref<10240x128xf32, #tpu.memory_space<vmem_shared>> -> memref<10240x128xf32, #tpu.memory_space<vmem_shared>>
        tpu.wait_indirect_dma semaphore(%run_scoped3A_137 : memref<!tpu.dma_semaphore, #tpu.memory_space<semaphore_mem>>) src(%arg6 : memref<80x128xf32, #tpu.memory_space<vmem>>) dst(%dma_wait3A_141 : memref<10240x128xf32, #tpu.memory_space<vmem_shared>>)
        tpu.yield
      }) : () -> ()
      %scan3A_136 = arith.constant 0 : i32
      scf.yield %scan3A_136 : i32
    }
    %scan3A_101 = arith.constant 125 : i32
    %barrier3A_102 = arith.constant 0 : index
    tpu.barrier barrier_id(%barrier3A_102)
    %mul3A_103 = arith.constant 640 : i32
    %mul3A_104 = arith.muli %arg1, %mul3A_103 : i32
    %add3A_105 = arith.constant 0 : i32
    %add3A_106 = arith.addi %mul3A_104, %add3A_105 : i32
    "tpu.region"() ({
      %run_scoped3A_129 = tpu.sem_alloc : memref<!tpu.dma_semaphore, #tpu.memory_space<semaphore_mem>>
      %dma_start3A = arith.constant 0 : i32
      %dma_start3A_130 = tpu.memref_slice %arg8[%add3A_106, %dma_start3A] : memref<10240x128xf32, #tpu.memory_space<vmem_shared>> -> memref<128x128xf32, #tpu.memory_space<vmem_shared>>
      %dma_start3A_131 = arith.constant 0 : i32
      %dma_start3A_132 = tpu.memref_slice %arg8[%add3A_106, %dma_start3A_131] : memref<10240x128xf32, #tpu.memory_space<vmem_shared>> -> memref<128x128xf32, #tpu.memory_space<vmem_shared>>
      tpu.enqueue_dma source(%dma_start3A_132 : memref<128x128xf32, #tpu.memory_space<vmem_shared>>) target(%arg7 : memref<128x128xf32, #tpu.memory_space<vmem>>) target_semaphore(%run_scoped3A_129 : memref<!tpu.dma_semaphore, #tpu.memory_space<semaphore_mem>>)
      %dma_wait3A = arith.constant 0 : i32
      %dma_wait3A_133 = tpu.memref_slice %arg8[%add3A_106, %dma_wait3A] : memref<10240x128xf32, #tpu.memory_space<vmem_shared>> -> memref<128x128xf32, #tpu.memory_space<vmem_shared>>
      %dma_wait3A_134 = arith.constant 0 : i32
      %dma_wait3A_135 = tpu.memref_slice %arg8[%add3A_106, %dma_wait3A_134] : memref<10240x128xf32, #tpu.memory_space<vmem_shared>> -> memref<128x128xf32, #tpu.memory_space<vmem_shared>>
      tpu.wait_dma2 semaphore(%run_scoped3A_129 : memref<!tpu.dma_semaphore, #tpu.memory_space<semaphore_mem>>) src(%dma_wait3A_135 : memref<128x128xf32, #tpu.memory_space<vmem_shared>>) dst(%arg7 : memref<128x128xf32, #tpu.memory_space<vmem>>)
      tpu.yield
    }) : () -> ()
    %run_scoped3A_107 = arith.constant 1 : i32
    "tpu.region"() ({
      %run_scoped3A_129 = tpu.sem_alloc : memref<!tpu.dma_semaphore, #tpu.memory_space<semaphore_mem>>
      %dma_start3A = arith.constant 0 : i32
      %dma_start3A_130 = arith.constant 0 : i32
      %dma_start3A_131 = tpu.memref_slice %arg4[%arg0, %run_scoped3A_107, %dma_start3A, %dma_start3A_130] : memref<2x2x10240x128xf32, #tpu.memory_space<hbm>> -> memref<1x1x10240x128xf32, #tpu.memory_space<hbm>>
      %dma_start3A_132 = tpu.memref_squeeze %dma_start3A_131 : memref<1x1x10240x128xf32, #tpu.memory_space<hbm>> -> memref<10240x128xf32, #tpu.memory_space<hbm>>
      %dma_start3A_133 = arith.constant 0 : i32
      %dma_start3A_134 = tpu.memref_slice %dma_start3A_132[%add3A_106, %dma_start3A_133] : memref<10240x128xf32, #tpu.memory_space<hbm>> -> memref<128x128xf32, #tpu.memory_space<hbm>>
      %dma_start3A_135 = arith.constant 0 : i32
      %dma_start3A_136 = arith.constant 0 : i32
      %dma_start3A_137 = tpu.memref_slice %arg4[%arg0, %run_scoped3A_107, %dma_start3A_135, %dma_start3A_136] : memref<2x2x10240x128xf32, #tpu.memory_space<hbm>> -> memref<1x1x10240x128xf32, #tpu.memory_space<hbm>>
      %dma_start3A_138 = tpu.memref_squeeze %dma_start3A_137 : memref<1x1x10240x128xf32, #tpu.memory_space<hbm>> -> memref<10240x128xf32, #tpu.memory_space<hbm>>
      %dma_start3A_139 = arith.constant 0 : i32
      %dma_start3A_140 = tpu.memref_slice %dma_start3A_138[%add3A_106, %dma_start3A_139] : memref<10240x128xf32, #tpu.memory_space<hbm>> -> memref<128x128xf32, #tpu.memory_space<hbm>>
      tpu.enqueue_dma source(%arg7 : memref<128x128xf32, #tpu.memory_space<vmem>>) target(%dma_start3A_140 : memref<128x128xf32, #tpu.memory_space<hbm>>) target_semaphore(%run_scoped3A_129 : memref<!tpu.dma_semaphore, #tpu.memory_space<semaphore_mem>>)
      %dma_wait3A = arith.constant 0 : i32
      %dma_wait3A_141 = arith.constant 0 : i32
      %dma_wait3A_142 = tpu.memref_slice %arg4[%arg0, %run_scoped3A_107, %dma_wait3A, %dma_wait3A_141] : memref<2x2x10240x128xf32, #tpu.memory_space<hbm>> -> memref<1x1x10240x128xf32, #tpu.memory_space<hbm>>
      %dma_wait3A_143 = tpu.memref_squeeze %dma_wait3A_142 : memref<1x1x10240x128xf32, #tpu.memory_space<hbm>> -> memref<10240x128xf32, #tpu.memory_space<hbm>>
      %dma_wait3A_144 = arith.constant 0 : i32
      %dma_wait3A_145 = tpu.memref_slice %dma_wait3A_143[%add3A_106, %dma_wait3A_144] : memref<10240x128xf32, #tpu.memory_space<hbm>> -> memref<128x128xf32, #tpu.memory_space<hbm>>
      %dma_wait3A_146 = arith.constant 0 : i32
      %dma_wait3A_147 = arith.constant 0 : i32
      %dma_wait3A_148 = tpu.memref_slice %arg4[%arg0, %run_scoped3A_107, %dma_wait3A_146, %dma_wait3A_147] : memref<2x2x10240x128xf32, #tpu.memory_space<hbm>> -> memref<1x1x10240x128xf32, #tpu.memory_space<hbm>>
      %dma_wait3A_149 = tpu.memref_squeeze %dma_wait3A_148 : memref<1x1x10240x128xf32, #tpu.memory_space<hbm>> -> memref<10240x128xf32, #tpu.memory_space<hbm>>
      %dma_wait3A_150 = arith.constant 0 : i32
      %dma_wait3A_151 = tpu.memref_slice %dma_wait3A_149[%add3A_106, %dma_wait3A_150] : memref<10240x128xf32, #tpu.memory_space<hbm>> -> memref<128x128xf32, #tpu.memory_space<hbm>>
      tpu.wait_dma2 semaphore(%run_scoped3A_129 : memref<!tpu.dma_semaphore, #tpu.memory_space<semaphore_mem>>) src(%arg7 : memref<128x128xf32, #tpu.memory_space<vmem>>) dst(%dma_wait3A_151 : memref<128x128xf32, #tpu.memory_space<hbm>>)
      tpu.yield
    }) : () -> ()
    %mul3A_108 = arith.constant 640 : i32
    %mul3A_109 = arith.muli %arg1, %mul3A_108 : i32
    %add3A_110 = arith.constant 128 : i32
    %add3A_111 = arith.addi %mul3A_109, %add3A_110 : i32
    "tpu.region"() ({
      %run_scoped3A_129 = tpu.sem_alloc : memref<!tpu.dma_semaphore, #tpu.memory_space<semaphore_mem>>
      %dma_start3A = arith.constant 0 : i32
      %dma_start3A_130 = tpu.memref_slice %arg8[%add3A_111, %dma_start3A] : memref<10240x128xf32, #tpu.memory_space<vmem_shared>> -> memref<128x128xf32, #tpu.memory_space<vmem_shared>>
      %dma_start3A_131 = arith.constant 0 : i32
      %dma_start3A_132 = tpu.memref_slice %arg8[%add3A_111, %dma_start3A_131] : memref<10240x128xf32, #tpu.memory_space<vmem_shared>> -> memref<128x128xf32, #tpu.memory_space<vmem_shared>>
      tpu.enqueue_dma source(%dma_start3A_132 : memref<128x128xf32, #tpu.memory_space<vmem_shared>>) target(%arg7 : memref<128x128xf32, #tpu.memory_space<vmem>>) target_semaphore(%run_scoped3A_129 : memref<!tpu.dma_semaphore, #tpu.memory_space<semaphore_mem>>)
      %dma_wait3A = arith.constant 0 : i32
      %dma_wait3A_133 = tpu.memref_slice %arg8[%add3A_111, %dma_wait3A] : memref<10240x128xf32, #tpu.memory_space<vmem_shared>> -> memref<128x128xf32, #tpu.memory_space<vmem_shared>>
      %dma_wait3A_134 = arith.constant 0 : i32
      %dma_wait3A_135 = tpu.memref_slice %arg8[%add3A_111, %dma_wait3A_134] : memref<10240x128xf32, #tpu.memory_space<vmem_shared>> -> memref<128x128xf32, #tpu.memory_space<vmem_shared>>
      tpu.wait_dma2 semaphore(%run_scoped3A_129 : memref<!tpu.dma_semaphore, #tpu.memory_space<semaphore_mem>>) src(%dma_wait3A_135 : memref<128x128xf32, #tpu.memory_space<vmem_shared>>) dst(%arg7 : memref<128x128xf32, #tpu.memory_space<vmem>>)
      tpu.yield
    }) : () -> ()
    %run_scoped3A_112 = arith.constant 1 : i32
    "tpu.region"() ({
      %run_scoped3A_129 = tpu.sem_alloc : memref<!tpu.dma_semaphore, #tpu.memory_space<semaphore_mem>>
      %dma_start3A = arith.constant 0 : i32
      %dma_start3A_130 = arith.constant 0 : i32
      %dma_start3A_131 = tpu.memref_slice %arg4[%arg0, %run_scoped3A_112, %dma_start3A, %dma_start3A_130] : memref<2x2x10240x128xf32, #tpu.memory_space<hbm>> -> memref<1x1x10240x128xf32, #tpu.memory_space<hbm>>
      %dma_start3A_132 = tpu.memref_squeeze %dma_start3A_131 : memref<1x1x10240x128xf32, #tpu.memory_space<hbm>> -> memref<10240x128xf32, #tpu.memory_space<hbm>>
      %dma_start3A_133 = arith.constant 0 : i32
      %dma_start3A_134 = tpu.memref_slice %dma_start3A_132[%add3A_111, %dma_start3A_133] : memref<10240x128xf32, #tpu.memory_space<hbm>> -> memref<128x128xf32, #tpu.memory_space<hbm>>
      %dma_start3A_135 = arith.constant 0 : i32
      %dma_start3A_136 = arith.constant 0 : i32
      %dma_start3A_137 = tpu.memref_slice %arg4[%arg0, %run_scoped3A_112, %dma_start3A_135, %dma_start3A_136] : memref<2x2x10240x128xf32, #tpu.memory_space<hbm>> -> memref<1x1x10240x128xf32, #tpu.memory_space<hbm>>
      %dma_start3A_138 = tpu.memref_squeeze %dma_start3A_137 : memref<1x1x10240x128xf32, #tpu.memory_space<hbm>> -> memref<10240x128xf32, #tpu.memory_space<hbm>>
      %dma_start3A_139 = arith.constant 0 : i32
      %dma_start3A_140 = tpu.memref_slice %dma_start3A_138[%add3A_111, %dma_start3A_139] : memref<10240x128xf32, #tpu.memory_space<hbm>> -> memref<128x128xf32, #tpu.memory_space<hbm>>
      tpu.enqueue_dma source(%arg7 : memref<128x128xf32, #tpu.memory_space<vmem>>) target(%dma_start3A_140 : memref<128x128xf32, #tpu.memory_space<hbm>>) target_semaphore(%run_scoped3A_129 : memref<!tpu.dma_semaphore, #tpu.memory_space<semaphore_mem>>)
      %dma_wait3A = arith.constant 0 : i32
      %dma_wait3A_141 = arith.constant 0 : i32
      %dma_wait3A_142 = tpu.memref_slice %arg4[%arg0, %run_scoped3A_112, %dma_wait3A, %dma_wait3A_141] : memref<2x2x10240x128xf32, #tpu.memory_space<hbm>> -> memref<1x1x10240x128xf32, #tpu.memory_space<hbm>>
      %dma_wait3A_143 = tpu.memref_squeeze %dma_wait3A_142 : memref<1x1x10240x128xf32, #tpu.memory_space<hbm>> -> memref<10240x128xf32, #tpu.memory_space<hbm>>
      %dma_wait3A_144 = arith.constant 0 : i32
      %dma_wait3A_145 = tpu.memref_slice %dma_wait3A_143[%add3A_111, %dma_wait3A_144] : memref<10240x128xf32, #tpu.memory_space<hbm>> -> memref<128x128xf32, #tpu.memory_space<hbm>>
      %dma_wait3A_146 = arith.constant 0 : i32
      %dma_wait3A_147 = arith.constant 0 : i32
      %dma_wait3A_148 = tpu.memref_slice %arg4[%arg0, %run_scoped3A_112, %dma_wait3A_146, %dma_wait3A_147] : memref<2x2x10240x128xf32, #tpu.memory_space<hbm>> -> memref<1x1x10240x128xf32, #tpu.memory_space<hbm>>
      %dma_wait3A_149 = tpu.memref_squeeze %dma_wait3A_148 : memref<1x1x10240x128xf32, #tpu.memory_space<hbm>> -> memref<10240x128xf32, #tpu.memory_space<hbm>>
      %dma_wait3A_150 = arith.constant 0 : i32
      %dma_wait3A_151 = tpu.memref_slice %dma_wait3A_149[%add3A_111, %dma_wait3A_150] : memref<10240x128xf32, #tpu.memory_space<hbm>> -> memref<128x128xf32, #tpu.memory_space<hbm>>
      tpu.wait_dma2 semaphore(%run_scoped3A_129 : memref<!tpu.dma_semaphore, #tpu.memory_space<semaphore_mem>>) src(%arg7 : memref<128x128xf32, #tpu.memory_space<vmem>>) dst(%dma_wait3A_151 : memref<128x128xf32, #tpu.memory_space<hbm>>)
      tpu.yield
    }) : () -> ()
    %mul3A_113 = arith.constant 640 : i32
    %mul3A_114 = arith.muli %arg1, %mul3A_113 : i32
    %add3A_115 = arith.constant 256 : i32
    %add3A_116 = arith.addi %mul3A_114, %add3A_115 : i32
    "tpu.region"() ({
      %run_scoped3A_129 = tpu.sem_alloc : memref<!tpu.dma_semaphore, #tpu.memory_space<semaphore_mem>>
      %dma_start3A = arith.constant 0 : i32
      %dma_start3A_130 = tpu.memref_slice %arg8[%add3A_116, %dma_start3A] : memref<10240x128xf32, #tpu.memory_space<vmem_shared>> -> memref<128x128xf32, #tpu.memory_space<vmem_shared>>
      %dma_start3A_131 = arith.constant 0 : i32
      %dma_start3A_132 = tpu.memref_slice %arg8[%add3A_116, %dma_start3A_131] : memref<10240x128xf32, #tpu.memory_space<vmem_shared>> -> memref<128x128xf32, #tpu.memory_space<vmem_shared>>
      tpu.enqueue_dma source(%dma_start3A_132 : memref<128x128xf32, #tpu.memory_space<vmem_shared>>) target(%arg7 : memref<128x128xf32, #tpu.memory_space<vmem>>) target_semaphore(%run_scoped3A_129 : memref<!tpu.dma_semaphore, #tpu.memory_space<semaphore_mem>>)
      %dma_wait3A = arith.constant 0 : i32
      %dma_wait3A_133 = tpu.memref_slice %arg8[%add3A_116, %dma_wait3A] : memref<10240x128xf32, #tpu.memory_space<vmem_shared>> -> memref<128x128xf32, #tpu.memory_space<vmem_shared>>
      %dma_wait3A_134 = arith.constant 0 : i32
      %dma_wait3A_135 = tpu.memref_slice %arg8[%add3A_116, %dma_wait3A_134] : memref<10240x128xf32, #tpu.memory_space<vmem_shared>> -> memref<128x128xf32, #tpu.memory_space<vmem_shared>>
      tpu.wait_dma2 semaphore(%run_scoped3A_129 : memref<!tpu.dma_semaphore, #tpu.memory_space<semaphore_mem>>) src(%dma_wait3A_135 : memref<128x128xf32, #tpu.memory_space<vmem_shared>>) dst(%arg7 : memref<128x128xf32, #tpu.memory_space<vmem>>)
      tpu.yield
    }) : () -> ()
    %run_scoped3A_117 = arith.constant 1 : i32
    "tpu.region"() ({
      %run_scoped3A_129 = tpu.sem_alloc : memref<!tpu.dma_semaphore, #tpu.memory_space<semaphore_mem>>
      %dma_start3A = arith.constant 0 : i32
      %dma_start3A_130 = arith.constant 0 : i32
      %dma_start3A_131 = tpu.memref_slice %arg4[%arg0, %run_scoped3A_117, %dma_start3A, %dma_start3A_130] : memref<2x2x10240x128xf32, #tpu.memory_space<hbm>> -> memref<1x1x10240x128xf32, #tpu.memory_space<hbm>>
      %dma_start3A_132 = tpu.memref_squeeze %dma_start3A_131 : memref<1x1x10240x128xf32, #tpu.memory_space<hbm>> -> memref<10240x128xf32, #tpu.memory_space<hbm>>
      %dma_start3A_133 = arith.constant 0 : i32
      %dma_start3A_134 = tpu.memref_slice %dma_start3A_132[%add3A_116, %dma_start3A_133] : memref<10240x128xf32, #tpu.memory_space<hbm>> -> memref<128x128xf32, #tpu.memory_space<hbm>>
      %dma_start3A_135 = arith.constant 0 : i32
      %dma_start3A_136 = arith.constant 0 : i32
      %dma_start3A_137 = tpu.memref_slice %arg4[%arg0, %run_scoped3A_117, %dma_start3A_135, %dma_start3A_136] : memref<2x2x10240x128xf32, #tpu.memory_space<hbm>> -> memref<1x1x10240x128xf32, #tpu.memory_space<hbm>>
      %dma_start3A_138 = tpu.memref_squeeze %dma_start3A_137 : memref<1x1x10240x128xf32, #tpu.memory_space<hbm>> -> memref<10240x128xf32, #tpu.memory_space<hbm>>
      %dma_start3A_139 = arith.constant 0 : i32
      %dma_start3A_140 = tpu.memref_slice %dma_start3A_138[%add3A_116, %dma_start3A_139] : memref<10240x128xf32, #tpu.memory_space<hbm>> -> memref<128x128xf32, #tpu.memory_space<hbm>>
      tpu.enqueue_dma source(%arg7 : memref<128x128xf32, #tpu.memory_space<vmem>>) target(%dma_start3A_140 : memref<128x128xf32, #tpu.memory_space<hbm>>) target_semaphore(%run_scoped3A_129 : memref<!tpu.dma_semaphore, #tpu.memory_space<semaphore_mem>>)
      %dma_wait3A = arith.constant 0 : i32
      %dma_wait3A_141 = arith.constant 0 : i32
      %dma_wait3A_142 = tpu.memref_slice %arg4[%arg0, %run_scoped3A_117, %dma_wait3A, %dma_wait3A_141] : memref<2x2x10240x128xf32, #tpu.memory_space<hbm>> -> memref<1x1x10240x128xf32, #tpu.memory_space<hbm>>
      %dma_wait3A_143 = tpu.memref_squeeze %dma_wait3A_142 : memref<1x1x10240x128xf32, #tpu.memory_space<hbm>> -> memref<10240x128xf32, #tpu.memory_space<hbm>>
      %dma_wait3A_144 = arith.constant 0 : i32
      %dma_wait3A_145 = tpu.memref_slice %dma_wait3A_143[%add3A_116, %dma_wait3A_144] : memref<10240x128xf32, #tpu.memory_space<hbm>> -> memref<128x128xf32, #tpu.memory_space<hbm>>
      %dma_wait3A_146 = arith.constant 0 : i32
      %dma_wait3A_147 = arith.constant 0 : i32
      %dma_wait3A_148 = tpu.memref_slice %arg4[%arg0, %run_scoped3A_117, %dma_wait3A_146, %dma_wait3A_147] : memref<2x2x10240x128xf32, #tpu.memory_space<hbm>> -> memref<1x1x10240x128xf32, #tpu.memory_space<hbm>>
      %dma_wait3A_149 = tpu.memref_squeeze %dma_wait3A_148 : memref<1x1x10240x128xf32, #tpu.memory_space<hbm>> -> memref<10240x128xf32, #tpu.memory_space<hbm>>
      %dma_wait3A_150 = arith.constant 0 : i32
      %dma_wait3A_151 = tpu.memref_slice %dma_wait3A_149[%add3A_116, %dma_wait3A_150] : memref<10240x128xf32, #tpu.memory_space<hbm>> -> memref<128x128xf32, #tpu.memory_space<hbm>>
      tpu.wait_dma2 semaphore(%run_scoped3A_129 : memref<!tpu.dma_semaphore, #tpu.memory_space<semaphore_mem>>) src(%arg7 : memref<128x128xf32, #tpu.memory_space<vmem>>) dst(%dma_wait3A_151 : memref<128x128xf32, #tpu.memory_space<hbm>>)
      tpu.yield
    }) : () -> ()
    %mul3A_118 = arith.constant 640 : i32
    %mul3A_119 = arith.muli %arg1, %mul3A_118 : i32
    %add3A_120 = arith.constant 384 : i32
    %add3A_121 = arith.addi %mul3A_119, %add3A_120 : i32
    "tpu.region"() ({
      %run_scoped3A_129 = tpu.sem_alloc : memref<!tpu.dma_semaphore, #tpu.memory_space<semaphore_mem>>
      %dma_start3A = arith.constant 0 : i32
      %dma_start3A_130 = tpu.memref_slice %arg8[%add3A_121, %dma_start3A] : memref<10240x128xf32, #tpu.memory_space<vmem_shared>> -> memref<128x128xf32, #tpu.memory_space<vmem_shared>>
      %dma_start3A_131 = arith.constant 0 : i32
      %dma_start3A_132 = tpu.memref_slice %arg8[%add3A_121, %dma_start3A_131] : memref<10240x128xf32, #tpu.memory_space<vmem_shared>> -> memref<128x128xf32, #tpu.memory_space<vmem_shared>>
      tpu.enqueue_dma source(%dma_start3A_132 : memref<128x128xf32, #tpu.memory_space<vmem_shared>>) target(%arg7 : memref<128x128xf32, #tpu.memory_space<vmem>>) target_semaphore(%run_scoped3A_129 : memref<!tpu.dma_semaphore, #tpu.memory_space<semaphore_mem>>)
      %dma_wait3A = arith.constant 0 : i32
      %dma_wait3A_133 = tpu.memref_slice %arg8[%add3A_121, %dma_wait3A] : memref<10240x128xf32, #tpu.memory_space<vmem_shared>> -> memref<128x128xf32, #tpu.memory_space<vmem_shared>>
      %dma_wait3A_134 = arith.constant 0 : i32
      %dma_wait3A_135 = tpu.memref_slice %arg8[%add3A_121, %dma_wait3A_134] : memref<10240x128xf32, #tpu.memory_space<vmem_shared>> -> memref<128x128xf32, #tpu.memory_space<vmem_shared>>
      tpu.wait_dma2 semaphore(%run_scoped3A_129 : memref<!tpu.dma_semaphore, #tpu.memory_space<semaphore_mem>>) src(%dma_wait3A_135 : memref<128x128xf32, #tpu.memory_space<vmem_shared>>) dst(%arg7 : memref<128x128xf32, #tpu.memory_space<vmem>>)
      tpu.yield
    }) : () -> ()
    %run_scoped3A_122 = arith.constant 1 : i32
    "tpu.region"() ({
      %run_scoped3A_129 = tpu.sem_alloc : memref<!tpu.dma_semaphore, #tpu.memory_space<semaphore_mem>>
      %dma_start3A = arith.constant 0 : i32
      %dma_start3A_130 = arith.constant 0 : i32
      %dma_start3A_131 = tpu.memref_slice %arg4[%arg0, %run_scoped3A_122, %dma_start3A, %dma_start3A_130] : memref<2x2x10240x128xf32, #tpu.memory_space<hbm>> -> memref<1x1x10240x128xf32, #tpu.memory_space<hbm>>
      %dma_start3A_132 = tpu.memref_squeeze %dma_start3A_131 : memref<1x1x10240x128xf32, #tpu.memory_space<hbm>> -> memref<10240x128xf32, #tpu.memory_space<hbm>>
      %dma_start3A_133 = arith.constant 0 : i32
      %dma_start3A_134 = tpu.memref_slice %dma_start3A_132[%add3A_121, %dma_start3A_133] : memref<10240x128xf32, #tpu.memory_space<hbm>> -> memref<128x128xf32, #tpu.memory_space<hbm>>
      %dma_start3A_135 = arith.constant 0 : i32
      %dma_start3A_136 = arith.constant 0 : i32
      %dma_start3A_137 = tpu.memref_slice %arg4[%arg0, %run_scoped3A_122, %dma_start3A_135, %dma_start3A_136] : memref<2x2x10240x128xf32, #tpu.memory_space<hbm>> -> memref<1x1x10240x128xf32, #tpu.memory_space<hbm>>
      %dma_start3A_138 = tpu.memref_squeeze %dma_start3A_137 : memref<1x1x10240x128xf32, #tpu.memory_space<hbm>> -> memref<10240x128xf32, #tpu.memory_space<hbm>>
      %dma_start3A_139 = arith.constant 0 : i32
      %dma_start3A_140 = tpu.memref_slice %dma_start3A_138[%add3A_121, %dma_start3A_139] : memref<10240x128xf32, #tpu.memory_space<hbm>> -> memref<128x128xf32, #tpu.memory_space<hbm>>
      tpu.enqueue_dma source(%arg7 : memref<128x128xf32, #tpu.memory_space<vmem>>) target(%dma_start3A_140 : memref<128x128xf32, #tpu.memory_space<hbm>>) target_semaphore(%run_scoped3A_129 : memref<!tpu.dma_semaphore, #tpu.memory_space<semaphore_mem>>)
      %dma_wait3A = arith.constant 0 : i32
      %dma_wait3A_141 = arith.constant 0 : i32
      %dma_wait3A_142 = tpu.memref_slice %arg4[%arg0, %run_scoped3A_122, %dma_wait3A, %dma_wait3A_141] : memref<2x2x10240x128xf32, #tpu.memory_space<hbm>> -> memref<1x1x10240x128xf32, #tpu.memory_space<hbm>>
      %dma_wait3A_143 = tpu.memref_squeeze %dma_wait3A_142 : memref<1x1x10240x128xf32, #tpu.memory_space<hbm>> -> memref<10240x128xf32, #tpu.memory_space<hbm>>
      %dma_wait3A_144 = arith.constant 0 : i32
      %dma_wait3A_145 = tpu.memref_slice %dma_wait3A_143[%add3A_121, %dma_wait3A_144] : memref<10240x128xf32, #tpu.memory_space<hbm>> -> memref<128x128xf32, #tpu.memory_space<hbm>>
      %dma_wait3A_146 = arith.constant 0 : i32
      %dma_wait3A_147 = arith.constant 0 : i32
      %dma_wait3A_148 = tpu.memref_slice %arg4[%arg0, %run_scoped3A_122, %dma_wait3A_146, %dma_wait3A_147] : memref<2x2x10240x128xf32, #tpu.memory_space<hbm>> -> memref<1x1x10240x128xf32, #tpu.memory_space<hbm>>
      %dma_wait3A_149 = tpu.memref_squeeze %dma_wait3A_148 : memref<1x1x10240x128xf32, #tpu.memory_space<hbm>> -> memref<10240x128xf32, #tpu.memory_space<hbm>>
      %dma_wait3A_150 = arith.constant 0 : i32
      %dma_wait3A_151 = tpu.memref_slice %dma_wait3A_149[%add3A_121, %dma_wait3A_150] : memref<10240x128xf32, #tpu.memory_space<hbm>> -> memref<128x128xf32, #tpu.memory_space<hbm>>
      tpu.wait_dma2 semaphore(%run_scoped3A_129 : memref<!tpu.dma_semaphore, #tpu.memory_space<semaphore_mem>>) src(%arg7 : memref<128x128xf32, #tpu.memory_space<vmem>>) dst(%dma_wait3A_151 : memref<128x128xf32, #tpu.memory_space<hbm>>)
      tpu.yield
    }) : () -> ()
    %mul3A_123 = arith.constant 640 : i32
    %mul3A_124 = arith.muli %arg1, %mul3A_123 : i32
    %add3A_125 = arith.constant 512 : i32
    %add3A_126 = arith.addi %mul3A_124, %add3A_125 : i32
    "tpu.region"() ({
      %run_scoped3A_129 = tpu.sem_alloc : memref<!tpu.dma_semaphore, #tpu.memory_space<semaphore_mem>>
      %dma_start3A = arith.constant 0 : i32
      %dma_start3A_130 = tpu.memref_slice %arg8[%add3A_126, %dma_start3A] : memref<10240x128xf32, #tpu.memory_space<vmem_shared>> -> memref<128x128xf32, #tpu.memory_space<vmem_shared>>
      %dma_start3A_131 = arith.constant 0 : i32
      %dma_start3A_132 = tpu.memref_slice %arg8[%add3A_126, %dma_start3A_131] : memref<10240x128xf32, #tpu.memory_space<vmem_shared>> -> memref<128x128xf32, #tpu.memory_space<vmem_shared>>
      tpu.enqueue_dma source(%dma_start3A_132 : memref<128x128xf32, #tpu.memory_space<vmem_shared>>) target(%arg7 : memref<128x128xf32, #tpu.memory_space<vmem>>) target_semaphore(%run_scoped3A_129 : memref<!tpu.dma_semaphore, #tpu.memory_space<semaphore_mem>>)
      %dma_wait3A = arith.constant 0 : i32
      %dma_wait3A_133 = tpu.memref_slice %arg8[%add3A_126, %dma_wait3A] : memref<10240x128xf32, #tpu.memory_space<vmem_shared>> -> memref<128x128xf32, #tpu.memory_space<vmem_shared>>
      %dma_wait3A_134 = arith.constant 0 : i32
      %dma_wait3A_135 = tpu.memref_slice %arg8[%add3A_126, %dma_wait3A_134] : memref<10240x128xf32, #tpu.memory_space<vmem_shared>> -> memref<128x128xf32, #tpu.memory_space<vmem_shared>>
      tpu.wait_dma2 semaphore(%run_scoped3A_129 : memref<!tpu.dma_semaphore, #tpu.memory_space<semaphore_mem>>) src(%dma_wait3A_135 : memref<128x128xf32, #tpu.memory_space<vmem_shared>>) dst(%arg7 : memref<128x128xf32, #tpu.memory_space<vmem>>)
      tpu.yield
    }) : () -> ()
    %run_scoped3A_127 = arith.constant 1 : i32
    "tpu.region"() ({
      %run_scoped3A_129 = tpu.sem_alloc : memref<!tpu.dma_semaphore, #tpu.memory_space<semaphore_mem>>
      %dma_start3A = arith.constant 0 : i32
      %dma_start3A_130 = arith.constant 0 : i32
      %dma_start3A_131 = tpu.memref_slice %arg4[%arg0, %run_scoped3A_127, %dma_start3A, %dma_start3A_130] : memref<2x2x10240x128xf32, #tpu.memory_space<hbm>> -> memref<1x1x10240x128xf32, #tpu.memory_space<hbm>>
      %dma_start3A_132 = tpu.memref_squeeze %dma_start3A_131 : memref<1x1x10240x128xf32, #tpu.memory_space<hbm>> -> memref<10240x128xf32, #tpu.memory_space<hbm>>
      %dma_start3A_133 = arith.constant 0 : i32
      %dma_start3A_134 = tpu.memref_slice %dma_start3A_132[%add3A_126, %dma_start3A_133] : memref<10240x128xf32, #tpu.memory_space<hbm>> -> memref<128x128xf32, #tpu.memory_space<hbm>>
      %dma_start3A_135 = arith.constant 0 : i32
      %dma_start3A_136 = arith.constant 0 : i32
      %dma_start3A_137 = tpu.memref_slice %arg4[%arg0, %run_scoped3A_127, %dma_start3A_135, %dma_start3A_136] : memref<2x2x10240x128xf32, #tpu.memory_space<hbm>> -> memref<1x1x10240x128xf32, #tpu.memory_space<hbm>>
      %dma_start3A_138 = tpu.memref_squeeze %dma_start3A_137 : memref<1x1x10240x128xf32, #tpu.memory_space<hbm>> -> memref<10240x128xf32, #tpu.memory_space<hbm>>
      %dma_start3A_139 = arith.constant 0 : i32
      %dma_start3A_140 = tpu.memref_slice %dma_start3A_138[%add3A_126, %dma_start3A_139] : memref<10240x128xf32, #tpu.memory_space<hbm>> -> memref<128x128xf32, #tpu.memory_space<hbm>>
      tpu.enqueue_dma source(%arg7 : memref<128x128xf32, #tpu.memory_space<vmem>>) target(%dma_start3A_140 : memref<128x128xf32, #tpu.memory_space<hbm>>) target_semaphore(%run_scoped3A_129 : memref<!tpu.dma_semaphore, #tpu.memory_space<semaphore_mem>>)
      %dma_wait3A = arith.constant 0 : i32
      %dma_wait3A_141 = arith.constant 0 : i32
      %dma_wait3A_142 = tpu.memref_slice %arg4[%arg0, %run_scoped3A_127, %dma_wait3A, %dma_wait3A_141] : memref<2x2x10240x128xf32, #tpu.memory_space<hbm>> -> memref<1x1x10240x128xf32, #tpu.memory_space<hbm>>
      %dma_wait3A_143 = tpu.memref_squeeze %dma_wait3A_142 : memref<1x1x10240x128xf32, #tpu.memory_space<hbm>> -> memref<10240x128xf32, #tpu.memory_space<hbm>>
      %dma_wait3A_144 = arith.constant 0 : i32
      %dma_wait3A_145 = tpu.memref_slice %dma_wait3A_143[%add3A_126, %dma_wait3A_144] : memref<10240x128xf32, #tpu.memory_space<hbm>> -> memref<128x128xf32, #tpu.memory_space<hbm>>
      %dma_wait3A_146 = arith.constant 0 : i32
      %dma_wait3A_147 = arith.constant 0 : i32
      %dma_wait3A_148 = tpu.memref_slice %arg4[%arg0, %run_scoped3A_127, %dma_wait3A_146, %dma_wait3A_147] : memref<2x2x10240x128xf32, #tpu.memory_space<hbm>> -> memref<1x1x10240x128xf32, #tpu.memory_space<hbm>>
      %dma_wait3A_149 = tpu.memref_squeeze %dma_wait3A_148 : memref<1x1x10240x128xf32, #tpu.memory_space<hbm>> -> memref<10240x128xf32, #tpu.memory_space<hbm>>
      %dma_wait3A_150 = arith.constant 0 : i32
      %dma_wait3A_151 = tpu.memref_slice %dma_wait3A_149[%add3A_126, %dma_wait3A_150] : memref<10240x128xf32, #tpu.memory_space<hbm>> -> memref<128x128xf32, #tpu.memory_space<hbm>>
      tpu.wait_dma2 semaphore(%run_scoped3A_129 : memref<!tpu.dma_semaphore, #tpu.memory_space<semaphore_mem>>) src(%arg7 : memref<128x128xf32, #tpu.memory_space<vmem>>) dst(%dma_wait3A_151 : memref<128x128xf32, #tpu.memory_space<hbm>>)
      tpu.yield
    }) : () -> ()
    %barrier3A_128 = arith.constant 0 : index
    tpu.barrier barrier_id(%barrier3A_128)
    return
  }
}

#map = affine_map<(d0, d1) -> (0, 0)>
#map1 = affine_map<(d0, d1) -> (0)>
#map2 = affine_map<(d0, d1) -> (0, 0, 0)>
module attributes {stable_mosaic.version = 14 : i64} {
  func.func @_gather_body(%arg0: i32, %arg1: i32, %arg2: memref<10000x128xf32, #tpu.memory_space<hbm>>, %arg3: memref<320000xi32, #tpu.memory_space<hbm>>, %arg4: memref<320000xi32, #tpu.memory_space<hbm>>, %arg5: memref<2x10240x128xf32, #tpu.memory_space<hbm>>, %arg6: memref<80xi32, #tpu.memory_space<vmem>>, %arg7: memref<80xi32, #tpu.memory_space<vmem>>, %arg8: memref<80x128xf32, #tpu.memory_space<vmem>>, %arg9: memref<128x128xf32, #tpu.memory_space<vmem>>, %arg10: memref<10240x128xf32, #tpu.memory_space<vmem_shared>>, %arg11: memref<!tpu.dma_semaphore, #tpu.memory_space<semaphore_mem>>) attributes {dimension_semantics = [#tpu.dimension_semantics<core_parallel>, #tpu.dimension_semantics<subcore_parallel>], iteration_bounds = array<i64: 2, 16>, scalar_prefetch = 0 : i64, scratch_operands = 6 : i64, tpu.core_type = #tpu.core_type<sc_vector_subcore>, window_params = [{transform_indices = #map}, {transform_indices = #map1}, {transform_indices = #map1}, {transform_indices = #map2}]} {
    %mul3A = arith.constant 2 : i32
    %mul3A_0 = arith.muli %arg1, %mul3A : i32
    %add3A = arith.addi %mul3A_0, %arg0 : i32
    %scan3A = arith.constant 0 : i32
    %scan3A_1 = arith.constant 0 : i32
    %scan3A_2 = arith.constant 128 : i32
    %scan3A_3 = arith.addi %scan3A_1, %scan3A_2 : i32
    %scan3A_4 = arith.constant 1 : i32
    %scan3A_5 = scf.for %scan3A_55 = %scan3A_1 to %scan3A_3 step %scan3A_4 iter_args(%scan3A_56 = %scan3A) -> (i32)  : i32 {
      %broadcast_in_dim3A = arith.constant 0.000000e+00 : f32
      %broadcast_in_dim3A_57 = vector.broadcast %broadcast_in_dim3A : f32 to vector<16xf32>
      %swap3A = arith.index_cast %scan3A_55 : i32 to index
      %swap3A_58 = arith.constant 0 : index
      %swap3A_59 = tpu.vector_load %arg9[%swap3A, %swap3A_58] {strides = array<i32>} : memref<128x128xf32, #tpu.memory_space<vmem>>, vector<1x16xf32>,
      %swap3A_60 = vector.shape_cast %swap3A_59 : vector<1x16xf32> to vector<16xf32>
      %swap3A_61 = vector.shape_cast %broadcast_in_dim3A_57 : vector<16xf32> to vector<1x16xf32>
      tpu.vector_store %arg9[%swap3A, %swap3A_58], %swap3A_61 {strides = array<i32>} : memref<128x128xf32, #tpu.memory_space<vmem>>, vector<1x16xf32>,
      %broadcast_in_dim3A_62 = arith.constant 0.000000e+00 : f32
      %broadcast_in_dim3A_63 = vector.broadcast %broadcast_in_dim3A_62 : f32 to vector<16xf32>
      %swap3A_64 = arith.index_cast %scan3A_55 : i32 to index
      %swap3A_65 = arith.constant 16 : index
      %swap3A_66 = tpu.vector_load %arg9[%swap3A_64, %swap3A_65] {strides = array<i32>} : memref<128x128xf32, #tpu.memory_space<vmem>>, vector<1x16xf32>,
      %swap3A_67 = vector.shape_cast %swap3A_66 : vector<1x16xf32> to vector<16xf32>
      %swap3A_68 = vector.shape_cast %broadcast_in_dim3A_63 : vector<16xf32> to vector<1x16xf32>
      tpu.vector_store %arg9[%swap3A_64, %swap3A_65], %swap3A_68 {strides = array<i32>} : memref<128x128xf32, #tpu.memory_space<vmem>>, vector<1x16xf32>,
      %broadcast_in_dim3A_69 = arith.constant 0.000000e+00 : f32
      %broadcast_in_dim3A_70 = vector.broadcast %broadcast_in_dim3A_69 : f32 to vector<16xf32>
      %swap3A_71 = arith.index_cast %scan3A_55 : i32 to index
      %swap3A_72 = arith.constant 32 : index
      %swap3A_73 = tpu.vector_load %arg9[%swap3A_71, %swap3A_72] {strides = array<i32>} : memref<128x128xf32, #tpu.memory_space<vmem>>, vector<1x16xf32>,
      %swap3A_74 = vector.shape_cast %swap3A_73 : vector<1x16xf32> to vector<16xf32>
      %swap3A_75 = vector.shape_cast %broadcast_in_dim3A_70 : vector<16xf32> to vector<1x16xf32>
      tpu.vector_store %arg9[%swap3A_71, %swap3A_72], %swap3A_75 {strides = array<i32>} : memref<128x128xf32, #tpu.memory_space<vmem>>, vector<1x16xf32>,
      %broadcast_in_dim3A_76 = arith.constant 0.000000e+00 : f32
      %broadcast_in_dim3A_77 = vector.broadcast %broadcast_in_dim3A_76 : f32 to vector<16xf32>
      %swap3A_78 = arith.index_cast %scan3A_55 : i32 to index
      %swap3A_79 = arith.constant 48 : index
      %swap3A_80 = tpu.vector_load %arg9[%swap3A_78, %swap3A_79] {strides = array<i32>} : memref<128x128xf32, #tpu.memory_space<vmem>>, vector<1x16xf32>,
      %swap3A_81 = vector.shape_cast %swap3A_80 : vector<1x16xf32> to vector<16xf32>
      %swap3A_82 = vector.shape_cast %broadcast_in_dim3A_77 : vector<16xf32> to vector<1x16xf32>
      tpu.vector_store %arg9[%swap3A_78, %swap3A_79], %swap3A_82 {strides = array<i32>} : memref<128x128xf32, #tpu.memory_space<vmem>>, vector<1x16xf32>,
      %broadcast_in_dim3A_83 = arith.constant 0.000000e+00 : f32
      %broadcast_in_dim3A_84 = vector.broadcast %broadcast_in_dim3A_83 : f32 to vector<16xf32>
      %swap3A_85 = arith.index_cast %scan3A_55 : i32 to index
      %swap3A_86 = arith.constant 64 : index
      %swap3A_87 = tpu.vector_load %arg9[%swap3A_85, %swap3A_86] {strides = array<i32>} : memref<128x128xf32, #tpu.memory_space<vmem>>, vector<1x16xf32>,
      %swap3A_88 = vector.shape_cast %swap3A_87 : vector<1x16xf32> to vector<16xf32>
      %swap3A_89 = vector.shape_cast %broadcast_in_dim3A_84 : vector<16xf32> to vector<1x16xf32>
      tpu.vector_store %arg9[%swap3A_85, %swap3A_86], %swap3A_89 {strides = array<i32>} : memref<128x128xf32, #tpu.memory_space<vmem>>, vector<1x16xf32>,
      %broadcast_in_dim3A_90 = arith.constant 0.000000e+00 : f32
      %broadcast_in_dim3A_91 = vector.broadcast %broadcast_in_dim3A_90 : f32 to vector<16xf32>
      %swap3A_92 = arith.index_cast %scan3A_55 : i32 to index
      %swap3A_93 = arith.constant 80 : index
      %swap3A_94 = tpu.vector_load %arg9[%swap3A_92, %swap3A_93] {strides = array<i32>} : memref<128x128xf32, #tpu.memory_space<vmem>>, vector<1x16xf32>,
      %swap3A_95 = vector.shape_cast %swap3A_94 : vector<1x16xf32> to vector<16xf32>
      %swap3A_96 = vector.shape_cast %broadcast_in_dim3A_91 : vector<16xf32> to vector<1x16xf32>
      tpu.vector_store %arg9[%swap3A_92, %swap3A_93], %swap3A_96 {strides = array<i32>} : memref<128x128xf32, #tpu.memory_space<vmem>>, vector<1x16xf32>,
      %broadcast_in_dim3A_97 = arith.constant 0.000000e+00 : f32
      %broadcast_in_dim3A_98 = vector.broadcast %broadcast_in_dim3A_97 : f32 to vector<16xf32>
      %swap3A_99 = arith.index_cast %scan3A_55 : i32 to index
      %swap3A_100 = arith.constant 96 : index
      %swap3A_101 = tpu.vector_load %arg9[%swap3A_99, %swap3A_100] {strides = array<i32>} : memref<128x128xf32, #tpu.memory_space<vmem>>, vector<1x16xf32>,
      %swap3A_102 = vector.shape_cast %swap3A_101 : vector<1x16xf32> to vector<16xf32>
      %swap3A_103 = vector.shape_cast %broadcast_in_dim3A_98 : vector<16xf32> to vector<1x16xf32>
      tpu.vector_store %arg9[%swap3A_99, %swap3A_100], %swap3A_103 {strides = array<i32>} : memref<128x128xf32, #tpu.memory_space<vmem>>, vector<1x16xf32>,
      %broadcast_in_dim3A_104 = arith.constant 0.000000e+00 : f32
      %broadcast_in_dim3A_105 = vector.broadcast %broadcast_in_dim3A_104 : f32 to vector<16xf32>
      %swap3A_106 = arith.index_cast %scan3A_55 : i32 to index
      %swap3A_107 = arith.constant 112 : index
      %swap3A_108 = tpu.vector_load %arg9[%swap3A_106, %swap3A_107] {strides = array<i32>} : memref<128x128xf32, #tpu.memory_space<vmem>>, vector<1x16xf32>,
      %swap3A_109 = vector.shape_cast %swap3A_108 : vector<1x16xf32> to vector<16xf32>
      %swap3A_110 = vector.shape_cast %broadcast_in_dim3A_105 : vector<16xf32> to vector<1x16xf32>
      tpu.vector_store %arg9[%swap3A_106, %swap3A_107], %swap3A_110 {strides = array<i32>} : memref<128x128xf32, #tpu.memory_space<vmem>>, vector<1x16xf32>,
      %scan3A_111 = arith.constant 0 : i32
      scf.yield %scan3A_111 : i32
    }
    %scan3A_6 = arith.constant 128 : i32
    %mul3A_7 = arith.constant 640 : i32
    %mul3A_8 = arith.muli %arg1, %mul3A_7 : i32
    %add3A_9 = arith.constant 0 : i32
    %add3A_10 = arith.addi %mul3A_8, %add3A_9 : i32
    "tpu.region"() ({
      %run_scoped3A = tpu.sem_alloc : memref<!tpu.dma_semaphore, #tpu.memory_space<semaphore_mem>>
      %dma_start3A = arith.constant 0 : i32
      %dma_start3A_55 = tpu.memref_slice %arg10[%add3A_10, %dma_start3A] : memref<10240x128xf32, #tpu.memory_space<vmem_shared>> -> memref<128x128xf32, #tpu.memory_space<vmem_shared>>
      %dma_start3A_56 = arith.constant 0 : i32
      %dma_start3A_57 = tpu.memref_slice %arg10[%add3A_10, %dma_start3A_56] : memref<10240x128xf32, #tpu.memory_space<vmem_shared>> -> memref<128x128xf32, #tpu.memory_space<vmem_shared>>
      tpu.enqueue_dma source(%arg9 : memref<128x128xf32, #tpu.memory_space<vmem>>) target(%dma_start3A_57 : memref<128x128xf32, #tpu.memory_space<vmem_shared>>) target_semaphore(%run_scoped3A : memref<!tpu.dma_semaphore, #tpu.memory_space<semaphore_mem>>)
      %dma_wait3A = arith.constant 0 : i32
      %dma_wait3A_58 = tpu.memref_slice %arg10[%add3A_10, %dma_wait3A] : memref<10240x128xf32, #tpu.memory_space<vmem_shared>> -> memref<128x128xf32, #tpu.memory_space<vmem_shared>>
      %dma_wait3A_59 = arith.constant 0 : i32
      %dma_wait3A_60 = tpu.memref_slice %arg10[%add3A_10, %dma_wait3A_59] : memref<10240x128xf32, #tpu.memory_space<vmem_shared>> -> memref<128x128xf32, #tpu.memory_space<vmem_shared>>
      tpu.wait_dma2 semaphore(%run_scoped3A : memref<!tpu.dma_semaphore, #tpu.memory_space<semaphore_mem>>) src(%arg9 : memref<128x128xf32, #tpu.memory_space<vmem>>) dst(%dma_wait3A_60 : memref<128x128xf32, #tpu.memory_space<vmem_shared>>)
      tpu.yield
    }) : () -> ()
    %mul3A_11 = arith.constant 640 : i32
    %mul3A_12 = arith.muli %arg1, %mul3A_11 : i32
    %add3A_13 = arith.constant 128 : i32
    %add3A_14 = arith.addi %mul3A_12, %add3A_13 : i32
    "tpu.region"() ({
      %run_scoped3A = tpu.sem_alloc : memref<!tpu.dma_semaphore, #tpu.memory_space<semaphore_mem>>
      %dma_start3A = arith.constant 0 : i32
      %dma_start3A_55 = tpu.memref_slice %arg10[%add3A_14, %dma_start3A] : memref<10240x128xf32, #tpu.memory_space<vmem_shared>> -> memref<128x128xf32, #tpu.memory_space<vmem_shared>>
      %dma_start3A_56 = arith.constant 0 : i32
      %dma_start3A_57 = tpu.memref_slice %arg10[%add3A_14, %dma_start3A_56] : memref<10240x128xf32, #tpu.memory_space<vmem_shared>> -> memref<128x128xf32, #tpu.memory_space<vmem_shared>>
      tpu.enqueue_dma source(%arg9 : memref<128x128xf32, #tpu.memory_space<vmem>>) target(%dma_start3A_57 : memref<128x128xf32, #tpu.memory_space<vmem_shared>>) target_semaphore(%run_scoped3A : memref<!tpu.dma_semaphore, #tpu.memory_space<semaphore_mem>>)
      %dma_wait3A = arith.constant 0 : i32
      %dma_wait3A_58 = tpu.memref_slice %arg10[%add3A_14, %dma_wait3A] : memref<10240x128xf32, #tpu.memory_space<vmem_shared>> -> memref<128x128xf32, #tpu.memory_space<vmem_shared>>
      %dma_wait3A_59 = arith.constant 0 : i32
      %dma_wait3A_60 = tpu.memref_slice %arg10[%add3A_14, %dma_wait3A_59] : memref<10240x128xf32, #tpu.memory_space<vmem_shared>> -> memref<128x128xf32, #tpu.memory_space<vmem_shared>>
      tpu.wait_dma2 semaphore(%run_scoped3A : memref<!tpu.dma_semaphore, #tpu.memory_space<semaphore_mem>>) src(%arg9 : memref<128x128xf32, #tpu.memory_space<vmem>>) dst(%dma_wait3A_60 : memref<128x128xf32, #tpu.memory_space<vmem_shared>>)
      tpu.yield
    }) : () -> ()
    %mul3A_15 = arith.constant 640 : i32
    %mul3A_16 = arith.muli %arg1, %mul3A_15 : i32
    %add3A_17 = arith.constant 256 : i32
    %add3A_18 = arith.addi %mul3A_16, %add3A_17 : i32
    "tpu.region"() ({
      %run_scoped3A = tpu.sem_alloc : memref<!tpu.dma_semaphore, #tpu.memory_space<semaphore_mem>>
      %dma_start3A = arith.constant 0 : i32
      %dma_start3A_55 = tpu.memref_slice %arg10[%add3A_18, %dma_start3A] : memref<10240x128xf32, #tpu.memory_space<vmem_shared>> -> memref<128x128xf32, #tpu.memory_space<vmem_shared>>
      %dma_start3A_56 = arith.constant 0 : i32
      %dma_start3A_57 = tpu.memref_slice %arg10[%add3A_18, %dma_start3A_56] : memref<10240x128xf32, #tpu.memory_space<vmem_shared>> -> memref<128x128xf32, #tpu.memory_space<vmem_shared>>
      tpu.enqueue_dma source(%arg9 : memref<128x128xf32, #tpu.memory_space<vmem>>) target(%dma_start3A_57 : memref<128x128xf32, #tpu.memory_space<vmem_shared>>) target_semaphore(%run_scoped3A : memref<!tpu.dma_semaphore, #tpu.memory_space<semaphore_mem>>)
      %dma_wait3A = arith.constant 0 : i32
      %dma_wait3A_58 = tpu.memref_slice %arg10[%add3A_18, %dma_wait3A] : memref<10240x128xf32, #tpu.memory_space<vmem_shared>> -> memref<128x128xf32, #tpu.memory_space<vmem_shared>>
      %dma_wait3A_59 = arith.constant 0 : i32
      %dma_wait3A_60 = tpu.memref_slice %arg10[%add3A_18, %dma_wait3A_59] : memref<10240x128xf32, #tpu.memory_space<vmem_shared>> -> memref<128x128xf32, #tpu.memory_space<vmem_shared>>
      tpu.wait_dma2 semaphore(%run_scoped3A : memref<!tpu.dma_semaphore, #tpu.memory_space<semaphore_mem>>) src(%arg9 : memref<128x128xf32, #tpu.memory_space<vmem>>) dst(%dma_wait3A_60 : memref<128x128xf32, #tpu.memory_space<vmem_shared>>)
      tpu.yield
    }) : () -> ()
    %mul3A_19 = arith.constant 640 : i32
    %mul3A_20 = arith.muli %arg1, %mul3A_19 : i32
    %add3A_21 = arith.constant 384 : i32
    %add3A_22 = arith.addi %mul3A_20, %add3A_21 : i32
    "tpu.region"() ({
      %run_scoped3A = tpu.sem_alloc : memref<!tpu.dma_semaphore, #tpu.memory_space<semaphore_mem>>
      %dma_start3A = arith.constant 0 : i32
      %dma_start3A_55 = tpu.memref_slice %arg10[%add3A_22, %dma_start3A] : memref<10240x128xf32, #tpu.memory_space<vmem_shared>> -> memref<128x128xf32, #tpu.memory_space<vmem_shared>>
      %dma_start3A_56 = arith.constant 0 : i32
      %dma_start3A_57 = tpu.memref_slice %arg10[%add3A_22, %dma_start3A_56] : memref<10240x128xf32, #tpu.memory_space<vmem_shared>> -> memref<128x128xf32, #tpu.memory_space<vmem_shared>>
      tpu.enqueue_dma source(%arg9 : memref<128x128xf32, #tpu.memory_space<vmem>>) target(%dma_start3A_57 : memref<128x128xf32, #tpu.memory_space<vmem_shared>>) target_semaphore(%run_scoped3A : memref<!tpu.dma_semaphore, #tpu.memory_space<semaphore_mem>>)
      %dma_wait3A = arith.constant 0 : i32
      %dma_wait3A_58 = tpu.memref_slice %arg10[%add3A_22, %dma_wait3A] : memref<10240x128xf32, #tpu.memory_space<vmem_shared>> -> memref<128x128xf32, #tpu.memory_space<vmem_shared>>
      %dma_wait3A_59 = arith.constant 0 : i32
      %dma_wait3A_60 = tpu.memref_slice %arg10[%add3A_22, %dma_wait3A_59] : memref<10240x128xf32, #tpu.memory_space<vmem_shared>> -> memref<128x128xf32, #tpu.memory_space<vmem_shared>>
      tpu.wait_dma2 semaphore(%run_scoped3A : memref<!tpu.dma_semaphore, #tpu.memory_space<semaphore_mem>>) src(%arg9 : memref<128x128xf32, #tpu.memory_space<vmem>>) dst(%dma_wait3A_60 : memref<128x128xf32, #tpu.memory_space<vmem_shared>>)
      tpu.yield
    }) : () -> ()
    %mul3A_23 = arith.constant 640 : i32
    %mul3A_24 = arith.muli %arg1, %mul3A_23 : i32
    %add3A_25 = arith.constant 512 : i32
    %add3A_26 = arith.addi %mul3A_24, %add3A_25 : i32
    "tpu.region"() ({
      %run_scoped3A = tpu.sem_alloc : memref<!tpu.dma_semaphore, #tpu.memory_space<semaphore_mem>>
      %dma_start3A = arith.constant 0 : i32
      %dma_start3A_55 = tpu.memref_slice %arg10[%add3A_26, %dma_start3A] : memref<10240x128xf32, #tpu.memory_space<vmem_shared>> -> memref<128x128xf32, #tpu.memory_space<vmem_shared>>
      %dma_start3A_56 = arith.constant 0 : i32
      %dma_start3A_57 = tpu.memref_slice %arg10[%add3A_26, %dma_start3A_56] : memref<10240x128xf32, #tpu.memory_space<vmem_shared>> -> memref<128x128xf32, #tpu.memory_space<vmem_shared>>
      tpu.enqueue_dma source(%arg9 : memref<128x128xf32, #tpu.memory_space<vmem>>) target(%dma_start3A_57 : memref<128x128xf32, #tpu.memory_space<vmem_shared>>) target_semaphore(%run_scoped3A : memref<!tpu.dma_semaphore, #tpu.memory_space<semaphore_mem>>)
      %dma_wait3A = arith.constant 0 : i32
      %dma_wait3A_58 = tpu.memref_slice %arg10[%add3A_26, %dma_wait3A] : memref<10240x128xf32, #tpu.memory_space<vmem_shared>> -> memref<128x128xf32, #tpu.memory_space<vmem_shared>>
      %dma_wait3A_59 = arith.constant 0 : i32
      %dma_wait3A_60 = tpu.memref_slice %arg10[%add3A_26, %dma_wait3A_59] : memref<10240x128xf32, #tpu.memory_space<vmem_shared>> -> memref<128x128xf32, #tpu.memory_space<vmem_shared>>
      tpu.wait_dma2 semaphore(%run_scoped3A : memref<!tpu.dma_semaphore, #tpu.memory_space<semaphore_mem>>) src(%arg9 : memref<128x128xf32, #tpu.memory_space<vmem>>) dst(%dma_wait3A_60 : memref<128x128xf32, #tpu.memory_space<vmem_shared>>)
      tpu.yield
    }) : () -> ()
    %barrier3A = arith.constant 0 : index
    tpu.barrier barrier_id(%barrier3A)
    %scan3A_27 = arith.constant 0 : i32
    %scan3A_28 = arith.constant 0 : i32
    %scan3A_29 = arith.constant 125 : i32
    %scan3A_30 = arith.addi %scan3A_28, %scan3A_29 : i32
    %scan3A_31 = arith.constant 1 : i32
    %scan3A_32 = scf.for %scan3A_55 = %scan3A_28 to %scan3A_30 step %scan3A_31 iter_args(%scan3A_56 = %scan3A_27) -> (i32)  : i32 {
      %mul3A_57 = arith.constant 10000 : i32
      %mul3A_58 = arith.muli %add3A, %mul3A_57 : i32
      %mul3A_59 = arith.constant 80 : i32
      %mul3A_60 = arith.muli %scan3A_55, %mul3A_59 : i32
      %add3A_61 = arith.addi %mul3A_58, %mul3A_60 : i32
      "tpu.region"() ({
        %run_scoped3A = tpu.sem_alloc : memref<!tpu.dma_semaphore, #tpu.memory_space<semaphore_mem>>
        %dma_start3A_67 = tpu.memref_slice %arg3[%add3A_61] : memref<320000xi32, #tpu.memory_space<hbm>> -> memref<80xi32, #tpu.memory_space<hbm>>
        %dma_start3A_68 = tpu.memref_slice %arg3[%add3A_61] : memref<320000xi32, #tpu.memory_space<hbm>> -> memref<80xi32, #tpu.memory_space<hbm>>
        tpu.enqueue_dma source(%dma_start3A_68 : memref<80xi32, #tpu.memory_space<hbm>>) target(%arg6 : memref<80xi32, #tpu.memory_space<vmem>>) target_semaphore(%run_scoped3A : memref<!tpu.dma_semaphore, #tpu.memory_space<semaphore_mem>>)
        %dma_wait3A_69 = tpu.memref_slice %arg3[%add3A_61] : memref<320000xi32, #tpu.memory_space<hbm>> -> memref<80xi32, #tpu.memory_space<hbm>>
        %dma_wait3A_70 = tpu.memref_slice %arg3[%add3A_61] : memref<320000xi32, #tpu.memory_space<hbm>> -> memref<80xi32, #tpu.memory_space<hbm>>
        tpu.wait_dma2 semaphore(%run_scoped3A : memref<!tpu.dma_semaphore, #tpu.memory_space<semaphore_mem>>) src(%dma_wait3A_70 : memref<80xi32, #tpu.memory_space<hbm>>) dst(%arg6 : memref<80xi32, #tpu.memory_space<vmem>>)
        tpu.yield
      }) : () -> ()
      %dma_start3A = arith.constant 0 : i32
      %dma_start3A_62 = arith.constant 0 : i32
      %dma_start3A_63 = tpu.memref_slice %arg2[%dma_start3A, %dma_start3A_62] : memref<10000x128xf32, #tpu.memory_space<hbm>> -> memref<10000x128xf32, #tpu.memory_space<hbm>>
      tpu.enqueue_indirect_dma source(%dma_start3A_63 : memref<10000x128xf32, #tpu.memory_space<hbm>>) target(%arg8 : memref<80x128xf32, #tpu.memory_space<vmem>>) offsets(%arg6 : memref<80xi32, #tpu.memory_space<vmem>>) semaphore(%arg11 : memref<!tpu.dma_semaphore, #tpu.memory_space<semaphore_mem>>)
      %dma_wait3A = arith.constant 0 : i32
      %dma_wait3A_64 = arith.constant 0 : i32
      %dma_wait3A_65 = tpu.memref_slice %arg2[%dma_wait3A, %dma_wait3A_64] : memref<10000x128xf32, #tpu.memory_space<hbm>> -> memref<10000x128xf32, #tpu.memory_space<hbm>>
      tpu.wait_indirect_dma semaphore(%arg11 : memref<!tpu.dma_semaphore, #tpu.memory_space<semaphore_mem>>) src(%dma_wait3A_65 : memref<10000x128xf32, #tpu.memory_space<hbm>>) dst(%arg8 : memref<80x128xf32, #tpu.memory_space<vmem>>)
      "tpu.region"() ({
        %run_scoped3A = tpu.sem_alloc : memref<!tpu.dma_semaphore, #tpu.memory_space<semaphore_mem>>
        %dma_start3A_67 = tpu.memref_slice %arg4[%add3A_61] : memref<320000xi32, #tpu.memory_space<hbm>> -> memref<80xi32, #tpu.memory_space<hbm>>
        %dma_start3A_68 = tpu.memref_slice %arg4[%add3A_61] : memref<320000xi32, #tpu.memory_space<hbm>> -> memref<80xi32, #tpu.memory_space<hbm>>
        tpu.enqueue_dma source(%dma_start3A_68 : memref<80xi32, #tpu.memory_space<hbm>>) target(%arg7 : memref<80xi32, #tpu.memory_space<vmem>>) target_semaphore(%run_scoped3A : memref<!tpu.dma_semaphore, #tpu.memory_space<semaphore_mem>>)
        %dma_wait3A_69 = tpu.memref_slice %arg4[%add3A_61] : memref<320000xi32, #tpu.memory_space<hbm>> -> memref<80xi32, #tpu.memory_space<hbm>>
        %dma_wait3A_70 = tpu.memref_slice %arg4[%add3A_61] : memref<320000xi32, #tpu.memory_space<hbm>> -> memref<80xi32, #tpu.memory_space<hbm>>
        tpu.wait_dma2 semaphore(%run_scoped3A : memref<!tpu.dma_semaphore, #tpu.memory_space<semaphore_mem>>) src(%dma_wait3A_70 : memref<80xi32, #tpu.memory_space<hbm>>) dst(%arg7 : memref<80xi32, #tpu.memory_space<vmem>>)
        tpu.yield
      }) : () -> ()
      "tpu.region"() ({
        %run_scoped3A = tpu.sem_alloc : memref<!tpu.dma_semaphore, #tpu.memory_space<semaphore_mem>>
        %dma_start3A_67 = arith.constant 0 : i32
        %dma_start3A_68 = arith.constant 0 : i32
        %dma_start3A_69 = tpu.memref_slice %arg10[%dma_start3A_67, %dma_start3A_68] : memref<10240x128xf32, #tpu.memory_space<vmem_shared>> -> memref<10240x128xf32, #tpu.memory_space<vmem_shared>>
        tpu.enqueue_indirect_dma source(%arg8 : memref<80x128xf32, #tpu.memory_space<vmem>>) target(%dma_start3A_69 : memref<10240x128xf32, #tpu.memory_space<vmem_shared>>) offsets(%arg7 : memref<80xi32, #tpu.memory_space<vmem>>) semaphore(%run_scoped3A : memref<!tpu.dma_semaphore, #tpu.memory_space<semaphore_mem>>) {add = true}
        %dma_wait3A_70 = arith.constant 0 : i32
        %dma_wait3A_71 = arith.constant 0 : i32
        %dma_wait3A_72 = tpu.memref_slice %arg10[%dma_wait3A_70, %dma_wait3A_71] : memref<10240x128xf32, #tpu.memory_space<vmem_shared>> -> memref<10240x128xf32, #tpu.memory_space<vmem_shared>>
        tpu.wait_indirect_dma semaphore(%run_scoped3A : memref<!tpu.dma_semaphore, #tpu.memory_space<semaphore_mem>>) src(%arg8 : memref<80x128xf32, #tpu.memory_space<vmem>>) dst(%dma_wait3A_72 : memref<10240x128xf32, #tpu.memory_space<vmem_shared>>)
        tpu.yield
      }) : () -> ()
      %scan3A_66 = arith.constant 0 : i32
      scf.yield %scan3A_66 : i32
    }
    %scan3A_33 = arith.constant 125 : i32
    %barrier3A_34 = arith.constant 0 : index
    tpu.barrier barrier_id(%barrier3A_34)
    %mul3A_35 = arith.constant 640 : i32
    %mul3A_36 = arith.muli %arg1, %mul3A_35 : i32
    %add3A_37 = arith.constant 0 : i32
    %add3A_38 = arith.addi %mul3A_36, %add3A_37 : i32
    "tpu.region"() ({
      %run_scoped3A = tpu.sem_alloc : memref<!tpu.dma_semaphore, #tpu.memory_space<semaphore_mem>>
      %dma_start3A = arith.constant 0 : i32
      %dma_start3A_55 = tpu.memref_slice %arg10[%add3A_38, %dma_start3A] : memref<10240x128xf32, #tpu.memory_space<vmem_shared>> -> memref<128x128xf32, #tpu.memory_space<vmem_shared>>
      %dma_start3A_56 = arith.constant 0 : i32
      %dma_start3A_57 = tpu.memref_slice %arg10[%add3A_38, %dma_start3A_56] : memref<10240x128xf32, #tpu.memory_space<vmem_shared>> -> memref<128x128xf32, #tpu.memory_space<vmem_shared>>
      tpu.enqueue_dma source(%dma_start3A_57 : memref<128x128xf32, #tpu.memory_space<vmem_shared>>) target(%arg9 : memref<128x128xf32, #tpu.memory_space<vmem>>) target_semaphore(%run_scoped3A : memref<!tpu.dma_semaphore, #tpu.memory_space<semaphore_mem>>)
      %dma_wait3A = arith.constant 0 : i32
      %dma_wait3A_58 = tpu.memref_slice %arg10[%add3A_38, %dma_wait3A] : memref<10240x128xf32, #tpu.memory_space<vmem_shared>> -> memref<128x128xf32, #tpu.memory_space<vmem_shared>>
      %dma_wait3A_59 = arith.constant 0 : i32
      %dma_wait3A_60 = tpu.memref_slice %arg10[%add3A_38, %dma_wait3A_59] : memref<10240x128xf32, #tpu.memory_space<vmem_shared>> -> memref<128x128xf32, #tpu.memory_space<vmem_shared>>
      tpu.wait_dma2 semaphore(%run_scoped3A : memref<!tpu.dma_semaphore, #tpu.memory_space<semaphore_mem>>) src(%dma_wait3A_60 : memref<128x128xf32, #tpu.memory_space<vmem_shared>>) dst(%arg9 : memref<128x128xf32, #tpu.memory_space<vmem>>)
      tpu.yield
    }) : () -> ()
    "tpu.region"() ({
      %run_scoped3A = tpu.sem_alloc : memref<!tpu.dma_semaphore, #tpu.memory_space<semaphore_mem>>
      %dma_start3A = arith.constant 0 : i32
      %dma_start3A_55 = arith.constant 0 : i32
      %dma_start3A_56 = tpu.memref_slice %arg5[%arg0, %dma_start3A, %dma_start3A_55] : memref<2x10240x128xf32, #tpu.memory_space<hbm>> -> memref<1x10240x128xf32, #tpu.memory_space<hbm>>
      %dma_start3A_57 = tpu.memref_squeeze %dma_start3A_56 : memref<1x10240x128xf32, #tpu.memory_space<hbm>> -> memref<10240x128xf32, #tpu.memory_space<hbm>>
      %dma_start3A_58 = arith.constant 0 : i32
      %dma_start3A_59 = tpu.memref_slice %dma_start3A_57[%add3A_38, %dma_start3A_58] : memref<10240x128xf32, #tpu.memory_space<hbm>> -> memref<128x128xf32, #tpu.memory_space<hbm>>
      %dma_start3A_60 = arith.constant 0 : i32
      %dma_start3A_61 = arith.constant 0 : i32
      %dma_start3A_62 = tpu.memref_slice %arg5[%arg0, %dma_start3A_60, %dma_start3A_61] : memref<2x10240x128xf32, #tpu.memory_space<hbm>> -> memref<1x10240x128xf32, #tpu.memory_space<hbm>>
      %dma_start3A_63 = tpu.memref_squeeze %dma_start3A_62 : memref<1x10240x128xf32, #tpu.memory_space<hbm>> -> memref<10240x128xf32, #tpu.memory_space<hbm>>
      %dma_start3A_64 = arith.constant 0 : i32
      %dma_start3A_65 = tpu.memref_slice %dma_start3A_63[%add3A_38, %dma_start3A_64] : memref<10240x128xf32, #tpu.memory_space<hbm>> -> memref<128x128xf32, #tpu.memory_space<hbm>>
      tpu.enqueue_dma source(%arg9 : memref<128x128xf32, #tpu.memory_space<vmem>>) target(%dma_start3A_65 : memref<128x128xf32, #tpu.memory_space<hbm>>) target_semaphore(%run_scoped3A : memref<!tpu.dma_semaphore, #tpu.memory_space<semaphore_mem>>)
      %dma_wait3A = arith.constant 0 : i32
      %dma_wait3A_66 = arith.constant 0 : i32
      %dma_wait3A_67 = tpu.memref_slice %arg5[%arg0, %dma_wait3A, %dma_wait3A_66] : memref<2x10240x128xf32, #tpu.memory_space<hbm>> -> memref<1x10240x128xf32, #tpu.memory_space<hbm>>
      %dma_wait3A_68 = tpu.memref_squeeze %dma_wait3A_67 : memref<1x10240x128xf32, #tpu.memory_space<hbm>> -> memref<10240x128xf32, #tpu.memory_space<hbm>>
      %dma_wait3A_69 = arith.constant 0 : i32
      %dma_wait3A_70 = tpu.memref_slice %dma_wait3A_68[%add3A_38, %dma_wait3A_69] : memref<10240x128xf32, #tpu.memory_space<hbm>> -> memref<128x128xf32, #tpu.memory_space<hbm>>
      %dma_wait3A_71 = arith.constant 0 : i32
      %dma_wait3A_72 = arith.constant 0 : i32
      %dma_wait3A_73 = tpu.memref_slice %arg5[%arg0, %dma_wait3A_71, %dma_wait3A_72] : memref<2x10240x128xf32, #tpu.memory_space<hbm>> -> memref<1x10240x128xf32, #tpu.memory_space<hbm>>
      %dma_wait3A_74 = tpu.memref_squeeze %dma_wait3A_73 : memref<1x10240x128xf32, #tpu.memory_space<hbm>> -> memref<10240x128xf32, #tpu.memory_space<hbm>>
      %dma_wait3A_75 = arith.constant 0 : i32
      %dma_wait3A_76 = tpu.memref_slice %dma_wait3A_74[%add3A_38, %dma_wait3A_75] : memref<10240x128xf32, #tpu.memory_space<hbm>> -> memref<128x128xf32, #tpu.memory_space<hbm>>
      tpu.wait_dma2 semaphore(%run_scoped3A : memref<!tpu.dma_semaphore, #tpu.memory_space<semaphore_mem>>) src(%arg9 : memref<128x128xf32, #tpu.memory_space<vmem>>) dst(%dma_wait3A_76 : memref<128x128xf32, #tpu.memory_space<hbm>>)
      tpu.yield
    }) : () -> ()
    %mul3A_39 = arith.constant 640 : i32
    %mul3A_40 = arith.muli %arg1, %mul3A_39 : i32
    %add3A_41 = arith.constant 128 : i32
    %add3A_42 = arith.addi %mul3A_40, %add3A_41 : i32
    "tpu.region"() ({
      %run_scoped3A = tpu.sem_alloc : memref<!tpu.dma_semaphore, #tpu.memory_space<semaphore_mem>>
      %dma_start3A = arith.constant 0 : i32
      %dma_start3A_55 = tpu.memref_slice %arg10[%add3A_42, %dma_start3A] : memref<10240x128xf32, #tpu.memory_space<vmem_shared>> -> memref<128x128xf32, #tpu.memory_space<vmem_shared>>
      %dma_start3A_56 = arith.constant 0 : i32
      %dma_start3A_57 = tpu.memref_slice %arg10[%add3A_42, %dma_start3A_56] : memref<10240x128xf32, #tpu.memory_space<vmem_shared>> -> memref<128x128xf32, #tpu.memory_space<vmem_shared>>
      tpu.enqueue_dma source(%dma_start3A_57 : memref<128x128xf32, #tpu.memory_space<vmem_shared>>) target(%arg9 : memref<128x128xf32, #tpu.memory_space<vmem>>) target_semaphore(%run_scoped3A : memref<!tpu.dma_semaphore, #tpu.memory_space<semaphore_mem>>)
      %dma_wait3A = arith.constant 0 : i32
      %dma_wait3A_58 = tpu.memref_slice %arg10[%add3A_42, %dma_wait3A] : memref<10240x128xf32, #tpu.memory_space<vmem_shared>> -> memref<128x128xf32, #tpu.memory_space<vmem_shared>>
      %dma_wait3A_59 = arith.constant 0 : i32
      %dma_wait3A_60 = tpu.memref_slice %arg10[%add3A_42, %dma_wait3A_59] : memref<10240x128xf32, #tpu.memory_space<vmem_shared>> -> memref<128x128xf32, #tpu.memory_space<vmem_shared>>
      tpu.wait_dma2 semaphore(%run_scoped3A : memref<!tpu.dma_semaphore, #tpu.memory_space<semaphore_mem>>) src(%dma_wait3A_60 : memref<128x128xf32, #tpu.memory_space<vmem_shared>>) dst(%arg9 : memref<128x128xf32, #tpu.memory_space<vmem>>)
      tpu.yield
    }) : () -> ()
    "tpu.region"() ({
      %run_scoped3A = tpu.sem_alloc : memref<!tpu.dma_semaphore, #tpu.memory_space<semaphore_mem>>
      %dma_start3A = arith.constant 0 : i32
      %dma_start3A_55 = arith.constant 0 : i32
      %dma_start3A_56 = tpu.memref_slice %arg5[%arg0, %dma_start3A, %dma_start3A_55] : memref<2x10240x128xf32, #tpu.memory_space<hbm>> -> memref<1x10240x128xf32, #tpu.memory_space<hbm>>
      %dma_start3A_57 = tpu.memref_squeeze %dma_start3A_56 : memref<1x10240x128xf32, #tpu.memory_space<hbm>> -> memref<10240x128xf32, #tpu.memory_space<hbm>>
      %dma_start3A_58 = arith.constant 0 : i32
      %dma_start3A_59 = tpu.memref_slice %dma_start3A_57[%add3A_42, %dma_start3A_58] : memref<10240x128xf32, #tpu.memory_space<hbm>> -> memref<128x128xf32, #tpu.memory_space<hbm>>
      %dma_start3A_60 = arith.constant 0 : i32
      %dma_start3A_61 = arith.constant 0 : i32
      %dma_start3A_62 = tpu.memref_slice %arg5[%arg0, %dma_start3A_60, %dma_start3A_61] : memref<2x10240x128xf32, #tpu.memory_space<hbm>> -> memref<1x10240x128xf32, #tpu.memory_space<hbm>>
      %dma_start3A_63 = tpu.memref_squeeze %dma_start3A_62 : memref<1x10240x128xf32, #tpu.memory_space<hbm>> -> memref<10240x128xf32, #tpu.memory_space<hbm>>
      %dma_start3A_64 = arith.constant 0 : i32
      %dma_start3A_65 = tpu.memref_slice %dma_start3A_63[%add3A_42, %dma_start3A_64] : memref<10240x128xf32, #tpu.memory_space<hbm>> -> memref<128x128xf32, #tpu.memory_space<hbm>>
      tpu.enqueue_dma source(%arg9 : memref<128x128xf32, #tpu.memory_space<vmem>>) target(%dma_start3A_65 : memref<128x128xf32, #tpu.memory_space<hbm>>) target_semaphore(%run_scoped3A : memref<!tpu.dma_semaphore, #tpu.memory_space<semaphore_mem>>)
      %dma_wait3A = arith.constant 0 : i32
      %dma_wait3A_66 = arith.constant 0 : i32
      %dma_wait3A_67 = tpu.memref_slice %arg5[%arg0, %dma_wait3A, %dma_wait3A_66] : memref<2x10240x128xf32, #tpu.memory_space<hbm>> -> memref<1x10240x128xf32, #tpu.memory_space<hbm>>
      %dma_wait3A_68 = tpu.memref_squeeze %dma_wait3A_67 : memref<1x10240x128xf32, #tpu.memory_space<hbm>> -> memref<10240x128xf32, #tpu.memory_space<hbm>>
      %dma_wait3A_69 = arith.constant 0 : i32
      %dma_wait3A_70 = tpu.memref_slice %dma_wait3A_68[%add3A_42, %dma_wait3A_69] : memref<10240x128xf32, #tpu.memory_space<hbm>> -> memref<128x128xf32, #tpu.memory_space<hbm>>
      %dma_wait3A_71 = arith.constant 0 : i32
      %dma_wait3A_72 = arith.constant 0 : i32
      %dma_wait3A_73 = tpu.memref_slice %arg5[%arg0, %dma_wait3A_71, %dma_wait3A_72] : memref<2x10240x128xf32, #tpu.memory_space<hbm>> -> memref<1x10240x128xf32, #tpu.memory_space<hbm>>
      %dma_wait3A_74 = tpu.memref_squeeze %dma_wait3A_73 : memref<1x10240x128xf32, #tpu.memory_space<hbm>> -> memref<10240x128xf32, #tpu.memory_space<hbm>>
      %dma_wait3A_75 = arith.constant 0 : i32
      %dma_wait3A_76 = tpu.memref_slice %dma_wait3A_74[%add3A_42, %dma_wait3A_75] : memref<10240x128xf32, #tpu.memory_space<hbm>> -> memref<128x128xf32, #tpu.memory_space<hbm>>
      tpu.wait_dma2 semaphore(%run_scoped3A : memref<!tpu.dma_semaphore, #tpu.memory_space<semaphore_mem>>) src(%arg9 : memref<128x128xf32, #tpu.memory_space<vmem>>) dst(%dma_wait3A_76 : memref<128x128xf32, #tpu.memory_space<hbm>>)
      tpu.yield
    }) : () -> ()
    %mul3A_43 = arith.constant 640 : i32
    %mul3A_44 = arith.muli %arg1, %mul3A_43 : i32
    %add3A_45 = arith.constant 256 : i32
    %add3A_46 = arith.addi %mul3A_44, %add3A_45 : i32
    "tpu.region"() ({
      %run_scoped3A = tpu.sem_alloc : memref<!tpu.dma_semaphore, #tpu.memory_space<semaphore_mem>>
      %dma_start3A = arith.constant 0 : i32
      %dma_start3A_55 = tpu.memref_slice %arg10[%add3A_46, %dma_start3A] : memref<10240x128xf32, #tpu.memory_space<vmem_shared>> -> memref<128x128xf32, #tpu.memory_space<vmem_shared>>
      %dma_start3A_56 = arith.constant 0 : i32
      %dma_start3A_57 = tpu.memref_slice %arg10[%add3A_46, %dma_start3A_56] : memref<10240x128xf32, #tpu.memory_space<vmem_shared>> -> memref<128x128xf32, #tpu.memory_space<vmem_shared>>
      tpu.enqueue_dma source(%dma_start3A_57 : memref<128x128xf32, #tpu.memory_space<vmem_shared>>) target(%arg9 : memref<128x128xf32, #tpu.memory_space<vmem>>) target_semaphore(%run_scoped3A : memref<!tpu.dma_semaphore, #tpu.memory_space<semaphore_mem>>)
      %dma_wait3A = arith.constant 0 : i32
      %dma_wait3A_58 = tpu.memref_slice %arg10[%add3A_46, %dma_wait3A] : memref<10240x128xf32, #tpu.memory_space<vmem_shared>> -> memref<128x128xf32, #tpu.memory_space<vmem_shared>>
      %dma_wait3A_59 = arith.constant 0 : i32
      %dma_wait3A_60 = tpu.memref_slice %arg10[%add3A_46, %dma_wait3A_59] : memref<10240x128xf32, #tpu.memory_space<vmem_shared>> -> memref<128x128xf32, #tpu.memory_space<vmem_shared>>
      tpu.wait_dma2 semaphore(%run_scoped3A : memref<!tpu.dma_semaphore, #tpu.memory_space<semaphore_mem>>) src(%dma_wait3A_60 : memref<128x128xf32, #tpu.memory_space<vmem_shared>>) dst(%arg9 : memref<128x128xf32, #tpu.memory_space<vmem>>)
      tpu.yield
    }) : () -> ()
    "tpu.region"() ({
      %run_scoped3A = tpu.sem_alloc : memref<!tpu.dma_semaphore, #tpu.memory_space<semaphore_mem>>
      %dma_start3A = arith.constant 0 : i32
      %dma_start3A_55 = arith.constant 0 : i32
      %dma_start3A_56 = tpu.memref_slice %arg5[%arg0, %dma_start3A, %dma_start3A_55] : memref<2x10240x128xf32, #tpu.memory_space<hbm>> -> memref<1x10240x128xf32, #tpu.memory_space<hbm>>
      %dma_start3A_57 = tpu.memref_squeeze %dma_start3A_56 : memref<1x10240x128xf32, #tpu.memory_space<hbm>> -> memref<10240x128xf32, #tpu.memory_space<hbm>>
      %dma_start3A_58 = arith.constant 0 : i32
      %dma_start3A_59 = tpu.memref_slice %dma_start3A_57[%add3A_46, %dma_start3A_58] : memref<10240x128xf32, #tpu.memory_space<hbm>> -> memref<128x128xf32, #tpu.memory_space<hbm>>
      %dma_start3A_60 = arith.constant 0 : i32
      %dma_start3A_61 = arith.constant 0 : i32
      %dma_start3A_62 = tpu.memref_slice %arg5[%arg0, %dma_start3A_60, %dma_start3A_61] : memref<2x10240x128xf32, #tpu.memory_space<hbm>> -> memref<1x10240x128xf32, #tpu.memory_space<hbm>>
      %dma_start3A_63 = tpu.memref_squeeze %dma_start3A_62 : memref<1x10240x128xf32, #tpu.memory_space<hbm>> -> memref<10240x128xf32, #tpu.memory_space<hbm>>
      %dma_start3A_64 = arith.constant 0 : i32
      %dma_start3A_65 = tpu.memref_slice %dma_start3A_63[%add3A_46, %dma_start3A_64] : memref<10240x128xf32, #tpu.memory_space<hbm>> -> memref<128x128xf32, #tpu.memory_space<hbm>>
      tpu.enqueue_dma source(%arg9 : memref<128x128xf32, #tpu.memory_space<vmem>>) target(%dma_start3A_65 : memref<128x128xf32, #tpu.memory_space<hbm>>) target_semaphore(%run_scoped3A : memref<!tpu.dma_semaphore, #tpu.memory_space<semaphore_mem>>)
      %dma_wait3A = arith.constant 0 : i32
      %dma_wait3A_66 = arith.constant 0 : i32
      %dma_wait3A_67 = tpu.memref_slice %arg5[%arg0, %dma_wait3A, %dma_wait3A_66] : memref<2x10240x128xf32, #tpu.memory_space<hbm>> -> memref<1x10240x128xf32, #tpu.memory_space<hbm>>
      %dma_wait3A_68 = tpu.memref_squeeze %dma_wait3A_67 : memref<1x10240x128xf32, #tpu.memory_space<hbm>> -> memref<10240x128xf32, #tpu.memory_space<hbm>>
      %dma_wait3A_69 = arith.constant 0 : i32
      %dma_wait3A_70 = tpu.memref_slice %dma_wait3A_68[%add3A_46, %dma_wait3A_69] : memref<10240x128xf32, #tpu.memory_space<hbm>> -> memref<128x128xf32, #tpu.memory_space<hbm>>
      %dma_wait3A_71 = arith.constant 0 : i32
      %dma_wait3A_72 = arith.constant 0 : i32
      %dma_wait3A_73 = tpu.memref_slice %arg5[%arg0, %dma_wait3A_71, %dma_wait3A_72] : memref<2x10240x128xf32, #tpu.memory_space<hbm>> -> memref<1x10240x128xf32, #tpu.memory_space<hbm>>
      %dma_wait3A_74 = tpu.memref_squeeze %dma_wait3A_73 : memref<1x10240x128xf32, #tpu.memory_space<hbm>> -> memref<10240x128xf32, #tpu.memory_space<hbm>>
      %dma_wait3A_75 = arith.constant 0 : i32
      %dma_wait3A_76 = tpu.memref_slice %dma_wait3A_74[%add3A_46, %dma_wait3A_75] : memref<10240x128xf32, #tpu.memory_space<hbm>> -> memref<128x128xf32, #tpu.memory_space<hbm>>
      tpu.wait_dma2 semaphore(%run_scoped3A : memref<!tpu.dma_semaphore, #tpu.memory_space<semaphore_mem>>) src(%arg9 : memref<128x128xf32, #tpu.memory_space<vmem>>) dst(%dma_wait3A_76 : memref<128x128xf32, #tpu.memory_space<hbm>>)
      tpu.yield
    }) : () -> ()
    %mul3A_47 = arith.constant 640 : i32
    %mul3A_48 = arith.muli %arg1, %mul3A_47 : i32
    %add3A_49 = arith.constant 384 : i32
    %add3A_50 = arith.addi %mul3A_48, %add3A_49 : i32
    "tpu.region"() ({
      %run_scoped3A = tpu.sem_alloc : memref<!tpu.dma_semaphore, #tpu.memory_space<semaphore_mem>>
      %dma_start3A = arith.constant 0 : i32
      %dma_start3A_55 = tpu.memref_slice %arg10[%add3A_50, %dma_start3A] : memref<10240x128xf32, #tpu.memory_space<vmem_shared>> -> memref<128x128xf32, #tpu.memory_space<vmem_shared>>
      %dma_start3A_56 = arith.constant 0 : i32
      %dma_start3A_57 = tpu.memref_slice %arg10[%add3A_50, %dma_start3A_56] : memref<10240x128xf32, #tpu.memory_space<vmem_shared>> -> memref<128x128xf32, #tpu.memory_space<vmem_shared>>
      tpu.enqueue_dma source(%dma_start3A_57 : memref<128x128xf32, #tpu.memory_space<vmem_shared>>) target(%arg9 : memref<128x128xf32, #tpu.memory_space<vmem>>) target_semaphore(%run_scoped3A : memref<!tpu.dma_semaphore, #tpu.memory_space<semaphore_mem>>)
      %dma_wait3A = arith.constant 0 : i32
      %dma_wait3A_58 = tpu.memref_slice %arg10[%add3A_50, %dma_wait3A] : memref<10240x128xf32, #tpu.memory_space<vmem_shared>> -> memref<128x128xf32, #tpu.memory_space<vmem_shared>>
      %dma_wait3A_59 = arith.constant 0 : i32
      %dma_wait3A_60 = tpu.memref_slice %arg10[%add3A_50, %dma_wait3A_59] : memref<10240x128xf32, #tpu.memory_space<vmem_shared>> -> memref<128x128xf32, #tpu.memory_space<vmem_shared>>
      tpu.wait_dma2 semaphore(%run_scoped3A : memref<!tpu.dma_semaphore, #tpu.memory_space<semaphore_mem>>) src(%dma_wait3A_60 : memref<128x128xf32, #tpu.memory_space<vmem_shared>>) dst(%arg9 : memref<128x128xf32, #tpu.memory_space<vmem>>)
      tpu.yield
    }) : () -> ()
    "tpu.region"() ({
      %run_scoped3A = tpu.sem_alloc : memref<!tpu.dma_semaphore, #tpu.memory_space<semaphore_mem>>
      %dma_start3A = arith.constant 0 : i32
      %dma_start3A_55 = arith.constant 0 : i32
      %dma_start3A_56 = tpu.memref_slice %arg5[%arg0, %dma_start3A, %dma_start3A_55] : memref<2x10240x128xf32, #tpu.memory_space<hbm>> -> memref<1x10240x128xf32, #tpu.memory_space<hbm>>
      %dma_start3A_57 = tpu.memref_squeeze %dma_start3A_56 : memref<1x10240x128xf32, #tpu.memory_space<hbm>> -> memref<10240x128xf32, #tpu.memory_space<hbm>>
      %dma_start3A_58 = arith.constant 0 : i32
      %dma_start3A_59 = tpu.memref_slice %dma_start3A_57[%add3A_50, %dma_start3A_58] : memref<10240x128xf32, #tpu.memory_space<hbm>> -> memref<128x128xf32, #tpu.memory_space<hbm>>
      %dma_start3A_60 = arith.constant 0 : i32
      %dma_start3A_61 = arith.constant 0 : i32
      %dma_start3A_62 = tpu.memref_slice %arg5[%arg0, %dma_start3A_60, %dma_start3A_61] : memref<2x10240x128xf32, #tpu.memory_space<hbm>> -> memref<1x10240x128xf32, #tpu.memory_space<hbm>>
      %dma_start3A_63 = tpu.memref_squeeze %dma_start3A_62 : memref<1x10240x128xf32, #tpu.memory_space<hbm>> -> memref<10240x128xf32, #tpu.memory_space<hbm>>
      %dma_start3A_64 = arith.constant 0 : i32
      %dma_start3A_65 = tpu.memref_slice %dma_start3A_63[%add3A_50, %dma_start3A_64] : memref<10240x128xf32, #tpu.memory_space<hbm>> -> memref<128x128xf32, #tpu.memory_space<hbm>>
      tpu.enqueue_dma source(%arg9 : memref<128x128xf32, #tpu.memory_space<vmem>>) target(%dma_start3A_65 : memref<128x128xf32, #tpu.memory_space<hbm>>) target_semaphore(%run_scoped3A : memref<!tpu.dma_semaphore, #tpu.memory_space<semaphore_mem>>)
      %dma_wait3A = arith.constant 0 : i32
      %dma_wait3A_66 = arith.constant 0 : i32
      %dma_wait3A_67 = tpu.memref_slice %arg5[%arg0, %dma_wait3A, %dma_wait3A_66] : memref<2x10240x128xf32, #tpu.memory_space<hbm>> -> memref<1x10240x128xf32, #tpu.memory_space<hbm>>
      %dma_wait3A_68 = tpu.memref_squeeze %dma_wait3A_67 : memref<1x10240x128xf32, #tpu.memory_space<hbm>> -> memref<10240x128xf32, #tpu.memory_space<hbm>>
      %dma_wait3A_69 = arith.constant 0 : i32
      %dma_wait3A_70 = tpu.memref_slice %dma_wait3A_68[%add3A_50, %dma_wait3A_69] : memref<10240x128xf32, #tpu.memory_space<hbm>> -> memref<128x128xf32, #tpu.memory_space<hbm>>
      %dma_wait3A_71 = arith.constant 0 : i32
      %dma_wait3A_72 = arith.constant 0 : i32
      %dma_wait3A_73 = tpu.memref_slice %arg5[%arg0, %dma_wait3A_71, %dma_wait3A_72] : memref<2x10240x128xf32, #tpu.memory_space<hbm>> -> memref<1x10240x128xf32, #tpu.memory_space<hbm>>
      %dma_wait3A_74 = tpu.memref_squeeze %dma_wait3A_73 : memref<1x10240x128xf32, #tpu.memory_space<hbm>> -> memref<10240x128xf32, #tpu.memory_space<hbm>>
      %dma_wait3A_75 = arith.constant 0 : i32
      %dma_wait3A_76 = tpu.memref_slice %dma_wait3A_74[%add3A_50, %dma_wait3A_75] : memref<10240x128xf32, #tpu.memory_space<hbm>> -> memref<128x128xf32, #tpu.memory_space<hbm>>
      tpu.wait_dma2 semaphore(%run_scoped3A : memref<!tpu.dma_semaphore, #tpu.memory_space<semaphore_mem>>) src(%arg9 : memref<128x128xf32, #tpu.memory_space<vmem>>) dst(%dma_wait3A_76 : memref<128x128xf32, #tpu.memory_space<hbm>>)
      tpu.yield
    }) : () -> ()
    %mul3A_51 = arith.constant 640 : i32
    %mul3A_52 = arith.muli %arg1, %mul3A_51 : i32
    %add3A_53 = arith.constant 512 : i32
    %add3A_54 = arith.addi %mul3A_52, %add3A_53 : i32
    "tpu.region"() ({
      %run_scoped3A = tpu.sem_alloc : memref<!tpu.dma_semaphore, #tpu.memory_space<semaphore_mem>>
      %dma_start3A = arith.constant 0 : i32
      %dma_start3A_55 = tpu.memref_slice %arg10[%add3A_54, %dma_start3A] : memref<10240x128xf32, #tpu.memory_space<vmem_shared>> -> memref<128x128xf32, #tpu.memory_space<vmem_shared>>
      %dma_start3A_56 = arith.constant 0 : i32
      %dma_start3A_57 = tpu.memref_slice %arg10[%add3A_54, %dma_start3A_56] : memref<10240x128xf32, #tpu.memory_space<vmem_shared>> -> memref<128x128xf32, #tpu.memory_space<vmem_shared>>
      tpu.enqueue_dma source(%dma_start3A_57 : memref<128x128xf32, #tpu.memory_space<vmem_shared>>) target(%arg9 : memref<128x128xf32, #tpu.memory_space<vmem>>) target_semaphore(%run_scoped3A : memref<!tpu.dma_semaphore, #tpu.memory_space<semaphore_mem>>)
      %dma_wait3A = arith.constant 0 : i32
      %dma_wait3A_58 = tpu.memref_slice %arg10[%add3A_54, %dma_wait3A] : memref<10240x128xf32, #tpu.memory_space<vmem_shared>> -> memref<128x128xf32, #tpu.memory_space<vmem_shared>>
      %dma_wait3A_59 = arith.constant 0 : i32
      %dma_wait3A_60 = tpu.memref_slice %arg10[%add3A_54, %dma_wait3A_59] : memref<10240x128xf32, #tpu.memory_space<vmem_shared>> -> memref<128x128xf32, #tpu.memory_space<vmem_shared>>
      tpu.wait_dma2 semaphore(%run_scoped3A : memref<!tpu.dma_semaphore, #tpu.memory_space<semaphore_mem>>) src(%dma_wait3A_60 : memref<128x128xf32, #tpu.memory_space<vmem_shared>>) dst(%arg9 : memref<128x128xf32, #tpu.memory_space<vmem>>)
      tpu.yield
    }) : () -> ()
    "tpu.region"() ({
      %run_scoped3A = tpu.sem_alloc : memref<!tpu.dma_semaphore, #tpu.memory_space<semaphore_mem>>
      %dma_start3A = arith.constant 0 : i32
      %dma_start3A_55 = arith.constant 0 : i32
      %dma_start3A_56 = tpu.memref_slice %arg5[%arg0, %dma_start3A, %dma_start3A_55] : memref<2x10240x128xf32, #tpu.memory_space<hbm>> -> memref<1x10240x128xf32, #tpu.memory_space<hbm>>
      %dma_start3A_57 = tpu.memref_squeeze %dma_start3A_56 : memref<1x10240x128xf32, #tpu.memory_space<hbm>> -> memref<10240x128xf32, #tpu.memory_space<hbm>>
      %dma_start3A_58 = arith.constant 0 : i32
      %dma_start3A_59 = tpu.memref_slice %dma_start3A_57[%add3A_54, %dma_start3A_58] : memref<10240x128xf32, #tpu.memory_space<hbm>> -> memref<128x128xf32, #tpu.memory_space<hbm>>
      %dma_start3A_60 = arith.constant 0 : i32
      %dma_start3A_61 = arith.constant 0 : i32
      %dma_start3A_62 = tpu.memref_slice %arg5[%arg0, %dma_start3A_60, %dma_start3A_61] : memref<2x10240x128xf32, #tpu.memory_space<hbm>> -> memref<1x10240x128xf32, #tpu.memory_space<hbm>>
      %dma_start3A_63 = tpu.memref_squeeze %dma_start3A_62 : memref<1x10240x128xf32, #tpu.memory_space<hbm>> -> memref<10240x128xf32, #tpu.memory_space<hbm>>
      %dma_start3A_64 = arith.constant 0 : i32
      %dma_start3A_65 = tpu.memref_slice %dma_start3A_63[%add3A_54, %dma_start3A_64] : memref<10240x128xf32, #tpu.memory_space<hbm>> -> memref<128x128xf32, #tpu.memory_space<hbm>>
      tpu.enqueue_dma source(%arg9 : memref<128x128xf32, #tpu.memory_space<vmem>>) target(%dma_start3A_65 : memref<128x128xf32, #tpu.memory_space<hbm>>) target_semaphore(%run_scoped3A : memref<!tpu.dma_semaphore, #tpu.memory_space<semaphore_mem>>)
      %dma_wait3A = arith.constant 0 : i32
      %dma_wait3A_66 = arith.constant 0 : i32
      %dma_wait3A_67 = tpu.memref_slice %arg5[%arg0, %dma_wait3A, %dma_wait3A_66] : memref<2x10240x128xf32, #tpu.memory_space<hbm>> -> memref<1x10240x128xf32, #tpu.memory_space<hbm>>
      %dma_wait3A_68 = tpu.memref_squeeze %dma_wait3A_67 : memref<1x10240x128xf32, #tpu.memory_space<hbm>> -> memref<10240x128xf32, #tpu.memory_space<hbm>>
      %dma_wait3A_69 = arith.constant 0 : i32
      %dma_wait3A_70 = tpu.memref_slice %dma_wait3A_68[%add3A_54, %dma_wait3A_69] : memref<10240x128xf32, #tpu.memory_space<hbm>> -> memref<128x128xf32, #tpu.memory_space<hbm>>
      %dma_wait3A_71 = arith.constant 0 : i32
      %dma_wait3A_72 = arith.constant 0 : i32
      %dma_wait3A_73 = tpu.memref_slice %arg5[%arg0, %dma_wait3A_71, %dma_wait3A_72] : memref<2x10240x128xf32, #tpu.memory_space<hbm>> -> memref<1x10240x128xf32, #tpu.memory_space<hbm>>
      %dma_wait3A_74 = tpu.memref_squeeze %dma_wait3A_73 : memref<1x10240x128xf32, #tpu.memory_space<hbm>> -> memref<10240x128xf32, #tpu.memory_space<hbm>>
      %dma_wait3A_75 = arith.constant 0 : i32
      %dma_wait3A_76 = tpu.memref_slice %dma_wait3A_74[%add3A_54, %dma_wait3A_75] : memref<10240x128xf32, #tpu.memory_space<hbm>> -> memref<128x128xf32, #tpu.memory_space<hbm>>
      tpu.wait_dma2 semaphore(%run_scoped3A : memref<!tpu.dma_semaphore, #tpu.memory_space<semaphore_mem>>) src(%arg9 : memref<128x128xf32, #tpu.memory_space<vmem>>) dst(%dma_wait3A_76 : memref<128x128xf32, #tpu.memory_space<hbm>>)
      tpu.yield
    }) : () -> ()
    return
  }
}

#map = affine_map<(d0, d1) -> (0, 0)>
#map1 = affine_map<(d0, d1) -> (0)>
#map2 = affine_map<(d0, d1) -> (0, 0, 0)>
module attributes {stable_mosaic.version = 14 : i64} {
  func.func @_gather_body(%arg0: i32, %arg1: i32, %arg2: memref<10000x128xf32, #tpu.memory_space<hbm>>, %arg3: memref<320000xi32, #tpu.memory_space<hbm>>, %arg4: memref<320000xi32, #tpu.memory_space<hbm>>, %arg5: memref<2x10240x128xf32, #tpu.memory_space<hbm>>, %arg6: memref<80xi32, #tpu.memory_space<vmem>>, %arg7: memref<80xi32, #tpu.memory_space<vmem>>, %arg8: memref<80x128xf32, #tpu.memory_space<vmem>>, %arg9: memref<128x128xf32, #tpu.memory_space<vmem>>, %arg10: memref<10240x128xf32, #tpu.memory_space<vmem_shared>>, %arg11: memref<!tpu.dma_semaphore, #tpu.memory_space<semaphore_mem>>) attributes {dimension_semantics = [#tpu.dimension_semantics<core_parallel>, #tpu.dimension_semantics<subcore_parallel>], iteration_bounds = array<i64: 2, 16>, scalar_prefetch = 0 : i64, scratch_operands = 6 : i64, tpu.core_type = #tpu.core_type<sc_vector_subcore>, window_params = [{transform_indices = #map}, {transform_indices = #map1}, {transform_indices = #map1}, {transform_indices = #map2}]} {
    %mul3A = arith.constant 2 : i32
    %mul3A_0 = arith.muli %arg1, %mul3A : i32
    %add3A = arith.addi %mul3A_0, %arg0 : i32
    %scan3A = arith.constant 0 : i32
    %scan3A_1 = arith.constant 0 : i32
    %scan3A_2 = arith.constant 128 : i32
    %scan3A_3 = arith.addi %scan3A_1, %scan3A_2 : i32
    %scan3A_4 = arith.constant 1 : i32
    %scan3A_5 = scf.for %scan3A_55 = %scan3A_1 to %scan3A_3 step %scan3A_4 iter_args(%scan3A_56 = %scan3A) -> (i32)  : i32 {
      %broadcast_in_dim3A = arith.constant 0.000000e+00 : f32
      %broadcast_in_dim3A_57 = vector.broadcast %broadcast_in_dim3A : f32 to vector<16xf32>
      %swap3A = arith.index_cast %scan3A_55 : i32 to index
      %swap3A_58 = arith.constant 0 : index
      %swap3A_59 = tpu.vector_load %arg9[%swap3A, %swap3A_58] {strides = array<i32>} : memref<128x128xf32, #tpu.memory_space<vmem>>, vector<1x16xf32>,
      %swap3A_60 = vector.shape_cast %swap3A_59 : vector<1x16xf32> to vector<16xf32>
      %swap3A_61 = vector.shape_cast %broadcast_in_dim3A_57 : vector<16xf32> to vector<1x16xf32>
      tpu.vector_store %arg9[%swap3A, %swap3A_58], %swap3A_61 {strides = array<i32>} : memref<128x128xf32, #tpu.memory_space<vmem>>, vector<1x16xf32>,
      %broadcast_in_dim3A_62 = arith.constant 0.000000e+00 : f32
      %broadcast_in_dim3A_63 = vector.broadcast %broadcast_in_dim3A_62 : f32 to vector<16xf32>
      %swap3A_64 = arith.index_cast %scan3A_55 : i32 to index
      %swap3A_65 = arith.constant 16 : index
      %swap3A_66 = tpu.vector_load %arg9[%swap3A_64, %swap3A_65] {strides = array<i32>} : memref<128x128xf32, #tpu.memory_space<vmem>>, vector<1x16xf32>,
      %swap3A_67 = vector.shape_cast %swap3A_66 : vector<1x16xf32> to vector<16xf32>
      %swap3A_68 = vector.shape_cast %broadcast_in_dim3A_63 : vector<16xf32> to vector<1x16xf32>
      tpu.vector_store %arg9[%swap3A_64, %swap3A_65], %swap3A_68 {strides = array<i32>} : memref<128x128xf32, #tpu.memory_space<vmem>>, vector<1x16xf32>,
      %broadcast_in_dim3A_69 = arith.constant 0.000000e+00 : f32
      %broadcast_in_dim3A_70 = vector.broadcast %broadcast_in_dim3A_69 : f32 to vector<16xf32>
      %swap3A_71 = arith.index_cast %scan3A_55 : i32 to index
      %swap3A_72 = arith.constant 32 : index
      %swap3A_73 = tpu.vector_load %arg9[%swap3A_71, %swap3A_72] {strides = array<i32>} : memref<128x128xf32, #tpu.memory_space<vmem>>, vector<1x16xf32>,
      %swap3A_74 = vector.shape_cast %swap3A_73 : vector<1x16xf32> to vector<16xf32>
      %swap3A_75 = vector.shape_cast %broadcast_in_dim3A_70 : vector<16xf32> to vector<1x16xf32>
      tpu.vector_store %arg9[%swap3A_71, %swap3A_72], %swap3A_75 {strides = array<i32>} : memref<128x128xf32, #tpu.memory_space<vmem>>, vector<1x16xf32>,
      %broadcast_in_dim3A_76 = arith.constant 0.000000e+00 : f32
      %broadcast_in_dim3A_77 = vector.broadcast %broadcast_in_dim3A_76 : f32 to vector<16xf32>
      %swap3A_78 = arith.index_cast %scan3A_55 : i32 to index
      %swap3A_79 = arith.constant 48 : index
      %swap3A_80 = tpu.vector_load %arg9[%swap3A_78, %swap3A_79] {strides = array<i32>} : memref<128x128xf32, #tpu.memory_space<vmem>>, vector<1x16xf32>,
      %swap3A_81 = vector.shape_cast %swap3A_80 : vector<1x16xf32> to vector<16xf32>
      %swap3A_82 = vector.shape_cast %broadcast_in_dim3A_77 : vector<16xf32> to vector<1x16xf32>
      tpu.vector_store %arg9[%swap3A_78, %swap3A_79], %swap3A_82 {strides = array<i32>} : memref<128x128xf32, #tpu.memory_space<vmem>>, vector<1x16xf32>,
      %broadcast_in_dim3A_83 = arith.constant 0.000000e+00 : f32
      %broadcast_in_dim3A_84 = vector.broadcast %broadcast_in_dim3A_83 : f32 to vector<16xf32>
      %swap3A_85 = arith.index_cast %scan3A_55 : i32 to index
      %swap3A_86 = arith.constant 64 : index
      %swap3A_87 = tpu.vector_load %arg9[%swap3A_85, %swap3A_86] {strides = array<i32>} : memref<128x128xf32, #tpu.memory_space<vmem>>, vector<1x16xf32>,
      %swap3A_88 = vector.shape_cast %swap3A_87 : vector<1x16xf32> to vector<16xf32>
      %swap3A_89 = vector.shape_cast %broadcast_in_dim3A_84 : vector<16xf32> to vector<1x16xf32>
      tpu.vector_store %arg9[%swap3A_85, %swap3A_86], %swap3A_89 {strides = array<i32>} : memref<128x128xf32, #tpu.memory_space<vmem>>, vector<1x16xf32>,
      %broadcast_in_dim3A_90 = arith.constant 0.000000e+00 : f32
      %broadcast_in_dim3A_91 = vector.broadcast %broadcast_in_dim3A_90 : f32 to vector<16xf32>
      %swap3A_92 = arith.index_cast %scan3A_55 : i32 to index
      %swap3A_93 = arith.constant 80 : index
      %swap3A_94 = tpu.vector_load %arg9[%swap3A_92, %swap3A_93] {strides = array<i32>} : memref<128x128xf32, #tpu.memory_space<vmem>>, vector<1x16xf32>,
      %swap3A_95 = vector.shape_cast %swap3A_94 : vector<1x16xf32> to vector<16xf32>
      %swap3A_96 = vector.shape_cast %broadcast_in_dim3A_91 : vector<16xf32> to vector<1x16xf32>
      tpu.vector_store %arg9[%swap3A_92, %swap3A_93], %swap3A_96 {strides = array<i32>} : memref<128x128xf32, #tpu.memory_space<vmem>>, vector<1x16xf32>,
      %broadcast_in_dim3A_97 = arith.constant 0.000000e+00 : f32
      %broadcast_in_dim3A_98 = vector.broadcast %broadcast_in_dim3A_97 : f32 to vector<16xf32>
      %swap3A_99 = arith.index_cast %scan3A_55 : i32 to index
      %swap3A_100 = arith.constant 96 : index
      %swap3A_101 = tpu.vector_load %arg9[%swap3A_99, %swap3A_100] {strides = array<i32>} : memref<128x128xf32, #tpu.memory_space<vmem>>, vector<1x16xf32>,
      %swap3A_102 = vector.shape_cast %swap3A_101 : vector<1x16xf32> to vector<16xf32>
      %swap3A_103 = vector.shape_cast %broadcast_in_dim3A_98 : vector<16xf32> to vector<1x16xf32>
      tpu.vector_store %arg9[%swap3A_99, %swap3A_100], %swap3A_103 {strides = array<i32>} : memref<128x128xf32, #tpu.memory_space<vmem>>, vector<1x16xf32>,
      %broadcast_in_dim3A_104 = arith.constant 0.000000e+00 : f32
      %broadcast_in_dim3A_105 = vector.broadcast %broadcast_in_dim3A_104 : f32 to vector<16xf32>
      %swap3A_106 = arith.index_cast %scan3A_55 : i32 to index
      %swap3A_107 = arith.constant 112 : index
      %swap3A_108 = tpu.vector_load %arg9[%swap3A_106, %swap3A_107] {strides = array<i32>} : memref<128x128xf32, #tpu.memory_space<vmem>>, vector<1x16xf32>,
      %swap3A_109 = vector.shape_cast %swap3A_108 : vector<1x16xf32> to vector<16xf32>
      %swap3A_110 = vector.shape_cast %broadcast_in_dim3A_105 : vector<16xf32> to vector<1x16xf32>
      tpu.vector_store %arg9[%swap3A_106, %swap3A_107], %swap3A_110 {strides = array<i32>} : memref<128x128xf32, #tpu.memory_space<vmem>>, vector<1x16xf32>,
      %scan3A_111 = arith.constant 0 : i32
      scf.yield %scan3A_111 : i32
    }
    %scan3A_6 = arith.constant 128 : i32
    %mul3A_7 = arith.constant 640 : i32
    %mul3A_8 = arith.muli %arg1, %mul3A_7 : i32
    %add3A_9 = arith.constant 0 : i32
    %add3A_10 = arith.addi %mul3A_8, %add3A_9 : i32
    "tpu.region"() ({
      %run_scoped3A = tpu.sem_alloc : memref<!tpu.dma_semaphore, #tpu.memory_space<semaphore_mem>>
      %dma_start3A = arith.constant 0 : i32
      %dma_start3A_55 = tpu.memref_slice %arg10[%add3A_10, %dma_start3A] : memref<10240x128xf32, #tpu.memory_space<vmem_shared>> -> memref<128x128xf32, #tpu.memory_space<vmem_shared>>
      %dma_start3A_56 = arith.constant 0 : i32
      %dma_start3A_57 = tpu.memref_slice %arg10[%add3A_10, %dma_start3A_56] : memref<10240x128xf32, #tpu.memory_space<vmem_shared>> -> memref<128x128xf32, #tpu.memory_space<vmem_shared>>
      tpu.enqueue_dma source(%arg9 : memref<128x128xf32, #tpu.memory_space<vmem>>) target(%dma_start3A_57 : memref<128x128xf32, #tpu.memory_space<vmem_shared>>) target_semaphore(%run_scoped3A : memref<!tpu.dma_semaphore, #tpu.memory_space<semaphore_mem>>)
      %dma_wait3A = arith.constant 0 : i32
      %dma_wait3A_58 = tpu.memref_slice %arg10[%add3A_10, %dma_wait3A] : memref<10240x128xf32, #tpu.memory_space<vmem_shared>> -> memref<128x128xf32, #tpu.memory_space<vmem_shared>>
      %dma_wait3A_59 = arith.constant 0 : i32
      %dma_wait3A_60 = tpu.memref_slice %arg10[%add3A_10, %dma_wait3A_59] : memref<10240x128xf32, #tpu.memory_space<vmem_shared>> -> memref<128x128xf32, #tpu.memory_space<vmem_shared>>
      tpu.wait_dma2 semaphore(%run_scoped3A : memref<!tpu.dma_semaphore, #tpu.memory_space<semaphore_mem>>) src(%arg9 : memref<128x128xf32, #tpu.memory_space<vmem>>) dst(%dma_wait3A_60 : memref<128x128xf32, #tpu.memory_space<vmem_shared>>)
      tpu.yield
    }) : () -> ()
    %mul3A_11 = arith.constant 640 : i32
    %mul3A_12 = arith.muli %arg1, %mul3A_11 : i32
    %add3A_13 = arith.constant 128 : i32
    %add3A_14 = arith.addi %mul3A_12, %add3A_13 : i32
    "tpu.region"() ({
      %run_scoped3A = tpu.sem_alloc : memref<!tpu.dma_semaphore, #tpu.memory_space<semaphore_mem>>
      %dma_start3A = arith.constant 0 : i32
      %dma_start3A_55 = tpu.memref_slice %arg10[%add3A_14, %dma_start3A] : memref<10240x128xf32, #tpu.memory_space<vmem_shared>> -> memref<128x128xf32, #tpu.memory_space<vmem_shared>>
      %dma_start3A_56 = arith.constant 0 : i32
      %dma_start3A_57 = tpu.memref_slice %arg10[%add3A_14, %dma_start3A_56] : memref<10240x128xf32, #tpu.memory_space<vmem_shared>> -> memref<128x128xf32, #tpu.memory_space<vmem_shared>>
      tpu.enqueue_dma source(%arg9 : memref<128x128xf32, #tpu.memory_space<vmem>>) target(%dma_start3A_57 : memref<128x128xf32, #tpu.memory_space<vmem_shared>>) target_semaphore(%run_scoped3A : memref<!tpu.dma_semaphore, #tpu.memory_space<semaphore_mem>>)
      %dma_wait3A = arith.constant 0 : i32
      %dma_wait3A_58 = tpu.memref_slice %arg10[%add3A_14, %dma_wait3A] : memref<10240x128xf32, #tpu.memory_space<vmem_shared>> -> memref<128x128xf32, #tpu.memory_space<vmem_shared>>
      %dma_wait3A_59 = arith.constant 0 : i32
      %dma_wait3A_60 = tpu.memref_slice %arg10[%add3A_14, %dma_wait3A_59] : memref<10240x128xf32, #tpu.memory_space<vmem_shared>> -> memref<128x128xf32, #tpu.memory_space<vmem_shared>>
      tpu.wait_dma2 semaphore(%run_scoped3A : memref<!tpu.dma_semaphore, #tpu.memory_space<semaphore_mem>>) src(%arg9 : memref<128x128xf32, #tpu.memory_space<vmem>>) dst(%dma_wait3A_60 : memref<128x128xf32, #tpu.memory_space<vmem_shared>>)
      tpu.yield
    }) : () -> ()
    %mul3A_15 = arith.constant 640 : i32
    %mul3A_16 = arith.muli %arg1, %mul3A_15 : i32
    %add3A_17 = arith.constant 256 : i32
    %add3A_18 = arith.addi %mul3A_16, %add3A_17 : i32
    "tpu.region"() ({
      %run_scoped3A = tpu.sem_alloc : memref<!tpu.dma_semaphore, #tpu.memory_space<semaphore_mem>>
      %dma_start3A = arith.constant 0 : i32
      %dma_start3A_55 = tpu.memref_slice %arg10[%add3A_18, %dma_start3A] : memref<10240x128xf32, #tpu.memory_space<vmem_shared>> -> memref<128x128xf32, #tpu.memory_space<vmem_shared>>
      %dma_start3A_56 = arith.constant 0 : i32
      %dma_start3A_57 = tpu.memref_slice %arg10[%add3A_18, %dma_start3A_56] : memref<10240x128xf32, #tpu.memory_space<vmem_shared>> -> memref<128x128xf32, #tpu.memory_space<vmem_shared>>
      tpu.enqueue_dma source(%arg9 : memref<128x128xf32, #tpu.memory_space<vmem>>) target(%dma_start3A_57 : memref<128x128xf32, #tpu.memory_space<vmem_shared>>) target_semaphore(%run_scoped3A : memref<!tpu.dma_semaphore, #tpu.memory_space<semaphore_mem>>)
      %dma_wait3A = arith.constant 0 : i32
      %dma_wait3A_58 = tpu.memref_slice %arg10[%add3A_18, %dma_wait3A] : memref<10240x128xf32, #tpu.memory_space<vmem_shared>> -> memref<128x128xf32, #tpu.memory_space<vmem_shared>>
      %dma_wait3A_59 = arith.constant 0 : i32
      %dma_wait3A_60 = tpu.memref_slice %arg10[%add3A_18, %dma_wait3A_59] : memref<10240x128xf32, #tpu.memory_space<vmem_shared>> -> memref<128x128xf32, #tpu.memory_space<vmem_shared>>
      tpu.wait_dma2 semaphore(%run_scoped3A : memref<!tpu.dma_semaphore, #tpu.memory_space<semaphore_mem>>) src(%arg9 : memref<128x128xf32, #tpu.memory_space<vmem>>) dst(%dma_wait3A_60 : memref<128x128xf32, #tpu.memory_space<vmem_shared>>)
      tpu.yield
    }) : () -> ()
    %mul3A_19 = arith.constant 640 : i32
    %mul3A_20 = arith.muli %arg1, %mul3A_19 : i32
    %add3A_21 = arith.constant 384 : i32
    %add3A_22 = arith.addi %mul3A_20, %add3A_21 : i32
    "tpu.region"() ({
      %run_scoped3A = tpu.sem_alloc : memref<!tpu.dma_semaphore, #tpu.memory_space<semaphore_mem>>
      %dma_start3A = arith.constant 0 : i32
      %dma_start3A_55 = tpu.memref_slice %arg10[%add3A_22, %dma_start3A] : memref<10240x128xf32, #tpu.memory_space<vmem_shared>> -> memref<128x128xf32, #tpu.memory_space<vmem_shared>>
      %dma_start3A_56 = arith.constant 0 : i32
      %dma_start3A_57 = tpu.memref_slice %arg10[%add3A_22, %dma_start3A_56] : memref<10240x128xf32, #tpu.memory_space<vmem_shared>> -> memref<128x128xf32, #tpu.memory_space<vmem_shared>>
      tpu.enqueue_dma source(%arg9 : memref<128x128xf32, #tpu.memory_space<vmem>>) target(%dma_start3A_57 : memref<128x128xf32, #tpu.memory_space<vmem_shared>>) target_semaphore(%run_scoped3A : memref<!tpu.dma_semaphore, #tpu.memory_space<semaphore_mem>>)
      %dma_wait3A = arith.constant 0 : i32
      %dma_wait3A_58 = tpu.memref_slice %arg10[%add3A_22, %dma_wait3A] : memref<10240x128xf32, #tpu.memory_space<vmem_shared>> -> memref<128x128xf32, #tpu.memory_space<vmem_shared>>
      %dma_wait3A_59 = arith.constant 0 : i32
      %dma_wait3A_60 = tpu.memref_slice %arg10[%add3A_22, %dma_wait3A_59] : memref<10240x128xf32, #tpu.memory_space<vmem_shared>> -> memref<128x128xf32, #tpu.memory_space<vmem_shared>>
      tpu.wait_dma2 semaphore(%run_scoped3A : memref<!tpu.dma_semaphore, #tpu.memory_space<semaphore_mem>>) src(%arg9 : memref<128x128xf32, #tpu.memory_space<vmem>>) dst(%dma_wait3A_60 : memref<128x128xf32, #tpu.memory_space<vmem_shared>>)
      tpu.yield
    }) : () -> ()
    %mul3A_23 = arith.constant 640 : i32
    %mul3A_24 = arith.muli %arg1, %mul3A_23 : i32
    %add3A_25 = arith.constant 512 : i32
    %add3A_26 = arith.addi %mul3A_24, %add3A_25 : i32
    "tpu.region"() ({
      %run_scoped3A = tpu.sem_alloc : memref<!tpu.dma_semaphore, #tpu.memory_space<semaphore_mem>>
      %dma_start3A = arith.constant 0 : i32
      %dma_start3A_55 = tpu.memref_slice %arg10[%add3A_26, %dma_start3A] : memref<10240x128xf32, #tpu.memory_space<vmem_shared>> -> memref<128x128xf32, #tpu.memory_space<vmem_shared>>
      %dma_start3A_56 = arith.constant 0 : i32
      %dma_start3A_57 = tpu.memref_slice %arg10[%add3A_26, %dma_start3A_56] : memref<10240x128xf32, #tpu.memory_space<vmem_shared>> -> memref<128x128xf32, #tpu.memory_space<vmem_shared>>
      tpu.enqueue_dma source(%arg9 : memref<128x128xf32, #tpu.memory_space<vmem>>) target(%dma_start3A_57 : memref<128x128xf32, #tpu.memory_space<vmem_shared>>) target_semaphore(%run_scoped3A : memref<!tpu.dma_semaphore, #tpu.memory_space<semaphore_mem>>)
      %dma_wait3A = arith.constant 0 : i32
      %dma_wait3A_58 = tpu.memref_slice %arg10[%add3A_26, %dma_wait3A] : memref<10240x128xf32, #tpu.memory_space<vmem_shared>> -> memref<128x128xf32, #tpu.memory_space<vmem_shared>>
      %dma_wait3A_59 = arith.constant 0 : i32
      %dma_wait3A_60 = tpu.memref_slice %arg10[%add3A_26, %dma_wait3A_59] : memref<10240x128xf32, #tpu.memory_space<vmem_shared>> -> memref<128x128xf32, #tpu.memory_space<vmem_shared>>
      tpu.wait_dma2 semaphore(%run_scoped3A : memref<!tpu.dma_semaphore, #tpu.memory_space<semaphore_mem>>) src(%arg9 : memref<128x128xf32, #tpu.memory_space<vmem>>) dst(%dma_wait3A_60 : memref<128x128xf32, #tpu.memory_space<vmem_shared>>)
      tpu.yield
    }) : () -> ()
    %barrier3A = arith.constant 0 : index
    tpu.barrier barrier_id(%barrier3A)
    %scan3A_27 = arith.constant 0 : i32
    %scan3A_28 = arith.constant 0 : i32
    %scan3A_29 = arith.constant 125 : i32
    %scan3A_30 = arith.addi %scan3A_28, %scan3A_29 : i32
    %scan3A_31 = arith.constant 1 : i32
    %scan3A_32 = scf.for %scan3A_55 = %scan3A_28 to %scan3A_30 step %scan3A_31 iter_args(%scan3A_56 = %scan3A_27) -> (i32)  : i32 {
      %mul3A_57 = arith.constant 10000 : i32
      %mul3A_58 = arith.muli %add3A, %mul3A_57 : i32
      %mul3A_59 = arith.constant 80 : i32
      %mul3A_60 = arith.muli %scan3A_55, %mul3A_59 : i32
      %add3A_61 = arith.addi %mul3A_58, %mul3A_60 : i32
      "tpu.region"() ({
        %run_scoped3A = tpu.sem_alloc : memref<!tpu.dma_semaphore, #tpu.memory_space<semaphore_mem>>
        %dma_start3A_67 = tpu.memref_slice %arg3[%add3A_61] : memref<320000xi32, #tpu.memory_space<hbm>> -> memref<80xi32, #tpu.memory_space<hbm>>
        %dma_start3A_68 = tpu.memref_slice %arg3[%add3A_61] : memref<320000xi32, #tpu.memory_space<hbm>> -> memref<80xi32, #tpu.memory_space<hbm>>
        tpu.enqueue_dma source(%dma_start3A_68 : memref<80xi32, #tpu.memory_space<hbm>>) target(%arg6 : memref<80xi32, #tpu.memory_space<vmem>>) target_semaphore(%run_scoped3A : memref<!tpu.dma_semaphore, #tpu.memory_space<semaphore_mem>>)
        %dma_wait3A_69 = tpu.memref_slice %arg3[%add3A_61] : memref<320000xi32, #tpu.memory_space<hbm>> -> memref<80xi32, #tpu.memory_space<hbm>>
        %dma_wait3A_70 = tpu.memref_slice %arg3[%add3A_61] : memref<320000xi32, #tpu.memory_space<hbm>> -> memref<80xi32, #tpu.memory_space<hbm>>
        tpu.wait_dma2 semaphore(%run_scoped3A : memref<!tpu.dma_semaphore, #tpu.memory_space<semaphore_mem>>) src(%dma_wait3A_70 : memref<80xi32, #tpu.memory_space<hbm>>) dst(%arg6 : memref<80xi32, #tpu.memory_space<vmem>>)
        tpu.yield
      }) : () -> ()
      %dma_start3A = arith.constant 0 : i32
      %dma_start3A_62 = arith.constant 0 : i32
      %dma_start3A_63 = tpu.memref_slice %arg2[%dma_start3A, %dma_start3A_62] : memref<10000x128xf32, #tpu.memory_space<hbm>> -> memref<10000x128xf32, #tpu.memory_space<hbm>>
      tpu.enqueue_indirect_dma source(%dma_start3A_63 : memref<10000x128xf32, #tpu.memory_space<hbm>>) target(%arg8 : memref<80x128xf32, #tpu.memory_space<vmem>>) offsets(%arg6 : memref<80xi32, #tpu.memory_space<vmem>>) semaphore(%arg11 : memref<!tpu.dma_semaphore, #tpu.memory_space<semaphore_mem>>)
      %dma_wait3A = arith.constant 0 : i32
      %dma_wait3A_64 = arith.constant 0 : i32
      %dma_wait3A_65 = tpu.memref_slice %arg2[%dma_wait3A, %dma_wait3A_64] : memref<10000x128xf32, #tpu.memory_space<hbm>> -> memref<10000x128xf32, #tpu.memory_space<hbm>>
      tpu.wait_indirect_dma semaphore(%arg11 : memref<!tpu.dma_semaphore, #tpu.memory_space<semaphore_mem>>) src(%dma_wait3A_65 : memref<10000x128xf32, #tpu.memory_space<hbm>>) dst(%arg8 : memref<80x128xf32, #tpu.memory_space<vmem>>)
      "tpu.region"() ({
        %run_scoped3A = tpu.sem_alloc : memref<!tpu.dma_semaphore, #tpu.memory_space<semaphore_mem>>
        %dma_start3A_67 = tpu.memref_slice %arg4[%add3A_61] : memref<320000xi32, #tpu.memory_space<hbm>> -> memref<80xi32, #tpu.memory_space<hbm>>
        %dma_start3A_68 = tpu.memref_slice %arg4[%add3A_61] : memref<320000xi32, #tpu.memory_space<hbm>> -> memref<80xi32, #tpu.memory_space<hbm>>
        tpu.enqueue_dma source(%dma_start3A_68 : memref<80xi32, #tpu.memory_space<hbm>>) target(%arg7 : memref<80xi32, #tpu.memory_space<vmem>>) target_semaphore(%run_scoped3A : memref<!tpu.dma_semaphore, #tpu.memory_space<semaphore_mem>>)
        %dma_wait3A_69 = tpu.memref_slice %arg4[%add3A_61] : memref<320000xi32, #tpu.memory_space<hbm>> -> memref<80xi32, #tpu.memory_space<hbm>>
        %dma_wait3A_70 = tpu.memref_slice %arg4[%add3A_61] : memref<320000xi32, #tpu.memory_space<hbm>> -> memref<80xi32, #tpu.memory_space<hbm>>
        tpu.wait_dma2 semaphore(%run_scoped3A : memref<!tpu.dma_semaphore, #tpu.memory_space<semaphore_mem>>) src(%dma_wait3A_70 : memref<80xi32, #tpu.memory_space<hbm>>) dst(%arg7 : memref<80xi32, #tpu.memory_space<vmem>>)
        tpu.yield
      }) : () -> ()
      "tpu.region"() ({
        %run_scoped3A = tpu.sem_alloc : memref<!tpu.dma_semaphore, #tpu.memory_space<semaphore_mem>>
        %dma_start3A_67 = arith.constant 0 : i32
        %dma_start3A_68 = arith.constant 0 : i32
        %dma_start3A_69 = tpu.memref_slice %arg10[%dma_start3A_67, %dma_start3A_68] : memref<10240x128xf32, #tpu.memory_space<vmem_shared>> -> memref<10240x128xf32, #tpu.memory_space<vmem_shared>>
        tpu.enqueue_indirect_dma source(%arg8 : memref<80x128xf32, #tpu.memory_space<vmem>>) target(%dma_start3A_69 : memref<10240x128xf32, #tpu.memory_space<vmem_shared>>) offsets(%arg7 : memref<80xi32, #tpu.memory_space<vmem>>) semaphore(%run_scoped3A : memref<!tpu.dma_semaphore, #tpu.memory_space<semaphore_mem>>) {add = true}
        %dma_wait3A_70 = arith.constant 0 : i32
        %dma_wait3A_71 = arith.constant 0 : i32
        %dma_wait3A_72 = tpu.memref_slice %arg10[%dma_wait3A_70, %dma_wait3A_71] : memref<10240x128xf32, #tpu.memory_space<vmem_shared>> -> memref<10240x128xf32, #tpu.memory_space<vmem_shared>>
        tpu.wait_indirect_dma semaphore(%run_scoped3A : memref<!tpu.dma_semaphore, #tpu.memory_space<semaphore_mem>>) src(%arg8 : memref<80x128xf32, #tpu.memory_space<vmem>>) dst(%dma_wait3A_72 : memref<10240x128xf32, #tpu.memory_space<vmem_shared>>)
        tpu.yield
      }) : () -> ()
      %scan3A_66 = arith.constant 0 : i32
      scf.yield %scan3A_66 : i32
    }
    %scan3A_33 = arith.constant 125 : i32
    %barrier3A_34 = arith.constant 0 : index
    tpu.barrier barrier_id(%barrier3A_34)
    %mul3A_35 = arith.constant 640 : i32
    %mul3A_36 = arith.muli %arg1, %mul3A_35 : i32
    %add3A_37 = arith.constant 0 : i32
    %add3A_38 = arith.addi %mul3A_36, %add3A_37 : i32
    "tpu.region"() ({
      %run_scoped3A = tpu.sem_alloc : memref<!tpu.dma_semaphore, #tpu.memory_space<semaphore_mem>>
      %dma_start3A = arith.constant 0 : i32
      %dma_start3A_55 = tpu.memref_slice %arg10[%add3A_38, %dma_start3A] : memref<10240x128xf32, #tpu.memory_space<vmem_shared>> -> memref<128x128xf32, #tpu.memory_space<vmem_shared>>
      %dma_start3A_56 = arith.constant 0 : i32
      %dma_start3A_57 = tpu.memref_slice %arg10[%add3A_38, %dma_start3A_56] : memref<10240x128xf32, #tpu.memory_space<vmem_shared>> -> memref<128x128xf32, #tpu.memory_space<vmem_shared>>
      tpu.enqueue_dma source(%dma_start3A_57 : memref<128x128xf32, #tpu.memory_space<vmem_shared>>) target(%arg9 : memref<128x128xf32, #tpu.memory_space<vmem>>) target_semaphore(%run_scoped3A : memref<!tpu.dma_semaphore, #tpu.memory_space<semaphore_mem>>)
      %dma_wait3A = arith.constant 0 : i32
      %dma_wait3A_58 = tpu.memref_slice %arg10[%add3A_38, %dma_wait3A] : memref<10240x128xf32, #tpu.memory_space<vmem_shared>> -> memref<128x128xf32, #tpu.memory_space<vmem_shared>>
      %dma_wait3A_59 = arith.constant 0 : i32
      %dma_wait3A_60 = tpu.memref_slice %arg10[%add3A_38, %dma_wait3A_59] : memref<10240x128xf32, #tpu.memory_space<vmem_shared>> -> memref<128x128xf32, #tpu.memory_space<vmem_shared>>
      tpu.wait_dma2 semaphore(%run_scoped3A : memref<!tpu.dma_semaphore, #tpu.memory_space<semaphore_mem>>) src(%dma_wait3A_60 : memref<128x128xf32, #tpu.memory_space<vmem_shared>>) dst(%arg9 : memref<128x128xf32, #tpu.memory_space<vmem>>)
      tpu.yield
    }) : () -> ()
    "tpu.region"() ({
      %run_scoped3A = tpu.sem_alloc : memref<!tpu.dma_semaphore, #tpu.memory_space<semaphore_mem>>
      %dma_start3A = arith.constant 0 : i32
      %dma_start3A_55 = arith.constant 0 : i32
      %dma_start3A_56 = tpu.memref_slice %arg5[%arg0, %dma_start3A, %dma_start3A_55] : memref<2x10240x128xf32, #tpu.memory_space<hbm>> -> memref<1x10240x128xf32, #tpu.memory_space<hbm>>
      %dma_start3A_57 = tpu.memref_squeeze %dma_start3A_56 : memref<1x10240x128xf32, #tpu.memory_space<hbm>> -> memref<10240x128xf32, #tpu.memory_space<hbm>>
      %dma_start3A_58 = arith.constant 0 : i32
      %dma_start3A_59 = tpu.memref_slice %dma_start3A_57[%add3A_38, %dma_start3A_58] : memref<10240x128xf32, #tpu.memory_space<hbm>> -> memref<128x128xf32, #tpu.memory_space<hbm>>
      %dma_start3A_60 = arith.constant 0 : i32
      %dma_start3A_61 = arith.constant 0 : i32
      %dma_start3A_62 = tpu.memref_slice %arg5[%arg0, %dma_start3A_60, %dma_start3A_61] : memref<2x10240x128xf32, #tpu.memory_space<hbm>> -> memref<1x10240x128xf32, #tpu.memory_space<hbm>>
      %dma_start3A_63 = tpu.memref_squeeze %dma_start3A_62 : memref<1x10240x128xf32, #tpu.memory_space<hbm>> -> memref<10240x128xf32, #tpu.memory_space<hbm>>
      %dma_start3A_64 = arith.constant 0 : i32
      %dma_start3A_65 = tpu.memref_slice %dma_start3A_63[%add3A_38, %dma_start3A_64] : memref<10240x128xf32, #tpu.memory_space<hbm>> -> memref<128x128xf32, #tpu.memory_space<hbm>>
      tpu.enqueue_dma source(%arg9 : memref<128x128xf32, #tpu.memory_space<vmem>>) target(%dma_start3A_65 : memref<128x128xf32, #tpu.memory_space<hbm>>) target_semaphore(%run_scoped3A : memref<!tpu.dma_semaphore, #tpu.memory_space<semaphore_mem>>)
      %dma_wait3A = arith.constant 0 : i32
      %dma_wait3A_66 = arith.constant 0 : i32
      %dma_wait3A_67 = tpu.memref_slice %arg5[%arg0, %dma_wait3A, %dma_wait3A_66] : memref<2x10240x128xf32, #tpu.memory_space<hbm>> -> memref<1x10240x128xf32, #tpu.memory_space<hbm>>
      %dma_wait3A_68 = tpu.memref_squeeze %dma_wait3A_67 : memref<1x10240x128xf32, #tpu.memory_space<hbm>> -> memref<10240x128xf32, #tpu.memory_space<hbm>>
      %dma_wait3A_69 = arith.constant 0 : i32
      %dma_wait3A_70 = tpu.memref_slice %dma_wait3A_68[%add3A_38, %dma_wait3A_69] : memref<10240x128xf32, #tpu.memory_space<hbm>> -> memref<128x128xf32, #tpu.memory_space<hbm>>
      %dma_wait3A_71 = arith.constant 0 : i32
      %dma_wait3A_72 = arith.constant 0 : i32
      %dma_wait3A_73 = tpu.memref_slice %arg5[%arg0, %dma_wait3A_71, %dma_wait3A_72] : memref<2x10240x128xf32, #tpu.memory_space<hbm>> -> memref<1x10240x128xf32, #tpu.memory_space<hbm>>
      %dma_wait3A_74 = tpu.memref_squeeze %dma_wait3A_73 : memref<1x10240x128xf32, #tpu.memory_space<hbm>> -> memref<10240x128xf32, #tpu.memory_space<hbm>>
      %dma_wait3A_75 = arith.constant 0 : i32
      %dma_wait3A_76 = tpu.memref_slice %dma_wait3A_74[%add3A_38, %dma_wait3A_75] : memref<10240x128xf32, #tpu.memory_space<hbm>> -> memref<128x128xf32, #tpu.memory_space<hbm>>
      tpu.wait_dma2 semaphore(%run_scoped3A : memref<!tpu.dma_semaphore, #tpu.memory_space<semaphore_mem>>) src(%arg9 : memref<128x128xf32, #tpu.memory_space<vmem>>) dst(%dma_wait3A_76 : memref<128x128xf32, #tpu.memory_space<hbm>>)
      tpu.yield
    }) : () -> ()
    %mul3A_39 = arith.constant 640 : i32
    %mul3A_40 = arith.muli %arg1, %mul3A_39 : i32
    %add3A_41 = arith.constant 128 : i32
    %add3A_42 = arith.addi %mul3A_40, %add3A_41 : i32
    "tpu.region"() ({
      %run_scoped3A = tpu.sem_alloc : memref<!tpu.dma_semaphore, #tpu.memory_space<semaphore_mem>>
      %dma_start3A = arith.constant 0 : i32
      %dma_start3A_55 = tpu.memref_slice %arg10[%add3A_42, %dma_start3A] : memref<10240x128xf32, #tpu.memory_space<vmem_shared>> -> memref<128x128xf32, #tpu.memory_space<vmem_shared>>
      %dma_start3A_56 = arith.constant 0 : i32
      %dma_start3A_57 = tpu.memref_slice %arg10[%add3A_42, %dma_start3A_56] : memref<10240x128xf32, #tpu.memory_space<vmem_shared>> -> memref<128x128xf32, #tpu.memory_space<vmem_shared>>
      tpu.enqueue_dma source(%dma_start3A_57 : memref<128x128xf32, #tpu.memory_space<vmem_shared>>) target(%arg9 : memref<128x128xf32, #tpu.memory_space<vmem>>) target_semaphore(%run_scoped3A : memref<!tpu.dma_semaphore, #tpu.memory_space<semaphore_mem>>)
      %dma_wait3A = arith.constant 0 : i32
      %dma_wait3A_58 = tpu.memref_slice %arg10[%add3A_42, %dma_wait3A] : memref<10240x128xf32, #tpu.memory_space<vmem_shared>> -> memref<128x128xf32, #tpu.memory_space<vmem_shared>>
      %dma_wait3A_59 = arith.constant 0 : i32
      %dma_wait3A_60 = tpu.memref_slice %arg10[%add3A_42, %dma_wait3A_59] : memref<10240x128xf32, #tpu.memory_space<vmem_shared>> -> memref<128x128xf32, #tpu.memory_space<vmem_shared>>
      tpu.wait_dma2 semaphore(%run_scoped3A : memref<!tpu.dma_semaphore, #tpu.memory_space<semaphore_mem>>) src(%dma_wait3A_60 : memref<128x128xf32, #tpu.memory_space<vmem_shared>>) dst(%arg9 : memref<128x128xf32, #tpu.memory_space<vmem>>)
      tpu.yield
    }) : () -> ()
    "tpu.region"() ({
      %run_scoped3A = tpu.sem_alloc : memref<!tpu.dma_semaphore, #tpu.memory_space<semaphore_mem>>
      %dma_start3A = arith.constant 0 : i32
      %dma_start3A_55 = arith.constant 0 : i32
      %dma_start3A_56 = tpu.memref_slice %arg5[%arg0, %dma_start3A, %dma_start3A_55] : memref<2x10240x128xf32, #tpu.memory_space<hbm>> -> memref<1x10240x128xf32, #tpu.memory_space<hbm>>
      %dma_start3A_57 = tpu.memref_squeeze %dma_start3A_56 : memref<1x10240x128xf32, #tpu.memory_space<hbm>> -> memref<10240x128xf32, #tpu.memory_space<hbm>>
      %dma_start3A_58 = arith.constant 0 : i32
      %dma_start3A_59 = tpu.memref_slice %dma_start3A_57[%add3A_42, %dma_start3A_58] : memref<10240x128xf32, #tpu.memory_space<hbm>> -> memref<128x128xf32, #tpu.memory_space<hbm>>
      %dma_start3A_60 = arith.constant 0 : i32
      %dma_start3A_61 = arith.constant 0 : i32
      %dma_start3A_62 = tpu.memref_slice %arg5[%arg0, %dma_start3A_60, %dma_start3A_61] : memref<2x10240x128xf32, #tpu.memory_space<hbm>> -> memref<1x10240x128xf32, #tpu.memory_space<hbm>>
      %dma_start3A_63 = tpu.memref_squeeze %dma_start3A_62 : memref<1x10240x128xf32, #tpu.memory_space<hbm>> -> memref<10240x128xf32, #tpu.memory_space<hbm>>
      %dma_start3A_64 = arith.constant 0 : i32
      %dma_start3A_65 = tpu.memref_slice %dma_start3A_63[%add3A_42, %dma_start3A_64] : memref<10240x128xf32, #tpu.memory_space<hbm>> -> memref<128x128xf32, #tpu.memory_space<hbm>>
      tpu.enqueue_dma source(%arg9 : memref<128x128xf32, #tpu.memory_space<vmem>>) target(%dma_start3A_65 : memref<128x128xf32, #tpu.memory_space<hbm>>) target_semaphore(%run_scoped3A : memref<!tpu.dma_semaphore, #tpu.memory_space<semaphore_mem>>)
      %dma_wait3A = arith.constant 0 : i32
      %dma_wait3A_66 = arith.constant 0 : i32
      %dma_wait3A_67 = tpu.memref_slice %arg5[%arg0, %dma_wait3A, %dma_wait3A_66] : memref<2x10240x128xf32, #tpu.memory_space<hbm>> -> memref<1x10240x128xf32, #tpu.memory_space<hbm>>
      %dma_wait3A_68 = tpu.memref_squeeze %dma_wait3A_67 : memref<1x10240x128xf32, #tpu.memory_space<hbm>> -> memref<10240x128xf32, #tpu.memory_space<hbm>>
      %dma_wait3A_69 = arith.constant 0 : i32
      %dma_wait3A_70 = tpu.memref_slice %dma_wait3A_68[%add3A_42, %dma_wait3A_69] : memref<10240x128xf32, #tpu.memory_space<hbm>> -> memref<128x128xf32, #tpu.memory_space<hbm>>
      %dma_wait3A_71 = arith.constant 0 : i32
      %dma_wait3A_72 = arith.constant 0 : i32
      %dma_wait3A_73 = tpu.memref_slice %arg5[%arg0, %dma_wait3A_71, %dma_wait3A_72] : memref<2x10240x128xf32, #tpu.memory_space<hbm>> -> memref<1x10240x128xf32, #tpu.memory_space<hbm>>
      %dma_wait3A_74 = tpu.memref_squeeze %dma_wait3A_73 : memref<1x10240x128xf32, #tpu.memory_space<hbm>> -> memref<10240x128xf32, #tpu.memory_space<hbm>>
      %dma_wait3A_75 = arith.constant 0 : i32
      %dma_wait3A_76 = tpu.memref_slice %dma_wait3A_74[%add3A_42, %dma_wait3A_75] : memref<10240x128xf32, #tpu.memory_space<hbm>> -> memref<128x128xf32, #tpu.memory_space<hbm>>
      tpu.wait_dma2 semaphore(%run_scoped3A : memref<!tpu.dma_semaphore, #tpu.memory_space<semaphore_mem>>) src(%arg9 : memref<128x128xf32, #tpu.memory_space<vmem>>) dst(%dma_wait3A_76 : memref<128x128xf32, #tpu.memory_space<hbm>>)
      tpu.yield
    }) : () -> ()
    %mul3A_43 = arith.constant 640 : i32
    %mul3A_44 = arith.muli %arg1, %mul3A_43 : i32
    %add3A_45 = arith.constant 256 : i32
    %add3A_46 = arith.addi %mul3A_44, %add3A_45 : i32
    "tpu.region"() ({
      %run_scoped3A = tpu.sem_alloc : memref<!tpu.dma_semaphore, #tpu.memory_space<semaphore_mem>>
      %dma_start3A = arith.constant 0 : i32
      %dma_start3A_55 = tpu.memref_slice %arg10[%add3A_46, %dma_start3A] : memref<10240x128xf32, #tpu.memory_space<vmem_shared>> -> memref<128x128xf32, #tpu.memory_space<vmem_shared>>
      %dma_start3A_56 = arith.constant 0 : i32
      %dma_start3A_57 = tpu.memref_slice %arg10[%add3A_46, %dma_start3A_56] : memref<10240x128xf32, #tpu.memory_space<vmem_shared>> -> memref<128x128xf32, #tpu.memory_space<vmem_shared>>
      tpu.enqueue_dma source(%dma_start3A_57 : memref<128x128xf32, #tpu.memory_space<vmem_shared>>) target(%arg9 : memref<128x128xf32, #tpu.memory_space<vmem>>) target_semaphore(%run_scoped3A : memref<!tpu.dma_semaphore, #tpu.memory_space<semaphore_mem>>)
      %dma_wait3A = arith.constant 0 : i32
      %dma_wait3A_58 = tpu.memref_slice %arg10[%add3A_46, %dma_wait3A] : memref<10240x128xf32, #tpu.memory_space<vmem_shared>> -> memref<128x128xf32, #tpu.memory_space<vmem_shared>>
      %dma_wait3A_59 = arith.constant 0 : i32
      %dma_wait3A_60 = tpu.memref_slice %arg10[%add3A_46, %dma_wait3A_59] : memref<10240x128xf32, #tpu.memory_space<vmem_shared>> -> memref<128x128xf32, #tpu.memory_space<vmem_shared>>
      tpu.wait_dma2 semaphore(%run_scoped3A : memref<!tpu.dma_semaphore, #tpu.memory_space<semaphore_mem>>) src(%dma_wait3A_60 : memref<128x128xf32, #tpu.memory_space<vmem_shared>>) dst(%arg9 : memref<128x128xf32, #tpu.memory_space<vmem>>)
      tpu.yield
    }) : () -> ()
    "tpu.region"() ({
      %run_scoped3A = tpu.sem_alloc : memref<!tpu.dma_semaphore, #tpu.memory_space<semaphore_mem>>
      %dma_start3A = arith.constant 0 : i32
      %dma_start3A_55 = arith.constant 0 : i32
      %dma_start3A_56 = tpu.memref_slice %arg5[%arg0, %dma_start3A, %dma_start3A_55] : memref<2x10240x128xf32, #tpu.memory_space<hbm>> -> memref<1x10240x128xf32, #tpu.memory_space<hbm>>
      %dma_start3A_57 = tpu.memref_squeeze %dma_start3A_56 : memref<1x10240x128xf32, #tpu.memory_space<hbm>> -> memref<10240x128xf32, #tpu.memory_space<hbm>>
      %dma_start3A_58 = arith.constant 0 : i32
      %dma_start3A_59 = tpu.memref_slice %dma_start3A_57[%add3A_46, %dma_start3A_58] : memref<10240x128xf32, #tpu.memory_space<hbm>> -> memref<128x128xf32, #tpu.memory_space<hbm>>
      %dma_start3A_60 = arith.constant 0 : i32
      %dma_start3A_61 = arith.constant 0 : i32
      %dma_start3A_62 = tpu.memref_slice %arg5[%arg0, %dma_start3A_60, %dma_start3A_61] : memref<2x10240x128xf32, #tpu.memory_space<hbm>> -> memref<1x10240x128xf32, #tpu.memory_space<hbm>>
      %dma_start3A_63 = tpu.memref_squeeze %dma_start3A_62 : memref<1x10240x128xf32, #tpu.memory_space<hbm>> -> memref<10240x128xf32, #tpu.memory_space<hbm>>
      %dma_start3A_64 = arith.constant 0 : i32
      %dma_start3A_65 = tpu.memref_slice %dma_start3A_63[%add3A_46, %dma_start3A_64] : memref<10240x128xf32, #tpu.memory_space<hbm>> -> memref<128x128xf32, #tpu.memory_space<hbm>>
      tpu.enqueue_dma source(%arg9 : memref<128x128xf32, #tpu.memory_space<vmem>>) target(%dma_start3A_65 : memref<128x128xf32, #tpu.memory_space<hbm>>) target_semaphore(%run_scoped3A : memref<!tpu.dma_semaphore, #tpu.memory_space<semaphore_mem>>)
      %dma_wait3A = arith.constant 0 : i32
      %dma_wait3A_66 = arith.constant 0 : i32
      %dma_wait3A_67 = tpu.memref_slice %arg5[%arg0, %dma_wait3A, %dma_wait3A_66] : memref<2x10240x128xf32, #tpu.memory_space<hbm>> -> memref<1x10240x128xf32, #tpu.memory_space<hbm>>
      %dma_wait3A_68 = tpu.memref_squeeze %dma_wait3A_67 : memref<1x10240x128xf32, #tpu.memory_space<hbm>> -> memref<10240x128xf32, #tpu.memory_space<hbm>>
      %dma_wait3A_69 = arith.constant 0 : i32
      %dma_wait3A_70 = tpu.memref_slice %dma_wait3A_68[%add3A_46, %dma_wait3A_69] : memref<10240x128xf32, #tpu.memory_space<hbm>> -> memref<128x128xf32, #tpu.memory_space<hbm>>
      %dma_wait3A_71 = arith.constant 0 : i32
      %dma_wait3A_72 = arith.constant 0 : i32
      %dma_wait3A_73 = tpu.memref_slice %arg5[%arg0, %dma_wait3A_71, %dma_wait3A_72] : memref<2x10240x128xf32, #tpu.memory_space<hbm>> -> memref<1x10240x128xf32, #tpu.memory_space<hbm>>
      %dma_wait3A_74 = tpu.memref_squeeze %dma_wait3A_73 : memref<1x10240x128xf32, #tpu.memory_space<hbm>> -> memref<10240x128xf32, #tpu.memory_space<hbm>>
      %dma_wait3A_75 = arith.constant 0 : i32
      %dma_wait3A_76 = tpu.memref_slice %dma_wait3A_74[%add3A_46, %dma_wait3A_75] : memref<10240x128xf32, #tpu.memory_space<hbm>> -> memref<128x128xf32, #tpu.memory_space<hbm>>
      tpu.wait_dma2 semaphore(%run_scoped3A : memref<!tpu.dma_semaphore, #tpu.memory_space<semaphore_mem>>) src(%arg9 : memref<128x128xf32, #tpu.memory_space<vmem>>) dst(%dma_wait3A_76 : memref<128x128xf32, #tpu.memory_space<hbm>>)
      tpu.yield
    }) : () -> ()
    %mul3A_47 = arith.constant 640 : i32
    %mul3A_48 = arith.muli %arg1, %mul3A_47 : i32
    %add3A_49 = arith.constant 384 : i32
    %add3A_50 = arith.addi %mul3A_48, %add3A_49 : i32
    "tpu.region"() ({
      %run_scoped3A = tpu.sem_alloc : memref<!tpu.dma_semaphore, #tpu.memory_space<semaphore_mem>>
      %dma_start3A = arith.constant 0 : i32
      %dma_start3A_55 = tpu.memref_slice %arg10[%add3A_50, %dma_start3A] : memref<10240x128xf32, #tpu.memory_space<vmem_shared>> -> memref<128x128xf32, #tpu.memory_space<vmem_shared>>
      %dma_start3A_56 = arith.constant 0 : i32
      %dma_start3A_57 = tpu.memref_slice %arg10[%add3A_50, %dma_start3A_56] : memref<10240x128xf32, #tpu.memory_space<vmem_shared>> -> memref<128x128xf32, #tpu.memory_space<vmem_shared>>
      tpu.enqueue_dma source(%dma_start3A_57 : memref<128x128xf32, #tpu.memory_space<vmem_shared>>) target(%arg9 : memref<128x128xf32, #tpu.memory_space<vmem>>) target_semaphore(%run_scoped3A : memref<!tpu.dma_semaphore, #tpu.memory_space<semaphore_mem>>)
      %dma_wait3A = arith.constant 0 : i32
      %dma_wait3A_58 = tpu.memref_slice %arg10[%add3A_50, %dma_wait3A] : memref<10240x128xf32, #tpu.memory_space<vmem_shared>> -> memref<128x128xf32, #tpu.memory_space<vmem_shared>>
      %dma_wait3A_59 = arith.constant 0 : i32
      %dma_wait3A_60 = tpu.memref_slice %arg10[%add3A_50, %dma_wait3A_59] : memref<10240x128xf32, #tpu.memory_space<vmem_shared>> -> memref<128x128xf32, #tpu.memory_space<vmem_shared>>
      tpu.wait_dma2 semaphore(%run_scoped3A : memref<!tpu.dma_semaphore, #tpu.memory_space<semaphore_mem>>) src(%dma_wait3A_60 : memref<128x128xf32, #tpu.memory_space<vmem_shared>>) dst(%arg9 : memref<128x128xf32, #tpu.memory_space<vmem>>)
      tpu.yield
    }) : () -> ()
    "tpu.region"() ({
      %run_scoped3A = tpu.sem_alloc : memref<!tpu.dma_semaphore, #tpu.memory_space<semaphore_mem>>
      %dma_start3A = arith.constant 0 : i32
      %dma_start3A_55 = arith.constant 0 : i32
      %dma_start3A_56 = tpu.memref_slice %arg5[%arg0, %dma_start3A, %dma_start3A_55] : memref<2x10240x128xf32, #tpu.memory_space<hbm>> -> memref<1x10240x128xf32, #tpu.memory_space<hbm>>
      %dma_start3A_57 = tpu.memref_squeeze %dma_start3A_56 : memref<1x10240x128xf32, #tpu.memory_space<hbm>> -> memref<10240x128xf32, #tpu.memory_space<hbm>>
      %dma_start3A_58 = arith.constant 0 : i32
      %dma_start3A_59 = tpu.memref_slice %dma_start3A_57[%add3A_50, %dma_start3A_58] : memref<10240x128xf32, #tpu.memory_space<hbm>> -> memref<128x128xf32, #tpu.memory_space<hbm>>
      %dma_start3A_60 = arith.constant 0 : i32
      %dma_start3A_61 = arith.constant 0 : i32
      %dma_start3A_62 = tpu.memref_slice %arg5[%arg0, %dma_start3A_60, %dma_start3A_61] : memref<2x10240x128xf32, #tpu.memory_space<hbm>> -> memref<1x10240x128xf32, #tpu.memory_space<hbm>>
      %dma_start3A_63 = tpu.memref_squeeze %dma_start3A_62 : memref<1x10240x128xf32, #tpu.memory_space<hbm>> -> memref<10240x128xf32, #tpu.memory_space<hbm>>
      %dma_start3A_64 = arith.constant 0 : i32
      %dma_start3A_65 = tpu.memref_slice %dma_start3A_63[%add3A_50, %dma_start3A_64] : memref<10240x128xf32, #tpu.memory_space<hbm>> -> memref<128x128xf32, #tpu.memory_space<hbm>>
      tpu.enqueue_dma source(%arg9 : memref<128x128xf32, #tpu.memory_space<vmem>>) target(%dma_start3A_65 : memref<128x128xf32, #tpu.memory_space<hbm>>) target_semaphore(%run_scoped3A : memref<!tpu.dma_semaphore, #tpu.memory_space<semaphore_mem>>)
      %dma_wait3A = arith.constant 0 : i32
      %dma_wait3A_66 = arith.constant 0 : i32
      %dma_wait3A_67 = tpu.memref_slice %arg5[%arg0, %dma_wait3A, %dma_wait3A_66] : memref<2x10240x128xf32, #tpu.memory_space<hbm>> -> memref<1x10240x128xf32, #tpu.memory_space<hbm>>
      %dma_wait3A_68 = tpu.memref_squeeze %dma_wait3A_67 : memref<1x10240x128xf32, #tpu.memory_space<hbm>> -> memref<10240x128xf32, #tpu.memory_space<hbm>>
      %dma_wait3A_69 = arith.constant 0 : i32
      %dma_wait3A_70 = tpu.memref_slice %dma_wait3A_68[%add3A_50, %dma_wait3A_69] : memref<10240x128xf32, #tpu.memory_space<hbm>> -> memref<128x128xf32, #tpu.memory_space<hbm>>
      %dma_wait3A_71 = arith.constant 0 : i32
      %dma_wait3A_72 = arith.constant 0 : i32
      %dma_wait3A_73 = tpu.memref_slice %arg5[%arg0, %dma_wait3A_71, %dma_wait3A_72] : memref<2x10240x128xf32, #tpu.memory_space<hbm>> -> memref<1x10240x128xf32, #tpu.memory_space<hbm>>
      %dma_wait3A_74 = tpu.memref_squeeze %dma_wait3A_73 : memref<1x10240x128xf32, #tpu.memory_space<hbm>> -> memref<10240x128xf32, #tpu.memory_space<hbm>>
      %dma_wait3A_75 = arith.constant 0 : i32
      %dma_wait3A_76 = tpu.memref_slice %dma_wait3A_74[%add3A_50, %dma_wait3A_75] : memref<10240x128xf32, #tpu.memory_space<hbm>> -> memref<128x128xf32, #tpu.memory_space<hbm>>
      tpu.wait_dma2 semaphore(%run_scoped3A : memref<!tpu.dma_semaphore, #tpu.memory_space<semaphore_mem>>) src(%arg9 : memref<128x128xf32, #tpu.memory_space<vmem>>) dst(%dma_wait3A_76 : memref<128x128xf32, #tpu.memory_space<hbm>>)
      tpu.yield
    }) : () -> ()
    %mul3A_51 = arith.constant 640 : i32
    %mul3A_52 = arith.muli %arg1, %mul3A_51 : i32
    %add3A_53 = arith.constant 512 : i32
    %add3A_54 = arith.addi %mul3A_52, %add3A_53 : i32
    "tpu.region"() ({
      %run_scoped3A = tpu.sem_alloc : memref<!tpu.dma_semaphore, #tpu.memory_space<semaphore_mem>>
      %dma_start3A = arith.constant 0 : i32
      %dma_start3A_55 = tpu.memref_slice %arg10[%add3A_54, %dma_start3A] : memref<10240x128xf32, #tpu.memory_space<vmem_shared>> -> memref<128x128xf32, #tpu.memory_space<vmem_shared>>
      %dma_start3A_56 = arith.constant 0 : i32
      %dma_start3A_57 = tpu.memref_slice %arg10[%add3A_54, %dma_start3A_56] : memref<10240x128xf32, #tpu.memory_space<vmem_shared>> -> memref<128x128xf32, #tpu.memory_space<vmem_shared>>
      tpu.enqueue_dma source(%dma_start3A_57 : memref<128x128xf32, #tpu.memory_space<vmem_shared>>) target(%arg9 : memref<128x128xf32, #tpu.memory_space<vmem>>) target_semaphore(%run_scoped3A : memref<!tpu.dma_semaphore, #tpu.memory_space<semaphore_mem>>)
      %dma_wait3A = arith.constant 0 : i32
      %dma_wait3A_58 = tpu.memref_slice %arg10[%add3A_54, %dma_wait3A] : memref<10240x128xf32, #tpu.memory_space<vmem_shared>> -> memref<128x128xf32, #tpu.memory_space<vmem_shared>>
      %dma_wait3A_59 = arith.constant 0 : i32
      %dma_wait3A_60 = tpu.memref_slice %arg10[%add3A_54, %dma_wait3A_59] : memref<10240x128xf32, #tpu.memory_space<vmem_shared>> -> memref<128x128xf32, #tpu.memory_space<vmem_shared>>
      tpu.wait_dma2 semaphore(%run_scoped3A : memref<!tpu.dma_semaphore, #tpu.memory_space<semaphore_mem>>) src(%dma_wait3A_60 : memref<128x128xf32, #tpu.memory_space<vmem_shared>>) dst(%arg9 : memref<128x128xf32, #tpu.memory_space<vmem>>)
      tpu.yield
    }) : () -> ()
    "tpu.region"() ({
      %run_scoped3A = tpu.sem_alloc : memref<!tpu.dma_semaphore, #tpu.memory_space<semaphore_mem>>
      %dma_start3A = arith.constant 0 : i32
      %dma_start3A_55 = arith.constant 0 : i32
      %dma_start3A_56 = tpu.memref_slice %arg5[%arg0, %dma_start3A, %dma_start3A_55] : memref<2x10240x128xf32, #tpu.memory_space<hbm>> -> memref<1x10240x128xf32, #tpu.memory_space<hbm>>
      %dma_start3A_57 = tpu.memref_squeeze %dma_start3A_56 : memref<1x10240x128xf32, #tpu.memory_space<hbm>> -> memref<10240x128xf32, #tpu.memory_space<hbm>>
      %dma_start3A_58 = arith.constant 0 : i32
      %dma_start3A_59 = tpu.memref_slice %dma_start3A_57[%add3A_54, %dma_start3A_58] : memref<10240x128xf32, #tpu.memory_space<hbm>> -> memref<128x128xf32, #tpu.memory_space<hbm>>
      %dma_start3A_60 = arith.constant 0 : i32
      %dma_start3A_61 = arith.constant 0 : i32
      %dma_start3A_62 = tpu.memref_slice %arg5[%arg0, %dma_start3A_60, %dma_start3A_61] : memref<2x10240x128xf32, #tpu.memory_space<hbm>> -> memref<1x10240x128xf32, #tpu.memory_space<hbm>>
      %dma_start3A_63 = tpu.memref_squeeze %dma_start3A_62 : memref<1x10240x128xf32, #tpu.memory_space<hbm>> -> memref<10240x128xf32, #tpu.memory_space<hbm>>
      %dma_start3A_64 = arith.constant 0 : i32
      %dma_start3A_65 = tpu.memref_slice %dma_start3A_63[%add3A_54, %dma_start3A_64] : memref<10240x128xf32, #tpu.memory_space<hbm>> -> memref<128x128xf32, #tpu.memory_space<hbm>>
      tpu.enqueue_dma source(%arg9 : memref<128x128xf32, #tpu.memory_space<vmem>>) target(%dma_start3A_65 : memref<128x128xf32, #tpu.memory_space<hbm>>) target_semaphore(%run_scoped3A : memref<!tpu.dma_semaphore, #tpu.memory_space<semaphore_mem>>)
      %dma_wait3A = arith.constant 0 : i32
      %dma_wait3A_66 = arith.constant 0 : i32
      %dma_wait3A_67 = tpu.memref_slice %arg5[%arg0, %dma_wait3A, %dma_wait3A_66] : memref<2x10240x128xf32, #tpu.memory_space<hbm>> -> memref<1x10240x128xf32, #tpu.memory_space<hbm>>
      %dma_wait3A_68 = tpu.memref_squeeze %dma_wait3A_67 : memref<1x10240x128xf32, #tpu.memory_space<hbm>> -> memref<10240x128xf32, #tpu.memory_space<hbm>>
      %dma_wait3A_69 = arith.constant 0 : i32
      %dma_wait3A_70 = tpu.memref_slice %dma_wait3A_68[%add3A_54, %dma_wait3A_69] : memref<10240x128xf32, #tpu.memory_space<hbm>> -> memref<128x128xf32, #tpu.memory_space<hbm>>
      %dma_wait3A_71 = arith.constant 0 : i32
      %dma_wait3A_72 = arith.constant 0 : i32
      %dma_wait3A_73 = tpu.memref_slice %arg5[%arg0, %dma_wait3A_71, %dma_wait3A_72] : memref<2x10240x128xf32, #tpu.memory_space<hbm>> -> memref<1x10240x128xf32, #tpu.memory_space<hbm>>
      %dma_wait3A_74 = tpu.memref_squeeze %dma_wait3A_73 : memref<1x10240x128xf32, #tpu.memory_space<hbm>> -> memref<10240x128xf32, #tpu.memory_space<hbm>>
      %dma_wait3A_75 = arith.constant 0 : i32
      %dma_wait3A_76 = tpu.memref_slice %dma_wait3A_74[%add3A_54, %dma_wait3A_75] : memref<10240x128xf32, #tpu.memory_space<hbm>> -> memref<128x128xf32, #tpu.memory_space<hbm>>
      tpu.wait_dma2 semaphore(%run_scoped3A : memref<!tpu.dma_semaphore, #tpu.memory_space<semaphore_mem>>) src(%arg9 : memref<128x128xf32, #tpu.memory_space<vmem>>) dst(%dma_wait3A_76 : memref<128x128xf32, #tpu.memory_space<hbm>>)
      tpu.yield
    }) : () -> ()
    return
  }
}

#map = affine_map<(d0, d1) -> (0, 0)>
#map1 = affine_map<(d0, d1) -> (0)>
#map2 = affine_map<(d0, d1) -> (0, 0, 0)>
module attributes {stable_mosaic.version = 14 : i64} {
  func.func @_gather_body(%arg0: i32, %arg1: i32, %arg2: memref<10000x128xf32, #tpu.memory_space<hbm>>, %arg3: memref<320000xi32, #tpu.memory_space<hbm>>, %arg4: memref<320000xi32, #tpu.memory_space<hbm>>, %arg5: memref<2x10240x128xf32, #tpu.memory_space<hbm>>, %arg6: memref<80xi32, #tpu.memory_space<vmem>>, %arg7: memref<80xi32, #tpu.memory_space<vmem>>, %arg8: memref<80x128xf32, #tpu.memory_space<vmem>>, %arg9: memref<128x128xf32, #tpu.memory_space<vmem>>, %arg10: memref<10240x128xf32, #tpu.memory_space<vmem_shared>>, %arg11: memref<!tpu.dma_semaphore, #tpu.memory_space<semaphore_mem>>) attributes {dimension_semantics = [#tpu.dimension_semantics<core_parallel>, #tpu.dimension_semantics<subcore_parallel>], iteration_bounds = array<i64: 2, 16>, scalar_prefetch = 0 : i64, scratch_operands = 6 : i64, tpu.core_type = #tpu.core_type<sc_vector_subcore>, window_params = [{transform_indices = #map}, {transform_indices = #map1}, {transform_indices = #map1}, {transform_indices = #map2}]} {
    %mul3A = arith.constant 2 : i32
    %mul3A_0 = arith.muli %arg1, %mul3A : i32
    %add3A = arith.addi %mul3A_0, %arg0 : i32
    %scan3A = arith.constant 0 : i32
    %scan3A_1 = arith.constant 0 : i32
    %scan3A_2 = arith.constant 128 : i32
    %scan3A_3 = arith.addi %scan3A_1, %scan3A_2 : i32
    %scan3A_4 = arith.constant 1 : i32
    %scan3A_5 = scf.for %scan3A_55 = %scan3A_1 to %scan3A_3 step %scan3A_4 iter_args(%scan3A_56 = %scan3A) -> (i32)  : i32 {
      %broadcast_in_dim3A = arith.constant 0.000000e+00 : f32
      %broadcast_in_dim3A_57 = vector.broadcast %broadcast_in_dim3A : f32 to vector<16xf32>
      %swap3A = arith.index_cast %scan3A_55 : i32 to index
      %swap3A_58 = arith.constant 0 : index
      %swap3A_59 = tpu.vector_load %arg9[%swap3A, %swap3A_58] {strides = array<i32>} : memref<128x128xf32, #tpu.memory_space<vmem>>, vector<1x16xf32>,
      %swap3A_60 = vector.shape_cast %swap3A_59 : vector<1x16xf32> to vector<16xf32>
      %swap3A_61 = vector.shape_cast %broadcast_in_dim3A_57 : vector<16xf32> to vector<1x16xf32>
      tpu.vector_store %arg9[%swap3A, %swap3A_58], %swap3A_61 {strides = array<i32>} : memref<128x128xf32, #tpu.memory_space<vmem>>, vector<1x16xf32>,
      %broadcast_in_dim3A_62 = arith.constant 0.000000e+00 : f32
      %broadcast_in_dim3A_63 = vector.broadcast %broadcast_in_dim3A_62 : f32 to vector<16xf32>
      %swap3A_64 = arith.index_cast %scan3A_55 : i32 to index
      %swap3A_65 = arith.constant 16 : index
      %swap3A_66 = tpu.vector_load %arg9[%swap3A_64, %swap3A_65] {strides = array<i32>} : memref<128x128xf32, #tpu.memory_space<vmem>>, vector<1x16xf32>,
      %swap3A_67 = vector.shape_cast %swap3A_66 : vector<1x16xf32> to vector<16xf32>
      %swap3A_68 = vector.shape_cast %broadcast_in_dim3A_63 : vector<16xf32> to vector<1x16xf32>
      tpu.vector_store %arg9[%swap3A_64, %swap3A_65], %swap3A_68 {strides = array<i32>} : memref<128x128xf32, #tpu.memory_space<vmem>>, vector<1x16xf32>,
      %broadcast_in_dim3A_69 = arith.constant 0.000000e+00 : f32
      %broadcast_in_dim3A_70 = vector.broadcast %broadcast_in_dim3A_69 : f32 to vector<16xf32>
      %swap3A_71 = arith.index_cast %scan3A_55 : i32 to index
      %swap3A_72 = arith.constant 32 : index
      %swap3A_73 = tpu.vector_load %arg9[%swap3A_71, %swap3A_72] {strides = array<i32>} : memref<128x128xf32, #tpu.memory_space<vmem>>, vector<1x16xf32>,
      %swap3A_74 = vector.shape_cast %swap3A_73 : vector<1x16xf32> to vector<16xf32>
      %swap3A_75 = vector.shape_cast %broadcast_in_dim3A_70 : vector<16xf32> to vector<1x16xf32>
      tpu.vector_store %arg9[%swap3A_71, %swap3A_72], %swap3A_75 {strides = array<i32>} : memref<128x128xf32, #tpu.memory_space<vmem>>, vector<1x16xf32>,
      %broadcast_in_dim3A_76 = arith.constant 0.000000e+00 : f32
      %broadcast_in_dim3A_77 = vector.broadcast %broadcast_in_dim3A_76 : f32 to vector<16xf32>
      %swap3A_78 = arith.index_cast %scan3A_55 : i32 to index
      %swap3A_79 = arith.constant 48 : index
      %swap3A_80 = tpu.vector_load %arg9[%swap3A_78, %swap3A_79] {strides = array<i32>} : memref<128x128xf32, #tpu.memory_space<vmem>>, vector<1x16xf32>,
      %swap3A_81 = vector.shape_cast %swap3A_80 : vector<1x16xf32> to vector<16xf32>
      %swap3A_82 = vector.shape_cast %broadcast_in_dim3A_77 : vector<16xf32> to vector<1x16xf32>
      tpu.vector_store %arg9[%swap3A_78, %swap3A_79], %swap3A_82 {strides = array<i32>} : memref<128x128xf32, #tpu.memory_space<vmem>>, vector<1x16xf32>,
      %broadcast_in_dim3A_83 = arith.constant 0.000000e+00 : f32
      %broadcast_in_dim3A_84 = vector.broadcast %broadcast_in_dim3A_83 : f32 to vector<16xf32>
      %swap3A_85 = arith.index_cast %scan3A_55 : i32 to index
      %swap3A_86 = arith.constant 64 : index
      %swap3A_87 = tpu.vector_load %arg9[%swap3A_85, %swap3A_86] {strides = array<i32>} : memref<128x128xf32, #tpu.memory_space<vmem>>, vector<1x16xf32>,
      %swap3A_88 = vector.shape_cast %swap3A_87 : vector<1x16xf32> to vector<16xf32>
      %swap3A_89 = vector.shape_cast %broadcast_in_dim3A_84 : vector<16xf32> to vector<1x16xf32>
      tpu.vector_store %arg9[%swap3A_85, %swap3A_86], %swap3A_89 {strides = array<i32>} : memref<128x128xf32, #tpu.memory_space<vmem>>, vector<1x16xf32>,
      %broadcast_in_dim3A_90 = arith.constant 0.000000e+00 : f32
      %broadcast_in_dim3A_91 = vector.broadcast %broadcast_in_dim3A_90 : f32 to vector<16xf32>
      %swap3A_92 = arith.index_cast %scan3A_55 : i32 to index
      %swap3A_93 = arith.constant 80 : index
      %swap3A_94 = tpu.vector_load %arg9[%swap3A_92, %swap3A_93] {strides = array<i32>} : memref<128x128xf32, #tpu.memory_space<vmem>>, vector<1x16xf32>,
      %swap3A_95 = vector.shape_cast %swap3A_94 : vector<1x16xf32> to vector<16xf32>
      %swap3A_96 = vector.shape_cast %broadcast_in_dim3A_91 : vector<16xf32> to vector<1x16xf32>
      tpu.vector_store %arg9[%swap3A_92, %swap3A_93], %swap3A_96 {strides = array<i32>} : memref<128x128xf32, #tpu.memory_space<vmem>>, vector<1x16xf32>,
      %broadcast_in_dim3A_97 = arith.constant 0.000000e+00 : f32
      %broadcast_in_dim3A_98 = vector.broadcast %broadcast_in_dim3A_97 : f32 to vector<16xf32>
      %swap3A_99 = arith.index_cast %scan3A_55 : i32 to index
      %swap3A_100 = arith.constant 96 : index
      %swap3A_101 = tpu.vector_load %arg9[%swap3A_99, %swap3A_100] {strides = array<i32>} : memref<128x128xf32, #tpu.memory_space<vmem>>, vector<1x16xf32>,
      %swap3A_102 = vector.shape_cast %swap3A_101 : vector<1x16xf32> to vector<16xf32>
      %swap3A_103 = vector.shape_cast %broadcast_in_dim3A_98 : vector<16xf32> to vector<1x16xf32>
      tpu.vector_store %arg9[%swap3A_99, %swap3A_100], %swap3A_103 {strides = array<i32>} : memref<128x128xf32, #tpu.memory_space<vmem>>, vector<1x16xf32>,
      %broadcast_in_dim3A_104 = arith.constant 0.000000e+00 : f32
      %broadcast_in_dim3A_105 = vector.broadcast %broadcast_in_dim3A_104 : f32 to vector<16xf32>
      %swap3A_106 = arith.index_cast %scan3A_55 : i32 to index
      %swap3A_107 = arith.constant 112 : index
      %swap3A_108 = tpu.vector_load %arg9[%swap3A_106, %swap3A_107] {strides = array<i32>} : memref<128x128xf32, #tpu.memory_space<vmem>>, vector<1x16xf32>,
      %swap3A_109 = vector.shape_cast %swap3A_108 : vector<1x16xf32> to vector<16xf32>
      %swap3A_110 = vector.shape_cast %broadcast_in_dim3A_105 : vector<16xf32> to vector<1x16xf32>
      tpu.vector_store %arg9[%swap3A_106, %swap3A_107], %swap3A_110 {strides = array<i32>} : memref<128x128xf32, #tpu.memory_space<vmem>>, vector<1x16xf32>,
      %scan3A_111 = arith.constant 0 : i32
      scf.yield %scan3A_111 : i32
    }
    %scan3A_6 = arith.constant 128 : i32
    %mul3A_7 = arith.constant 640 : i32
    %mul3A_8 = arith.muli %arg1, %mul3A_7 : i32
    %add3A_9 = arith.constant 0 : i32
    %add3A_10 = arith.addi %mul3A_8, %add3A_9 : i32
    "tpu.region"() ({
      %run_scoped3A = tpu.sem_alloc : memref<!tpu.dma_semaphore, #tpu.memory_space<semaphore_mem>>
      %dma_start3A = arith.constant 0 : i32
      %dma_start3A_55 = tpu.memref_slice %arg10[%add3A_10, %dma_start3A] : memref<10240x128xf32, #tpu.memory_space<vmem_shared>> -> memref<128x128xf32, #tpu.memory_space<vmem_shared>>
      %dma_start3A_56 = arith.constant 0 : i32
      %dma_start3A_57 = tpu.memref_slice %arg10[%add3A_10, %dma_start3A_56] : memref<10240x128xf32, #tpu.memory_space<vmem_shared>> -> memref<128x128xf32, #tpu.memory_space<vmem_shared>>
      tpu.enqueue_dma source(%arg9 : memref<128x128xf32, #tpu.memory_space<vmem>>) target(%dma_start3A_57 : memref<128x128xf32, #tpu.memory_space<vmem_shared>>) target_semaphore(%run_scoped3A : memref<!tpu.dma_semaphore, #tpu.memory_space<semaphore_mem>>)
      %dma_wait3A = arith.constant 0 : i32
      %dma_wait3A_58 = tpu.memref_slice %arg10[%add3A_10, %dma_wait3A] : memref<10240x128xf32, #tpu.memory_space<vmem_shared>> -> memref<128x128xf32, #tpu.memory_space<vmem_shared>>
      %dma_wait3A_59 = arith.constant 0 : i32
      %dma_wait3A_60 = tpu.memref_slice %arg10[%add3A_10, %dma_wait3A_59] : memref<10240x128xf32, #tpu.memory_space<vmem_shared>> -> memref<128x128xf32, #tpu.memory_space<vmem_shared>>
      tpu.wait_dma2 semaphore(%run_scoped3A : memref<!tpu.dma_semaphore, #tpu.memory_space<semaphore_mem>>) src(%arg9 : memref<128x128xf32, #tpu.memory_space<vmem>>) dst(%dma_wait3A_60 : memref<128x128xf32, #tpu.memory_space<vmem_shared>>)
      tpu.yield
    }) : () -> ()
    %mul3A_11 = arith.constant 640 : i32
    %mul3A_12 = arith.muli %arg1, %mul3A_11 : i32
    %add3A_13 = arith.constant 128 : i32
    %add3A_14 = arith.addi %mul3A_12, %add3A_13 : i32
    "tpu.region"() ({
      %run_scoped3A = tpu.sem_alloc : memref<!tpu.dma_semaphore, #tpu.memory_space<semaphore_mem>>
      %dma_start3A = arith.constant 0 : i32
      %dma_start3A_55 = tpu.memref_slice %arg10[%add3A_14, %dma_start3A] : memref<10240x128xf32, #tpu.memory_space<vmem_shared>> -> memref<128x128xf32, #tpu.memory_space<vmem_shared>>
      %dma_start3A_56 = arith.constant 0 : i32
      %dma_start3A_57 = tpu.memref_slice %arg10[%add3A_14, %dma_start3A_56] : memref<10240x128xf32, #tpu.memory_space<vmem_shared>> -> memref<128x128xf32, #tpu.memory_space<vmem_shared>>
      tpu.enqueue_dma source(%arg9 : memref<128x128xf32, #tpu.memory_space<vmem>>) target(%dma_start3A_57 : memref<128x128xf32, #tpu.memory_space<vmem_shared>>) target_semaphore(%run_scoped3A : memref<!tpu.dma_semaphore, #tpu.memory_space<semaphore_mem>>)
      %dma_wait3A = arith.constant 0 : i32
      %dma_wait3A_58 = tpu.memref_slice %arg10[%add3A_14, %dma_wait3A] : memref<10240x128xf32, #tpu.memory_space<vmem_shared>> -> memref<128x128xf32, #tpu.memory_space<vmem_shared>>
      %dma_wait3A_59 = arith.constant 0 : i32
      %dma_wait3A_60 = tpu.memref_slice %arg10[%add3A_14, %dma_wait3A_59] : memref<10240x128xf32, #tpu.memory_space<vmem_shared>> -> memref<128x128xf32, #tpu.memory_space<vmem_shared>>
      tpu.wait_dma2 semaphore(%run_scoped3A : memref<!tpu.dma_semaphore, #tpu.memory_space<semaphore_mem>>) src(%arg9 : memref<128x128xf32, #tpu.memory_space<vmem>>) dst(%dma_wait3A_60 : memref<128x128xf32, #tpu.memory_space<vmem_shared>>)
      tpu.yield
    }) : () -> ()
    %mul3A_15 = arith.constant 640 : i32
    %mul3A_16 = arith.muli %arg1, %mul3A_15 : i32
    %add3A_17 = arith.constant 256 : i32
    %add3A_18 = arith.addi %mul3A_16, %add3A_17 : i32
    "tpu.region"() ({
      %run_scoped3A = tpu.sem_alloc : memref<!tpu.dma_semaphore, #tpu.memory_space<semaphore_mem>>
      %dma_start3A = arith.constant 0 : i32
      %dma_start3A_55 = tpu.memref_slice %arg10[%add3A_18, %dma_start3A] : memref<10240x128xf32, #tpu.memory_space<vmem_shared>> -> memref<128x128xf32, #tpu.memory_space<vmem_shared>>
      %dma_start3A_56 = arith.constant 0 : i32
      %dma_start3A_57 = tpu.memref_slice %arg10[%add3A_18, %dma_start3A_56] : memref<10240x128xf32, #tpu.memory_space<vmem_shared>> -> memref<128x128xf32, #tpu.memory_space<vmem_shared>>
      tpu.enqueue_dma source(%arg9 : memref<128x128xf32, #tpu.memory_space<vmem>>) target(%dma_start3A_57 : memref<128x128xf32, #tpu.memory_space<vmem_shared>>) target_semaphore(%run_scoped3A : memref<!tpu.dma_semaphore, #tpu.memory_space<semaphore_mem>>)
      %dma_wait3A = arith.constant 0 : i32
      %dma_wait3A_58 = tpu.memref_slice %arg10[%add3A_18, %dma_wait3A] : memref<10240x128xf32, #tpu.memory_space<vmem_shared>> -> memref<128x128xf32, #tpu.memory_space<vmem_shared>>
      %dma_wait3A_59 = arith.constant 0 : i32
      %dma_wait3A_60 = tpu.memref_slice %arg10[%add3A_18, %dma_wait3A_59] : memref<10240x128xf32, #tpu.memory_space<vmem_shared>> -> memref<128x128xf32, #tpu.memory_space<vmem_shared>>
      tpu.wait_dma2 semaphore(%run_scoped3A : memref<!tpu.dma_semaphore, #tpu.memory_space<semaphore_mem>>) src(%arg9 : memref<128x128xf32, #tpu.memory_space<vmem>>) dst(%dma_wait3A_60 : memref<128x128xf32, #tpu.memory_space<vmem_shared>>)
      tpu.yield
    }) : () -> ()
    %mul3A_19 = arith.constant 640 : i32
    %mul3A_20 = arith.muli %arg1, %mul3A_19 : i32
    %add3A_21 = arith.constant 384 : i32
    %add3A_22 = arith.addi %mul3A_20, %add3A_21 : i32
    "tpu.region"() ({
      %run_scoped3A = tpu.sem_alloc : memref<!tpu.dma_semaphore, #tpu.memory_space<semaphore_mem>>
      %dma_start3A = arith.constant 0 : i32
      %dma_start3A_55 = tpu.memref_slice %arg10[%add3A_22, %dma_start3A] : memref<10240x128xf32, #tpu.memory_space<vmem_shared>> -> memref<128x128xf32, #tpu.memory_space<vmem_shared>>
      %dma_start3A_56 = arith.constant 0 : i32
      %dma_start3A_57 = tpu.memref_slice %arg10[%add3A_22, %dma_start3A_56] : memref<10240x128xf32, #tpu.memory_space<vmem_shared>> -> memref<128x128xf32, #tpu.memory_space<vmem_shared>>
      tpu.enqueue_dma source(%arg9 : memref<128x128xf32, #tpu.memory_space<vmem>>) target(%dma_start3A_57 : memref<128x128xf32, #tpu.memory_space<vmem_shared>>) target_semaphore(%run_scoped3A : memref<!tpu.dma_semaphore, #tpu.memory_space<semaphore_mem>>)
      %dma_wait3A = arith.constant 0 : i32
      %dma_wait3A_58 = tpu.memref_slice %arg10[%add3A_22, %dma_wait3A] : memref<10240x128xf32, #tpu.memory_space<vmem_shared>> -> memref<128x128xf32, #tpu.memory_space<vmem_shared>>
      %dma_wait3A_59 = arith.constant 0 : i32
      %dma_wait3A_60 = tpu.memref_slice %arg10[%add3A_22, %dma_wait3A_59] : memref<10240x128xf32, #tpu.memory_space<vmem_shared>> -> memref<128x128xf32, #tpu.memory_space<vmem_shared>>
      tpu.wait_dma2 semaphore(%run_scoped3A : memref<!tpu.dma_semaphore, #tpu.memory_space<semaphore_mem>>) src(%arg9 : memref<128x128xf32, #tpu.memory_space<vmem>>) dst(%dma_wait3A_60 : memref<128x128xf32, #tpu.memory_space<vmem_shared>>)
      tpu.yield
    }) : () -> ()
    %mul3A_23 = arith.constant 640 : i32
    %mul3A_24 = arith.muli %arg1, %mul3A_23 : i32
    %add3A_25 = arith.constant 512 : i32
    %add3A_26 = arith.addi %mul3A_24, %add3A_25 : i32
    "tpu.region"() ({
      %run_scoped3A = tpu.sem_alloc : memref<!tpu.dma_semaphore, #tpu.memory_space<semaphore_mem>>
      %dma_start3A = arith.constant 0 : i32
      %dma_start3A_55 = tpu.memref_slice %arg10[%add3A_26, %dma_start3A] : memref<10240x128xf32, #tpu.memory_space<vmem_shared>> -> memref<128x128xf32, #tpu.memory_space<vmem_shared>>
      %dma_start3A_56 = arith.constant 0 : i32
      %dma_start3A_57 = tpu.memref_slice %arg10[%add3A_26, %dma_start3A_56] : memref<10240x128xf32, #tpu.memory_space<vmem_shared>> -> memref<128x128xf32, #tpu.memory_space<vmem_shared>>
      tpu.enqueue_dma source(%arg9 : memref<128x128xf32, #tpu.memory_space<vmem>>) target(%dma_start3A_57 : memref<128x128xf32, #tpu.memory_space<vmem_shared>>) target_semaphore(%run_scoped3A : memref<!tpu.dma_semaphore, #tpu.memory_space<semaphore_mem>>)
      %dma_wait3A = arith.constant 0 : i32
      %dma_wait3A_58 = tpu.memref_slice %arg10[%add3A_26, %dma_wait3A] : memref<10240x128xf32, #tpu.memory_space<vmem_shared>> -> memref<128x128xf32, #tpu.memory_space<vmem_shared>>
      %dma_wait3A_59 = arith.constant 0 : i32
      %dma_wait3A_60 = tpu.memref_slice %arg10[%add3A_26, %dma_wait3A_59] : memref<10240x128xf32, #tpu.memory_space<vmem_shared>> -> memref<128x128xf32, #tpu.memory_space<vmem_shared>>
      tpu.wait_dma2 semaphore(%run_scoped3A : memref<!tpu.dma_semaphore, #tpu.memory_space<semaphore_mem>>) src(%arg9 : memref<128x128xf32, #tpu.memory_space<vmem>>) dst(%dma_wait3A_60 : memref<128x128xf32, #tpu.memory_space<vmem_shared>>)
      tpu.yield
    }) : () -> ()
    %barrier3A = arith.constant 0 : index
    tpu.barrier barrier_id(%barrier3A)
    %scan3A_27 = arith.constant 0 : i32
    %scan3A_28 = arith.constant 0 : i32
    %scan3A_29 = arith.constant 125 : i32
    %scan3A_30 = arith.addi %scan3A_28, %scan3A_29 : i32
    %scan3A_31 = arith.constant 1 : i32
    %scan3A_32 = scf.for %scan3A_55 = %scan3A_28 to %scan3A_30 step %scan3A_31 iter_args(%scan3A_56 = %scan3A_27) -> (i32)  : i32 {
      %mul3A_57 = arith.constant 10000 : i32
      %mul3A_58 = arith.muli %add3A, %mul3A_57 : i32
      %mul3A_59 = arith.constant 80 : i32
      %mul3A_60 = arith.muli %scan3A_55, %mul3A_59 : i32
      %add3A_61 = arith.addi %mul3A_58, %mul3A_60 : i32
      "tpu.region"() ({
        %run_scoped3A = tpu.sem_alloc : memref<!tpu.dma_semaphore, #tpu.memory_space<semaphore_mem>>
        %dma_start3A_67 = tpu.memref_slice %arg3[%add3A_61] : memref<320000xi32, #tpu.memory_space<hbm>> -> memref<80xi32, #tpu.memory_space<hbm>>
        %dma_start3A_68 = tpu.memref_slice %arg3[%add3A_61] : memref<320000xi32, #tpu.memory_space<hbm>> -> memref<80xi32, #tpu.memory_space<hbm>>
        tpu.enqueue_dma source(%dma_start3A_68 : memref<80xi32, #tpu.memory_space<hbm>>) target(%arg6 : memref<80xi32, #tpu.memory_space<vmem>>) target_semaphore(%run_scoped3A : memref<!tpu.dma_semaphore, #tpu.memory_space<semaphore_mem>>)
        %dma_wait3A_69 = tpu.memref_slice %arg3[%add3A_61] : memref<320000xi32, #tpu.memory_space<hbm>> -> memref<80xi32, #tpu.memory_space<hbm>>
        %dma_wait3A_70 = tpu.memref_slice %arg3[%add3A_61] : memref<320000xi32, #tpu.memory_space<hbm>> -> memref<80xi32, #tpu.memory_space<hbm>>
        tpu.wait_dma2 semaphore(%run_scoped3A : memref<!tpu.dma_semaphore, #tpu.memory_space<semaphore_mem>>) src(%dma_wait3A_70 : memref<80xi32, #tpu.memory_space<hbm>>) dst(%arg6 : memref<80xi32, #tpu.memory_space<vmem>>)
        tpu.yield
      }) : () -> ()
      %dma_start3A = arith.constant 0 : i32
      %dma_start3A_62 = arith.constant 0 : i32
      %dma_start3A_63 = tpu.memref_slice %arg2[%dma_start3A, %dma_start3A_62] : memref<10000x128xf32, #tpu.memory_space<hbm>> -> memref<10000x128xf32, #tpu.memory_space<hbm>>
      tpu.enqueue_indirect_dma source(%dma_start3A_63 : memref<10000x128xf32, #tpu.memory_space<hbm>>) target(%arg8 : memref<80x128xf32, #tpu.memory_space<vmem>>) offsets(%arg6 : memref<80xi32, #tpu.memory_space<vmem>>) semaphore(%arg11 : memref<!tpu.dma_semaphore, #tpu.memory_space<semaphore_mem>>)
      %dma_wait3A = arith.constant 0 : i32
      %dma_wait3A_64 = arith.constant 0 : i32
      %dma_wait3A_65 = tpu.memref_slice %arg2[%dma_wait3A, %dma_wait3A_64] : memref<10000x128xf32, #tpu.memory_space<hbm>> -> memref<10000x128xf32, #tpu.memory_space<hbm>>
      tpu.wait_indirect_dma semaphore(%arg11 : memref<!tpu.dma_semaphore, #tpu.memory_space<semaphore_mem>>) src(%dma_wait3A_65 : memref<10000x128xf32, #tpu.memory_space<hbm>>) dst(%arg8 : memref<80x128xf32, #tpu.memory_space<vmem>>)
      "tpu.region"() ({
        %run_scoped3A = tpu.sem_alloc : memref<!tpu.dma_semaphore, #tpu.memory_space<semaphore_mem>>
        %dma_start3A_67 = tpu.memref_slice %arg4[%add3A_61] : memref<320000xi32, #tpu.memory_space<hbm>> -> memref<80xi32, #tpu.memory_space<hbm>>
        %dma_start3A_68 = tpu.memref_slice %arg4[%add3A_61] : memref<320000xi32, #tpu.memory_space<hbm>> -> memref<80xi32, #tpu.memory_space<hbm>>
        tpu.enqueue_dma source(%dma_start3A_68 : memref<80xi32, #tpu.memory_space<hbm>>) target(%arg7 : memref<80xi32, #tpu.memory_space<vmem>>) target_semaphore(%run_scoped3A : memref<!tpu.dma_semaphore, #tpu.memory_space<semaphore_mem>>)
        %dma_wait3A_69 = tpu.memref_slice %arg4[%add3A_61] : memref<320000xi32, #tpu.memory_space<hbm>> -> memref<80xi32, #tpu.memory_space<hbm>>
        %dma_wait3A_70 = tpu.memref_slice %arg4[%add3A_61] : memref<320000xi32, #tpu.memory_space<hbm>> -> memref<80xi32, #tpu.memory_space<hbm>>
        tpu.wait_dma2 semaphore(%run_scoped3A : memref<!tpu.dma_semaphore, #tpu.memory_space<semaphore_mem>>) src(%dma_wait3A_70 : memref<80xi32, #tpu.memory_space<hbm>>) dst(%arg7 : memref<80xi32, #tpu.memory_space<vmem>>)
        tpu.yield
      }) : () -> ()
      "tpu.region"() ({
        %run_scoped3A = tpu.sem_alloc : memref<!tpu.dma_semaphore, #tpu.memory_space<semaphore_mem>>
        %dma_start3A_67 = arith.constant 0 : i32
        %dma_start3A_68 = arith.constant 0 : i32
        %dma_start3A_69 = tpu.memref_slice %arg10[%dma_start3A_67, %dma_start3A_68] : memref<10240x128xf32, #tpu.memory_space<vmem_shared>> -> memref<10240x128xf32, #tpu.memory_space<vmem_shared>>
        tpu.enqueue_indirect_dma source(%arg8 : memref<80x128xf32, #tpu.memory_space<vmem>>) target(%dma_start3A_69 : memref<10240x128xf32, #tpu.memory_space<vmem_shared>>) offsets(%arg7 : memref<80xi32, #tpu.memory_space<vmem>>) semaphore(%run_scoped3A : memref<!tpu.dma_semaphore, #tpu.memory_space<semaphore_mem>>) {add = true}
        %dma_wait3A_70 = arith.constant 0 : i32
        %dma_wait3A_71 = arith.constant 0 : i32
        %dma_wait3A_72 = tpu.memref_slice %arg10[%dma_wait3A_70, %dma_wait3A_71] : memref<10240x128xf32, #tpu.memory_space<vmem_shared>> -> memref<10240x128xf32, #tpu.memory_space<vmem_shared>>
        tpu.wait_indirect_dma semaphore(%run_scoped3A : memref<!tpu.dma_semaphore, #tpu.memory_space<semaphore_mem>>) src(%arg8 : memref<80x128xf32, #tpu.memory_space<vmem>>) dst(%dma_wait3A_72 : memref<10240x128xf32, #tpu.memory_space<vmem_shared>>)
        tpu.yield
      }) : () -> ()
      %scan3A_66 = arith.constant 0 : i32
      scf.yield %scan3A_66 : i32
    }
    %scan3A_33 = arith.constant 125 : i32
    %barrier3A_34 = arith.constant 0 : index
    tpu.barrier barrier_id(%barrier3A_34)
    %mul3A_35 = arith.constant 640 : i32
    %mul3A_36 = arith.muli %arg1, %mul3A_35 : i32
    %add3A_37 = arith.constant 0 : i32
    %add3A_38 = arith.addi %mul3A_36, %add3A_37 : i32
    "tpu.region"() ({
      %run_scoped3A = tpu.sem_alloc : memref<!tpu.dma_semaphore, #tpu.memory_space<semaphore_mem>>
      %dma_start3A = arith.constant 0 : i32
      %dma_start3A_55 = tpu.memref_slice %arg10[%add3A_38, %dma_start3A] : memref<10240x128xf32, #tpu.memory_space<vmem_shared>> -> memref<128x128xf32, #tpu.memory_space<vmem_shared>>
      %dma_start3A_56 = arith.constant 0 : i32
      %dma_start3A_57 = tpu.memref_slice %arg10[%add3A_38, %dma_start3A_56] : memref<10240x128xf32, #tpu.memory_space<vmem_shared>> -> memref<128x128xf32, #tpu.memory_space<vmem_shared>>
      tpu.enqueue_dma source(%dma_start3A_57 : memref<128x128xf32, #tpu.memory_space<vmem_shared>>) target(%arg9 : memref<128x128xf32, #tpu.memory_space<vmem>>) target_semaphore(%run_scoped3A : memref<!tpu.dma_semaphore, #tpu.memory_space<semaphore_mem>>)
      %dma_wait3A = arith.constant 0 : i32
      %dma_wait3A_58 = tpu.memref_slice %arg10[%add3A_38, %dma_wait3A] : memref<10240x128xf32, #tpu.memory_space<vmem_shared>> -> memref<128x128xf32, #tpu.memory_space<vmem_shared>>
      %dma_wait3A_59 = arith.constant 0 : i32
      %dma_wait3A_60 = tpu.memref_slice %arg10[%add3A_38, %dma_wait3A_59] : memref<10240x128xf32, #tpu.memory_space<vmem_shared>> -> memref<128x128xf32, #tpu.memory_space<vmem_shared>>
      tpu.wait_dma2 semaphore(%run_scoped3A : memref<!tpu.dma_semaphore, #tpu.memory_space<semaphore_mem>>) src(%dma_wait3A_60 : memref<128x128xf32, #tpu.memory_space<vmem_shared>>) dst(%arg9 : memref<128x128xf32, #tpu.memory_space<vmem>>)
      tpu.yield
    }) : () -> ()
    "tpu.region"() ({
      %run_scoped3A = tpu.sem_alloc : memref<!tpu.dma_semaphore, #tpu.memory_space<semaphore_mem>>
      %dma_start3A = arith.constant 0 : i32
      %dma_start3A_55 = arith.constant 0 : i32
      %dma_start3A_56 = tpu.memref_slice %arg5[%arg0, %dma_start3A, %dma_start3A_55] : memref<2x10240x128xf32, #tpu.memory_space<hbm>> -> memref<1x10240x128xf32, #tpu.memory_space<hbm>>
      %dma_start3A_57 = tpu.memref_squeeze %dma_start3A_56 : memref<1x10240x128xf32, #tpu.memory_space<hbm>> -> memref<10240x128xf32, #tpu.memory_space<hbm>>
      %dma_start3A_58 = arith.constant 0 : i32
      %dma_start3A_59 = tpu.memref_slice %dma_start3A_57[%add3A_38, %dma_start3A_58] : memref<10240x128xf32, #tpu.memory_space<hbm>> -> memref<128x128xf32, #tpu.memory_space<hbm>>
      %dma_start3A_60 = arith.constant 0 : i32
      %dma_start3A_61 = arith.constant 0 : i32
      %dma_start3A_62 = tpu.memref_slice %arg5[%arg0, %dma_start3A_60, %dma_start3A_61] : memref<2x10240x128xf32, #tpu.memory_space<hbm>> -> memref<1x10240x128xf32, #tpu.memory_space<hbm>>
      %dma_start3A_63 = tpu.memref_squeeze %dma_start3A_62 : memref<1x10240x128xf32, #tpu.memory_space<hbm>> -> memref<10240x128xf32, #tpu.memory_space<hbm>>
      %dma_start3A_64 = arith.constant 0 : i32
      %dma_start3A_65 = tpu.memref_slice %dma_start3A_63[%add3A_38, %dma_start3A_64] : memref<10240x128xf32, #tpu.memory_space<hbm>> -> memref<128x128xf32, #tpu.memory_space<hbm>>
      tpu.enqueue_dma source(%arg9 : memref<128x128xf32, #tpu.memory_space<vmem>>) target(%dma_start3A_65 : memref<128x128xf32, #tpu.memory_space<hbm>>) target_semaphore(%run_scoped3A : memref<!tpu.dma_semaphore, #tpu.memory_space<semaphore_mem>>)
      %dma_wait3A = arith.constant 0 : i32
      %dma_wait3A_66 = arith.constant 0 : i32
      %dma_wait3A_67 = tpu.memref_slice %arg5[%arg0, %dma_wait3A, %dma_wait3A_66] : memref<2x10240x128xf32, #tpu.memory_space<hbm>> -> memref<1x10240x128xf32, #tpu.memory_space<hbm>>
      %dma_wait3A_68 = tpu.memref_squeeze %dma_wait3A_67 : memref<1x10240x128xf32, #tpu.memory_space<hbm>> -> memref<10240x128xf32, #tpu.memory_space<hbm>>
      %dma_wait3A_69 = arith.constant 0 : i32
      %dma_wait3A_70 = tpu.memref_slice %dma_wait3A_68[%add3A_38, %dma_wait3A_69] : memref<10240x128xf32, #tpu.memory_space<hbm>> -> memref<128x128xf32, #tpu.memory_space<hbm>>
      %dma_wait3A_71 = arith.constant 0 : i32
      %dma_wait3A_72 = arith.constant 0 : i32
      %dma_wait3A_73 = tpu.memref_slice %arg5[%arg0, %dma_wait3A_71, %dma_wait3A_72] : memref<2x10240x128xf32, #tpu.memory_space<hbm>> -> memref<1x10240x128xf32, #tpu.memory_space<hbm>>
      %dma_wait3A_74 = tpu.memref_squeeze %dma_wait3A_73 : memref<1x10240x128xf32, #tpu.memory_space<hbm>> -> memref<10240x128xf32, #tpu.memory_space<hbm>>
      %dma_wait3A_75 = arith.constant 0 : i32
      %dma_wait3A_76 = tpu.memref_slice %dma_wait3A_74[%add3A_38, %dma_wait3A_75] : memref<10240x128xf32, #tpu.memory_space<hbm>> -> memref<128x128xf32, #tpu.memory_space<hbm>>
      tpu.wait_dma2 semaphore(%run_scoped3A : memref<!tpu.dma_semaphore, #tpu.memory_space<semaphore_mem>>) src(%arg9 : memref<128x128xf32, #tpu.memory_space<vmem>>) dst(%dma_wait3A_76 : memref<128x128xf32, #tpu.memory_space<hbm>>)
      tpu.yield
    }) : () -> ()
    %mul3A_39 = arith.constant 640 : i32
    %mul3A_40 = arith.muli %arg1, %mul3A_39 : i32
    %add3A_41 = arith.constant 128 : i32
    %add3A_42 = arith.addi %mul3A_40, %add3A_41 : i32
    "tpu.region"() ({
      %run_scoped3A = tpu.sem_alloc : memref<!tpu.dma_semaphore, #tpu.memory_space<semaphore_mem>>
      %dma_start3A = arith.constant 0 : i32
      %dma_start3A_55 = tpu.memref_slice %arg10[%add3A_42, %dma_start3A] : memref<10240x128xf32, #tpu.memory_space<vmem_shared>> -> memref<128x128xf32, #tpu.memory_space<vmem_shared>>
      %dma_start3A_56 = arith.constant 0 : i32
      %dma_start3A_57 = tpu.memref_slice %arg10[%add3A_42, %dma_start3A_56] : memref<10240x128xf32, #tpu.memory_space<vmem_shared>> -> memref<128x128xf32, #tpu.memory_space<vmem_shared>>
      tpu.enqueue_dma source(%dma_start3A_57 : memref<128x128xf32, #tpu.memory_space<vmem_shared>>) target(%arg9 : memref<128x128xf32, #tpu.memory_space<vmem>>) target_semaphore(%run_scoped3A : memref<!tpu.dma_semaphore, #tpu.memory_space<semaphore_mem>>)
      %dma_wait3A = arith.constant 0 : i32
      %dma_wait3A_58 = tpu.memref_slice %arg10[%add3A_42, %dma_wait3A] : memref<10240x128xf32, #tpu.memory_space<vmem_shared>> -> memref<128x128xf32, #tpu.memory_space<vmem_shared>>
      %dma_wait3A_59 = arith.constant 0 : i32
      %dma_wait3A_60 = tpu.memref_slice %arg10[%add3A_42, %dma_wait3A_59] : memref<10240x128xf32, #tpu.memory_space<vmem_shared>> -> memref<128x128xf32, #tpu.memory_space<vmem_shared>>
      tpu.wait_dma2 semaphore(%run_scoped3A : memref<!tpu.dma_semaphore, #tpu.memory_space<semaphore_mem>>) src(%dma_wait3A_60 : memref<128x128xf32, #tpu.memory_space<vmem_shared>>) dst(%arg9 : memref<128x128xf32, #tpu.memory_space<vmem>>)
      tpu.yield
    }) : () -> ()
    "tpu.region"() ({
      %run_scoped3A = tpu.sem_alloc : memref<!tpu.dma_semaphore, #tpu.memory_space<semaphore_mem>>
      %dma_start3A = arith.constant 0 : i32
      %dma_start3A_55 = arith.constant 0 : i32
      %dma_start3A_56 = tpu.memref_slice %arg5[%arg0, %dma_start3A, %dma_start3A_55] : memref<2x10240x128xf32, #tpu.memory_space<hbm>> -> memref<1x10240x128xf32, #tpu.memory_space<hbm>>
      %dma_start3A_57 = tpu.memref_squeeze %dma_start3A_56 : memref<1x10240x128xf32, #tpu.memory_space<hbm>> -> memref<10240x128xf32, #tpu.memory_space<hbm>>
      %dma_start3A_58 = arith.constant 0 : i32
      %dma_start3A_59 = tpu.memref_slice %dma_start3A_57[%add3A_42, %dma_start3A_58] : memref<10240x128xf32, #tpu.memory_space<hbm>> -> memref<128x128xf32, #tpu.memory_space<hbm>>
      %dma_start3A_60 = arith.constant 0 : i32
      %dma_start3A_61 = arith.constant 0 : i32
      %dma_start3A_62 = tpu.memref_slice %arg5[%arg0, %dma_start3A_60, %dma_start3A_61] : memref<2x10240x128xf32, #tpu.memory_space<hbm>> -> memref<1x10240x128xf32, #tpu.memory_space<hbm>>
      %dma_start3A_63 = tpu.memref_squeeze %dma_start3A_62 : memref<1x10240x128xf32, #tpu.memory_space<hbm>> -> memref<10240x128xf32, #tpu.memory_space<hbm>>
      %dma_start3A_64 = arith.constant 0 : i32
      %dma_start3A_65 = tpu.memref_slice %dma_start3A_63[%add3A_42, %dma_start3A_64] : memref<10240x128xf32, #tpu.memory_space<hbm>> -> memref<128x128xf32, #tpu.memory_space<hbm>>
      tpu.enqueue_dma source(%arg9 : memref<128x128xf32, #tpu.memory_space<vmem>>) target(%dma_start3A_65 : memref<128x128xf32, #tpu.memory_space<hbm>>) target_semaphore(%run_scoped3A : memref<!tpu.dma_semaphore, #tpu.memory_space<semaphore_mem>>)
      %dma_wait3A = arith.constant 0 : i32
      %dma_wait3A_66 = arith.constant 0 : i32
      %dma_wait3A_67 = tpu.memref_slice %arg5[%arg0, %dma_wait3A, %dma_wait3A_66] : memref<2x10240x128xf32, #tpu.memory_space<hbm>> -> memref<1x10240x128xf32, #tpu.memory_space<hbm>>
      %dma_wait3A_68 = tpu.memref_squeeze %dma_wait3A_67 : memref<1x10240x128xf32, #tpu.memory_space<hbm>> -> memref<10240x128xf32, #tpu.memory_space<hbm>>
      %dma_wait3A_69 = arith.constant 0 : i32
      %dma_wait3A_70 = tpu.memref_slice %dma_wait3A_68[%add3A_42, %dma_wait3A_69] : memref<10240x128xf32, #tpu.memory_space<hbm>> -> memref<128x128xf32, #tpu.memory_space<hbm>>
      %dma_wait3A_71 = arith.constant 0 : i32
      %dma_wait3A_72 = arith.constant 0 : i32
      %dma_wait3A_73 = tpu.memref_slice %arg5[%arg0, %dma_wait3A_71, %dma_wait3A_72] : memref<2x10240x128xf32, #tpu.memory_space<hbm>> -> memref<1x10240x128xf32, #tpu.memory_space<hbm>>
      %dma_wait3A_74 = tpu.memref_squeeze %dma_wait3A_73 : memref<1x10240x128xf32, #tpu.memory_space<hbm>> -> memref<10240x128xf32, #tpu.memory_space<hbm>>
      %dma_wait3A_75 = arith.constant 0 : i32
      %dma_wait3A_76 = tpu.memref_slice %dma_wait3A_74[%add3A_42, %dma_wait3A_75] : memref<10240x128xf32, #tpu.memory_space<hbm>> -> memref<128x128xf32, #tpu.memory_space<hbm>>
      tpu.wait_dma2 semaphore(%run_scoped3A : memref<!tpu.dma_semaphore, #tpu.memory_space<semaphore_mem>>) src(%arg9 : memref<128x128xf32, #tpu.memory_space<vmem>>) dst(%dma_wait3A_76 : memref<128x128xf32, #tpu.memory_space<hbm>>)
      tpu.yield
    }) : () -> ()
    %mul3A_43 = arith.constant 640 : i32
    %mul3A_44 = arith.muli %arg1, %mul3A_43 : i32
    %add3A_45 = arith.constant 256 : i32
    %add3A_46 = arith.addi %mul3A_44, %add3A_45 : i32
    "tpu.region"() ({
      %run_scoped3A = tpu.sem_alloc : memref<!tpu.dma_semaphore, #tpu.memory_space<semaphore_mem>>
      %dma_start3A = arith.constant 0 : i32
      %dma_start3A_55 = tpu.memref_slice %arg10[%add3A_46, %dma_start3A] : memref<10240x128xf32, #tpu.memory_space<vmem_shared>> -> memref<128x128xf32, #tpu.memory_space<vmem_shared>>
      %dma_start3A_56 = arith.constant 0 : i32
      %dma_start3A_57 = tpu.memref_slice %arg10[%add3A_46, %dma_start3A_56] : memref<10240x128xf32, #tpu.memory_space<vmem_shared>> -> memref<128x128xf32, #tpu.memory_space<vmem_shared>>
      tpu.enqueue_dma source(%dma_start3A_57 : memref<128x128xf32, #tpu.memory_space<vmem_shared>>) target(%arg9 : memref<128x128xf32, #tpu.memory_space<vmem>>) target_semaphore(%run_scoped3A : memref<!tpu.dma_semaphore, #tpu.memory_space<semaphore_mem>>)
      %dma_wait3A = arith.constant 0 : i32
      %dma_wait3A_58 = tpu.memref_slice %arg10[%add3A_46, %dma_wait3A] : memref<10240x128xf32, #tpu.memory_space<vmem_shared>> -> memref<128x128xf32, #tpu.memory_space<vmem_shared>>
      %dma_wait3A_59 = arith.constant 0 : i32
      %dma_wait3A_60 = tpu.memref_slice %arg10[%add3A_46, %dma_wait3A_59] : memref<10240x128xf32, #tpu.memory_space<vmem_shared>> -> memref<128x128xf32, #tpu.memory_space<vmem_shared>>
      tpu.wait_dma2 semaphore(%run_scoped3A : memref<!tpu.dma_semaphore, #tpu.memory_space<semaphore_mem>>) src(%dma_wait3A_60 : memref<128x128xf32, #tpu.memory_space<vmem_shared>>) dst(%arg9 : memref<128x128xf32, #tpu.memory_space<vmem>>)
      tpu.yield
    }) : () -> ()
    "tpu.region"() ({
      %run_scoped3A = tpu.sem_alloc : memref<!tpu.dma_semaphore, #tpu.memory_space<semaphore_mem>>
      %dma_start3A = arith.constant 0 : i32
      %dma_start3A_55 = arith.constant 0 : i32
      %dma_start3A_56 = tpu.memref_slice %arg5[%arg0, %dma_start3A, %dma_start3A_55] : memref<2x10240x128xf32, #tpu.memory_space<hbm>> -> memref<1x10240x128xf32, #tpu.memory_space<hbm>>
      %dma_start3A_57 = tpu.memref_squeeze %dma_start3A_56 : memref<1x10240x128xf32, #tpu.memory_space<hbm>> -> memref<10240x128xf32, #tpu.memory_space<hbm>>
      %dma_start3A_58 = arith.constant 0 : i32
      %dma_start3A_59 = tpu.memref_slice %dma_start3A_57[%add3A_46, %dma_start3A_58] : memref<10240x128xf32, #tpu.memory_space<hbm>> -> memref<128x128xf32, #tpu.memory_space<hbm>>
      %dma_start3A_60 = arith.constant 0 : i32
      %dma_start3A_61 = arith.constant 0 : i32
      %dma_start3A_62 = tpu.memref_slice %arg5[%arg0, %dma_start3A_60, %dma_start3A_61] : memref<2x10240x128xf32, #tpu.memory_space<hbm>> -> memref<1x10240x128xf32, #tpu.memory_space<hbm>>
      %dma_start3A_63 = tpu.memref_squeeze %dma_start3A_62 : memref<1x10240x128xf32, #tpu.memory_space<hbm>> -> memref<10240x128xf32, #tpu.memory_space<hbm>>
      %dma_start3A_64 = arith.constant 0 : i32
      %dma_start3A_65 = tpu.memref_slice %dma_start3A_63[%add3A_46, %dma_start3A_64] : memref<10240x128xf32, #tpu.memory_space<hbm>> -> memref<128x128xf32, #tpu.memory_space<hbm>>
      tpu.enqueue_dma source(%arg9 : memref<128x128xf32, #tpu.memory_space<vmem>>) target(%dma_start3A_65 : memref<128x128xf32, #tpu.memory_space<hbm>>) target_semaphore(%run_scoped3A : memref<!tpu.dma_semaphore, #tpu.memory_space<semaphore_mem>>)
      %dma_wait3A = arith.constant 0 : i32
      %dma_wait3A_66 = arith.constant 0 : i32
      %dma_wait3A_67 = tpu.memref_slice %arg5[%arg0, %dma_wait3A, %dma_wait3A_66] : memref<2x10240x128xf32, #tpu.memory_space<hbm>> -> memref<1x10240x128xf32, #tpu.memory_space<hbm>>
      %dma_wait3A_68 = tpu.memref_squeeze %dma_wait3A_67 : memref<1x10240x128xf32, #tpu.memory_space<hbm>> -> memref<10240x128xf32, #tpu.memory_space<hbm>>
      %dma_wait3A_69 = arith.constant 0 : i32
      %dma_wait3A_70 = tpu.memref_slice %dma_wait3A_68[%add3A_46, %dma_wait3A_69] : memref<10240x128xf32, #tpu.memory_space<hbm>> -> memref<128x128xf32, #tpu.memory_space<hbm>>
      %dma_wait3A_71 = arith.constant 0 : i32
      %dma_wait3A_72 = arith.constant 0 : i32
      %dma_wait3A_73 = tpu.memref_slice %arg5[%arg0, %dma_wait3A_71, %dma_wait3A_72] : memref<2x10240x128xf32, #tpu.memory_space<hbm>> -> memref<1x10240x128xf32, #tpu.memory_space<hbm>>
      %dma_wait3A_74 = tpu.memref_squeeze %dma_wait3A_73 : memref<1x10240x128xf32, #tpu.memory_space<hbm>> -> memref<10240x128xf32, #tpu.memory_space<hbm>>
      %dma_wait3A_75 = arith.constant 0 : i32
      %dma_wait3A_76 = tpu.memref_slice %dma_wait3A_74[%add3A_46, %dma_wait3A_75] : memref<10240x128xf32, #tpu.memory_space<hbm>> -> memref<128x128xf32, #tpu.memory_space<hbm>>
      tpu.wait_dma2 semaphore(%run_scoped3A : memref<!tpu.dma_semaphore, #tpu.memory_space<semaphore_mem>>) src(%arg9 : memref<128x128xf32, #tpu.memory_space<vmem>>) dst(%dma_wait3A_76 : memref<128x128xf32, #tpu.memory_space<hbm>>)
      tpu.yield
    }) : () -> ()
    %mul3A_47 = arith.constant 640 : i32
    %mul3A_48 = arith.muli %arg1, %mul3A_47 : i32
    %add3A_49 = arith.constant 384 : i32
    %add3A_50 = arith.addi %mul3A_48, %add3A_49 : i32
    "tpu.region"() ({
      %run_scoped3A = tpu.sem_alloc : memref<!tpu.dma_semaphore, #tpu.memory_space<semaphore_mem>>
      %dma_start3A = arith.constant 0 : i32
      %dma_start3A_55 = tpu.memref_slice %arg10[%add3A_50, %dma_start3A] : memref<10240x128xf32, #tpu.memory_space<vmem_shared>> -> memref<128x128xf32, #tpu.memory_space<vmem_shared>>
      %dma_start3A_56 = arith.constant 0 : i32
      %dma_start3A_57 = tpu.memref_slice %arg10[%add3A_50, %dma_start3A_56] : memref<10240x128xf32, #tpu.memory_space<vmem_shared>> -> memref<128x128xf32, #tpu.memory_space<vmem_shared>>
      tpu.enqueue_dma source(%dma_start3A_57 : memref<128x128xf32, #tpu.memory_space<vmem_shared>>) target(%arg9 : memref<128x128xf32, #tpu.memory_space<vmem>>) target_semaphore(%run_scoped3A : memref<!tpu.dma_semaphore, #tpu.memory_space<semaphore_mem>>)
      %dma_wait3A = arith.constant 0 : i32
      %dma_wait3A_58 = tpu.memref_slice %arg10[%add3A_50, %dma_wait3A] : memref<10240x128xf32, #tpu.memory_space<vmem_shared>> -> memref<128x128xf32, #tpu.memory_space<vmem_shared>>
      %dma_wait3A_59 = arith.constant 0 : i32
      %dma_wait3A_60 = tpu.memref_slice %arg10[%add3A_50, %dma_wait3A_59] : memref<10240x128xf32, #tpu.memory_space<vmem_shared>> -> memref<128x128xf32, #tpu.memory_space<vmem_shared>>
      tpu.wait_dma2 semaphore(%run_scoped3A : memref<!tpu.dma_semaphore, #tpu.memory_space<semaphore_mem>>) src(%dma_wait3A_60 : memref<128x128xf32, #tpu.memory_space<vmem_shared>>) dst(%arg9 : memref<128x128xf32, #tpu.memory_space<vmem>>)
      tpu.yield
    }) : () -> ()
    "tpu.region"() ({
      %run_scoped3A = tpu.sem_alloc : memref<!tpu.dma_semaphore, #tpu.memory_space<semaphore_mem>>
      %dma_start3A = arith.constant 0 : i32
      %dma_start3A_55 = arith.constant 0 : i32
      %dma_start3A_56 = tpu.memref_slice %arg5[%arg0, %dma_start3A, %dma_start3A_55] : memref<2x10240x128xf32, #tpu.memory_space<hbm>> -> memref<1x10240x128xf32, #tpu.memory_space<hbm>>
      %dma_start3A_57 = tpu.memref_squeeze %dma_start3A_56 : memref<1x10240x128xf32, #tpu.memory_space<hbm>> -> memref<10240x128xf32, #tpu.memory_space<hbm>>
      %dma_start3A_58 = arith.constant 0 : i32
      %dma_start3A_59 = tpu.memref_slice %dma_start3A_57[%add3A_50, %dma_start3A_58] : memref<10240x128xf32, #tpu.memory_space<hbm>> -> memref<128x128xf32, #tpu.memory_space<hbm>>
      %dma_start3A_60 = arith.constant 0 : i32
      %dma_start3A_61 = arith.constant 0 : i32
      %dma_start3A_62 = tpu.memref_slice %arg5[%arg0, %dma_start3A_60, %dma_start3A_61] : memref<2x10240x128xf32, #tpu.memory_space<hbm>> -> memref<1x10240x128xf32, #tpu.memory_space<hbm>>
      %dma_start3A_63 = tpu.memref_squeeze %dma_start3A_62 : memref<1x10240x128xf32, #tpu.memory_space<hbm>> -> memref<10240x128xf32, #tpu.memory_space<hbm>>
      %dma_start3A_64 = arith.constant 0 : i32
      %dma_start3A_65 = tpu.memref_slice %dma_start3A_63[%add3A_50, %dma_start3A_64] : memref<10240x128xf32, #tpu.memory_space<hbm>> -> memref<128x128xf32, #tpu.memory_space<hbm>>
      tpu.enqueue_dma source(%arg9 : memref<128x128xf32, #tpu.memory_space<vmem>>) target(%dma_start3A_65 : memref<128x128xf32, #tpu.memory_space<hbm>>) target_semaphore(%run_scoped3A : memref<!tpu.dma_semaphore, #tpu.memory_space<semaphore_mem>>)
      %dma_wait3A = arith.constant 0 : i32
      %dma_wait3A_66 = arith.constant 0 : i32
      %dma_wait3A_67 = tpu.memref_slice %arg5[%arg0, %dma_wait3A, %dma_wait3A_66] : memref<2x10240x128xf32, #tpu.memory_space<hbm>> -> memref<1x10240x128xf32, #tpu.memory_space<hbm>>
      %dma_wait3A_68 = tpu.memref_squeeze %dma_wait3A_67 : memref<1x10240x128xf32, #tpu.memory_space<hbm>> -> memref<10240x128xf32, #tpu.memory_space<hbm>>
      %dma_wait3A_69 = arith.constant 0 : i32
      %dma_wait3A_70 = tpu.memref_slice %dma_wait3A_68[%add3A_50, %dma_wait3A_69] : memref<10240x128xf32, #tpu.memory_space<hbm>> -> memref<128x128xf32, #tpu.memory_space<hbm>>
      %dma_wait3A_71 = arith.constant 0 : i32
      %dma_wait3A_72 = arith.constant 0 : i32
      %dma_wait3A_73 = tpu.memref_slice %arg5[%arg0, %dma_wait3A_71, %dma_wait3A_72] : memref<2x10240x128xf32, #tpu.memory_space<hbm>> -> memref<1x10240x128xf32, #tpu.memory_space<hbm>>
      %dma_wait3A_74 = tpu.memref_squeeze %dma_wait3A_73 : memref<1x10240x128xf32, #tpu.memory_space<hbm>> -> memref<10240x128xf32, #tpu.memory_space<hbm>>
      %dma_wait3A_75 = arith.constant 0 : i32
      %dma_wait3A_76 = tpu.memref_slice %dma_wait3A_74[%add3A_50, %dma_wait3A_75] : memref<10240x128xf32, #tpu.memory_space<hbm>> -> memref<128x128xf32, #tpu.memory_space<hbm>>
      tpu.wait_dma2 semaphore(%run_scoped3A : memref<!tpu.dma_semaphore, #tpu.memory_space<semaphore_mem>>) src(%arg9 : memref<128x128xf32, #tpu.memory_space<vmem>>) dst(%dma_wait3A_76 : memref<128x128xf32, #tpu.memory_space<hbm>>)
      tpu.yield
    }) : () -> ()
    %mul3A_51 = arith.constant 640 : i32
    %mul3A_52 = arith.muli %arg1, %mul3A_51 : i32
    %add3A_53 = arith.constant 512 : i32
    %add3A_54 = arith.addi %mul3A_52, %add3A_53 : i32
    "tpu.region"() ({
      %run_scoped3A = tpu.sem_alloc : memref<!tpu.dma_semaphore, #tpu.memory_space<semaphore_mem>>
      %dma_start3A = arith.constant 0 : i32
      %dma_start3A_55 = tpu.memref_slice %arg10[%add3A_54, %dma_start3A] : memref<10240x128xf32, #tpu.memory_space<vmem_shared>> -> memref<128x128xf32, #tpu.memory_space<vmem_shared>>
      %dma_start3A_56 = arith.constant 0 : i32
      %dma_start3A_57 = tpu.memref_slice %arg10[%add3A_54, %dma_start3A_56] : memref<10240x128xf32, #tpu.memory_space<vmem_shared>> -> memref<128x128xf32, #tpu.memory_space<vmem_shared>>
      tpu.enqueue_dma source(%dma_start3A_57 : memref<128x128xf32, #tpu.memory_space<vmem_shared>>) target(%arg9 : memref<128x128xf32, #tpu.memory_space<vmem>>) target_semaphore(%run_scoped3A : memref<!tpu.dma_semaphore, #tpu.memory_space<semaphore_mem>>)
      %dma_wait3A = arith.constant 0 : i32
      %dma_wait3A_58 = tpu.memref_slice %arg10[%add3A_54, %dma_wait3A] : memref<10240x128xf32, #tpu.memory_space<vmem_shared>> -> memref<128x128xf32, #tpu.memory_space<vmem_shared>>
      %dma_wait3A_59 = arith.constant 0 : i32
      %dma_wait3A_60 = tpu.memref_slice %arg10[%add3A_54, %dma_wait3A_59] : memref<10240x128xf32, #tpu.memory_space<vmem_shared>> -> memref<128x128xf32, #tpu.memory_space<vmem_shared>>
      tpu.wait_dma2 semaphore(%run_scoped3A : memref<!tpu.dma_semaphore, #tpu.memory_space<semaphore_mem>>) src(%dma_wait3A_60 : memref<128x128xf32, #tpu.memory_space<vmem_shared>>) dst(%arg9 : memref<128x128xf32, #tpu.memory_space<vmem>>)
      tpu.yield
    }) : () -> ()
    "tpu.region"() ({
      %run_scoped3A = tpu.sem_alloc : memref<!tpu.dma_semaphore, #tpu.memory_space<semaphore_mem>>
      %dma_start3A = arith.constant 0 : i32
      %dma_start3A_55 = arith.constant 0 : i32
      %dma_start3A_56 = tpu.memref_slice %arg5[%arg0, %dma_start3A, %dma_start3A_55] : memref<2x10240x128xf32, #tpu.memory_space<hbm>> -> memref<1x10240x128xf32, #tpu.memory_space<hbm>>
      %dma_start3A_57 = tpu.memref_squeeze %dma_start3A_56 : memref<1x10240x128xf32, #tpu.memory_space<hbm>> -> memref<10240x128xf32, #tpu.memory_space<hbm>>
      %dma_start3A_58 = arith.constant 0 : i32
      %dma_start3A_59 = tpu.memref_slice %dma_start3A_57[%add3A_54, %dma_start3A_58] : memref<10240x128xf32, #tpu.memory_space<hbm>> -> memref<128x128xf32, #tpu.memory_space<hbm>>
      %dma_start3A_60 = arith.constant 0 : i32
      %dma_start3A_61 = arith.constant 0 : i32
      %dma_start3A_62 = tpu.memref_slice %arg5[%arg0, %dma_start3A_60, %dma_start3A_61] : memref<2x10240x128xf32, #tpu.memory_space<hbm>> -> memref<1x10240x128xf32, #tpu.memory_space<hbm>>
      %dma_start3A_63 = tpu.memref_squeeze %dma_start3A_62 : memref<1x10240x128xf32, #tpu.memory_space<hbm>> -> memref<10240x128xf32, #tpu.memory_space<hbm>>
      %dma_start3A_64 = arith.constant 0 : i32
      %dma_start3A_65 = tpu.memref_slice %dma_start3A_63[%add3A_54, %dma_start3A_64] : memref<10240x128xf32, #tpu.memory_space<hbm>> -> memref<128x128xf32, #tpu.memory_space<hbm>>
      tpu.enqueue_dma source(%arg9 : memref<128x128xf32, #tpu.memory_space<vmem>>) target(%dma_start3A_65 : memref<128x128xf32, #tpu.memory_space<hbm>>) target_semaphore(%run_scoped3A : memref<!tpu.dma_semaphore, #tpu.memory_space<semaphore_mem>>)
      %dma_wait3A = arith.constant 0 : i32
      %dma_wait3A_66 = arith.constant 0 : i32
      %dma_wait3A_67 = tpu.memref_slice %arg5[%arg0, %dma_wait3A, %dma_wait3A_66] : memref<2x10240x128xf32, #tpu.memory_space<hbm>> -> memref<1x10240x128xf32, #tpu.memory_space<hbm>>
      %dma_wait3A_68 = tpu.memref_squeeze %dma_wait3A_67 : memref<1x10240x128xf32, #tpu.memory_space<hbm>> -> memref<10240x128xf32, #tpu.memory_space<hbm>>
      %dma_wait3A_69 = arith.constant 0 : i32
      %dma_wait3A_70 = tpu.memref_slice %dma_wait3A_68[%add3A_54, %dma_wait3A_69] : memref<10240x128xf32, #tpu.memory_space<hbm>> -> memref<128x128xf32, #tpu.memory_space<hbm>>
      %dma_wait3A_71 = arith.constant 0 : i32
      %dma_wait3A_72 = arith.constant 0 : i32
      %dma_wait3A_73 = tpu.memref_slice %arg5[%arg0, %dma_wait3A_71, %dma_wait3A_72] : memref<2x10240x128xf32, #tpu.memory_space<hbm>> -> memref<1x10240x128xf32, #tpu.memory_space<hbm>>
      %dma_wait3A_74 = tpu.memref_squeeze %dma_wait3A_73 : memref<1x10240x128xf32, #tpu.memory_space<hbm>> -> memref<10240x128xf32, #tpu.memory_space<hbm>>
      %dma_wait3A_75 = arith.constant 0 : i32
      %dma_wait3A_76 = tpu.memref_slice %dma_wait3A_74[%add3A_54, %dma_wait3A_75] : memref<10240x128xf32, #tpu.memory_space<hbm>> -> memref<128x128xf32, #tpu.memory_space<hbm>>
      tpu.wait_dma2 semaphore(%run_scoped3A : memref<!tpu.dma_semaphore, #tpu.memory_space<semaphore_mem>>) src(%arg9 : memref<128x128xf32, #tpu.memory_space<vmem>>) dst(%dma_wait3A_76 : memref<128x128xf32, #tpu.memory_space<hbm>>)
      tpu.yield
    }) : () -> ()
    return
  }
}

#map = affine_map<(d0, d1) -> (0, 0)>
#map1 = affine_map<(d0, d1) -> (0)>
#map2 = affine_map<(d0, d1) -> (0, 0, 0)>
module attributes {stable_mosaic.version = 14 : i64} {
  func.func @_gather_body(%arg0: i32, %arg1: i32, %arg2: memref<10000x128xf32, #tpu.memory_space<hbm>>, %arg3: memref<320000xi32, #tpu.memory_space<hbm>>, %arg4: memref<320000xi32, #tpu.memory_space<hbm>>, %arg5: memref<2x10240x128xf32, #tpu.memory_space<hbm>>, %arg6: memref<80xi32, #tpu.memory_space<vmem>>, %arg7: memref<80xi32, #tpu.memory_space<vmem>>, %arg8: memref<80x128xf32, #tpu.memory_space<vmem>>, %arg9: memref<128x128xf32, #tpu.memory_space<vmem>>, %arg10: memref<10240x128xf32, #tpu.memory_space<vmem_shared>>, %arg11: memref<!tpu.dma_semaphore, #tpu.memory_space<semaphore_mem>>) attributes {dimension_semantics = [#tpu.dimension_semantics<core_parallel>, #tpu.dimension_semantics<subcore_parallel>], iteration_bounds = array<i64: 2, 16>, scalar_prefetch = 0 : i64, scratch_operands = 6 : i64, tpu.core_type = #tpu.core_type<sc_vector_subcore>, window_params = [{transform_indices = #map}, {transform_indices = #map1}, {transform_indices = #map1}, {transform_indices = #map2}]} {
    %mul3A = arith.constant 2 : i32
    %mul3A_0 = arith.muli %arg1, %mul3A : i32
    %add3A = arith.addi %mul3A_0, %arg0 : i32
    %scan3A = arith.constant 0 : i32
    %scan3A_1 = arith.constant 0 : i32
    %scan3A_2 = arith.constant 128 : i32
    %scan3A_3 = arith.addi %scan3A_1, %scan3A_2 : i32
    %scan3A_4 = arith.constant 1 : i32
    %scan3A_5 = scf.for %scan3A_55 = %scan3A_1 to %scan3A_3 step %scan3A_4 iter_args(%scan3A_56 = %scan3A) -> (i32)  : i32 {
      %broadcast_in_dim3A = arith.constant 0.000000e+00 : f32
      %broadcast_in_dim3A_57 = vector.broadcast %broadcast_in_dim3A : f32 to vector<16xf32>
      %swap3A = arith.index_cast %scan3A_55 : i32 to index
      %swap3A_58 = arith.constant 0 : index
      %swap3A_59 = tpu.vector_load %arg9[%swap3A, %swap3A_58] {strides = array<i32>} : memref<128x128xf32, #tpu.memory_space<vmem>>, vector<1x16xf32>,
      %swap3A_60 = vector.shape_cast %swap3A_59 : vector<1x16xf32> to vector<16xf32>
      %swap3A_61 = vector.shape_cast %broadcast_in_dim3A_57 : vector<16xf32> to vector<1x16xf32>
      tpu.vector_store %arg9[%swap3A, %swap3A_58], %swap3A_61 {strides = array<i32>} : memref<128x128xf32, #tpu.memory_space<vmem>>, vector<1x16xf32>,
      %broadcast_in_dim3A_62 = arith.constant 0.000000e+00 : f32
      %broadcast_in_dim3A_63 = vector.broadcast %broadcast_in_dim3A_62 : f32 to vector<16xf32>
      %swap3A_64 = arith.index_cast %scan3A_55 : i32 to index
      %swap3A_65 = arith.constant 16 : index
      %swap3A_66 = tpu.vector_load %arg9[%swap3A_64, %swap3A_65] {strides = array<i32>} : memref<128x128xf32, #tpu.memory_space<vmem>>, vector<1x16xf32>,
      %swap3A_67 = vector.shape_cast %swap3A_66 : vector<1x16xf32> to vector<16xf32>
      %swap3A_68 = vector.shape_cast %broadcast_in_dim3A_63 : vector<16xf32> to vector<1x16xf32>
      tpu.vector_store %arg9[%swap3A_64, %swap3A_65], %swap3A_68 {strides = array<i32>} : memref<128x128xf32, #tpu.memory_space<vmem>>, vector<1x16xf32>,
      %broadcast_in_dim3A_69 = arith.constant 0.000000e+00 : f32
      %broadcast_in_dim3A_70 = vector.broadcast %broadcast_in_dim3A_69 : f32 to vector<16xf32>
      %swap3A_71 = arith.index_cast %scan3A_55 : i32 to index
      %swap3A_72 = arith.constant 32 : index
      %swap3A_73 = tpu.vector_load %arg9[%swap3A_71, %swap3A_72] {strides = array<i32>} : memref<128x128xf32, #tpu.memory_space<vmem>>, vector<1x16xf32>,
      %swap3A_74 = vector.shape_cast %swap3A_73 : vector<1x16xf32> to vector<16xf32>
      %swap3A_75 = vector.shape_cast %broadcast_in_dim3A_70 : vector<16xf32> to vector<1x16xf32>
      tpu.vector_store %arg9[%swap3A_71, %swap3A_72], %swap3A_75 {strides = array<i32>} : memref<128x128xf32, #tpu.memory_space<vmem>>, vector<1x16xf32>,
      %broadcast_in_dim3A_76 = arith.constant 0.000000e+00 : f32
      %broadcast_in_dim3A_77 = vector.broadcast %broadcast_in_dim3A_76 : f32 to vector<16xf32>
      %swap3A_78 = arith.index_cast %scan3A_55 : i32 to index
      %swap3A_79 = arith.constant 48 : index
      %swap3A_80 = tpu.vector_load %arg9[%swap3A_78, %swap3A_79] {strides = array<i32>} : memref<128x128xf32, #tpu.memory_space<vmem>>, vector<1x16xf32>,
      %swap3A_81 = vector.shape_cast %swap3A_80 : vector<1x16xf32> to vector<16xf32>
      %swap3A_82 = vector.shape_cast %broadcast_in_dim3A_77 : vector<16xf32> to vector<1x16xf32>
      tpu.vector_store %arg9[%swap3A_78, %swap3A_79], %swap3A_82 {strides = array<i32>} : memref<128x128xf32, #tpu.memory_space<vmem>>, vector<1x16xf32>,
      %broadcast_in_dim3A_83 = arith.constant 0.000000e+00 : f32
      %broadcast_in_dim3A_84 = vector.broadcast %broadcast_in_dim3A_83 : f32 to vector<16xf32>
      %swap3A_85 = arith.index_cast %scan3A_55 : i32 to index
      %swap3A_86 = arith.constant 64 : index
      %swap3A_87 = tpu.vector_load %arg9[%swap3A_85, %swap3A_86] {strides = array<i32>} : memref<128x128xf32, #tpu.memory_space<vmem>>, vector<1x16xf32>,
      %swap3A_88 = vector.shape_cast %swap3A_87 : vector<1x16xf32> to vector<16xf32>
      %swap3A_89 = vector.shape_cast %broadcast_in_dim3A_84 : vector<16xf32> to vector<1x16xf32>
      tpu.vector_store %arg9[%swap3A_85, %swap3A_86], %swap3A_89 {strides = array<i32>} : memref<128x128xf32, #tpu.memory_space<vmem>>, vector<1x16xf32>,
      %broadcast_in_dim3A_90 = arith.constant 0.000000e+00 : f32
      %broadcast_in_dim3A_91 = vector.broadcast %broadcast_in_dim3A_90 : f32 to vector<16xf32>
      %swap3A_92 = arith.index_cast %scan3A_55 : i32 to index
      %swap3A_93 = arith.constant 80 : index
      %swap3A_94 = tpu.vector_load %arg9[%swap3A_92, %swap3A_93] {strides = array<i32>} : memref<128x128xf32, #tpu.memory_space<vmem>>, vector<1x16xf32>,
      %swap3A_95 = vector.shape_cast %swap3A_94 : vector<1x16xf32> to vector<16xf32>
      %swap3A_96 = vector.shape_cast %broadcast_in_dim3A_91 : vector<16xf32> to vector<1x16xf32>
      tpu.vector_store %arg9[%swap3A_92, %swap3A_93], %swap3A_96 {strides = array<i32>} : memref<128x128xf32, #tpu.memory_space<vmem>>, vector<1x16xf32>,
      %broadcast_in_dim3A_97 = arith.constant 0.000000e+00 : f32
      %broadcast_in_dim3A_98 = vector.broadcast %broadcast_in_dim3A_97 : f32 to vector<16xf32>
      %swap3A_99 = arith.index_cast %scan3A_55 : i32 to index
      %swap3A_100 = arith.constant 96 : index
      %swap3A_101 = tpu.vector_load %arg9[%swap3A_99, %swap3A_100] {strides = array<i32>} : memref<128x128xf32, #tpu.memory_space<vmem>>, vector<1x16xf32>,
      %swap3A_102 = vector.shape_cast %swap3A_101 : vector<1x16xf32> to vector<16xf32>
      %swap3A_103 = vector.shape_cast %broadcast_in_dim3A_98 : vector<16xf32> to vector<1x16xf32>
      tpu.vector_store %arg9[%swap3A_99, %swap3A_100], %swap3A_103 {strides = array<i32>} : memref<128x128xf32, #tpu.memory_space<vmem>>, vector<1x16xf32>,
      %broadcast_in_dim3A_104 = arith.constant 0.000000e+00 : f32
      %broadcast_in_dim3A_105 = vector.broadcast %broadcast_in_dim3A_104 : f32 to vector<16xf32>
      %swap3A_106 = arith.index_cast %scan3A_55 : i32 to index
      %swap3A_107 = arith.constant 112 : index
      %swap3A_108 = tpu.vector_load %arg9[%swap3A_106, %swap3A_107] {strides = array<i32>} : memref<128x128xf32, #tpu.memory_space<vmem>>, vector<1x16xf32>,
      %swap3A_109 = vector.shape_cast %swap3A_108 : vector<1x16xf32> to vector<16xf32>
      %swap3A_110 = vector.shape_cast %broadcast_in_dim3A_105 : vector<16xf32> to vector<1x16xf32>
      tpu.vector_store %arg9[%swap3A_106, %swap3A_107], %swap3A_110 {strides = array<i32>} : memref<128x128xf32, #tpu.memory_space<vmem>>, vector<1x16xf32>,
      %scan3A_111 = arith.constant 0 : i32
      scf.yield %scan3A_111 : i32
    }
    %scan3A_6 = arith.constant 128 : i32
    %mul3A_7 = arith.constant 640 : i32
    %mul3A_8 = arith.muli %arg1, %mul3A_7 : i32
    %add3A_9 = arith.constant 0 : i32
    %add3A_10 = arith.addi %mul3A_8, %add3A_9 : i32
    "tpu.region"() ({
      %run_scoped3A = tpu.sem_alloc : memref<!tpu.dma_semaphore, #tpu.memory_space<semaphore_mem>>
      %dma_start3A = arith.constant 0 : i32
      %dma_start3A_55 = tpu.memref_slice %arg10[%add3A_10, %dma_start3A] : memref<10240x128xf32, #tpu.memory_space<vmem_shared>> -> memref<128x128xf32, #tpu.memory_space<vmem_shared>>
      %dma_start3A_56 = arith.constant 0 : i32
      %dma_start3A_57 = tpu.memref_slice %arg10[%add3A_10, %dma_start3A_56] : memref<10240x128xf32, #tpu.memory_space<vmem_shared>> -> memref<128x128xf32, #tpu.memory_space<vmem_shared>>
      tpu.enqueue_dma source(%arg9 : memref<128x128xf32, #tpu.memory_space<vmem>>) target(%dma_start3A_57 : memref<128x128xf32, #tpu.memory_space<vmem_shared>>) target_semaphore(%run_scoped3A : memref<!tpu.dma_semaphore, #tpu.memory_space<semaphore_mem>>)
      %dma_wait3A = arith.constant 0 : i32
      %dma_wait3A_58 = tpu.memref_slice %arg10[%add3A_10, %dma_wait3A] : memref<10240x128xf32, #tpu.memory_space<vmem_shared>> -> memref<128x128xf32, #tpu.memory_space<vmem_shared>>
      %dma_wait3A_59 = arith.constant 0 : i32
      %dma_wait3A_60 = tpu.memref_slice %arg10[%add3A_10, %dma_wait3A_59] : memref<10240x128xf32, #tpu.memory_space<vmem_shared>> -> memref<128x128xf32, #tpu.memory_space<vmem_shared>>
      tpu.wait_dma2 semaphore(%run_scoped3A : memref<!tpu.dma_semaphore, #tpu.memory_space<semaphore_mem>>) src(%arg9 : memref<128x128xf32, #tpu.memory_space<vmem>>) dst(%dma_wait3A_60 : memref<128x128xf32, #tpu.memory_space<vmem_shared>>)
      tpu.yield
    }) : () -> ()
    %mul3A_11 = arith.constant 640 : i32
    %mul3A_12 = arith.muli %arg1, %mul3A_11 : i32
    %add3A_13 = arith.constant 128 : i32
    %add3A_14 = arith.addi %mul3A_12, %add3A_13 : i32
    "tpu.region"() ({
      %run_scoped3A = tpu.sem_alloc : memref<!tpu.dma_semaphore, #tpu.memory_space<semaphore_mem>>
      %dma_start3A = arith.constant 0 : i32
      %dma_start3A_55 = tpu.memref_slice %arg10[%add3A_14, %dma_start3A] : memref<10240x128xf32, #tpu.memory_space<vmem_shared>> -> memref<128x128xf32, #tpu.memory_space<vmem_shared>>
      %dma_start3A_56 = arith.constant 0 : i32
      %dma_start3A_57 = tpu.memref_slice %arg10[%add3A_14, %dma_start3A_56] : memref<10240x128xf32, #tpu.memory_space<vmem_shared>> -> memref<128x128xf32, #tpu.memory_space<vmem_shared>>
      tpu.enqueue_dma source(%arg9 : memref<128x128xf32, #tpu.memory_space<vmem>>) target(%dma_start3A_57 : memref<128x128xf32, #tpu.memory_space<vmem_shared>>) target_semaphore(%run_scoped3A : memref<!tpu.dma_semaphore, #tpu.memory_space<semaphore_mem>>)
      %dma_wait3A = arith.constant 0 : i32
      %dma_wait3A_58 = tpu.memref_slice %arg10[%add3A_14, %dma_wait3A] : memref<10240x128xf32, #tpu.memory_space<vmem_shared>> -> memref<128x128xf32, #tpu.memory_space<vmem_shared>>
      %dma_wait3A_59 = arith.constant 0 : i32
      %dma_wait3A_60 = tpu.memref_slice %arg10[%add3A_14, %dma_wait3A_59] : memref<10240x128xf32, #tpu.memory_space<vmem_shared>> -> memref<128x128xf32, #tpu.memory_space<vmem_shared>>
      tpu.wait_dma2 semaphore(%run_scoped3A : memref<!tpu.dma_semaphore, #tpu.memory_space<semaphore_mem>>) src(%arg9 : memref<128x128xf32, #tpu.memory_space<vmem>>) dst(%dma_wait3A_60 : memref<128x128xf32, #tpu.memory_space<vmem_shared>>)
      tpu.yield
    }) : () -> ()
    %mul3A_15 = arith.constant 640 : i32
    %mul3A_16 = arith.muli %arg1, %mul3A_15 : i32
    %add3A_17 = arith.constant 256 : i32
    %add3A_18 = arith.addi %mul3A_16, %add3A_17 : i32
    "tpu.region"() ({
      %run_scoped3A = tpu.sem_alloc : memref<!tpu.dma_semaphore, #tpu.memory_space<semaphore_mem>>
      %dma_start3A = arith.constant 0 : i32
      %dma_start3A_55 = tpu.memref_slice %arg10[%add3A_18, %dma_start3A] : memref<10240x128xf32, #tpu.memory_space<vmem_shared>> -> memref<128x128xf32, #tpu.memory_space<vmem_shared>>
      %dma_start3A_56 = arith.constant 0 : i32
      %dma_start3A_57 = tpu.memref_slice %arg10[%add3A_18, %dma_start3A_56] : memref<10240x128xf32, #tpu.memory_space<vmem_shared>> -> memref<128x128xf32, #tpu.memory_space<vmem_shared>>
      tpu.enqueue_dma source(%arg9 : memref<128x128xf32, #tpu.memory_space<vmem>>) target(%dma_start3A_57 : memref<128x128xf32, #tpu.memory_space<vmem_shared>>) target_semaphore(%run_scoped3A : memref<!tpu.dma_semaphore, #tpu.memory_space<semaphore_mem>>)
      %dma_wait3A = arith.constant 0 : i32
      %dma_wait3A_58 = tpu.memref_slice %arg10[%add3A_18, %dma_wait3A] : memref<10240x128xf32, #tpu.memory_space<vmem_shared>> -> memref<128x128xf32, #tpu.memory_space<vmem_shared>>
      %dma_wait3A_59 = arith.constant 0 : i32
      %dma_wait3A_60 = tpu.memref_slice %arg10[%add3A_18, %dma_wait3A_59] : memref<10240x128xf32, #tpu.memory_space<vmem_shared>> -> memref<128x128xf32, #tpu.memory_space<vmem_shared>>
      tpu.wait_dma2 semaphore(%run_scoped3A : memref<!tpu.dma_semaphore, #tpu.memory_space<semaphore_mem>>) src(%arg9 : memref<128x128xf32, #tpu.memory_space<vmem>>) dst(%dma_wait3A_60 : memref<128x128xf32, #tpu.memory_space<vmem_shared>>)
      tpu.yield
    }) : () -> ()
    %mul3A_19 = arith.constant 640 : i32
    %mul3A_20 = arith.muli %arg1, %mul3A_19 : i32
    %add3A_21 = arith.constant 384 : i32
    %add3A_22 = arith.addi %mul3A_20, %add3A_21 : i32
    "tpu.region"() ({
      %run_scoped3A = tpu.sem_alloc : memref<!tpu.dma_semaphore, #tpu.memory_space<semaphore_mem>>
      %dma_start3A = arith.constant 0 : i32
      %dma_start3A_55 = tpu.memref_slice %arg10[%add3A_22, %dma_start3A] : memref<10240x128xf32, #tpu.memory_space<vmem_shared>> -> memref<128x128xf32, #tpu.memory_space<vmem_shared>>
      %dma_start3A_56 = arith.constant 0 : i32
      %dma_start3A_57 = tpu.memref_slice %arg10[%add3A_22, %dma_start3A_56] : memref<10240x128xf32, #tpu.memory_space<vmem_shared>> -> memref<128x128xf32, #tpu.memory_space<vmem_shared>>
      tpu.enqueue_dma source(%arg9 : memref<128x128xf32, #tpu.memory_space<vmem>>) target(%dma_start3A_57 : memref<128x128xf32, #tpu.memory_space<vmem_shared>>) target_semaphore(%run_scoped3A : memref<!tpu.dma_semaphore, #tpu.memory_space<semaphore_mem>>)
      %dma_wait3A = arith.constant 0 : i32
      %dma_wait3A_58 = tpu.memref_slice %arg10[%add3A_22, %dma_wait3A] : memref<10240x128xf32, #tpu.memory_space<vmem_shared>> -> memref<128x128xf32, #tpu.memory_space<vmem_shared>>
      %dma_wait3A_59 = arith.constant 0 : i32
      %dma_wait3A_60 = tpu.memref_slice %arg10[%add3A_22, %dma_wait3A_59] : memref<10240x128xf32, #tpu.memory_space<vmem_shared>> -> memref<128x128xf32, #tpu.memory_space<vmem_shared>>
      tpu.wait_dma2 semaphore(%run_scoped3A : memref<!tpu.dma_semaphore, #tpu.memory_space<semaphore_mem>>) src(%arg9 : memref<128x128xf32, #tpu.memory_space<vmem>>) dst(%dma_wait3A_60 : memref<128x128xf32, #tpu.memory_space<vmem_shared>>)
      tpu.yield
    }) : () -> ()
    %mul3A_23 = arith.constant 640 : i32
    %mul3A_24 = arith.muli %arg1, %mul3A_23 : i32
    %add3A_25 = arith.constant 512 : i32
    %add3A_26 = arith.addi %mul3A_24, %add3A_25 : i32
    "tpu.region"() ({
      %run_scoped3A = tpu.sem_alloc : memref<!tpu.dma_semaphore, #tpu.memory_space<semaphore_mem>>
      %dma_start3A = arith.constant 0 : i32
      %dma_start3A_55 = tpu.memref_slice %arg10[%add3A_26, %dma_start3A] : memref<10240x128xf32, #tpu.memory_space<vmem_shared>> -> memref<128x128xf32, #tpu.memory_space<vmem_shared>>
      %dma_start3A_56 = arith.constant 0 : i32
      %dma_start3A_57 = tpu.memref_slice %arg10[%add3A_26, %dma_start3A_56] : memref<10240x128xf32, #tpu.memory_space<vmem_shared>> -> memref<128x128xf32, #tpu.memory_space<vmem_shared>>
      tpu.enqueue_dma source(%arg9 : memref<128x128xf32, #tpu.memory_space<vmem>>) target(%dma_start3A_57 : memref<128x128xf32, #tpu.memory_space<vmem_shared>>) target_semaphore(%run_scoped3A : memref<!tpu.dma_semaphore, #tpu.memory_space<semaphore_mem>>)
      %dma_wait3A = arith.constant 0 : i32
      %dma_wait3A_58 = tpu.memref_slice %arg10[%add3A_26, %dma_wait3A] : memref<10240x128xf32, #tpu.memory_space<vmem_shared>> -> memref<128x128xf32, #tpu.memory_space<vmem_shared>>
      %dma_wait3A_59 = arith.constant 0 : i32
      %dma_wait3A_60 = tpu.memref_slice %arg10[%add3A_26, %dma_wait3A_59] : memref<10240x128xf32, #tpu.memory_space<vmem_shared>> -> memref<128x128xf32, #tpu.memory_space<vmem_shared>>
      tpu.wait_dma2 semaphore(%run_scoped3A : memref<!tpu.dma_semaphore, #tpu.memory_space<semaphore_mem>>) src(%arg9 : memref<128x128xf32, #tpu.memory_space<vmem>>) dst(%dma_wait3A_60 : memref<128x128xf32, #tpu.memory_space<vmem_shared>>)
      tpu.yield
    }) : () -> ()
    %barrier3A = arith.constant 0 : index
    tpu.barrier barrier_id(%barrier3A)
    %scan3A_27 = arith.constant 0 : i32
    %scan3A_28 = arith.constant 0 : i32
    %scan3A_29 = arith.constant 125 : i32
    %scan3A_30 = arith.addi %scan3A_28, %scan3A_29 : i32
    %scan3A_31 = arith.constant 1 : i32
    %scan3A_32 = scf.for %scan3A_55 = %scan3A_28 to %scan3A_30 step %scan3A_31 iter_args(%scan3A_56 = %scan3A_27) -> (i32)  : i32 {
      %mul3A_57 = arith.constant 10000 : i32
      %mul3A_58 = arith.muli %add3A, %mul3A_57 : i32
      %mul3A_59 = arith.constant 80 : i32
      %mul3A_60 = arith.muli %scan3A_55, %mul3A_59 : i32
      %add3A_61 = arith.addi %mul3A_58, %mul3A_60 : i32
      "tpu.region"() ({
        %run_scoped3A = tpu.sem_alloc : memref<!tpu.dma_semaphore, #tpu.memory_space<semaphore_mem>>
        %dma_start3A_67 = tpu.memref_slice %arg3[%add3A_61] : memref<320000xi32, #tpu.memory_space<hbm>> -> memref<80xi32, #tpu.memory_space<hbm>>
        %dma_start3A_68 = tpu.memref_slice %arg3[%add3A_61] : memref<320000xi32, #tpu.memory_space<hbm>> -> memref<80xi32, #tpu.memory_space<hbm>>
        tpu.enqueue_dma source(%dma_start3A_68 : memref<80xi32, #tpu.memory_space<hbm>>) target(%arg6 : memref<80xi32, #tpu.memory_space<vmem>>) target_semaphore(%run_scoped3A : memref<!tpu.dma_semaphore, #tpu.memory_space<semaphore_mem>>)
        %dma_wait3A_69 = tpu.memref_slice %arg3[%add3A_61] : memref<320000xi32, #tpu.memory_space<hbm>> -> memref<80xi32, #tpu.memory_space<hbm>>
        %dma_wait3A_70 = tpu.memref_slice %arg3[%add3A_61] : memref<320000xi32, #tpu.memory_space<hbm>> -> memref<80xi32, #tpu.memory_space<hbm>>
        tpu.wait_dma2 semaphore(%run_scoped3A : memref<!tpu.dma_semaphore, #tpu.memory_space<semaphore_mem>>) src(%dma_wait3A_70 : memref<80xi32, #tpu.memory_space<hbm>>) dst(%arg6 : memref<80xi32, #tpu.memory_space<vmem>>)
        tpu.yield
      }) : () -> ()
      %dma_start3A = arith.constant 0 : i32
      %dma_start3A_62 = arith.constant 0 : i32
      %dma_start3A_63 = tpu.memref_slice %arg2[%dma_start3A, %dma_start3A_62] : memref<10000x128xf32, #tpu.memory_space<hbm>> -> memref<10000x128xf32, #tpu.memory_space<hbm>>
      tpu.enqueue_indirect_dma source(%dma_start3A_63 : memref<10000x128xf32, #tpu.memory_space<hbm>>) target(%arg8 : memref<80x128xf32, #tpu.memory_space<vmem>>) offsets(%arg6 : memref<80xi32, #tpu.memory_space<vmem>>) semaphore(%arg11 : memref<!tpu.dma_semaphore, #tpu.memory_space<semaphore_mem>>)
      %dma_wait3A = arith.constant 0 : i32
      %dma_wait3A_64 = arith.constant 0 : i32
      %dma_wait3A_65 = tpu.memref_slice %arg2[%dma_wait3A, %dma_wait3A_64] : memref<10000x128xf32, #tpu.memory_space<hbm>> -> memref<10000x128xf32, #tpu.memory_space<hbm>>
      tpu.wait_indirect_dma semaphore(%arg11 : memref<!tpu.dma_semaphore, #tpu.memory_space<semaphore_mem>>) src(%dma_wait3A_65 : memref<10000x128xf32, #tpu.memory_space<hbm>>) dst(%arg8 : memref<80x128xf32, #tpu.memory_space<vmem>>)
      "tpu.region"() ({
        %run_scoped3A = tpu.sem_alloc : memref<!tpu.dma_semaphore, #tpu.memory_space<semaphore_mem>>
        %dma_start3A_67 = tpu.memref_slice %arg4[%add3A_61] : memref<320000xi32, #tpu.memory_space<hbm>> -> memref<80xi32, #tpu.memory_space<hbm>>
        %dma_start3A_68 = tpu.memref_slice %arg4[%add3A_61] : memref<320000xi32, #tpu.memory_space<hbm>> -> memref<80xi32, #tpu.memory_space<hbm>>
        tpu.enqueue_dma source(%dma_start3A_68 : memref<80xi32, #tpu.memory_space<hbm>>) target(%arg7 : memref<80xi32, #tpu.memory_space<vmem>>) target_semaphore(%run_scoped3A : memref<!tpu.dma_semaphore, #tpu.memory_space<semaphore_mem>>)
        %dma_wait3A_69 = tpu.memref_slice %arg4[%add3A_61] : memref<320000xi32, #tpu.memory_space<hbm>> -> memref<80xi32, #tpu.memory_space<hbm>>
        %dma_wait3A_70 = tpu.memref_slice %arg4[%add3A_61] : memref<320000xi32, #tpu.memory_space<hbm>> -> memref<80xi32, #tpu.memory_space<hbm>>
        tpu.wait_dma2 semaphore(%run_scoped3A : memref<!tpu.dma_semaphore, #tpu.memory_space<semaphore_mem>>) src(%dma_wait3A_70 : memref<80xi32, #tpu.memory_space<hbm>>) dst(%arg7 : memref<80xi32, #tpu.memory_space<vmem>>)
        tpu.yield
      }) : () -> ()
      "tpu.region"() ({
        %run_scoped3A = tpu.sem_alloc : memref<!tpu.dma_semaphore, #tpu.memory_space<semaphore_mem>>
        %dma_start3A_67 = arith.constant 0 : i32
        %dma_start3A_68 = arith.constant 0 : i32
        %dma_start3A_69 = tpu.memref_slice %arg10[%dma_start3A_67, %dma_start3A_68] : memref<10240x128xf32, #tpu.memory_space<vmem_shared>> -> memref<10240x128xf32, #tpu.memory_space<vmem_shared>>
        tpu.enqueue_indirect_dma source(%arg8 : memref<80x128xf32, #tpu.memory_space<vmem>>) target(%dma_start3A_69 : memref<10240x128xf32, #tpu.memory_space<vmem_shared>>) offsets(%arg7 : memref<80xi32, #tpu.memory_space<vmem>>) semaphore(%run_scoped3A : memref<!tpu.dma_semaphore, #tpu.memory_space<semaphore_mem>>) {add = true}
        %dma_wait3A_70 = arith.constant 0 : i32
        %dma_wait3A_71 = arith.constant 0 : i32
        %dma_wait3A_72 = tpu.memref_slice %arg10[%dma_wait3A_70, %dma_wait3A_71] : memref<10240x128xf32, #tpu.memory_space<vmem_shared>> -> memref<10240x128xf32, #tpu.memory_space<vmem_shared>>
        tpu.wait_indirect_dma semaphore(%run_scoped3A : memref<!tpu.dma_semaphore, #tpu.memory_space<semaphore_mem>>) src(%arg8 : memref<80x128xf32, #tpu.memory_space<vmem>>) dst(%dma_wait3A_72 : memref<10240x128xf32, #tpu.memory_space<vmem_shared>>)
        tpu.yield
      }) : () -> ()
      %scan3A_66 = arith.constant 0 : i32
      scf.yield %scan3A_66 : i32
    }
    %scan3A_33 = arith.constant 125 : i32
    %barrier3A_34 = arith.constant 0 : index
    tpu.barrier barrier_id(%barrier3A_34)
    %mul3A_35 = arith.constant 640 : i32
    %mul3A_36 = arith.muli %arg1, %mul3A_35 : i32
    %add3A_37 = arith.constant 0 : i32
    %add3A_38 = arith.addi %mul3A_36, %add3A_37 : i32
    "tpu.region"() ({
      %run_scoped3A = tpu.sem_alloc : memref<!tpu.dma_semaphore, #tpu.memory_space<semaphore_mem>>
      %dma_start3A = arith.constant 0 : i32
      %dma_start3A_55 = tpu.memref_slice %arg10[%add3A_38, %dma_start3A] : memref<10240x128xf32, #tpu.memory_space<vmem_shared>> -> memref<128x128xf32, #tpu.memory_space<vmem_shared>>
      %dma_start3A_56 = arith.constant 0 : i32
      %dma_start3A_57 = tpu.memref_slice %arg10[%add3A_38, %dma_start3A_56] : memref<10240x128xf32, #tpu.memory_space<vmem_shared>> -> memref<128x128xf32, #tpu.memory_space<vmem_shared>>
      tpu.enqueue_dma source(%dma_start3A_57 : memref<128x128xf32, #tpu.memory_space<vmem_shared>>) target(%arg9 : memref<128x128xf32, #tpu.memory_space<vmem>>) target_semaphore(%run_scoped3A : memref<!tpu.dma_semaphore, #tpu.memory_space<semaphore_mem>>)
      %dma_wait3A = arith.constant 0 : i32
      %dma_wait3A_58 = tpu.memref_slice %arg10[%add3A_38, %dma_wait3A] : memref<10240x128xf32, #tpu.memory_space<vmem_shared>> -> memref<128x128xf32, #tpu.memory_space<vmem_shared>>
      %dma_wait3A_59 = arith.constant 0 : i32
      %dma_wait3A_60 = tpu.memref_slice %arg10[%add3A_38, %dma_wait3A_59] : memref<10240x128xf32, #tpu.memory_space<vmem_shared>> -> memref<128x128xf32, #tpu.memory_space<vmem_shared>>
      tpu.wait_dma2 semaphore(%run_scoped3A : memref<!tpu.dma_semaphore, #tpu.memory_space<semaphore_mem>>) src(%dma_wait3A_60 : memref<128x128xf32, #tpu.memory_space<vmem_shared>>) dst(%arg9 : memref<128x128xf32, #tpu.memory_space<vmem>>)
      tpu.yield
    }) : () -> ()
    "tpu.region"() ({
      %run_scoped3A = tpu.sem_alloc : memref<!tpu.dma_semaphore, #tpu.memory_space<semaphore_mem>>
      %dma_start3A = arith.constant 0 : i32
      %dma_start3A_55 = arith.constant 0 : i32
      %dma_start3A_56 = tpu.memref_slice %arg5[%arg0, %dma_start3A, %dma_start3A_55] : memref<2x10240x128xf32, #tpu.memory_space<hbm>> -> memref<1x10240x128xf32, #tpu.memory_space<hbm>>
      %dma_start3A_57 = tpu.memref_squeeze %dma_start3A_56 : memref<1x10240x128xf32, #tpu.memory_space<hbm>> -> memref<10240x128xf32, #tpu.memory_space<hbm>>
      %dma_start3A_58 = arith.constant 0 : i32
      %dma_start3A_59 = tpu.memref_slice %dma_start3A_57[%add3A_38, %dma_start3A_58] : memref<10240x128xf32, #tpu.memory_space<hbm>> -> memref<128x128xf32, #tpu.memory_space<hbm>>
      %dma_start3A_60 = arith.constant 0 : i32
      %dma_start3A_61 = arith.constant 0 : i32
      %dma_start3A_62 = tpu.memref_slice %arg5[%arg0, %dma_start3A_60, %dma_start3A_61] : memref<2x10240x128xf32, #tpu.memory_space<hbm>> -> memref<1x10240x128xf32, #tpu.memory_space<hbm>>
      %dma_start3A_63 = tpu.memref_squeeze %dma_start3A_62 : memref<1x10240x128xf32, #tpu.memory_space<hbm>> -> memref<10240x128xf32, #tpu.memory_space<hbm>>
      %dma_start3A_64 = arith.constant 0 : i32
      %dma_start3A_65 = tpu.memref_slice %dma_start3A_63[%add3A_38, %dma_start3A_64] : memref<10240x128xf32, #tpu.memory_space<hbm>> -> memref<128x128xf32, #tpu.memory_space<hbm>>
      tpu.enqueue_dma source(%arg9 : memref<128x128xf32, #tpu.memory_space<vmem>>) target(%dma_start3A_65 : memref<128x128xf32, #tpu.memory_space<hbm>>) target_semaphore(%run_scoped3A : memref<!tpu.dma_semaphore, #tpu.memory_space<semaphore_mem>>)
      %dma_wait3A = arith.constant 0 : i32
      %dma_wait3A_66 = arith.constant 0 : i32
      %dma_wait3A_67 = tpu.memref_slice %arg5[%arg0, %dma_wait3A, %dma_wait3A_66] : memref<2x10240x128xf32, #tpu.memory_space<hbm>> -> memref<1x10240x128xf32, #tpu.memory_space<hbm>>
      %dma_wait3A_68 = tpu.memref_squeeze %dma_wait3A_67 : memref<1x10240x128xf32, #tpu.memory_space<hbm>> -> memref<10240x128xf32, #tpu.memory_space<hbm>>
      %dma_wait3A_69 = arith.constant 0 : i32
      %dma_wait3A_70 = tpu.memref_slice %dma_wait3A_68[%add3A_38, %dma_wait3A_69] : memref<10240x128xf32, #tpu.memory_space<hbm>> -> memref<128x128xf32, #tpu.memory_space<hbm>>
      %dma_wait3A_71 = arith.constant 0 : i32
      %dma_wait3A_72 = arith.constant 0 : i32
      %dma_wait3A_73 = tpu.memref_slice %arg5[%arg0, %dma_wait3A_71, %dma_wait3A_72] : memref<2x10240x128xf32, #tpu.memory_space<hbm>> -> memref<1x10240x128xf32, #tpu.memory_space<hbm>>
      %dma_wait3A_74 = tpu.memref_squeeze %dma_wait3A_73 : memref<1x10240x128xf32, #tpu.memory_space<hbm>> -> memref<10240x128xf32, #tpu.memory_space<hbm>>
      %dma_wait3A_75 = arith.constant 0 : i32
      %dma_wait3A_76 = tpu.memref_slice %dma_wait3A_74[%add3A_38, %dma_wait3A_75] : memref<10240x128xf32, #tpu.memory_space<hbm>> -> memref<128x128xf32, #tpu.memory_space<hbm>>
      tpu.wait_dma2 semaphore(%run_scoped3A : memref<!tpu.dma_semaphore, #tpu.memory_space<semaphore_mem>>) src(%arg9 : memref<128x128xf32, #tpu.memory_space<vmem>>) dst(%dma_wait3A_76 : memref<128x128xf32, #tpu.memory_space<hbm>>)
      tpu.yield
    }) : () -> ()
    %mul3A_39 = arith.constant 640 : i32
    %mul3A_40 = arith.muli %arg1, %mul3A_39 : i32
    %add3A_41 = arith.constant 128 : i32
    %add3A_42 = arith.addi %mul3A_40, %add3A_41 : i32
    "tpu.region"() ({
      %run_scoped3A = tpu.sem_alloc : memref<!tpu.dma_semaphore, #tpu.memory_space<semaphore_mem>>
      %dma_start3A = arith.constant 0 : i32
      %dma_start3A_55 = tpu.memref_slice %arg10[%add3A_42, %dma_start3A] : memref<10240x128xf32, #tpu.memory_space<vmem_shared>> -> memref<128x128xf32, #tpu.memory_space<vmem_shared>>
      %dma_start3A_56 = arith.constant 0 : i32
      %dma_start3A_57 = tpu.memref_slice %arg10[%add3A_42, %dma_start3A_56] : memref<10240x128xf32, #tpu.memory_space<vmem_shared>> -> memref<128x128xf32, #tpu.memory_space<vmem_shared>>
      tpu.enqueue_dma source(%dma_start3A_57 : memref<128x128xf32, #tpu.memory_space<vmem_shared>>) target(%arg9 : memref<128x128xf32, #tpu.memory_space<vmem>>) target_semaphore(%run_scoped3A : memref<!tpu.dma_semaphore, #tpu.memory_space<semaphore_mem>>)
      %dma_wait3A = arith.constant 0 : i32
      %dma_wait3A_58 = tpu.memref_slice %arg10[%add3A_42, %dma_wait3A] : memref<10240x128xf32, #tpu.memory_space<vmem_shared>> -> memref<128x128xf32, #tpu.memory_space<vmem_shared>>
      %dma_wait3A_59 = arith.constant 0 : i32
      %dma_wait3A_60 = tpu.memref_slice %arg10[%add3A_42, %dma_wait3A_59] : memref<10240x128xf32, #tpu.memory_space<vmem_shared>> -> memref<128x128xf32, #tpu.memory_space<vmem_shared>>
      tpu.wait_dma2 semaphore(%run_scoped3A : memref<!tpu.dma_semaphore, #tpu.memory_space<semaphore_mem>>) src(%dma_wait3A_60 : memref<128x128xf32, #tpu.memory_space<vmem_shared>>) dst(%arg9 : memref<128x128xf32, #tpu.memory_space<vmem>>)
      tpu.yield
    }) : () -> ()
    "tpu.region"() ({
      %run_scoped3A = tpu.sem_alloc : memref<!tpu.dma_semaphore, #tpu.memory_space<semaphore_mem>>
      %dma_start3A = arith.constant 0 : i32
      %dma_start3A_55 = arith.constant 0 : i32
      %dma_start3A_56 = tpu.memref_slice %arg5[%arg0, %dma_start3A, %dma_start3A_55] : memref<2x10240x128xf32, #tpu.memory_space<hbm>> -> memref<1x10240x128xf32, #tpu.memory_space<hbm>>
      %dma_start3A_57 = tpu.memref_squeeze %dma_start3A_56 : memref<1x10240x128xf32, #tpu.memory_space<hbm>> -> memref<10240x128xf32, #tpu.memory_space<hbm>>
      %dma_start3A_58 = arith.constant 0 : i32
      %dma_start3A_59 = tpu.memref_slice %dma_start3A_57[%add3A_42, %dma_start3A_58] : memref<10240x128xf32, #tpu.memory_space<hbm>> -> memref<128x128xf32, #tpu.memory_space<hbm>>
      %dma_start3A_60 = arith.constant 0 : i32
      %dma_start3A_61 = arith.constant 0 : i32
      %dma_start3A_62 = tpu.memref_slice %arg5[%arg0, %dma_start3A_60, %dma_start3A_61] : memref<2x10240x128xf32, #tpu.memory_space<hbm>> -> memref<1x10240x128xf32, #tpu.memory_space<hbm>>
      %dma_start3A_63 = tpu.memref_squeeze %dma_start3A_62 : memref<1x10240x128xf32, #tpu.memory_space<hbm>> -> memref<10240x128xf32, #tpu.memory_space<hbm>>
      %dma_start3A_64 = arith.constant 0 : i32
      %dma_start3A_65 = tpu.memref_slice %dma_start3A_63[%add3A_42, %dma_start3A_64] : memref<10240x128xf32, #tpu.memory_space<hbm>> -> memref<128x128xf32, #tpu.memory_space<hbm>>
      tpu.enqueue_dma source(%arg9 : memref<128x128xf32, #tpu.memory_space<vmem>>) target(%dma_start3A_65 : memref<128x128xf32, #tpu.memory_space<hbm>>) target_semaphore(%run_scoped3A : memref<!tpu.dma_semaphore, #tpu.memory_space<semaphore_mem>>)
      %dma_wait3A = arith.constant 0 : i32
      %dma_wait3A_66 = arith.constant 0 : i32
      %dma_wait3A_67 = tpu.memref_slice %arg5[%arg0, %dma_wait3A, %dma_wait3A_66] : memref<2x10240x128xf32, #tpu.memory_space<hbm>> -> memref<1x10240x128xf32, #tpu.memory_space<hbm>>
      %dma_wait3A_68 = tpu.memref_squeeze %dma_wait3A_67 : memref<1x10240x128xf32, #tpu.memory_space<hbm>> -> memref<10240x128xf32, #tpu.memory_space<hbm>>
      %dma_wait3A_69 = arith.constant 0 : i32
      %dma_wait3A_70 = tpu.memref_slice %dma_wait3A_68[%add3A_42, %dma_wait3A_69] : memref<10240x128xf32, #tpu.memory_space<hbm>> -> memref<128x128xf32, #tpu.memory_space<hbm>>
      %dma_wait3A_71 = arith.constant 0 : i32
      %dma_wait3A_72 = arith.constant 0 : i32
      %dma_wait3A_73 = tpu.memref_slice %arg5[%arg0, %dma_wait3A_71, %dma_wait3A_72] : memref<2x10240x128xf32, #tpu.memory_space<hbm>> -> memref<1x10240x128xf32, #tpu.memory_space<hbm>>
      %dma_wait3A_74 = tpu.memref_squeeze %dma_wait3A_73 : memref<1x10240x128xf32, #tpu.memory_space<hbm>> -> memref<10240x128xf32, #tpu.memory_space<hbm>>
      %dma_wait3A_75 = arith.constant 0 : i32
      %dma_wait3A_76 = tpu.memref_slice %dma_wait3A_74[%add3A_42, %dma_wait3A_75] : memref<10240x128xf32, #tpu.memory_space<hbm>> -> memref<128x128xf32, #tpu.memory_space<hbm>>
      tpu.wait_dma2 semaphore(%run_scoped3A : memref<!tpu.dma_semaphore, #tpu.memory_space<semaphore_mem>>) src(%arg9 : memref<128x128xf32, #tpu.memory_space<vmem>>) dst(%dma_wait3A_76 : memref<128x128xf32, #tpu.memory_space<hbm>>)
      tpu.yield
    }) : () -> ()
    %mul3A_43 = arith.constant 640 : i32
    %mul3A_44 = arith.muli %arg1, %mul3A_43 : i32
    %add3A_45 = arith.constant 256 : i32
    %add3A_46 = arith.addi %mul3A_44, %add3A_45 : i32
    "tpu.region"() ({
      %run_scoped3A = tpu.sem_alloc : memref<!tpu.dma_semaphore, #tpu.memory_space<semaphore_mem>>
      %dma_start3A = arith.constant 0 : i32
      %dma_start3A_55 = tpu.memref_slice %arg10[%add3A_46, %dma_start3A] : memref<10240x128xf32, #tpu.memory_space<vmem_shared>> -> memref<128x128xf32, #tpu.memory_space<vmem_shared>>
      %dma_start3A_56 = arith.constant 0 : i32
      %dma_start3A_57 = tpu.memref_slice %arg10[%add3A_46, %dma_start3A_56] : memref<10240x128xf32, #tpu.memory_space<vmem_shared>> -> memref<128x128xf32, #tpu.memory_space<vmem_shared>>
      tpu.enqueue_dma source(%dma_start3A_57 : memref<128x128xf32, #tpu.memory_space<vmem_shared>>) target(%arg9 : memref<128x128xf32, #tpu.memory_space<vmem>>) target_semaphore(%run_scoped3A : memref<!tpu.dma_semaphore, #tpu.memory_space<semaphore_mem>>)
      %dma_wait3A = arith.constant 0 : i32
      %dma_wait3A_58 = tpu.memref_slice %arg10[%add3A_46, %dma_wait3A] : memref<10240x128xf32, #tpu.memory_space<vmem_shared>> -> memref<128x128xf32, #tpu.memory_space<vmem_shared>>
      %dma_wait3A_59 = arith.constant 0 : i32
      %dma_wait3A_60 = tpu.memref_slice %arg10[%add3A_46, %dma_wait3A_59] : memref<10240x128xf32, #tpu.memory_space<vmem_shared>> -> memref<128x128xf32, #tpu.memory_space<vmem_shared>>
      tpu.wait_dma2 semaphore(%run_scoped3A : memref<!tpu.dma_semaphore, #tpu.memory_space<semaphore_mem>>) src(%dma_wait3A_60 : memref<128x128xf32, #tpu.memory_space<vmem_shared>>) dst(%arg9 : memref<128x128xf32, #tpu.memory_space<vmem>>)
      tpu.yield
    }) : () -> ()
    "tpu.region"() ({
      %run_scoped3A = tpu.sem_alloc : memref<!tpu.dma_semaphore, #tpu.memory_space<semaphore_mem>>
      %dma_start3A = arith.constant 0 : i32
      %dma_start3A_55 = arith.constant 0 : i32
      %dma_start3A_56 = tpu.memref_slice %arg5[%arg0, %dma_start3A, %dma_start3A_55] : memref<2x10240x128xf32, #tpu.memory_space<hbm>> -> memref<1x10240x128xf32, #tpu.memory_space<hbm>>
      %dma_start3A_57 = tpu.memref_squeeze %dma_start3A_56 : memref<1x10240x128xf32, #tpu.memory_space<hbm>> -> memref<10240x128xf32, #tpu.memory_space<hbm>>
      %dma_start3A_58 = arith.constant 0 : i32
      %dma_start3A_59 = tpu.memref_slice %dma_start3A_57[%add3A_46, %dma_start3A_58] : memref<10240x128xf32, #tpu.memory_space<hbm>> -> memref<128x128xf32, #tpu.memory_space<hbm>>
      %dma_start3A_60 = arith.constant 0 : i32
      %dma_start3A_61 = arith.constant 0 : i32
      %dma_start3A_62 = tpu.memref_slice %arg5[%arg0, %dma_start3A_60, %dma_start3A_61] : memref<2x10240x128xf32, #tpu.memory_space<hbm>> -> memref<1x10240x128xf32, #tpu.memory_space<hbm>>
      %dma_start3A_63 = tpu.memref_squeeze %dma_start3A_62 : memref<1x10240x128xf32, #tpu.memory_space<hbm>> -> memref<10240x128xf32, #tpu.memory_space<hbm>>
      %dma_start3A_64 = arith.constant 0 : i32
      %dma_start3A_65 = tpu.memref_slice %dma_start3A_63[%add3A_46, %dma_start3A_64] : memref<10240x128xf32, #tpu.memory_space<hbm>> -> memref<128x128xf32, #tpu.memory_space<hbm>>
      tpu.enqueue_dma source(%arg9 : memref<128x128xf32, #tpu.memory_space<vmem>>) target(%dma_start3A_65 : memref<128x128xf32, #tpu.memory_space<hbm>>) target_semaphore(%run_scoped3A : memref<!tpu.dma_semaphore, #tpu.memory_space<semaphore_mem>>)
      %dma_wait3A = arith.constant 0 : i32
      %dma_wait3A_66 = arith.constant 0 : i32
      %dma_wait3A_67 = tpu.memref_slice %arg5[%arg0, %dma_wait3A, %dma_wait3A_66] : memref<2x10240x128xf32, #tpu.memory_space<hbm>> -> memref<1x10240x128xf32, #tpu.memory_space<hbm>>
      %dma_wait3A_68 = tpu.memref_squeeze %dma_wait3A_67 : memref<1x10240x128xf32, #tpu.memory_space<hbm>> -> memref<10240x128xf32, #tpu.memory_space<hbm>>
      %dma_wait3A_69 = arith.constant 0 : i32
      %dma_wait3A_70 = tpu.memref_slice %dma_wait3A_68[%add3A_46, %dma_wait3A_69] : memref<10240x128xf32, #tpu.memory_space<hbm>> -> memref<128x128xf32, #tpu.memory_space<hbm>>
      %dma_wait3A_71 = arith.constant 0 : i32
      %dma_wait3A_72 = arith.constant 0 : i32
      %dma_wait3A_73 = tpu.memref_slice %arg5[%arg0, %dma_wait3A_71, %dma_wait3A_72] : memref<2x10240x128xf32, #tpu.memory_space<hbm>> -> memref<1x10240x128xf32, #tpu.memory_space<hbm>>
      %dma_wait3A_74 = tpu.memref_squeeze %dma_wait3A_73 : memref<1x10240x128xf32, #tpu.memory_space<hbm>> -> memref<10240x128xf32, #tpu.memory_space<hbm>>
      %dma_wait3A_75 = arith.constant 0 : i32
      %dma_wait3A_76 = tpu.memref_slice %dma_wait3A_74[%add3A_46, %dma_wait3A_75] : memref<10240x128xf32, #tpu.memory_space<hbm>> -> memref<128x128xf32, #tpu.memory_space<hbm>>
      tpu.wait_dma2 semaphore(%run_scoped3A : memref<!tpu.dma_semaphore, #tpu.memory_space<semaphore_mem>>) src(%arg9 : memref<128x128xf32, #tpu.memory_space<vmem>>) dst(%dma_wait3A_76 : memref<128x128xf32, #tpu.memory_space<hbm>>)
      tpu.yield
    }) : () -> ()
    %mul3A_47 = arith.constant 640 : i32
    %mul3A_48 = arith.muli %arg1, %mul3A_47 : i32
    %add3A_49 = arith.constant 384 : i32
    %add3A_50 = arith.addi %mul3A_48, %add3A_49 : i32
    "tpu.region"() ({
      %run_scoped3A = tpu.sem_alloc : memref<!tpu.dma_semaphore, #tpu.memory_space<semaphore_mem>>
      %dma_start3A = arith.constant 0 : i32
      %dma_start3A_55 = tpu.memref_slice %arg10[%add3A_50, %dma_start3A] : memref<10240x128xf32, #tpu.memory_space<vmem_shared>> -> memref<128x128xf32, #tpu.memory_space<vmem_shared>>
      %dma_start3A_56 = arith.constant 0 : i32
      %dma_start3A_57 = tpu.memref_slice %arg10[%add3A_50, %dma_start3A_56] : memref<10240x128xf32, #tpu.memory_space<vmem_shared>> -> memref<128x128xf32, #tpu.memory_space<vmem_shared>>
      tpu.enqueue_dma source(%dma_start3A_57 : memref<128x128xf32, #tpu.memory_space<vmem_shared>>) target(%arg9 : memref<128x128xf32, #tpu.memory_space<vmem>>) target_semaphore(%run_scoped3A : memref<!tpu.dma_semaphore, #tpu.memory_space<semaphore_mem>>)
      %dma_wait3A = arith.constant 0 : i32
      %dma_wait3A_58 = tpu.memref_slice %arg10[%add3A_50, %dma_wait3A] : memref<10240x128xf32, #tpu.memory_space<vmem_shared>> -> memref<128x128xf32, #tpu.memory_space<vmem_shared>>
      %dma_wait3A_59 = arith.constant 0 : i32
      %dma_wait3A_60 = tpu.memref_slice %arg10[%add3A_50, %dma_wait3A_59] : memref<10240x128xf32, #tpu.memory_space<vmem_shared>> -> memref<128x128xf32, #tpu.memory_space<vmem_shared>>
      tpu.wait_dma2 semaphore(%run_scoped3A : memref<!tpu.dma_semaphore, #tpu.memory_space<semaphore_mem>>) src(%dma_wait3A_60 : memref<128x128xf32, #tpu.memory_space<vmem_shared>>) dst(%arg9 : memref<128x128xf32, #tpu.memory_space<vmem>>)
      tpu.yield
    }) : () -> ()
    "tpu.region"() ({
      %run_scoped3A = tpu.sem_alloc : memref<!tpu.dma_semaphore, #tpu.memory_space<semaphore_mem>>
      %dma_start3A = arith.constant 0 : i32
      %dma_start3A_55 = arith.constant 0 : i32
      %dma_start3A_56 = tpu.memref_slice %arg5[%arg0, %dma_start3A, %dma_start3A_55] : memref<2x10240x128xf32, #tpu.memory_space<hbm>> -> memref<1x10240x128xf32, #tpu.memory_space<hbm>>
      %dma_start3A_57 = tpu.memref_squeeze %dma_start3A_56 : memref<1x10240x128xf32, #tpu.memory_space<hbm>> -> memref<10240x128xf32, #tpu.memory_space<hbm>>
      %dma_start3A_58 = arith.constant 0 : i32
      %dma_start3A_59 = tpu.memref_slice %dma_start3A_57[%add3A_50, %dma_start3A_58] : memref<10240x128xf32, #tpu.memory_space<hbm>> -> memref<128x128xf32, #tpu.memory_space<hbm>>
      %dma_start3A_60 = arith.constant 0 : i32
      %dma_start3A_61 = arith.constant 0 : i32
      %dma_start3A_62 = tpu.memref_slice %arg5[%arg0, %dma_start3A_60, %dma_start3A_61] : memref<2x10240x128xf32, #tpu.memory_space<hbm>> -> memref<1x10240x128xf32, #tpu.memory_space<hbm>>
      %dma_start3A_63 = tpu.memref_squeeze %dma_start3A_62 : memref<1x10240x128xf32, #tpu.memory_space<hbm>> -> memref<10240x128xf32, #tpu.memory_space<hbm>>
      %dma_start3A_64 = arith.constant 0 : i32
      %dma_start3A_65 = tpu.memref_slice %dma_start3A_63[%add3A_50, %dma_start3A_64] : memref<10240x128xf32, #tpu.memory_space<hbm>> -> memref<128x128xf32, #tpu.memory_space<hbm>>
      tpu.enqueue_dma source(%arg9 : memref<128x128xf32, #tpu.memory_space<vmem>>) target(%dma_start3A_65 : memref<128x128xf32, #tpu.memory_space<hbm>>) target_semaphore(%run_scoped3A : memref<!tpu.dma_semaphore, #tpu.memory_space<semaphore_mem>>)
      %dma_wait3A = arith.constant 0 : i32
      %dma_wait3A_66 = arith.constant 0 : i32
      %dma_wait3A_67 = tpu.memref_slice %arg5[%arg0, %dma_wait3A, %dma_wait3A_66] : memref<2x10240x128xf32, #tpu.memory_space<hbm>> -> memref<1x10240x128xf32, #tpu.memory_space<hbm>>
      %dma_wait3A_68 = tpu.memref_squeeze %dma_wait3A_67 : memref<1x10240x128xf32, #tpu.memory_space<hbm>> -> memref<10240x128xf32, #tpu.memory_space<hbm>>
      %dma_wait3A_69 = arith.constant 0 : i32
      %dma_wait3A_70 = tpu.memref_slice %dma_wait3A_68[%add3A_50, %dma_wait3A_69] : memref<10240x128xf32, #tpu.memory_space<hbm>> -> memref<128x128xf32, #tpu.memory_space<hbm>>
      %dma_wait3A_71 = arith.constant 0 : i32
      %dma_wait3A_72 = arith.constant 0 : i32
      %dma_wait3A_73 = tpu.memref_slice %arg5[%arg0, %dma_wait3A_71, %dma_wait3A_72] : memref<2x10240x128xf32, #tpu.memory_space<hbm>> -> memref<1x10240x128xf32, #tpu.memory_space<hbm>>
      %dma_wait3A_74 = tpu.memref_squeeze %dma_wait3A_73 : memref<1x10240x128xf32, #tpu.memory_space<hbm>> -> memref<10240x128xf32, #tpu.memory_space<hbm>>
      %dma_wait3A_75 = arith.constant 0 : i32
      %dma_wait3A_76 = tpu.memref_slice %dma_wait3A_74[%add3A_50, %dma_wait3A_75] : memref<10240x128xf32, #tpu.memory_space<hbm>> -> memref<128x128xf32, #tpu.memory_space<hbm>>
      tpu.wait_dma2 semaphore(%run_scoped3A : memref<!tpu.dma_semaphore, #tpu.memory_space<semaphore_mem>>) src(%arg9 : memref<128x128xf32, #tpu.memory_space<vmem>>) dst(%dma_wait3A_76 : memref<128x128xf32, #tpu.memory_space<hbm>>)
      tpu.yield
    }) : () -> ()
    %mul3A_51 = arith.constant 640 : i32
    %mul3A_52 = arith.muli %arg1, %mul3A_51 : i32
    %add3A_53 = arith.constant 512 : i32
    %add3A_54 = arith.addi %mul3A_52, %add3A_53 : i32
    "tpu.region"() ({
      %run_scoped3A = tpu.sem_alloc : memref<!tpu.dma_semaphore, #tpu.memory_space<semaphore_mem>>
      %dma_start3A = arith.constant 0 : i32
      %dma_start3A_55 = tpu.memref_slice %arg10[%add3A_54, %dma_start3A] : memref<10240x128xf32, #tpu.memory_space<vmem_shared>> -> memref<128x128xf32, #tpu.memory_space<vmem_shared>>
      %dma_start3A_56 = arith.constant 0 : i32
      %dma_start3A_57 = tpu.memref_slice %arg10[%add3A_54, %dma_start3A_56] : memref<10240x128xf32, #tpu.memory_space<vmem_shared>> -> memref<128x128xf32, #tpu.memory_space<vmem_shared>>
      tpu.enqueue_dma source(%dma_start3A_57 : memref<128x128xf32, #tpu.memory_space<vmem_shared>>) target(%arg9 : memref<128x128xf32, #tpu.memory_space<vmem>>) target_semaphore(%run_scoped3A : memref<!tpu.dma_semaphore, #tpu.memory_space<semaphore_mem>>)
      %dma_wait3A = arith.constant 0 : i32
      %dma_wait3A_58 = tpu.memref_slice %arg10[%add3A_54, %dma_wait3A] : memref<10240x128xf32, #tpu.memory_space<vmem_shared>> -> memref<128x128xf32, #tpu.memory_space<vmem_shared>>
      %dma_wait3A_59 = arith.constant 0 : i32
      %dma_wait3A_60 = tpu.memref_slice %arg10[%add3A_54, %dma_wait3A_59] : memref<10240x128xf32, #tpu.memory_space<vmem_shared>> -> memref<128x128xf32, #tpu.memory_space<vmem_shared>>
      tpu.wait_dma2 semaphore(%run_scoped3A : memref<!tpu.dma_semaphore, #tpu.memory_space<semaphore_mem>>) src(%dma_wait3A_60 : memref<128x128xf32, #tpu.memory_space<vmem_shared>>) dst(%arg9 : memref<128x128xf32, #tpu.memory_space<vmem>>)
      tpu.yield
    }) : () -> ()
    "tpu.region"() ({
      %run_scoped3A = tpu.sem_alloc : memref<!tpu.dma_semaphore, #tpu.memory_space<semaphore_mem>>
      %dma_start3A = arith.constant 0 : i32
      %dma_start3A_55 = arith.constant 0 : i32
      %dma_start3A_56 = tpu.memref_slice %arg5[%arg0, %dma_start3A, %dma_start3A_55] : memref<2x10240x128xf32, #tpu.memory_space<hbm>> -> memref<1x10240x128xf32, #tpu.memory_space<hbm>>
      %dma_start3A_57 = tpu.memref_squeeze %dma_start3A_56 : memref<1x10240x128xf32, #tpu.memory_space<hbm>> -> memref<10240x128xf32, #tpu.memory_space<hbm>>
      %dma_start3A_58 = arith.constant 0 : i32
      %dma_start3A_59 = tpu.memref_slice %dma_start3A_57[%add3A_54, %dma_start3A_58] : memref<10240x128xf32, #tpu.memory_space<hbm>> -> memref<128x128xf32, #tpu.memory_space<hbm>>
      %dma_start3A_60 = arith.constant 0 : i32
      %dma_start3A_61 = arith.constant 0 : i32
      %dma_start3A_62 = tpu.memref_slice %arg5[%arg0, %dma_start3A_60, %dma_start3A_61] : memref<2x10240x128xf32, #tpu.memory_space<hbm>> -> memref<1x10240x128xf32, #tpu.memory_space<hbm>>
      %dma_start3A_63 = tpu.memref_squeeze %dma_start3A_62 : memref<1x10240x128xf32, #tpu.memory_space<hbm>> -> memref<10240x128xf32, #tpu.memory_space<hbm>>
      %dma_start3A_64 = arith.constant 0 : i32
      %dma_start3A_65 = tpu.memref_slice %dma_start3A_63[%add3A_54, %dma_start3A_64] : memref<10240x128xf32, #tpu.memory_space<hbm>> -> memref<128x128xf32, #tpu.memory_space<hbm>>
      tpu.enqueue_dma source(%arg9 : memref<128x128xf32, #tpu.memory_space<vmem>>) target(%dma_start3A_65 : memref<128x128xf32, #tpu.memory_space<hbm>>) target_semaphore(%run_scoped3A : memref<!tpu.dma_semaphore, #tpu.memory_space<semaphore_mem>>)
      %dma_wait3A = arith.constant 0 : i32
      %dma_wait3A_66 = arith.constant 0 : i32
      %dma_wait3A_67 = tpu.memref_slice %arg5[%arg0, %dma_wait3A, %dma_wait3A_66] : memref<2x10240x128xf32, #tpu.memory_space<hbm>> -> memref<1x10240x128xf32, #tpu.memory_space<hbm>>
      %dma_wait3A_68 = tpu.memref_squeeze %dma_wait3A_67 : memref<1x10240x128xf32, #tpu.memory_space<hbm>> -> memref<10240x128xf32, #tpu.memory_space<hbm>>
      %dma_wait3A_69 = arith.constant 0 : i32
      %dma_wait3A_70 = tpu.memref_slice %dma_wait3A_68[%add3A_54, %dma_wait3A_69] : memref<10240x128xf32, #tpu.memory_space<hbm>> -> memref<128x128xf32, #tpu.memory_space<hbm>>
      %dma_wait3A_71 = arith.constant 0 : i32
      %dma_wait3A_72 = arith.constant 0 : i32
      %dma_wait3A_73 = tpu.memref_slice %arg5[%arg0, %dma_wait3A_71, %dma_wait3A_72] : memref<2x10240x128xf32, #tpu.memory_space<hbm>> -> memref<1x10240x128xf32, #tpu.memory_space<hbm>>
      %dma_wait3A_74 = tpu.memref_squeeze %dma_wait3A_73 : memref<1x10240x128xf32, #tpu.memory_space<hbm>> -> memref<10240x128xf32, #tpu.memory_space<hbm>>
      %dma_wait3A_75 = arith.constant 0 : i32
      %dma_wait3A_76 = tpu.memref_slice %dma_wait3A_74[%add3A_54, %dma_wait3A_75] : memref<10240x128xf32, #tpu.memory_space<hbm>> -> memref<128x128xf32, #tpu.memory_space<hbm>>
      tpu.wait_dma2 semaphore(%run_scoped3A : memref<!tpu.dma_semaphore, #tpu.memory_space<semaphore_mem>>) src(%arg9 : memref<128x128xf32, #tpu.memory_space<vmem>>) dst(%dma_wait3A_76 : memref<128x128xf32, #tpu.memory_space<hbm>>)
      tpu.yield
    }) : () -> ()
    return
  }
}

module attributes {stable_mosaic.version = 14 : i64} {
  func.func @_layer_tc_body(%arg0: i32, %arg1: memref<2x1000x128xf32, #tpu.memory_space<vmem>>, %arg2: memref<1000x1xf32, #tpu.memory_space<vmem>>, %arg3: memref<1000x1xf32, #tpu.memory_space<vmem>>, %arg4: memref<128x128xf32, #tpu.memory_space<vmem>>, %arg5: memref<1x128xf32, #tpu.memory_space<vmem>>, %arg6: memref<1000x128xf32, #tpu.memory_space<vmem>>) attributes {dimension_semantics = [#tpu.dimension_semantics<arbitrary>], iteration_bounds = array<i64: 10>, scalar_prefetch = 0 : i64, scratch_operands = 0 : i64, tpu.core_type = #tpu.core_type<tc>, window_params = [{transform_indices = @transform_0, window_bounds = array<i64: 2, 1000, 128>}, {transform_indices = @transform_1, window_bounds = array<i64: 1000, 1>}, {transform_indices = @transform_2, window_bounds = array<i64: 1000, 1>}, {pipeline_mode = #tpu.pipeline_mode<synchronous>, transform_indices = @transform_3, window_bounds = array<i64: 128, 128>}, {pipeline_mode = #tpu.pipeline_mode<synchronous>, transform_indices = @transform_4, window_bounds = array<i64: 1, 128>}, {transform_indices = @transform_5, window_bounds = array<i64: 1000, 128>}]} {
    %get3A = arith.constant 0 : index
    %get3A_0 = arith.constant 0 : index
    %get3A_1 = arith.constant 0 : index
    %get3A_2 = vector.load %arg1[%get3A, %get3A_0, %get3A_1] : memref<2x1000x128xf32, #tpu.memory_space<vmem>>, vector<1x1000x128xf32>
    %get3A_3 = vector.shape_cast %get3A_2 : vector<1x1000x128xf32> to vector<1000x128xf32>
    %get3A_4 = arith.constant 1 : index
    %get3A_5 = arith.constant 0 : index
    %get3A_6 = arith.constant 0 : index
    %get3A_7 = vector.load %arg1[%get3A_4, %get3A_5, %get3A_6] : memref<2x1000x128xf32, #tpu.memory_space<vmem>>, vector<1x1000x128xf32>
    %get3A_8 = vector.shape_cast %get3A_7 : vector<1x1000x128xf32> to vector<1000x128xf32>
    %add3A = arith.addf %get3A_3, %get3A_8 : vector<1000x128xf32>
    %get3A_9 = arith.constant 0 : index
    %get3A_10 = arith.constant 0 : index
    %get3A_11 = vector.load %arg2[%get3A_9, %get3A_10] : memref<1000x1xf32, #tpu.memory_space<vmem>>, vector<1000x1xf32>
    %mul3A = vector.broadcast %get3A_11 : vector<1000x1xf32> to vector<1000x128xf32>
    %mul3A_12 = arith.mulf %add3A, %mul3A : vector<1000x128xf32>
    %get3A_13 = arith.constant 0 : index
    %get3A_14 = arith.constant 0 : index
    %get3A_15 = vector.load %arg4[%get3A_13, %get3A_14] : memref<128x128xf32, #tpu.memory_space<vmem>>, vector<128x128xf32>
    %dot_general3A = arith.constant dense<0.000000e+00> : vector<1000x128xf32>
    %dot_general3A_16 = tpu.matmul %mul3A_12, %get3A_15, %dot_general3A {dimension_numbers = #tpu.dot_dimension_numbers<[1], [0], [0], [1], [0, 0, 1, 1], [], []>, transpose_lhs_hint = false} : vector<1000x128xf32>, vector<128x128xf32>, vector<1000x128xf32> -> vector<1000x128xf32>
    %get3A_17 = arith.constant 0 : index
    %get3A_18 = arith.constant 0 : index
    %get3A_19 = vector.load %arg5[%get3A_17, %get3A_18] : memref<1x128xf32, #tpu.memory_space<vmem>>, vector<1x128xf32>
    %add3A_20 = vector.broadcast %get3A_19 : vector<1x128xf32> to vector<1000x128xf32>
    %add3A_21 = arith.addf %dot_general3A_16, %add3A_20 : vector<1000x128xf32>
    %max3A = arith.constant 0.000000e+00 : f32
    %max3A_22 = vector.broadcast %max3A : f32 to vector<1000x128xf32>
    %max3A_23 = arith.maximumf %add3A_21, %max3A_22 : vector<1000x128xf32>
    %swap3A = arith.constant 0 : index
    %swap3A_24 = arith.constant 0 : index
    %swap3A_25 = vector.load %arg6[%swap3A, %swap3A_24] : memref<1000x128xf32, #tpu.memory_space<vmem>>, vector<1000x128xf32>
    tpu.vector_store %arg6[%swap3A, %swap3A_24], %max3A_23 {strides = array<i32>} : memref<1000x128xf32, #tpu.memory_space<vmem>>, vector<1000x128xf32>,
    return
  }
  func.func @transform_0(%arg0: i32) -> (i32, i32, i32) {
    %c0_i32 = arith.constant 0 : i32
    %c0_i32_0 = arith.constant 0 : i32
    %c0_i32_1 = arith.constant 0 : i32
    return %c0_i32, %arg0, %c0_i32_0 : i32, i32, i32
  }
  func.func @transform_1(%arg0: i32) -> (i32, i32) {
    %c0_i32 = arith.constant 0 : i32
    %c0_i32_0 = arith.constant 0 : i32
    return %arg0, %c0_i32 : i32, i32
  }
  func.func @transform_2(%arg0: i32) -> (i32, i32) {
    %c0_i32 = arith.constant 0 : i32
    %c0_i32_0 = arith.constant 0 : i32
    return %arg0, %c0_i32 : i32, i32
  }
  func.func @transform_3(%arg0: i32) -> (i32, i32) {
    %c0_i32 = arith.constant 0 : i32
    %c0_i32_0 = arith.constant 0 : i32
    %c0_i32_1 = arith.constant 0 : i32
    return %c0_i32, %c0_i32_0 : i32, i32
  }
  func.func @transform_4(%arg0: i32) -> (i32, i32) {
    %c0_i32 = arith.constant 0 : i32
    %c0_i32_0 = arith.constant 0 : i32
    %c0_i32_1 = arith.constant 0 : i32
    return %c0_i32, %c0_i32_0 : i32, i32
  }
  func.func @transform_5(%arg0: i32) -> (i32, i32) {
    %c0_i32 = arith.constant 0 : i32
    %c0_i32_0 = arith.constant 0 : i32
    return %arg0, %c0_i32 : i32, i32
  }
}

module attributes {stable_mosaic.version = 14 : i64} {
  func.func @_norm_m0_body(%arg0: memref<2x2x10240x128xf32, #tpu.memory_space<vmem>>, %arg1: memref<10000x128xf32, #tpu.memory_space<vmem>>, %arg2: memref<10240x1xf32, #tpu.memory_space<vmem>>, %arg3: memref<10240x1xf32, #tpu.memory_space<vmem>>, %arg4: memref<10000x128xf32, #tpu.memory_space<vmem>>) attributes {dimension_semantics = [], scalar_prefetch = 0 : i64, scratch_operands = 0 : i64, tpu.core_type = #tpu.core_type<tc>} {
    %get3A = arith.constant 0 : index
    %get3A_0 = arith.constant 0 : index
    %get3A_1 = arith.constant 0 : index
    %get3A_2 = arith.constant 0 : index
    %get3A_3 = vector.load %arg0[%get3A, %get3A_0, %get3A_1, %get3A_2] : memref<2x2x10240x128xf32, #tpu.memory_space<vmem>>, vector<1x1x10240x128xf32>
    %get3A_4 = vector.shape_cast %get3A_3 : vector<1x1x10240x128xf32> to vector<10240x128xf32>
    %get3A_5 = arith.constant 1 : index
    %get3A_6 = arith.constant 0 : index
    %get3A_7 = arith.constant 0 : index
    %get3A_8 = arith.constant 0 : index
    %get3A_9 = vector.load %arg0[%get3A_5, %get3A_6, %get3A_7, %get3A_8] : memref<2x2x10240x128xf32, #tpu.memory_space<vmem>>, vector<1x1x10240x128xf32>
    %get3A_10 = vector.shape_cast %get3A_9 : vector<1x1x10240x128xf32> to vector<10240x128xf32>
    %add3A = arith.addf %get3A_4, %get3A_10 : vector<10240x128xf32>
    %get3A_11 = arith.constant 0 : index
    %get3A_12 = arith.constant 1 : index
    %get3A_13 = arith.constant 0 : index
    %get3A_14 = arith.constant 0 : index
    %get3A_15 = vector.load %arg0[%get3A_11, %get3A_12, %get3A_13, %get3A_14] : memref<2x2x10240x128xf32, #tpu.memory_space<vmem>>, vector<1x1x10240x128xf32>
    %get3A_16 = vector.shape_cast %get3A_15 : vector<1x1x10240x128xf32> to vector<10240x128xf32>
    %get3A_17 = arith.constant 1 : index
    %get3A_18 = arith.constant 1 : index
    %get3A_19 = arith.constant 0 : index
    %get3A_20 = arith.constant 0 : index
    %get3A_21 = vector.load %arg0[%get3A_17, %get3A_18, %get3A_19, %get3A_20] : memref<2x2x10240x128xf32, #tpu.memory_space<vmem>>, vector<1x1x10240x128xf32>
    %get3A_22 = vector.shape_cast %get3A_21 : vector<1x1x10240x128xf32> to vector<10240x128xf32>
    %add3A_23 = arith.addf %get3A_16, %get3A_22 : vector<10240x128xf32>
    %slice3A = vector.extract_strided_slice %add3A {offsets = [0, 0], sizes = [10240, 1], strides = [1, 1]} : vector<10240x128xf32> to vector<10240x1xf32>
    %max3A = arith.constant 1.000000e+00 : f32
    %max3A_24 = vector.broadcast %max3A : f32 to vector<10240x1xf32>
    %max3A_25 = arith.maximumf %slice3A, %max3A_24 : vector<10240x1xf32>
    %sqrt3A = math.sqrt %max3A_25 : vector<10240x1xf32>
    %div3A = arith.constant 1.000000e+00 : f32
    %div3A_26 = vector.broadcast %div3A : f32 to vector<10240x1xf32>
    %div3A_27 = arith.divf %div3A_26, %sqrt3A : vector<10240x1xf32>
    %slice3A_28 = vector.extract_strided_slice %add3A_23 {offsets = [0, 0], sizes = [10240, 1], strides = [1, 1]} : vector<10240x128xf32> to vector<10240x1xf32>
    %max3A_29 = arith.constant 1.000000e+00 : f32
    %max3A_30 = vector.broadcast %max3A_29 : f32 to vector<10240x1xf32>
    %max3A_31 = arith.maximumf %slice3A_28, %max3A_30 : vector<10240x1xf32>
    %sqrt3A_32 = math.sqrt %max3A_31 : vector<10240x1xf32>
    %div3A_33 = arith.constant 1.000000e+00 : f32
    %div3A_34 = vector.broadcast %div3A_33 : f32 to vector<10240x1xf32>
    %div3A_35 = arith.divf %div3A_34, %sqrt3A_32 : vector<10240x1xf32>
    %swap3A = arith.constant 0 : index
    %swap3A_36 = arith.constant 0 : index
    %swap3A_37 = vector.load %arg2[%swap3A, %swap3A_36] : memref<10240x1xf32, #tpu.memory_space<vmem>>, vector<10240x1xf32>
    tpu.vector_store %arg2[%swap3A, %swap3A_36], %div3A_27 {strides = array<i32>} : memref<10240x1xf32, #tpu.memory_space<vmem>>, vector<10240x1xf32>,
    %swap3A_38 = arith.constant 0 : index
    %swap3A_39 = arith.constant 0 : index
    %swap3A_40 = vector.load %arg3[%swap3A_38, %swap3A_39] : memref<10240x1xf32, #tpu.memory_space<vmem>>, vector<10240x1xf32>
    tpu.vector_store %arg3[%swap3A_38, %swap3A_39], %div3A_35 {strides = array<i32>} : memref<10240x1xf32, #tpu.memory_space<vmem>>, vector<10240x1xf32>,
    %get3A_41 = arith.constant 0 : index
    %get3A_42 = arith.constant 0 : index
    %get3A_43 = vector.load %arg1[%get3A_41, %get3A_42] : memref<10000x128xf32, #tpu.memory_space<vmem>>, vector<10000x128xf32>
    %slice3A_44 = vector.extract_strided_slice %div3A_27 {offsets = [0, 0], sizes = [10000, 1], strides = [1, 1]} : vector<10240x1xf32> to vector<10000x1xf32>
    %mul3A = vector.broadcast %slice3A_44 : vector<10000x1xf32> to vector<10000x128xf32>
    %mul3A_45 = arith.mulf %get3A_43, %mul3A : vector<10000x128xf32>
    %swap3A_46 = arith.constant 0 : index
    %swap3A_47 = arith.constant 0 : index
    %swap3A_48 = vector.load %arg4[%swap3A_46, %swap3A_47] : memref<10000x128xf32, #tpu.memory_space<vmem>>, vector<10000x128xf32>
    tpu.vector_store %arg4[%swap3A_46, %swap3A_47], %mul3A_45 {strides = array<i32>} : memref<10000x128xf32, #tpu.memory_space<vmem>>, vector<10000x128xf32>,
    return
  }
}

module attributes {stable_mosaic.version = 14 : i64} {
  func.func @_layer_tc_body(%arg0: i32, %arg1: memref<2x1000x128xf32, #tpu.memory_space<vmem>>, %arg2: memref<1000x1xf32, #tpu.memory_space<vmem>>, %arg3: memref<1000x1xf32, #tpu.memory_space<vmem>>, %arg4: memref<128x128xf32, #tpu.memory_space<vmem>>, %arg5: memref<1x128xf32, #tpu.memory_space<vmem>>, %arg6: memref<1000x128xf32, #tpu.memory_space<vmem>>) attributes {dimension_semantics = [#tpu.dimension_semantics<arbitrary>], iteration_bounds = array<i64: 10>, scalar_prefetch = 0 : i64, scratch_operands = 0 : i64, tpu.core_type = #tpu.core_type<tc>, window_params = [{transform_indices = @transform_0, window_bounds = array<i64: 2, 1000, 128>}, {transform_indices = @transform_1, window_bounds = array<i64: 1000, 1>}, {transform_indices = @transform_2, window_bounds = array<i64: 1000, 1>}, {pipeline_mode = #tpu.pipeline_mode<synchronous>, transform_indices = @transform_3, window_bounds = array<i64: 128, 128>}, {pipeline_mode = #tpu.pipeline_mode<synchronous>, transform_indices = @transform_4, window_bounds = array<i64: 1, 128>}, {transform_indices = @transform_5, window_bounds = array<i64: 1000, 128>}]} {
    %get3A = arith.constant 0 : index
    %get3A_0 = arith.constant 0 : index
    %get3A_1 = arith.constant 0 : index
    %get3A_2 = vector.load %arg1[%get3A, %get3A_0, %get3A_1] : memref<2x1000x128xf32, #tpu.memory_space<vmem>>, vector<1x1000x128xf32>
    %get3A_3 = vector.shape_cast %get3A_2 : vector<1x1000x128xf32> to vector<1000x128xf32>
    %get3A_4 = arith.constant 1 : index
    %get3A_5 = arith.constant 0 : index
    %get3A_6 = arith.constant 0 : index
    %get3A_7 = vector.load %arg1[%get3A_4, %get3A_5, %get3A_6] : memref<2x1000x128xf32, #tpu.memory_space<vmem>>, vector<1x1000x128xf32>
    %get3A_8 = vector.shape_cast %get3A_7 : vector<1x1000x128xf32> to vector<1000x128xf32>
    %add3A = arith.addf %get3A_3, %get3A_8 : vector<1000x128xf32>
    %get3A_9 = arith.constant 0 : index
    %get3A_10 = arith.constant 0 : index
    %get3A_11 = vector.load %arg2[%get3A_9, %get3A_10] : memref<1000x1xf32, #tpu.memory_space<vmem>>, vector<1000x1xf32>
    %mul3A = vector.broadcast %get3A_11 : vector<1000x1xf32> to vector<1000x128xf32>
    %mul3A_12 = arith.mulf %add3A, %mul3A : vector<1000x128xf32>
    %get3A_13 = arith.constant 0 : index
    %get3A_14 = arith.constant 0 : index
    %get3A_15 = vector.load %arg4[%get3A_13, %get3A_14] : memref<128x128xf32, #tpu.memory_space<vmem>>, vector<128x128xf32>
    %dot_general3A = arith.constant dense<0.000000e+00> : vector<1000x128xf32>
    %dot_general3A_16 = tpu.matmul %mul3A_12, %get3A_15, %dot_general3A {dimension_numbers = #tpu.dot_dimension_numbers<[1], [0], [0], [1], [0, 0, 1, 1], [], []>, transpose_lhs_hint = false} : vector<1000x128xf32>, vector<128x128xf32>, vector<1000x128xf32> -> vector<1000x128xf32>
    %get3A_17 = arith.constant 0 : index
    %get3A_18 = arith.constant 0 : index
    %get3A_19 = vector.load %arg5[%get3A_17, %get3A_18] : memref<1x128xf32, #tpu.memory_space<vmem>>, vector<1x128xf32>
    %add3A_20 = vector.broadcast %get3A_19 : vector<1x128xf32> to vector<1000x128xf32>
    %add3A_21 = arith.addf %dot_general3A_16, %add3A_20 : vector<1000x128xf32>
    %max3A = arith.constant 0.000000e+00 : f32
    %max3A_22 = vector.broadcast %max3A : f32 to vector<1000x128xf32>
    %max3A_23 = arith.maximumf %add3A_21, %max3A_22 : vector<1000x128xf32>
    %get3A_24 = arith.constant 0 : index
    %get3A_25 = arith.constant 0 : index
    %get3A_26 = vector.load %arg3[%get3A_24, %get3A_25] : memref<1000x1xf32, #tpu.memory_space<vmem>>, vector<1000x1xf32>
    %mul3A_27 = vector.broadcast %get3A_26 : vector<1000x1xf32> to vector<1000x128xf32>
    %mul3A_28 = arith.mulf %max3A_23, %mul3A_27 : vector<1000x128xf32>
    %swap3A = arith.constant 0 : index
    %swap3A_29 = arith.constant 0 : index
    %swap3A_30 = vector.load %arg6[%swap3A, %swap3A_29] : memref<1000x128xf32, #tpu.memory_space<vmem>>, vector<1000x128xf32>
    tpu.vector_store %arg6[%swap3A, %swap3A_29], %mul3A_28 {strides = array<i32>} : memref<1000x128xf32, #tpu.memory_space<vmem>>, vector<1000x128xf32>,
    return
  }
  func.func @transform_0(%arg0: i32) -> (i32, i32, i32) {
    %c0_i32 = arith.constant 0 : i32
    %c0_i32_0 = arith.constant 0 : i32
    %c0_i32_1 = arith.constant 0 : i32
    return %c0_i32, %arg0, %c0_i32_0 : i32, i32, i32
  }
  func.func @transform_1(%arg0: i32) -> (i32, i32) {
    %c0_i32 = arith.constant 0 : i32
    %c0_i32_0 = arith.constant 0 : i32
    return %arg0, %c0_i32 : i32, i32
  }
  func.func @transform_2(%arg0: i32) -> (i32, i32) {
    %c0_i32 = arith.constant 0 : i32
    %c0_i32_0 = arith.constant 0 : i32
    return %arg0, %c0_i32 : i32, i32
  }
  func.func @transform_3(%arg0: i32) -> (i32, i32) {
    %c0_i32 = arith.constant 0 : i32
    %c0_i32_0 = arith.constant 0 : i32
    %c0_i32_1 = arith.constant 0 : i32
    return %c0_i32, %c0_i32_0 : i32, i32
  }
  func.func @transform_4(%arg0: i32) -> (i32, i32) {
    %c0_i32 = arith.constant 0 : i32
    %c0_i32_0 = arith.constant 0 : i32
    %c0_i32_1 = arith.constant 0 : i32
    return %c0_i32, %c0_i32_0 : i32, i32
  }
  func.func @transform_5(%arg0: i32) -> (i32, i32) {
    %c0_i32 = arith.constant 0 : i32
    %c0_i32_0 = arith.constant 0 : i32
    return %arg0, %c0_i32 : i32, i32
  }
}

</mosaic_0001>

<sc_bundles>
// kernel: kernel.14.cloned.1.call-start
scs
__scs_entry_jumppad:
0x0: {  	(pc) =	sbr.rel $0x88, $3  }
0x1: {  	(tag) =	ssettag $0x0;
	lr =	simm.s32 $0x1  }
0x2: {  	[smem:$0x3F95] =	sst lr;
	_ =	strace $0xD0000000  }
0x3: {  	_ = 	snop  }
0x4: {  	_ = 	snop  }
0x5: {  	_ = 	snop  }
0x6: {  	_ = 	snop  }
0x7: {  	_ = 	snop  }
__scs_overlays_trampoline_lowered:
0x8: {  	[smem:$0x3FA4] =	sst s0  }
0x9: {  	[smem:$0x3FA5] =	sst s1  }
0xa: {  	[smem:$0x3FA6] =	sst s2  }
0xb: {  	[smem:$0x3FA7] =	sst s3  }
0xc: {  	[smem:$0x3FA8] =	sst s4  }
0xd: {  	[smem:$0x3FA9] =	sst s5  }
0xe: {  	[smem:$0x3FAA] =	sst s6  }
0xf: {  	[smem:$0x3FAB] =	sst s7  }
0x10: {  	[smem:$0x3FAC] =	sst s8  }
0x11: {  	[smem:$0x3FAD] =	sst s9;
	s0 =	simm.s32 @!p0 $0x0  }
0x12: {  	s1 =	sld [smem:$0x3F93];
	s0 =	simm.s32 @p0 $0x1  }
0x13: {  	[smem:$0x3FAE] =	sst s0;
	s0 =	simm.s32 @!p1 $0x0  }
0x14: {  	s2 =	sld [smem:$0x3F92];
	s0 =	simm.s32 @p1 $0x1  }
0x15: {  	[smem:$0x3FAF] =	sst s0;
	s0 =	simm.s32 @!p2 $0x0  }
0x16: {  	s3 =	sld [smem:$0x3FDB];
	s0 =	simm.s32 @p2 $0x1  }
0x17: {  	s4 =	simm.s32 $0x1BF5;
	[smem:$0x3FB1] =	sst s0  }
0x18: {  	s0 =	sld [smem:$0x3F94];
	_ =	swait.ge [sflag:s4], $0x0  }
0x19: {  	s7 =	sld [smem:$0x3F95]  }
0x1a: {  	s8 =	sadd.s32 $0xFFFFE003, lr  }
0x1b: {  	s9 =	sadd.s32 $0xFFFFFEF7, lr;
	s5 =	simm.s32 $0xFFFFFFFF;
	p2 =	slt.u32 s8, $0xFFFFF086  }
0x1c: {  	p1 =	slt.u32 s9, $0xF7A;
	s5 =	simm.s32 @!p2 $0x0  }
0x1d: {  	s5 =	simm.s32 @p1 $0x1;
	p0 =	seq.s32 s7, s2  }
0x1e: {  	s7 =	smul.u32 @!p0 $0xF7A, s2;
	p2 =	seq.s32 @!p0 s5, $0x0  }
0x1f: {  	s9 =	smul.u32 $0xF7A, s1;
	s8 =	simm.s32 @!p0 $0x1BF5;
	p2 =	por !p2, p0  }
0x20: {  	[sflag:s8] =	ssyncset.s32 @!p0 $0xFFFFF086;
	s6 =	sadd.s32 @!p0 s3, s7;
	s7 =	simm.s32 @!p0 $0x108  }
0x21: {  	s3 =	sadd.s32 s3, s9;
	s6 =	sadd.s32 @!p0 $0x88, s6;
	s7 =	simm.s32 @p2 $0x1082  }
0x22: {  	[simem:s7], [sflag:s8] =	dma.local @!p0 [hbm:s6], $0xF7A  }
0x23: {  	s9 =	sor.u32 $0xD0000000, s2;
	s6 =	simm.s32 $0x108;
	_ =	swait.ge @!p0 [sflag:s8], $0x0  }
0x24: {  	s3 =	sadd.s32 $0x88, s3;
	s6 =	simm.s32 @!p1 $0x1082;
	[sflag:s4] =	ssyncset.s32 $0xFFFFF086  }
0x25: {  	[simem:s6], [sflag:s4] =	dma.local [hbm:s3], $0xF7A  }
0x26: {  	[smem:$0x3F95] =	sst s1;
	(tag) =	ssettag s2;
	_ =	strace s9  }
0x27: {  	s1 =	sld [smem:$0x3FA5]  }
0x28: {  	s2 =	sld [smem:$0x3FA6]  }
0x29: {  	s4 =	sld [smem:$0x3FA8]  }
0x2a: {  	p0 =	seq.s32 s5, $0x0;
	s5 =	sld [smem:$0x3FA9]  }
0x2b: {  	s6 =	sld [smem:$0x3FAA]  }
0x2c: {  	s7 =	sld [smem:$0x3FAB]  }
0x2d: {  	s3 =	simm.s32 $0x108;
	s8 =	sld [smem:$0x3FAC]  }
0x2e: {  	s3 =	simm.s32 @!p0 $0x1082;
	s9 =	sld [smem:$0x3FAD]  }
0x2f: {  	lr =	sadd.s32 s0, s3;
	s0 =	sld [smem:$0x3FA4]  }
0x30: {  	s3 =	sld [smem:$0x3FA7]  }
0x31: {  	[smem:$0x3FB0] =	sst s10  }
0x32: {  	s10 =	sld [smem:$0x3FAE];
	_ =	sdelay $0x3  }
0x33: {  	p0 =	seq.s32 s10, $0x1;
	s10 =	sld [smem:$0x3FB0];
	_ =	sdelay $0x3  }
0x34: {  	[smem:$0x3FB0] =	sst s10  }
0x35: {  	s10 =	sld [smem:$0x3FAF];
	_ =	sdelay $0x3  }
0x36: {  	p1 =	seq.s32 s10, $0x1;
	s10 =	sld [smem:$0x3FB0];
	_ =	sdelay $0x3  }
0x37: {  	[smem:$0x3FB0] =	sst s10  }
0x38: {  	s10 =	sld [smem:$0x3FB1]  }
0x39: {  	_ = 	snop;
	(pc) =	sbr.ind lr, $3  }
0x3a: {  	_ = 	snop  }
0x3b: {  	_ = 	snop  }
0x3c: {  	p2 =	seq.s32 s10, $0x1;
	s10 =	sld [smem:$0x3FB0]  }
0x3d: {  	_ =	shalt  }
0x3e: {  	_ =	shalt  }
0x3f: {  	_ =	shalt  }
0x40: {  	_ =	shalt  }
0x41: {  	_ =	shalt  }
0x42: {  	_ =	shalt  }
0x43: {  	_ =	shalt  }
0x44: {  	_ =	shalt  }
0x45: {  	_ =	shalt  }
0x46: {  	_ =	shalt  }
0x47: {  	_ =	shalt  }
0x48: {  	_ =	shalt  }
0x49: {  	_ =	shalt  }
0x4a: {  	_ =	shalt  }
0x4b: {  	_ =	shalt  }
0x4c: {  	_ =	shalt  }
0x4d: {  	_ =	shalt  }
0x4e: {  	_ =	shalt  }
0x4f: {  	_ =	shalt  }
0x50: {  	_ =	shalt  }
0x51: {  	_ =	shalt  }
0x52: {  	_ =	shalt  }
0x53: {  	_ =	shalt  }
0x54: {  	_ =	shalt  }
0x55: {  	_ =	shalt  }
0x56: {  	_ =	shalt  }
0x57: {  	_ =	shalt  }
0x58: {  	_ =	shalt  }
0x59: {  	_ =	shalt  }
0x5a: {  	_ =	shalt  }
0x5b: {  	_ =	shalt  }
0x5c: {  	_ =	shalt  }
0x5d: {  	_ =	shalt  }
0x5e: {  	_ =	shalt  }
0x5f: {  	_ =	shalt  }
0x60: {  	_ =	shalt  }
0x61: {  	_ =	shalt  }
0x62: {  	_ =	shalt  }
0x63: {  	_ =	shalt  }
0x64: {  	_ =	shalt  }
0x65: {  	_ =	shalt  }
0x66: {  	_ =	shalt  }
0x67: {  	_ =	shalt  }
0x68: {  	_ =	shalt  }
0x69: {  	_ =	shalt  }
0x6a: {  	_ =	shalt  }
0x6b: {  	_ =	shalt  }
0x6c: {  	_ =	shalt  }
0x6d: {  	_ =	shalt  }
0x6e: {  	_ =	shalt  }
0x6f: {  	_ =	shalt  }
0x70: {  	_ =	shalt  }
0x71: {  	_ =	shalt  }
0x72: {  	_ =	shalt  }
0x73: {  	_ =	shalt  }
0x74: {  	_ =	shalt  }
0x75: {  	_ =	shalt  }
0x76: {  	_ =	shalt  }
0x77: {  	_ =	shalt  }
0x78: {  	_ =	shalt  }
0x79: {  	_ =	shalt  }
0x7a: {  	_ =	shalt  }
0x7b: {  	_ =	shalt  }
0x7c: {  	_ =	shalt  }
0x7d: {  	_ =	shalt  }
0x7e: {  	_ =	shalt  }
0x7f: {  	_ =	shalt  }
0x80: {  	_ =	shalt  }
0x81: {  	_ =	shalt  }
0x82: {  	_ =	shalt  }
0x83: {  	_ =	shalt  }
0x84: {  	_ =	shalt  }
0x85: {  	_ =	shalt  }
0x86: {  	_ =	shalt  }
0x87: {  	_ =	shalt  }
.Lfunc_end0:
.L_simem_size_0:
called_computation_lowered:
.L_overlay_start_0:
0x88: {  	s2 =	sld [smem:$0x3FD9]  }
0x89: {  	s3 =	sld [smem:$0x3FFE];
	_ =	sdelay $0x1  }
0x8a: {  	s1 =	srdreg.scid  }
0x8b: {  	s0 =	sand.u32 $0x1, s1  }
0x8c: {  	s16 =	sshll.u32 s0, $0xA;
	s2 =	sadd.s32 s3, s2  }
0x8d: {  	s2 =	sadd.s32 s2, s16  }
0x8e: {  	[smem:$0x3FBC] =	sst s2  }
0x8f: {  	_ = 	snop  }
0x90: {  	(tm) =	ssettm $0x1  }
0x91: {  	s17 =	sld [smem:$0x3FFB];
	_ =	sdelay $0x3  }
0x92: {  	_ =	strace s17  }
0x93: {  	s2 =	sld [smem:$0x3FFC];
	_ =	sdelay $0x3  }
0x94: {  	_ =	strace s2  }
0x95: {  	s2 =	sld [smem:$0x3FFD];
	_ =	sdelay $0x3  }
0x96: {  	_ =	strace s2  }
0x97: {  	_ =	strace $0x8FFFFFFF  }
0x98: {  	s18 =	sld [smem:$0x3FDB];
	_ =	sdelay $0x1  }
0x99: {  	s19 =	simm.s32 $_scs_section_size  }
0x9a: {  	s4 =	simm.s32 $_size__tile_overlayer_lowered;
	s5 =	simm.s32 $_tile_overlayer_lowered  }
0x9b: {  	s22 =	simm.s32 $0x1BFF;
	s21 =	sshll.u32 s5, $0x1;
	s2 =	sadd.s32 s19, s18  }
0x9c: {  	s6 =	simm.s32 $0x0;
	s20 =	sshll.u32 s4, $0x1;
	s4 =	sadd.s32 s21, s2  }
0x9d: {  	[timem:s6], [sflag:s22] =	dma.local [hbm:s4], s20  }
0x9e: {  	_ =	swait.ge [sflag:s22], s20  }
0x9f: {  	s3 =	ssub.s32 $0x0, s20;
	[sflag:s22] =	ssyncset.done $0x0  }
0xa0: {  	[sflag:s22] =	ssyncadd.s32 s3;
	_ =	sdelay $0x1  }
0xa1: {  	s23 =	simm.s32 $0x1B8B  }
0xa2: {  	_ =	swait.ge [sflag:s23], $0x1  }
0xa3: {  	[sflag:s23] =	ssyncset.done $0x0  }
0xa4: {  	s25 =	simm.s32 $0x1B8E;
	s24 =	sld [smem:$0x3FFE];
	[sflag:s23] =	ssyncadd.s32 $0xFFFFFFFF  }
0xa5: {  	s26 =	simm.s32 $execute0_lowered;
	[smem:$0x3FD2] =	sst s25  }
0xa6: {  	s4 =	sshll.u32 s26, $0x1;
	_ =	strace $0x80000046;
	[dreg:$0x1] =	wrdreg $0xFFFFFFFF  }
0xa7: {  	s28 =	simm.s32 $_size_execute0_lowered;
	s2 =	sadd.s32 s2, s4;
	[dreg:$0x0] =	wrdreg $0x0  }
0xa8: {  	s4 =	sshll.u32 s28, $0x1;
	[dreg:$0x2] =	wrdreg s2  }
0xa9: {  	[dreg:$0x3] =	wrdreg s4  }
0xaa: {  	[dreg:$0x4] =	wrdreg $0xC0  }
0xab: {  	_ =	task [dreg:s6], $0x5FFFF  }
0xac: {  	[dreg:$0x1] =	wrdreg $0xFFFFFFFF  }
0xad: {  	[dreg:$0x0] =	wrdreg $0x60  }
0xae: {  	[dreg:$0x2] =	wrdreg s24  }
0xaf: {  	[dreg:$0x3] =	wrdreg $0x68800  }
0xb0: {  	[dreg:$0x4] =	wrdreg $0x9  }
0xb1: {  	_ =	task.clear_ibuf [dreg:s6], $0x5FFFF;
	_ =	strace $0x90000046  }
0xb2: {  	s29 =	simm.s32 $0x9;
	_ =	strace $0x80000048  }
0xb3: {  	_ =	swait.ge [sflag:s29], $0x1  }
0xb4: {  	[sflag:s29] =	ssyncadd.s32 $0xFFFFFFFF  }
0xb5: {  	_ =	strace $0x90000048  }
0xb6: {  	_ =	sfence  }
0xb7: {  	s30 =	sld [smem:$0x0];
	_ =	sdelay $0x2  }
0xb8: {  	s31 =	sshll.u32 s1, $0xD;
	s1 =	sshrl.u32 s1, $0x2  }
0xb9: {  	s3 =	sand.u32 $0x4000, s31;
	s1 =	sadd.s32 s1, s30  }
0xba: {  	s0 =	sor.u32 s3, s0;
	s1 =	sshll.u32 s1, $0x11  }
0xbb: {  	s0 =	sor.u32 s1, s0  }
0xbc: {  	s0 =	sadd.s32 $0x8F2B, s0  }
0xbd: {  	[sflag:s0] =	ssyncadd.remote.s32 $0x1  }
0xbe: {  	_ =	sfence.sel $0xFFFF  }
0xbf: {  	[dreg:$0x0] =	wrdreg $0xFFFFFFFF;
	(pc) =	sbr.abs _section_cstart, $3  }
0xc0: {  	[dreg:$0x1] =	wrdreg $0xFFFFFFFF  }
0xc1: {  	_ =	task.clear_ibuf [dreg:s6], $0x2FFFF;
	_ =	strace $0x9FFFFFFF  }
0xc2: {  	(tm) =	ssettm $0x7FFFFFFF  }
0xc3: {  	_ =	shalt  }
tec
execute0_lowered:
.L_overlay_start_1:
0x0: {  	(tag) =	ssettag $0x1  }
0x1: {  	s1 =	srdreg.scid;
	s0 =	stileid.u32  }
0x2: {  	s4 =	rddreg [dreg:$0x0];
	s6 =	smul.u32 $0x4E20, s0  }
0x3: {  	s2 =	rddreg [dreg:$0x1];
	s8 =	smul.u32 $0x280, s0  }
0x4: {  	s3 =	simm.s32 $0x0;
	s19 =	simm.s32 $0x2880;
	s25 =	smul.u32 $0x50000, s0  }
0x5: {  	s20 =	simm.s32 $0x1;
	s5 =	sand.u32 $0x1, s1;
	s10 =	smul.u32 $0x2800, s0  }
0x6: {  	s21 =	simm.s32 $0x50;
	s1 =	rddreg [dreg:$0x2];
	s7 =	smul.u32 $0x2710, s5  }
0x7: {  	s22 =	simm.s32 $0x80;
	[smem:$0x7FF] =	sst s3;
	s23 =	smul.u32 $0x280000, s5  }
0x8: {  	_ =	strace $0x80000047;
	s26 =	ssub.s32 $0x2, s5;
	s11 =	sadd.s32 $0x80, s8  }
0x9: {  	s5 =	sshrl.u32 s26, $0x1;
	s28 =	sshrl.u32 s25, $0x2;
	s12 =	sadd.s32 $0x100, s8  }
0xa: {  	s13 =	sadd.s32 $0x180, s8;
	s14 =	sadd.s32 $0x200, s8;
	s6 =	sadd.s32 s7, s6  }
0xb: {  	s24 =	sshrl.u32 s23, $0x3;
	s29 =	sshll.u32 s11, $0x7;
	s16 =	ssub.s32 s26, s5  }
0xc: {  	s30 =	sshll.u32 s12, $0x7;
	s31 =	sshll.u32 s13, $0x7;
	s8 =	sshll.u32 s14, $0x7  }
0xd: {  	s11 =	sshll.u32 s11, $0x4;
	s12 =	sshll.u32 s12, $0x4;
	s13 =	sshll.u32 s13, $0x4  }
0xe: {  	s14 =	sshll.u32 s14, $0x4;
	s23 =	simm.s32 $0x0;
	s6 =	sshrl.u32 s6, $0x3  }
0xf: {  	s15 =	sadd.s32 s24, s4;
	s5 =	sadd.s32 s29, s2;
	s7 =	sadd.s32 s31, s2  }
0x10: {  	s8 =	sadd.s32 s8, s2;
	s16 =	smax.u32 s16, $0x1;
	s18 =	sadd.s32 s6, s4  }
0x11: {  	s4 =	sadd.s32 s28, s2;
	s6 =	sadd.s32 s30, s2;
	s9 =	sadd.s32 $0x17600, s15  }
0x12: {  	v0 =	vimm.f32 $1.000000000e+00;
	v1 =	vimm.f32 $0.0e+00;
	s15 =	sadd.s32 $0x3F600, s15;
	s17 =	sadd.s32 $0xD800, s18;
	s18 =	sadd.s32 $0x3A00, s18  }
.LBB2_1:
0x13: {  	s24 =	simm.s32 $0x0;
	s25 =	simm.s32 $0x200  }
.LBB2_2:
0x14: {  	p0 =	sne.s32 s25, $0x9E00;
	[tilespmem:s24+$0xF0] =	vst v0  }
0x15: {  	[tilespmem:s24+$0x80] =	vst v0  }
0x16: {  	[tilespmem:s24+$0x90] =	vst v0  }
.Ltmp0:
0x17: {  	[tilespmem:s24+$0xA0] =	vst v0;
	(pc) =	sbr.rel @p0 .LBB2_2-.Ltmp0, $4  }
0x18: {  	[tilespmem:s24+$0xB0] =	vst v0  }
0x19: {  	[tilespmem:s24+$0xC0] =	vst v0  }
0x1a: {  	[tilespmem:s24+$0xD0] =	vst v0  }
0x1b: {  	[tilespmem:s24+$0xE0] =	vst v0;
	s24 =	sshra.s32 s25, $0x2;
	s25 =	sadd.s32 $0x200, s25  }
0x1c: {  	[tilespmem:s24+$0xF0] =	vst v0  }
0x1d: {  	[tilespmem:s24+$0x80] =	vst v0  }
0x1e: {  	[tilespmem:s24+$0x90] =	vst v0  }
0x1f: {  	[tilespmem:s24+$0xA0] =	vst v0  }
0x20: {  	[tilespmem:s24+$0xB0] =	vst v0  }
0x21: {  	[tilespmem:s24+$0xC0] =	vst v0  }
0x22: {  	[tilespmem:s24+$0xD0] =	vst v0  }
0x23: {  	[tilespmem:s24+$0xE0] =	vst v0;
	s24 =	simm.s32 $0x0;
	s25 =	simm.s32 $0x200  }
.LBB2_4:
0x24: {  	p0 =	sne.s32 s25, $0xFE00;
	[tilespmem:s24+$0x28F0] =	vst v1  }
0x25: {  	[tilespmem:s24+$0x2880] =	vst v1  }
0x26: {  	[tilespmem:s24+$0x2890] =	vst v1  }
.Ltmp1:
0x27: {  	[tilespmem:s24+$0x28A0] =	vst v1;
	(pc) =	sbr.rel @p0 .LBB2_4-.Ltmp1, $4  }
0x28: {  	[tilespmem:s24+$0x28B0] =	vst v1  }
0x29: {  	[tilespmem:s24+$0x28C0] =	vst v1  }
0x2a: {  	[tilespmem:s24+$0x28D0] =	vst v1  }
0x2b: {  	[tilespmem:s24+$0x28E0] =	vst v1;
	s24 =	sshra.s32 s25, $0x2;
	s25 =	sadd.s32 $0x200, s25  }
0x2c: {  	[tilespmem:s24+$0x28F0] =	vst v1  }
0x2d: {  	[tilespmem:s24+$0x2880] =	vst v1  }
0x2e: {  	[tilespmem:s24+$0x2890] =	vst v1  }
0x2f: {  	[tilespmem:s24+$0x28A0] =	vst v1  }
0x30: {  	[tilespmem:s24+$0x28B0] =	vst v1  }
0x31: {  	[tilespmem:s24+$0x28C0] =	vst v1  }
0x32: {  	[tilespmem:s24+$0x28D0] =	vst v1  }
0x33: {  	[tilespmem:s24+$0x28E0] =	vst v1  }
0x34: {  	[spmem:s4] =	stream.linear.scatter [tilespmem:s19], [sflag:$0x1], $0x4000, $0x38;
	[tilespmem:$0x1A880] =	vst v63  }
0x35: {  	_ =	swait.ge [sflag:s20], $0x4000  }
0x36: {  	[sflag:s20] =	ssyncset.done $0x0  }
0x37: {  	[sflag:s20] =	ssyncadd.s32 $0xFFFFC000  }
0x38: {  	[spmem:s5] =	stream.linear.scatter [tilespmem:s19], [sflag:$0x1], $0x4000, $0x38;
	[tilespmem:$0x1A880] =	vst v63  }
0x39: {  	_ =	swait.ge [sflag:s20], $0x4000  }
0x3a: {  	[sflag:s20] =	ssyncset.done $0x0  }
0x3b: {  	[sflag:s20] =	ssyncadd.s32 $0xFFFFC000  }
0x3c: {  	[spmem:s6] =	stream.linear.scatter [tilespmem:s19], [sflag:$0x1], $0x4000, $0x38;
	[tilespmem:$0x1A880] =	vst v63  }
0x3d: {  	_ =	swait.ge [sflag:s20], $0x4000  }
0x3e: {  	[sflag:s20] =	ssyncset.done $0x0  }
0x3f: {  	[sflag:s20] =	ssyncadd.s32 $0xFFFFC000  }
0x40: {  	[spmem:s7] =	stream.linear.scatter [tilespmem:s19], [sflag:$0x1], $0x4000, $0x38;
	[tilespmem:$0x1A880] =	vst v63  }
0x41: {  	_ =	swait.ge [sflag:s20], $0x4000  }
0x42: {  	[sflag:s20] =	ssyncset.done $0x0  }
0x43: {  	[sflag:s20] =	ssyncadd.s32 $0xFFFFC000  }
0x44: {  	[spmem:s8] =	stream.linear.scatter [tilespmem:s19], [sflag:$0x1], $0x4000, $0x38;
	[tilespmem:$0x1A880] =	vst v63  }
0x45: {  	_ =	swait.ge [sflag:s20], $0x4000  }
0x46: {  	[sflag:s20] =	ssyncset.done $0x0  }
0x47: {  	[sflag:s20] =	ssyncadd.s32 $0xFFFFC000  }
0x48: {  	s31 =	sadd.s32 $0x0, s17;
	[bflag:$0x0] =	sbarrier.arrive $0xFFFF  }
0x49: {  	[tilespmem:s3], [sflag:$0x1] =	stream.linear.gather [hbm4b:s31+s3], $0x50, $0x38;
	[tilespmem:$0x1A880] =	vst v63  }
0x4a: {  	_ =	swait.ge [sflag:s20], $0x50  }
0x4b: {  	[sflag:s20] =	ssyncset.done $0x0  }
0x4c: {  	[sflag:s20] =	ssyncadd.s32 $0xFFFFFFB0  }
0x4d: {  	[spmem:s2] =	stream.indirect.scatter.add.f32 [tilespmem:s22], [sflag:$0x1], $0x80, s3, s21, $0xb8;
	[tilespmem:$0x1A880] =	vst v63  }
0x4e: {  	_ =	swait.ge [sflag:s20], $0x2800  }
0x4f: {  	s24 =	simm.s32 $0xA;
	s25 =	simm.s32 $0x14;
	[sflag:s20] =	ssyncset.done $0x0  }
.LBB2_6:
0x50: {  	s26 =	sadd.s32 s24, s17  }
0x51: {  	[sflag:s20] =	ssyncadd.s32 $0xFFFFD800;
	s24 =	smov.u32 s25;
	s28 =	sadd.s32 $0xA, s25  }
0x52: {  	[tilespmem:s3], [sflag:$0x1] =	stream.linear.gather [hbm4b:s26+s3], $0x50, $0x38;
	[tilespmem:$0x1A880] =	vst v63  }
0x53: {  	p0 =	sne.s32 s25, $0x4D8;
	_ =	swait.ge [sflag:s20], $0x50  }
.Ltmp2:
0x54: {  	[sflag:s20] =	ssyncset.done $0x0;
	(pc) =	sbr.rel @p0 .LBB2_6-.Ltmp2, $4  }
0x55: {  	[sflag:s20] =	ssyncadd.s32 $0xFFFFFFB0  }
0x56: {  	[spmem:s2] =	stream.indirect.scatter.add.f32 [tilespmem:s22], [sflag:$0x1], $0x80, s3, s21, $0xb8;
	[tilespmem:$0x1A880] =	vst v63  }
0x57: {  	_ =	swait.ge [sflag:s20], $0x2800  }
0x58: {  	s25 =	smov.u32 s28;
	[sflag:s20] =	ssyncset.done $0x0  }
0x59: {  	s24 =	sadd.s32 s24, s17;
	[sflag:s20] =	ssyncadd.s32 $0xFFFFD800  }
0x5a: {  	[tilespmem:s3], [sflag:$0x1] =	stream.linear.gather [hbm4b:s24+s3], $0x50, $0x38;
	[tilespmem:$0x1A880] =	vst v63  }
0x5b: {  	_ =	swait.ge [sflag:s20], $0x50  }
0x5c: {  	[sflag:s20] =	ssyncset.done $0x0  }
0x5d: {  	[sflag:s20] =	ssyncadd.s32 $0xFFFFFFB0  }
0x5e: {  	[spmem:s2] =	stream.indirect.scatter.add.f32 [tilespmem:s22], [sflag:$0x1], $0x80, s3, s21, $0xb8;
	[tilespmem:$0x1A880] =	vst v63  }
0x5f: {  	_ =	swait.ge [sflag:s20], $0x2800  }
0x60: {  	[sflag:s20] =	ssyncset.done $0x0  }
0x61: {  	[sflag:s20] =	ssyncadd.s32 $0xFFFFD800  }
0x62: {  	[bflag:$0x0] =	sbarrier.arrive $0xFFFF  }
0x63: {  	[tilespmem:s19], [sflag:$0x1] =	stream.linear.gather [spmem:s4], $0x4000, $0x38;
	[tilespmem:$0x1A880] =	vst v63  }
0x64: {  	_ =	swait.ge [sflag:s20], $0x4000  }
0x65: {  	[sflag:s20] =	ssyncset.done $0x0  }
0x66: {  	s26 =	sadd.s32 s10, s9;
	s25 =	simm.s32 $0x0;
	[sflag:s20] =	ssyncadd.s32 $0xFFFFC000  }
0x67: {  	[hbm4b:s26+s25] =	stream.linear.scatter [tilespmem:s19], [sflag:$0x1], $0x4000, $0x38;
	[tilespmem:$0x1A880] =	vst v63  }
0x68: {  	_ =	swait.ge [sflag:s20], $0x4000  }
0x69: {  	[sflag:s20] =	ssyncset.done $0x0  }
0x6a: {  	[sflag:s20] =	ssyncadd.s32 $0xFFFFC000  }
0x6b: {  	[tilespmem:s19], [sflag:$0x1] =	stream.linear.gather [spmem:s5], $0x4000, $0x38;
	[tilespmem:$0x1A880] =	vst v63  }
0x6c: {  	_ =	swait.ge [sflag:s20], $0x4000  }
0x6d: {  	[sflag:s20] =	ssyncset.done $0x0  }
0x6e: {  	s28 =	sadd.s32 s11, s9;
	[sflag:s20] =	ssyncadd.s32 $0xFFFFC000  }
0x6f: {  	[hbm4b:s28+s25] =	stream.linear.scatter [tilespmem:s19], [sflag:$0x1], $0x4000, $0x38;
	[tilespmem:$0x1A880] =	vst v63  }
0x70: {  	_ =	swait.ge [sflag:s20], $0x4000  }
0x71: {  	[sflag:s20] =	ssyncset.done $0x0  }
0x72: {  	[sflag:s20] =	ssyncadd.s32 $0xFFFFC000  }
0x73: {  	[tilespmem:s19], [sflag:$0x1] =	stream.linear.gather [spmem:s6], $0x4000, $0x38;
	[tilespmem:$0x1A880] =	vst v63  }
0x74: {  	_ =	swait.ge [sflag:s20], $0x4000  }
0x75: {  	[sflag:s20] =	ssyncset.done $0x0  }
0x76: {  	s29 =	sadd.s32 s12, s9;
	[sflag:s20] =	ssyncadd.s32 $0xFFFFC000  }
0x77: {  	[hbm4b:s29+s25] =	stream.linear.scatter [tilespmem:s19], [sflag:$0x1], $0x4000, $0x38;
	[tilespmem:$0x1A880] =	vst v63  }
0x78: {  	_ =	swait.ge [sflag:s20], $0x4000  }
0x79: {  	[sflag:s20] =	ssyncset.done $0x0  }
0x7a: {  	[sflag:s20] =	ssyncadd.s32 $0xFFFFC000  }
0x7b: {  	[tilespmem:s19], [sflag:$0x1] =	stream.linear.gather [spmem:s7], $0x4000, $0x38;
	[tilespmem:$0x1A880] =	vst v63  }
0x7c: {  	_ =	swait.ge [sflag:s20], $0x4000  }
0x7d: {  	[sflag:s20] =	ssyncset.done $0x0  }
0x7e: {  	s30 =	sadd.s32 s13, s9;
	[sflag:s20] =	ssyncadd.s32 $0xFFFFC000  }
0x7f: {  	[hbm4b:s30+s25] =	stream.linear.scatter [tilespmem:s19], [sflag:$0x1], $0x4000, $0x38;
	[tilespmem:$0x1A880] =	vst v63  }
0x80: {  	_ =	swait.ge [sflag:s20], $0x4000  }
0x81: {  	[sflag:s20] =	ssyncset.done $0x0  }
0x82: {  	[sflag:s20] =	ssyncadd.s32 $0xFFFFC000  }
0x83: {  	[tilespmem:s19], [sflag:$0x1] =	stream.linear.gather [spmem:s8], $0x4000, $0x38;
	[tilespmem:$0x1A880] =	vst v63  }
0x84: {  	_ =	swait.ge [sflag:s20], $0x4000  }
0x85: {  	[sflag:s20] =	ssyncset.done $0x0  }
0x86: {  	s31 =	sadd.s32 s14, s9;
	[sflag:s20] =	ssyncadd.s32 $0xFFFFC000  }
0x87: {  	[hbm4b:s31+s25] =	stream.linear.scatter [tilespmem:s19], [sflag:$0x1], $0x4000, $0x38;
	[tilespmem:$0x1A880] =	vst v63  }
0x88: {  	_ =	swait.ge [sflag:s20], $0x4000  }
0x89: {  	[sflag:s20] =	ssyncset.done $0x0  }
0x8a: {  	[sflag:s20] =	ssyncadd.s32 $0xFFFFC000  }
0x8b: {  	s24 =	simm.s32 $0x0;
	s25 =	simm.s32 $0x200;
	[bflag:$0x0] =	sbarrier.arrive $0xFFFF  }
.LBB2_8:
0x8c: {  	p0 =	sne.s32 s25, $0xFE00;
	[tilespmem:s24+$0x28F0] =	vst v1  }
0x8d: {  	[tilespmem:s24+$0x2880] =	vst v1  }
0x8e: {  	[tilespmem:s24+$0x2890] =	vst v1  }
.Ltmp3:
0x8f: {  	[tilespmem:s24+$0x28A0] =	vst v1;
	(pc) =	sbr.rel @p0 .LBB2_8-.Ltmp3, $4  }
0x90: {  	[tilespmem:s24+$0x28B0] =	vst v1  }
0x91: {  	[tilespmem:s24+$0x28C0] =	vst v1  }
0x92: {  	[tilespmem:s24+$0x28D0] =	vst v1  }
0x93: {  	[tilespmem:s24+$0x28E0] =	vst v1;
	s24 =	sshra.s32 s25, $0x2;
	s25 =	sadd.s32 $0x200, s25  }
0x94: {  	[tilespmem:s24+$0x28F0] =	vst v1  }
0x95: {  	[tilespmem:s24+$0x2880] =	vst v1  }
0x96: {  	[tilespmem:s24+$0x2890] =	vst v1  }
0x97: {  	[tilespmem:s24+$0x28A0] =	vst v1  }
0x98: {  	[tilespmem:s24+$0x28B0] =	vst v1  }
0x99: {  	[tilespmem:s24+$0x28C0] =	vst v1  }
0x9a: {  	[tilespmem:s24+$0x28D0] =	vst v1  }
0x9b: {  	[tilespmem:s24+$0x28E0] =	vst v1  }
0x9c: {  	[spmem:s4] =	stream.linear.scatter [tilespmem:s19], [sflag:$0x1], $0x4000, $0x38;
	[tilespmem:$0x1A880] =	vst v63  }
0x9d: {  	_ =	swait.ge [sflag:s20], $0x4000  }
0x9e: {  	[sflag:s20] =	ssyncset.done $0x0  }
0x9f: {  	[sflag:s20] =	ssyncadd.s32 $0xFFFFC000  }
0xa0: {  	[spmem:s5] =	stream.linear.scatter [tilespmem:s19], [sflag:$0x1], $0x4000, $0x38;
	[tilespmem:$0x1A880] =	vst v63  }
0xa1: {  	_ =	swait.ge [sflag:s20], $0x4000  }
0xa2: {  	[sflag:s20] =	ssyncset.done $0x0  }
0xa3: {  	[sflag:s20] =	ssyncadd.s32 $0xFFFFC000  }
0xa4: {  	[spmem:s6] =	stream.linear.scatter [tilespmem:s19], [sflag:$0x1], $0x4000, $0x38;
	[tilespmem:$0x1A880] =	vst v63  }
0xa5: {  	_ =	swait.ge [sflag:s20], $0x4000  }
0xa6: {  	[sflag:s20] =	ssyncset.done $0x0  }
0xa7: {  	[sflag:s20] =	ssyncadd.s32 $0xFFFFC000  }
0xa8: {  	[spmem:s7] =	stream.linear.scatter [tilespmem:s19], [sflag:$0x1], $0x4000, $0x38;
	[tilespmem:$0x1A880] =	vst v63  }
0xa9: {  	_ =	swait.ge [sflag:s20], $0x4000  }
0xaa: {  	[sflag:s20] =	ssyncset.done $0x0  }
0xab: {  	[sflag:s20] =	ssyncadd.s32 $0xFFFFC000  }
0xac: {  	[spmem:s8] =	stream.linear.scatter [tilespmem:s19], [sflag:$0x1], $0x4000, $0x38;
	[tilespmem:$0x1A880] =	vst v63  }
0xad: {  	_ =	swait.ge [sflag:s20], $0x4000  }
0xae: {  	[sflag:s20] =	ssyncset.done $0x0  }
0xaf: {  	[sflag:s20] =	ssyncadd.s32 $0xFFFFC000  }
0xb0: {  	s31 =	sadd.s32 $0x0, s18;
	[bflag:$0x0] =	sbarrier.arrive $0xFFFF  }
0xb1: {  	[tilespmem:s3], [sflag:$0x1] =	stream.linear.gather [hbm4b:s31+s3], $0x50, $0x38;
	[tilespmem:$0x1A880] =	vst v63  }
0xb2: {  	_ =	swait.ge [sflag:s20], $0x50  }
0xb3: {  	[sflag:s20] =	ssyncset.done $0x0  }
0xb4: {  	[sflag:s20] =	ssyncadd.s32 $0xFFFFFFB0  }
0xb5: {  	[spmem:s2] =	stream.indirect.scatter.add.f32 [tilespmem:s22], [sflag:$0x1], $0x80, s3, s21, $0xb8;
	[tilespmem:$0x1A880] =	vst v63  }
0xb6: {  	_ =	swait.ge [sflag:s20], $0x2800  }
0xb7: {  	s24 =	simm.s32 $0xA;
	s25 =	simm.s32 $0x14;
	[sflag:s20] =	ssyncset.done $0x0  }
.LBB2_10:
0xb8: {  	s26 =	sadd.s32 s24, s18  }
0xb9: {  	[sflag:s20] =	ssyncadd.s32 $0xFFFFD800;
	s24 =	smov.u32 s25;
	s28 =	sadd.s32 $0xA, s25  }
0xba: {  	[tilespmem:s3], [sflag:$0x1] =	stream.linear.gather [hbm4b:s26+s3], $0x50, $0x38;
	[tilespmem:$0x1A880] =	vst v63  }
0xbb: {  	p0 =	sne.s32 s25, $0x4D8;
	_ =	swait.ge [sflag:s20], $0x50  }
.Ltmp4:
0xbc: {  	[sflag:s20] =	ssyncset.done $0x0;
	(pc) =	sbr.rel @p0 .LBB2_10-.Ltmp4, $4  }
0xbd: {  	[sflag:s20] =	ssyncadd.s32 $0xFFFFFFB0  }
0xbe: {  	[spmem:s2] =	stream.indirect.scatter.add.f32 [tilespmem:s22], [sflag:$0x1], $0x80, s3, s21, $0xb8;
	[tilespmem:$0x1A880] =	vst v63  }
0xbf: {  	_ =	swait.ge [sflag:s20], $0x2800  }
0xc0: {  	s25 =	smov.u32 s28;
	[sflag:s20] =	ssyncset.done $0x0  }
0xc1: {  	s24 =	sadd.s32 s24, s18;
	[sflag:s20] =	ssyncadd.s32 $0xFFFFD800  }
0xc2: {  	[tilespmem:s3], [sflag:$0x1] =	stream.linear.gather [hbm4b:s24+s3], $0x50, $0x38;
	[tilespmem:$0x1A880] =	vst v63  }
0xc3: {  	_ =	swait.ge [sflag:s20], $0x50  }
0xc4: {  	[sflag:s20] =	ssyncset.done $0x0  }
0xc5: {  	[sflag:s20] =	ssyncadd.s32 $0xFFFFFFB0  }
0xc6: {  	[spmem:s2] =	stream.indirect.scatter.add.f32 [tilespmem:s22], [sflag:$0x1], $0x80, s3, s21, $0xb8;
	[tilespmem:$0x1A880] =	vst v63  }
0xc7: {  	_ =	swait.ge [sflag:s20], $0x2800  }
0xc8: {  	[sflag:s20] =	ssyncset.done $0x0  }
0xc9: {  	[sflag:s20] =	ssyncadd.s32 $0xFFFFD800  }
0xca: {  	[bflag:$0x0] =	sbarrier.arrive $0xFFFF  }
0xcb: {  	[tilespmem:s19], [sflag:$0x1] =	stream.linear.gather [spmem:s4], $0x4000, $0x38;
	[tilespmem:$0x1A880] =	vst v63  }
0xcc: {  	_ =	swait.ge [sflag:s20], $0x4000  }
0xcd: {  	[sflag:s20] =	ssyncset.done $0x0  }
0xce: {  	s26 =	sadd.s32 s10, s15;
	[sflag:s20] =	ssyncadd.s32 $0xFFFFC000  }
0xcf: {  	[hbm4b:s26+s3] =	stream.linear.scatter [tilespmem:s19], [sflag:$0x1], $0x4000, $0x38;
	[tilespmem:$0x1A880] =	vst v63  }
0xd0: {  	_ =	swait.ge [sflag:s20], $0x4000  }
0xd1: {  	[sflag:s20] =	ssyncset.done $0x0  }
0xd2: {  	[sflag:s20] =	ssyncadd.s32 $0xFFFFC000  }
0xd3: {  	[tilespmem:s19], [sflag:$0x1] =	stream.linear.gather [spmem:s5], $0x4000, $0x38;
	[tilespmem:$0x1A880] =	vst v63  }
0xd4: {  	_ =	swait.ge [sflag:s20], $0x4000  }
0xd5: {  	[sflag:s20] =	ssyncset.done $0x0  }
0xd6: {  	s28 =	sadd.s32 s11, s15;
	[sflag:s20] =	ssyncadd.s32 $0xFFFFC000  }
0xd7: {  	[hbm4b:s28+s3] =	stream.linear.scatter [tilespmem:s19], [sflag:$0x1], $0x4000, $0x38;
	[tilespmem:$0x1A880] =	vst v63  }
0xd8: {  	_ =	swait.ge [sflag:s20], $0x4000  }
0xd9: {  	[sflag:s20] =	ssyncset.done $0x0  }
0xda: {  	[sflag:s20] =	ssyncadd.s32 $0xFFFFC000  }
0xdb: {  	[tilespmem:s19], [sflag:$0x1] =	stream.linear.gather [spmem:s6], $0x4000, $0x38;
	[tilespmem:$0x1A880] =	vst v63  }
0xdc: {  	_ =	swait.ge [sflag:s20], $0x4000  }
0xdd: {  	[sflag:s20] =	ssyncset.done $0x0  }
0xde: {  	s29 =	sadd.s32 s12, s15;
	[sflag:s20] =	ssyncadd.s32 $0xFFFFC000  }
0xdf: {  	[hbm4b:s29+s3] =	stream.linear.scatter [tilespmem:s19], [sflag:$0x1], $0x4000, $0x38;
	[tilespmem:$0x1A880] =	vst v63  }
0xe0: {  	_ =	swait.ge [sflag:s20], $0x4000  }
0xe1: {  	[sflag:s20] =	ssyncset.done $0x0  }
0xe2: {  	[sflag:s20] =	ssyncadd.s32 $0xFFFFC000  }
0xe3: {  	[tilespmem:s19], [sflag:$0x1] =	stream.linear.gather [spmem:s7], $0x4000, $0x38;
	[tilespmem:$0x1A880] =	vst v63  }
0xe4: {  	_ =	swait.ge [sflag:s20], $0x4000  }
0xe5: {  	[sflag:s20] =	ssyncset.done $0x0  }
0xe6: {  	s30 =	sadd.s32 s13, s15;
	[sflag:s20] =	ssyncadd.s32 $0xFFFFC000  }
0xe7: {  	[hbm4b:s30+s3] =	stream.linear.scatter [tilespmem:s19], [sflag:$0x1], $0x4000, $0x38;
	[tilespmem:$0x1A880] =	vst v63  }
0xe8: {  	_ =	swait.ge [sflag:s20], $0x4000  }
0xe9: {  	[sflag:s20] =	ssyncset.done $0x0  }
0xea: {  	[sflag:s20] =	ssyncadd.s32 $0xFFFFC000  }
0xeb: {  	[tilespmem:s19], [sflag:$0x1] =	stream.linear.gather [spmem:s8], $0x4000, $0x38;
	[tilespmem:$0x1A880] =	vst v63  }
0xec: {  	_ =	swait.ge [sflag:s20], $0x4000  }
0xed: {  	s23 =	sadd.s32 $0x1, s23;
	[sflag:s20] =	ssyncset.done $0x0  }
0xee: {  	s31 =	sadd.s32 s14, s15;
	p0 =	sne.s32 s23, s16;
	[sflag:s20] =	ssyncadd.s32 $0xFFFFC000  }
0xef: {  	[hbm4b:s31+s3] =	stream.linear.scatter [tilespmem:s19], [sflag:$0x1], $0x4000, $0x38;
	[tilespmem:$0x1A880] =	vst v63  }
.Ltmp5:
0xf0: {  	_ =	swait.ge [sflag:s20], $0x4000;
	(pc) =	sbr.rel @p0 .LBB2_1-.Ltmp5, $3  }
0xf1: {  	[sflag:s20] =	ssyncset.done $0x0  }
0xf2: {  	[sflag:s20] =	ssyncadd.s32 $0xFFFFC000  }
0xf3: {  	[bflag:$0x0] =	sbarrier.arrive $0xFFFF;
	_ =	sdelay $0x1  }
0xf4: {  	_ =	sfence.sel $0x180000  }
0xf5: {  	[bflag:$0x0] =	sbarrier.arrive $0xFFFF  }
0xf6: {  	p0 =	sne.s32 s0, $0x0;
	_ =	strace $0x90000047  }
0xf7: {  	s0 =	sadd.s32 @!p0 $0x100000, s1;
	[bflag:$0x2] =	sbarrier.arrive $0xFFFF  }
0xf8: {  	[sflag:s0] =	ssyncadd.tile.s32 @!p0 $0x1;
	_ =	shalt  }
.Lfunc_end2:
_tile_overlayer_lowered:
.L_overlay_start_2:
0xf9: {  	(tag) =	ssettag $0x2  }
0xfa: {  	s0 =	rddreg [dreg:$0x0];
	s2 =	stileid.u32  }
0xfb: {  	s1 =	rddreg [dreg:$0x1];
	p0 =	sne.s32 s2, $0x0  }
0xfc: {  	s3 =	rddreg [dreg:$0x2];
	[bflag:$0x3] =	sbarrier.arrive $0xFFFF;
	s2 =	simm.s32 @!p0 $0x1C01  }
0xfd: {  	[timem:s3], [sflag:s2] =	dma.local @!p0 [hbm:s0], s1  }
0xfe: {  	s0 =	simm.s32 @!p0 $0x1  }
0xff: {  	_ =	swait.ge @!p0 [sflag:s0], s1  }
0x100: {  	s1 =	ssub.s32 @!p0 $0x0, s1;
	[sflag:s0] =	ssyncset.done @!p0 $0x0  }
0x101: {  	[sflag:s0] =	ssyncadd.s32 @!p0 s1  }
0x102: {  	[bflag:$0x3] =	sbarrier.arrive $0xFFFF  }
0x103: {  	_ =	shalt  }

// kernel: kernel.17.cloned.1.call-start
scs
__scs_entry_jumppad:
0x0: {  	(pc) =	sbr.rel $0x88, $3  }
0x1: {  	(tag) =	ssettag $0x0;
	lr =	simm.s32 $0x1  }
0x2: {  	[smem:$0x3F95] =	sst lr;
	_ =	strace $0xD0000000  }
0x3: {  	_ = 	snop  }
0x4: {  	_ = 	snop  }
0x5: {  	_ = 	snop  }
0x6: {  	_ = 	snop  }
0x7: {  	_ = 	snop  }
__scs_overlays_trampoline_lowered:
0x8: {  	[smem:$0x3FA4] =	sst s0  }
0x9: {  	[smem:$0x3FA5] =	sst s1  }
0xa: {  	[smem:$0x3FA6] =	sst s2  }
0xb: {  	[smem:$0x3FA7] =	sst s3  }
0xc: {  	[smem:$0x3FA8] =	sst s4  }
0xd: {  	[smem:$0x3FA9] =	sst s5  }
0xe: {  	[smem:$0x3FAA] =	sst s6  }
0xf: {  	[smem:$0x3FAB] =	sst s7  }
0x10: {  	[smem:$0x3FAC] =	sst s8  }
0x11: {  	[smem:$0x3FAD] =	sst s9;
	s0 =	simm.s32 @!p0 $0x0  }
0x12: {  	s1 =	sld [smem:$0x3F93];
	s0 =	simm.s32 @p0 $0x1  }
0x13: {  	[smem:$0x3FAE] =	sst s0;
	s0 =	simm.s32 @!p1 $0x0  }
0x14: {  	s2 =	sld [smem:$0x3F92];
	s0 =	simm.s32 @p1 $0x1  }
0x15: {  	[smem:$0x3FAF] =	sst s0;
	s0 =	simm.s32 @!p2 $0x0  }
0x16: {  	s3 =	sld [smem:$0x3FDB];
	s0 =	simm.s32 @p2 $0x1  }
0x17: {  	s4 =	simm.s32 $0x1BF5;
	[smem:$0x3FB1] =	sst s0  }
0x18: {  	s0 =	sld [smem:$0x3F94];
	_ =	swait.ge [sflag:s4], $0x0  }
0x19: {  	s7 =	sld [smem:$0x3F95]  }
0x1a: {  	s8 =	sadd.s32 $0xFFFFE003, lr  }
0x1b: {  	s9 =	sadd.s32 $0xFFFFFEF7, lr;
	s5 =	simm.s32 $0xFFFFFFFF;
	p2 =	slt.u32 s8, $0xFFFFF086  }
0x1c: {  	p1 =	slt.u32 s9, $0xF7A;
	s5 =	simm.s32 @!p2 $0x0  }
0x1d: {  	s5 =	simm.s32 @p1 $0x1;
	p0 =	seq.s32 s7, s2  }
0x1e: {  	s7 =	smul.u32 @!p0 $0xF7A, s2;
	p2 =	seq.s32 @!p0 s5, $0x0  }
0x1f: {  	s9 =	smul.u32 $0xF7A, s1;
	s8 =	simm.s32 @!p0 $0x1BF5;
	p2 =	por !p2, p0  }
0x20: {  	[sflag:s8] =	ssyncset.s32 @!p0 $0xFFFFF086;
	s6 =	sadd.s32 @!p0 s3, s7;
	s7 =	simm.s32 @!p0 $0x108  }
0x21: {  	s3 =	sadd.s32 s3, s9;
	s6 =	sadd.s32 @!p0 $0x88, s6;
	s7 =	simm.s32 @p2 $0x1082  }
0x22: {  	[simem:s7], [sflag:s8] =	dma.local @!p0 [hbm:s6], $0xF7A  }
0x23: {  	s9 =	sor.u32 $0xD0000000, s2;
	s6 =	simm.s32 $0x108;
	_ =	swait.ge @!p0 [sflag:s8], $0x0  }
0x24: {  	s3 =	sadd.s32 $0x88, s3;
	s6 =	simm.s32 @!p1 $0x1082;
	[sflag:s4] =	ssyncset.s32 $0xFFFFF086  }
0x25: {  	[simem:s6], [sflag:s4] =	dma.local [hbm:s3], $0xF7A  }
0x26: {  	[smem:$0x3F95] =	sst s1;
	(tag) =	ssettag s2;
	_ =	strace s9  }
0x27: {  	s1 =	sld [smem:$0x3FA5]  }
0x28: {  	s2 =	sld [smem:$0x3FA6]  }
0x29: {  	s4 =	sld [smem:$0x3FA8]  }
0x2a: {  	p0 =	seq.s32 s5, $0x0;
	s5 =	sld [smem:$0x3FA9]  }
0x2b: {  	s6 =	sld [smem:$0x3FAA]  }
0x2c: {  	s7 =	sld [smem:$0x3FAB]  }
0x2d: {  	s3 =	simm.s32 $0x108;
	s8 =	sld [smem:$0x3FAC]  }
0x2e: {  	s3 =	simm.s32 @!p0 $0x1082;
	s9 =	sld [smem:$0x3FAD]  }
0x2f: {  	lr =	sadd.s32 s0, s3;
	s0 =	sld [smem:$0x3FA4]  }
0x30: {  	s3 =	sld [smem:$0x3FA7]  }
0x31: {  	[smem:$0x3FB0] =	sst s10  }
0x32: {  	s10 =	sld [smem:$0x3FAE];
	_ =	sdelay $0x3  }
0x33: {  	p0 =	seq.s32 s10, $0x1;
	s10 =	sld [smem:$0x3FB0];
	_ =	sdelay $0x3  }
0x34: {  	[smem:$0x3FB0] =	sst s10  }
0x35: {  	s10 =	sld [smem:$0x3FAF];
	_ =	sdelay $0x3  }
0x36: {  	p1 =	seq.s32 s10, $0x1;
	s10 =	sld [smem:$0x3FB0];
	_ =	sdelay $0x3  }
0x37: {  	[smem:$0x3FB0] =	sst s10  }
0x38: {  	s10 =	sld [smem:$0x3FB1]  }
0x39: {  	_ = 	snop;
	(pc) =	sbr.ind lr, $3  }
0x3a: {  	_ = 	snop  }
0x3b: {  	_ = 	snop  }
0x3c: {  	p2 =	seq.s32 s10, $0x1;
	s10 =	sld [smem:$0x3FB0]  }
0x3d: {  	_ =	shalt  }
0x3e: {  	_ =	shalt  }
0x3f: {  	_ =	shalt  }
0x40: {  	_ =	shalt  }
0x41: {  	_ =	shalt  }
0x42: {  	_ =	shalt  }
0x43: {  	_ =	shalt  }
0x44: {  	_ =	shalt  }
0x45: {  	_ =	shalt  }
0x46: {  	_ =	shalt  }
0x47: {  	_ =	shalt  }
0x48: {  	_ =	shalt  }
0x49: {  	_ =	shalt  }
0x4a: {  	_ =	shalt  }
0x4b: {  	_ =	shalt  }
0x4c: {  	_ =	shalt  }
0x4d: {  	_ =	shalt  }
0x4e: {  	_ =	shalt  }
0x4f: {  	_ =	shalt  }
0x50: {  	_ =	shalt  }
0x51: {  	_ =	shalt  }
0x52: {  	_ =	shalt  }
0x53: {  	_ =	shalt  }
0x54: {  	_ =	shalt  }
0x55: {  	_ =	shalt  }
0x56: {  	_ =	shalt  }
0x57: {  	_ =	shalt  }
0x58: {  	_ =	shalt  }
0x59: {  	_ =	shalt  }
0x5a: {  	_ =	shalt  }
0x5b: {  	_ =	shalt  }
0x5c: {  	_ =	shalt  }
0x5d: {  	_ =	shalt  }
0x5e: {  	_ =	shalt  }
0x5f: {  	_ =	shalt  }
0x60: {  	_ =	shalt  }
0x61: {  	_ =	shalt  }
0x62: {  	_ =	shalt  }
0x63: {  	_ =	shalt  }
0x64: {  	_ =	shalt  }
0x65: {  	_ =	shalt  }
0x66: {  	_ =	shalt  }
0x67: {  	_ =	shalt  }
0x68: {  	_ =	shalt  }
0x69: {  	_ =	shalt  }
0x6a: {  	_ =	shalt  }
0x6b: {  	_ =	shalt  }
0x6c: {  	_ =	shalt  }
0x6d: {  	_ =	shalt  }
0x6e: {  	_ =	shalt  }
0x6f: {  	_ =	shalt  }
0x70: {  	_ =	shalt  }
0x71: {  	_ =	shalt  }
0x72: {  	_ =	shalt  }
0x73: {  	_ =	shalt  }
0x74: {  	_ =	shalt  }
0x75: {  	_ =	shalt  }
0x76: {  	_ =	shalt  }
0x77: {  	_ =	shalt  }
0x78: {  	_ =	shalt  }
0x79: {  	_ =	shalt  }
0x7a: {  	_ =	shalt  }
0x7b: {  	_ =	shalt  }
0x7c: {  	_ =	shalt  }
0x7d: {  	_ =	shalt  }
0x7e: {  	_ =	shalt  }
0x7f: {  	_ =	shalt  }
0x80: {  	_ =	shalt  }
0x81: {  	_ =	shalt  }
0x82: {  	_ =	shalt  }
0x83: {  	_ =	shalt  }
0x84: {  	_ =	shalt  }
0x85: {  	_ =	shalt  }
0x86: {  	_ =	shalt  }
0x87: {  	_ =	shalt  }
.Lfunc_end0:
.L_simem_size_0:
called_computation.1_lowered:
.L_overlay_start_0:
0x88: {  	s2 =	sld [smem:$0x3FD9]  }
0x89: {  	s3 =	sld [smem:$0x3FFE];
	_ =	sdelay $0x1  }
0x8a: {  	s1 =	srdreg.scid  }
0x8b: {  	s0 =	sand.u32 $0x1, s1  }
0x8c: {  	s17 =	sshll.u32 s0, $0xA;
	s2 =	sadd.s32 s3, s2  }
0x8d: {  	s2 =	sadd.s32 s2, s17  }
0x8e: {  	[smem:$0x3FBC] =	sst s2  }
0x8f: {  	_ = 	snop  }
0x90: {  	s2 =	sld [smem:$0x3FD0];
	(tm) =	ssettm $0x1  }
0x91: {  	s18 =	sld [smem:$0x3FFB];
	_ =	sdelay $0x3  }
0x92: {  	_ =	strace s18  }
0x93: {  	s3 =	sld [smem:$0x3FFC];
	_ =	sdelay $0x3  }
0x94: {  	_ =	strace s3  }
0x95: {  	s3 =	sld [smem:$0x3FFD];
	_ =	sdelay $0x3  }
0x96: {  	_ =	strace s3  }
0x97: {  	_ =	strace $0x8FFFFFFF  }
0x98: {  	s19 =	sld [smem:$0x3FDB];
	_ =	sdelay $0x1  }
0x99: {  	s4 =	simm.s32 $_scs_section_size  }
0x9a: {  	s5 =	simm.s32 $_size__tile_overlayer_lowered;
	s6 =	simm.s32 $_tile_overlayer_lowered  }
0x9b: {  	s22 =	simm.s32 $0x1BFF;
	s21 =	sshll.u32 s6, $0x1;
	s3 =	sadd.s32 s4, s19  }
0x9c: {  	s7 =	simm.s32 $0x0;
	s20 =	sshll.u32 s5, $0x1;
	s5 =	sadd.s32 s21, s3  }
0x9d: {  	[timem:s7], [sflag:s22] =	dma.local [hbm:s5], s20  }
0x9e: {  	_ =	swait.ge [sflag:s22], s20  }
0x9f: {  	s4 =	ssub.s32 $0x0, s20;
	[sflag:s22] =	ssyncset.done $0x0  }
0xa0: {  	[sflag:s22] =	ssyncadd.s32 s4;
	_ =	sdelay $0x1  }
0xa1: {  	s23 =	simm.s32 $0x1B8B  }
0xa2: {  	_ =	swait.ge [sflag:s23], $0x1  }
0xa3: {  	[sflag:s23] =	ssyncset.done $0x0  }
0xa4: {  	s25 =	simm.s32 $0x1B8E;
	s24 =	sld [smem:$0x3FFE];
	[sflag:s23] =	ssyncadd.s32 $0xFFFFFFFF  }
0xa5: {  	s26 =	simm.s32 $execute0_lowered;
	[smem:$0x3FD2] =	sst s25  }
0xa6: {  	s5 =	sshll.u32 s26, $0x1;
	_ =	strace $0x80000049;
	[dreg:$0x1] =	wrdreg $0xFFFFFFFF  }
0xa7: {  	s28 =	simm.s32 $_size_execute0_lowered;
	s3 =	sadd.s32 s3, s5;
	[dreg:$0x0] =	wrdreg $0x0  }
0xa8: {  	s5 =	sshll.u32 s28, $0x1;
	[dreg:$0x2] =	wrdreg s3  }
0xa9: {  	[dreg:$0x3] =	wrdreg s5  }
0xaa: {  	[dreg:$0x4] =	wrdreg $0xC0  }
0xab: {  	_ =	task [dreg:s7], $0x5FFFF  }
0xac: {  	[dreg:$0x1] =	wrdreg $0xFFFFFFFF  }
0xad: {  	[dreg:$0x0] =	wrdreg $0x60  }
0xae: {  	[dreg:$0x2] =	wrdreg s2  }
0xaf: {  	[dreg:$0x3] =	wrdreg s24  }
0xb0: {  	[dreg:$0x4] =	wrdreg $0x69000  }
0xb1: {  	[dreg:$0x5] =	wrdreg $0x9  }
0xb2: {  	_ =	task.clear_ibuf [dreg:s7], $0x6FFFF;
	_ =	strace $0x90000049  }
0xb3: {  	s29 =	simm.s32 $0x9;
	_ =	strace $0x8000004B  }
0xb4: {  	_ =	swait.ge [sflag:s29], $0x1  }
0xb5: {  	[sflag:s29] =	ssyncadd.s32 $0xFFFFFFFF  }
0xb6: {  	_ =	strace $0x9000004B  }
0xb7: {  	_ =	sfence  }
0xb8: {  	s30 =	sld [smem:$0x0];
	_ =	sdelay $0x2  }
0xb9: {  	s31 =	sshll.u32 s1, $0xD;
	s1 =	sshrl.u32 s1, $0x2  }
0xba: {  	s3 =	sand.u32 $0x4000, s31;
	s1 =	sadd.s32 s1, s30  }
0xbb: {  	s0 =	sor.u32 s3, s0;
	s1 =	sshll.u32 s1, $0x11  }
0xbc: {  	s0 =	sor.u32 s1, s0  }
0xbd: {  	s0 =	sadd.s32 $0x8F2B, s0  }
0xbe: {  	[sflag:s0] =	ssyncadd.remote.s32 $0x1  }
0xbf: {  	_ =	sfence.sel $0xFFFF  }
0xc0: {  	[dreg:$0x0] =	wrdreg $0xFFFFFFFF;
	(pc) =	sbr.abs _section_cstart, $3  }
0xc1: {  	[dreg:$0x1] =	wrdreg $0xFFFFFFFF  }
0xc2: {  	_ =	task.clear_ibuf [dreg:s7], $0x2FFFF;
	_ =	strace $0x9FFFFFFF  }
0xc3: {  	(tm) =	ssettm $0x7FFFFFFF  }
tec
execute0_lowered:
.L_overlay_start_1:
0x0: {  	(tag) =	ssettag $0x1  }
0x1: {  	s1 =	rddreg [dreg:$0x0];
	s0 =	stileid.u32  }
0x2: {  	s2 =	srdreg.scid;
	s7 =	smul.u32 $0x4E20, s0  }
0x3: {  	s5 =	rddreg [dreg:$0x1];
	s9 =	smul.u32 $0x280, s0  }
0x4: {  	s3 =	rddreg [dreg:$0x2];
	s4 =	simm.s32 $0x0;
	s26 =	smul.u32 $0x50000, s0  }
0x5: {  	s17 =	simm.s32 $0x1;
	s6 =	sand.u32 $0x1, s2;
	s19 =	smul.u32 $0x2800, s0  }
0x6: {  	s18 =	simm.s32 $0x80;
	s2 =	rddreg [dreg:$0x3];
	s8 =	smul.u32 $0x2710, s6  }
0x7: {  	[smem:$0x7FF] =	sst s4;
	s25 =	smul.u32 $0x28000, s6;
	s28 =	ssub.s32 $0x2, s6  }
0x8: {  	_ =	strace $0x8000004A;
	s11 =	sadd.s32 $0x80, s9;
	s6 =	sshrl.u32 s28, $0x1  }
0x9: {  	s14 =	sadd.s32 $0x100, s9;
	s15 =	sadd.s32 $0x180, s9;
	s16 =	sadd.s32 $0x200, s9  }
0xa: {  	s7 =	sadd.s32 s8, s7;
	s10 =	sadd.s32 s25, s5;
	s29 =	sshll.u32 s11, $0x7  }
0xb: {  	s13 =	ssub.s32 s28, s6;
	s30 =	sshll.u32 s14, $0x7;
	s31 =	sshll.u32 s15, $0x7  }
0xc: {  	s9 =	sshll.u32 s16, $0x7;
	s20 =	sshll.u32 s11, $0x4;
	s21 =	sshll.u32 s14, $0x4  }
0xd: {  	s22 =	sshll.u32 s15, $0x4;
	s24 =	sshll.u32 s16, $0x4;
	s14 =	simm.s32 $0x2  }
0xe: {  	s15 =	simm.s32 $0x50;
	s16 =	simm.s32 $0x100;
	s7 =	sshrl.u32 s7, $0x3  }
0xf: {  	s6 =	sadd.s32 s29, s3;
	s8 =	sadd.s32 s31, s3;
	s9 =	sadd.s32 s9, s3  }
0x10: {  	s23 =	sadd.s32 $0x17600, s10;
	s10 =	smax.u32 s13, $0x1;
	s13 =	simm.s32 $0x2900  }
0x11: {  	s12 =	sadd.s32 s7, s5;
	s7 =	sshrl.u32 s26, $0x2;
	s19 =	sadd.s32 s19, s23  }
0x12: {  	s20 =	sadd.s32 s20, s23;
	s21 =	sadd.s32 s21, s23;
	s22 =	sadd.s32 s22, s23  }
0x13: {  	s23 =	sadd.s32 s24, s23;
	s24 =	simm.s32 $0x0;
	s5 =	sadd.s32 s7, s3  }
0x14: {  	v0 =	vimm.f32 $0.0e+00;
	s7 =	sadd.s32 s30, s3;
	s11 =	sadd.s32 $0x3A00, s12;
	s12 =	sadd.s32 $0xD800, s12  }
.LBB2_1:
0x15: {  	s25 =	simm.s32 $0x0;
	s26 =	simm.s32 $0x200  }
.LBB2_2:
0x16: {  	p0 =	sne.s32 s26, $0xFE00;
	[tilespmem:s25+$0x2970] =	vst v0  }
0x17: {  	[tilespmem:s25+$0x2900] =	vst v0  }
0x18: {  	[tilespmem:s25+$0x2910] =	vst v0  }
.Ltmp0:
0x19: {  	[tilespmem:s25+$0x2920] =	vst v0;
	(pc) =	sbr.rel @p0 .LBB2_2-.Ltmp0, $4  }
0x1a: {  	[tilespmem:s25+$0x2930] =	vst v0  }
0x1b: {  	[tilespmem:s25+$0x2940] =	vst v0  }
0x1c: {  	[tilespmem:s25+$0x2950] =	vst v0  }
0x1d: {  	[tilespmem:s25+$0x2960] =	vst v0;
	s25 =	sshra.s32 s26, $0x2;
	s26 =	sadd.s32 $0x200, s26  }
0x1e: {  	[tilespmem:s25+$0x2970] =	vst v0  }
0x1f: {  	[tilespmem:s25+$0x2900] =	vst v0  }
0x20: {  	[tilespmem:s25+$0x2910] =	vst v0  }
0x21: {  	[tilespmem:s25+$0x2920] =	vst v0  }
0x22: {  	[tilespmem:s25+$0x2930] =	vst v0  }
0x23: {  	[tilespmem:s25+$0x2940] =	vst v0  }
0x24: {  	[tilespmem:s25+$0x2950] =	vst v0  }
0x25: {  	[tilespmem:s25+$0x2960] =	vst v0  }
0x26: {  	[spmem:s5] =	stream.linear.scatter [tilespmem:s13], [sflag:$0x2], $0x4000, $0x38;
	[tilespmem:$0x1A900] =	vst v63  }
0x27: {  	_ =	swait.ge [sflag:s14], $0x4000  }
0x28: {  	[sflag:s14] =	ssyncset.done $0x0  }
0x29: {  	[sflag:s14] =	ssyncadd.s32 $0xFFFFC000  }
0x2a: {  	[spmem:s6] =	stream.linear.scatter [tilespmem:s13], [sflag:$0x2], $0x4000, $0x38;
	[tilespmem:$0x1A900] =	vst v63  }
0x2b: {  	_ =	swait.ge [sflag:s14], $0x4000  }
0x2c: {  	[sflag:s14] =	ssyncset.done $0x0  }
0x2d: {  	[sflag:s14] =	ssyncadd.s32 $0xFFFFC000  }
0x2e: {  	[spmem:s7] =	stream.linear.scatter [tilespmem:s13], [sflag:$0x2], $0x4000, $0x38;
	[tilespmem:$0x1A900] =	vst v63  }
0x2f: {  	_ =	swait.ge [sflag:s14], $0x4000  }
0x30: {  	[sflag:s14] =	ssyncset.done $0x0  }
0x31: {  	[sflag:s14] =	ssyncadd.s32 $0xFFFFC000  }
0x32: {  	[spmem:s8] =	stream.linear.scatter [tilespmem:s13], [sflag:$0x2], $0x4000, $0x38;
	[tilespmem:$0x1A900] =	vst v63  }
0x33: {  	_ =	swait.ge [sflag:s14], $0x4000  }
0x34: {  	[sflag:s14] =	ssyncset.done $0x0  }
0x35: {  	[sflag:s14] =	ssyncadd.s32 $0xFFFFC000  }
0x36: {  	[spmem:s9] =	stream.linear.scatter [tilespmem:s13], [sflag:$0x2], $0x4000, $0x38;
	[tilespmem:$0x1A900] =	vst v63  }
0x37: {  	_ =	swait.ge [sflag:s14], $0x4000  }
0x38: {  	[sflag:s14] =	ssyncset.done $0x0  }
0x39: {  	[sflag:s14] =	ssyncadd.s32 $0xFFFFC000  }
0x3a: {  	s30 =	sadd.s32 $0x0, s12;
	[bflag:$0x0] =	sbarrier.arrive $0xFFFF  }
0x3b: {  	[tilespmem:s4], [sflag:$0x2] =	stream.linear.gather [hbm4b:s30+s4], $0x50, $0x38;
	[tilespmem:$0x1A900] =	vst v63  }
0x3c: {  	_ =	swait.ge [sflag:s14], $0x50  }
0x3d: {  	[sflag:s14] =	ssyncset.done $0x0  }
0x3e: {  	[sflag:s14] =	ssyncadd.s32 $0xFFFFFFB0  }
0x3f: {  	[tilespmem:s16], [sflag:$0x1] =	stream.indirect.gather [hbm4b:s1+s15], $0x80, s4, s15, $0xb8;
	[tilespmem:$0x1A900] =	vst v63  }
0x40: {  	_ =	swait.ge [sflag:s17], $0x2800  }
0x41: {  	[sflag:s17] =	ssyncset.done $0x0  }
0x42: {  	s31 =	sadd.s32 $0x0, s11;
	[sflag:s17] =	ssyncadd.s32 $0xFFFFD800  }
0x43: {  	[tilespmem:s18], [sflag:$0x2] =	stream.linear.gather [hbm4b:s31+s4], $0x50, $0x38;
	[tilespmem:$0x1A900] =	vst v63  }
0x44: {  	_ =	swait.ge [sflag:s14], $0x50  }
0x45: {  	[sflag:s14] =	ssyncset.done $0x0  }
0x46: {  	[sflag:s14] =	ssyncadd.s32 $0xFFFFFFB0  }
0x47: {  	[spmem:s3] =	stream.indirect.scatter.add.f32 [tilespmem:s16], [sflag:$0x2], $0x80, s18, s15, $0xb8;
	[tilespmem:$0x1A900] =	vst v63  }
0x48: {  	_ =	swait.ge [sflag:s14], $0x2800  }
0x49: {  	s25 =	simm.s32 $0xA;
	s26 =	simm.s32 $0x14;
	[sflag:s14] =	ssyncset.done $0x0  }
.LBB2_4:
0x4a: {  	s28 =	sadd.s32 s25, s12  }
0x4b: {  	[sflag:s14] =	ssyncadd.s32 $0xFFFFD800;
	s29 =	smov.u32 s26;
	s30 =	sadd.s32 $0xA, s26  }
0x4c: {  	[tilespmem:s4], [sflag:$0x2] =	stream.linear.gather [hbm4b:s28+s4], $0x50, $0x38;
	[tilespmem:$0x1A900] =	vst v63  }
0x4d: {  	p0 =	sne.s32 s26, $0x4D8;
	_ =	swait.ge [sflag:s14], $0x50  }
0x4e: {  	[sflag:s14] =	ssyncset.done $0x0  }
0x4f: {  	[sflag:s14] =	ssyncadd.s32 $0xFFFFFFB0  }
0x50: {  	[tilespmem:s16], [sflag:$0x1] =	stream.indirect.gather [hbm4b:s1+s15], $0x80, s4, s15, $0xb8;
	[tilespmem:$0x1A900] =	vst v63  }
0x51: {  	_ =	swait.ge [sflag:s17], $0x2800  }
0x52: {  	[sflag:s17] =	ssyncset.done $0x0  }
0x53: {  	s26 =	sadd.s32 s25, s11;
	s25 =	smov.u32 s29;
	[sflag:s17] =	ssyncadd.s32 $0xFFFFD800  }
0x54: {  	[tilespmem:s18], [sflag:$0x2] =	stream.linear.gather [hbm4b:s26+s4], $0x50, $0x38;
	[tilespmem:$0x1A900] =	vst v63  }
0x55: {  	_ =	swait.ge [sflag:s14], $0x50  }
.Ltmp1:
0x56: {  	[sflag:s14] =	ssyncset.done $0x0;
	(pc) =	sbr.rel @p0 .LBB2_4-.Ltmp1, $4  }
0x57: {  	[sflag:s14] =	ssyncadd.s32 $0xFFFFFFB0  }
0x58: {  	[spmem:s3] =	stream.indirect.scatter.add.f32 [tilespmem:s16], [sflag:$0x2], $0x80, s18, s15, $0xb8;
	[tilespmem:$0x1A900] =	vst v63  }
0x59: {  	_ =	swait.ge [sflag:s14], $0x2800  }
0x5a: {  	s26 =	smov.u32 s30;
	[sflag:s14] =	ssyncset.done $0x0  }
0x5b: {  	s26 =	sadd.s32 s25, s12;
	[sflag:s14] =	ssyncadd.s32 $0xFFFFD800  }
0x5c: {  	[tilespmem:s4], [sflag:$0x2] =	stream.linear.gather [hbm4b:s26+s4], $0x50, $0x38;
	[tilespmem:$0x1A900] =	vst v63  }
0x5d: {  	_ =	swait.ge [sflag:s14], $0x50  }
0x5e: {  	[sflag:s14] =	ssyncset.done $0x0  }
0x5f: {  	[sflag:s14] =	ssyncadd.s32 $0xFFFFFFB0  }
0x60: {  	[tilespmem:s16], [sflag:$0x1] =	stream.indirect.gather [hbm4b:s1+s15], $0x80, s4, s15, $0xb8;
	[tilespmem:$0x1A900] =	vst v63  }
0x61: {  	_ =	swait.ge [sflag:s17], $0x2800  }
0x62: {  	[sflag:s17] =	ssyncset.done $0x0  }
0x63: {  	s31 =	sadd.s32 s25, s11;
	[sflag:s17] =	ssyncadd.s32 $0xFFFFD800  }
0x64: {  	[tilespmem:s18], [sflag:$0x2] =	stream.linear.gather [hbm4b:s31+s4], $0x50, $0x38;
	[tilespmem:$0x1A900] =	vst v63  }
0x65: {  	_ =	swait.ge [sflag:s14], $0x50  }
0x66: {  	[sflag:s14] =	ssyncset.done $0x0  }
0x67: {  	[sflag:s14] =	ssyncadd.s32 $0xFFFFFFB0  }
0x68: {  	[spmem:s3] =	stream.indirect.scatter.add.f32 [tilespmem:s16], [sflag:$0x2], $0x80, s18, s15, $0xb8;
	[tilespmem:$0x1A900] =	vst v63  }
0x69: {  	_ =	swait.ge [sflag:s14], $0x2800  }
0x6a: {  	[sflag:s14] =	ssyncset.done $0x0  }
0x6b: {  	[sflag:s14] =	ssyncadd.s32 $0xFFFFD800  }
0x6c: {  	[bflag:$0x0] =	sbarrier.arrive $0xFFFF  }
0x6d: {  	[tilespmem:s13], [sflag:$0x2] =	stream.linear.gather [spmem:s5], $0x4000, $0x38;
	[tilespmem:$0x1A900] =	vst v63  }
0x6e: {  	_ =	swait.ge [sflag:s14], $0x4000  }
0x6f: {  	[sflag:s14] =	ssyncset.done $0x0  }
0x70: {  	[sflag:s14] =	ssyncadd.s32 $0xFFFFC000  }
0x71: {  	[hbm4b:s19+s4] =	stream.linear.scatter [tilespmem:s13], [sflag:$0x2], $0x4000, $0x38;
	[tilespmem:$0x1A900] =	vst v63  }
0x72: {  	_ =	swait.ge [sflag:s14], $0x4000  }
0x73: {  	[sflag:s14] =	ssyncset.done $0x0  }
0x74: {  	[sflag:s14] =	ssyncadd.s32 $0xFFFFC000  }
0x75: {  	[tilespmem:s13], [sflag:$0x2] =	stream.linear.gather [spmem:s6], $0x4000, $0x38;
	[tilespmem:$0x1A900] =	vst v63  }
0x76: {  	_ =	swait.ge [sflag:s14], $0x4000  }
0x77: {  	[sflag:s14] =	ssyncset.done $0x0  }
0x78: {  	[sflag:s14] =	ssyncadd.s32 $0xFFFFC000  }
0x79: {  	[hbm4b:s20+s4] =	stream.linear.scatter [tilespmem:s13], [sflag:$0x2], $0x4000, $0x38;
	[tilespmem:$0x1A900] =	vst v63  }
0x7a: {  	_ =	swait.ge [sflag:s14], $0x4000  }
0x7b: {  	[sflag:s14] =	ssyncset.done $0x0  }
0x7c: {  	[sflag:s14] =	ssyncadd.s32 $0xFFFFC000  }
0x7d: {  	[tilespmem:s13], [sflag:$0x2] =	stream.linear.gather [spmem:s7], $0x4000, $0x38;
	[tilespmem:$0x1A900] =	vst v63  }
0x7e: {  	_ =	swait.ge [sflag:s14], $0x4000  }
0x7f: {  	[sflag:s14] =	ssyncset.done $0x0  }
0x80: {  	[sflag:s14] =	ssyncadd.s32 $0xFFFFC000  }
0x81: {  	[hbm4b:s21+s4] =	stream.linear.scatter [tilespmem:s13], [sflag:$0x2], $0x4000, $0x38;
	[tilespmem:$0x1A900] =	vst v63  }
0x82: {  	_ =	swait.ge [sflag:s14], $0x4000  }
0x83: {  	[sflag:s14] =	ssyncset.done $0x0  }
0x84: {  	[sflag:s14] =	ssyncadd.s32 $0xFFFFC000  }
0x85: {  	[tilespmem:s13], [sflag:$0x2] =	stream.linear.gather [spmem:s8], $0x4000, $0x38;
	[tilespmem:$0x1A900] =	vst v63  }
0x86: {  	_ =	swait.ge [sflag:s14], $0x4000  }
0x87: {  	[sflag:s14] =	ssyncset.done $0x0  }
0x88: {  	[sflag:s14] =	ssyncadd.s32 $0xFFFFC000  }
0x89: {  	[hbm4b:s22+s4] =	stream.linear.scatter [tilespmem:s13], [sflag:$0x2], $0x4000, $0x38;
	[tilespmem:$0x1A900] =	vst v63  }
0x8a: {  	_ =	swait.ge [sflag:s14], $0x4000  }
0x8b: {  	[sflag:s14] =	ssyncset.done $0x0  }
0x8c: {  	[sflag:s14] =	ssyncadd.s32 $0xFFFFC000  }
0x8d: {  	[tilespmem:s13], [sflag:$0x2] =	stream.linear.gather [spmem:s9], $0x4000, $0x38;
	[tilespmem:$0x1A900] =	vst v63  }
0x8e: {  	s24 =	sadd.s32 $0x1, s24;
	_ =	swait.ge [sflag:s14], $0x4000  }
0x8f: {  	p0 =	sne.s32 s24, s10;
	[sflag:s14] =	ssyncset.done $0x0  }
.Ltmp2:
0x90: {  	[sflag:s14] =	ssyncadd.s32 $0xFFFFC000;
	(pc) =	sbr.rel @p0 .LBB2_1-.Ltmp2, $4  }
0x91: {  	[hbm4b:s23+s4] =	stream.linear.scatter [tilespmem:s13], [sflag:$0x2], $0x4000, $0x38;
	[tilespmem:$0x1A900] =	vst v63  }
0x92: {  	_ =	swait.ge [sflag:s14], $0x4000  }
0x93: {  	[sflag:s14] =	ssyncset.done $0x0  }
0x94: {  	[sflag:s14] =	ssyncadd.s32 $0xFFFFC000  }
0x95: {  	_ =	sfence.sel $0x180000  }
0x96: {  	[bflag:$0x0] =	sbarrier.arrive $0xFFFF  }
0x97: {  	p0 =	sne.s32 s0, $0x0;
	_ =	strace $0x9000004A  }
0x98: {  	s0 =	sadd.s32 @!p0 $0x100000, s2;
	[bflag:$0x2] =	sbarrier.arrive $0xFFFF  }
0x99: {  	[sflag:s0] =	ssyncadd.tile.s32 @!p0 $0x1;
	_ =	shalt  }
.Lfunc_end2:
_tile_overlayer_lowered:
.L_overlay_start_2:
0x9a: {  	(tag) =	ssettag $0x2  }
0x9b: {  	s0 =	rddreg [dreg:$0x0];
	s2 =	stileid.u32  }
0x9c: {  	s1 =	rddreg [dreg:$0x1];
	p0 =	sne.s32 s2, $0x0  }
0x9d: {  	s3 =	rddreg [dreg:$0x2];
	[bflag:$0x3] =	sbarrier.arrive $0xFFFF;
	s2 =	simm.s32 @!p0 $0x1C02  }
0x9e: {  	[timem:s3], [sflag:s2] =	dma.local @!p0 [hbm:s0], s1  }
0x9f: {  	s0 =	simm.s32 @!p0 $0x2  }
0xa0: {  	_ =	swait.ge @!p0 [sflag:s0], s1  }
0xa1: {  	s1 =	ssub.s32 @!p0 $0x0, s1;
	[sflag:s0] =	ssyncset.done @!p0 $0x0  }
0xa2: {  	[sflag:s0] =	ssyncadd.s32 @!p0 s1  }
0xa3: {  	[bflag:$0x3] =	sbarrier.arrive $0xFFFF  }
0xa4: {  	_ =	shalt  }

// kernel: kernel.20.cloned.1.call-start
scs
__scs_entry_jumppad:
0x0: {  	(pc) =	sbr.rel $0x88, $3  }
0x1: {  	(tag) =	ssettag $0x0;
	lr =	simm.s32 $0x1  }
0x2: {  	[smem:$0x3F95] =	sst lr;
	_ =	strace $0xD0000000  }
0x3: {  	_ = 	snop  }
0x4: {  	_ = 	snop  }
0x5: {  	_ = 	snop  }
0x6: {  	_ = 	snop  }
0x7: {  	_ = 	snop  }
__scs_overlays_trampoline_lowered:
0x8: {  	[smem:$0x3FA4] =	sst s0  }
0x9: {  	[smem:$0x3FA5] =	sst s1  }
0xa: {  	[smem:$0x3FA6] =	sst s2  }
0xb: {  	[smem:$0x3FA7] =	sst s3  }
0xc: {  	[smem:$0x3FA8] =	sst s4  }
0xd: {  	[smem:$0x3FA9] =	sst s5  }
0xe: {  	[smem:$0x3FAA] =	sst s6  }
0xf: {  	[smem:$0x3FAB] =	sst s7  }
0x10: {  	[smem:$0x3FAC] =	sst s8  }
0x11: {  	[smem:$0x3FAD] =	sst s9;
	s0 =	simm.s32 @!p0 $0x0  }
0x12: {  	s1 =	sld [smem:$0x3F93];
	s0 =	simm.s32 @p0 $0x1  }
0x13: {  	[smem:$0x3FAE] =	sst s0;
	s0 =	simm.s32 @!p1 $0x0  }
0x14: {  	s2 =	sld [smem:$0x3F92];
	s0 =	simm.s32 @p1 $0x1  }
0x15: {  	[smem:$0x3FAF] =	sst s0;
	s0 =	simm.s32 @!p2 $0x0  }
0x16: {  	s3 =	sld [smem:$0x3FDB];
	s0 =	simm.s32 @p2 $0x1  }
0x17: {  	s4 =	simm.s32 $0x1BF5;
	[smem:$0x3FB1] =	sst s0  }
0x18: {  	s0 =	sld [smem:$0x3F94];
	_ =	swait.ge [sflag:s4], $0x0  }
0x19: {  	s7 =	sld [smem:$0x3F95]  }
0x1a: {  	s8 =	sadd.s32 $0xFFFFE003, lr  }
0x1b: {  	s9 =	sadd.s32 $0xFFFFFEF7, lr;
	s5 =	simm.s32 $0xFFFFFFFF;
	p2 =	slt.u32 s8, $0xFFFFF086  }
0x1c: {  	p1 =	slt.u32 s9, $0xF7A;
	s5 =	simm.s32 @!p2 $0x0  }
0x1d: {  	s5 =	simm.s32 @p1 $0x1;
	p0 =	seq.s32 s7, s2  }
0x1e: {  	s7 =	smul.u32 @!p0 $0xF7A, s2;
	p2 =	seq.s32 @!p0 s5, $0x0  }
0x1f: {  	s9 =	smul.u32 $0xF7A, s1;
	s8 =	simm.s32 @!p0 $0x1BF5;
	p2 =	por !p2, p0  }
0x20: {  	[sflag:s8] =	ssyncset.s32 @!p0 $0xFFFFF086;
	s6 =	sadd.s32 @!p0 s3, s7;
	s7 =	simm.s32 @!p0 $0x108  }
0x21: {  	s3 =	sadd.s32 s3, s9;
	s6 =	sadd.s32 @!p0 $0x88, s6;
	s7 =	simm.s32 @p2 $0x1082  }
0x22: {  	[simem:s7], [sflag:s8] =	dma.local @!p0 [hbm:s6], $0xF7A  }
0x23: {  	s9 =	sor.u32 $0xD0000000, s2;
	s6 =	simm.s32 $0x108;
	_ =	swait.ge @!p0 [sflag:s8], $0x0  }
0x24: {  	s3 =	sadd.s32 $0x88, s3;
	s6 =	simm.s32 @!p1 $0x1082;
	[sflag:s4] =	ssyncset.s32 $0xFFFFF086  }
0x25: {  	[simem:s6], [sflag:s4] =	dma.local [hbm:s3], $0xF7A  }
0x26: {  	[smem:$0x3F95] =	sst s1;
	(tag) =	ssettag s2;
	_ =	strace s9  }
0x27: {  	s1 =	sld [smem:$0x3FA5]  }
0x28: {  	s2 =	sld [smem:$0x3FA6]  }
0x29: {  	s4 =	sld [smem:$0x3FA8]  }
0x2a: {  	p0 =	seq.s32 s5, $0x0;
	s5 =	sld [smem:$0x3FA9]  }
0x2b: {  	s6 =	sld [smem:$0x3FAA]  }
0x2c: {  	s7 =	sld [smem:$0x3FAB]  }
0x2d: {  	s3 =	simm.s32 $0x108;
	s8 =	sld [smem:$0x3FAC]  }
0x2e: {  	s3 =	simm.s32 @!p0 $0x1082;
	s9 =	sld [smem:$0x3FAD]  }
0x2f: {  	lr =	sadd.s32 s0, s3;
	s0 =	sld [smem:$0x3FA4]  }
0x30: {  	s3 =	sld [smem:$0x3FA7]  }
0x31: {  	[smem:$0x3FB0] =	sst s10  }
0x32: {  	s10 =	sld [smem:$0x3FAE];
	_ =	sdelay $0x3  }
0x33: {  	p0 =	seq.s32 s10, $0x1;
	s10 =	sld [smem:$0x3FB0];
	_ =	sdelay $0x3  }
0x34: {  	[smem:$0x3FB0] =	sst s10  }
0x35: {  	s10 =	sld [smem:$0x3FAF];
	_ =	sdelay $0x3  }
0x36: {  	p1 =	seq.s32 s10, $0x1;
	s10 =	sld [smem:$0x3FB0];
	_ =	sdelay $0x3  }
0x37: {  	[smem:$0x3FB0] =	sst s10  }
0x38: {  	s10 =	sld [smem:$0x3FB1]  }
0x39: {  	_ = 	snop;
	(pc) =	sbr.ind lr, $3  }
0x3a: {  	_ = 	snop  }
0x3b: {  	_ = 	snop  }
0x3c: {  	p2 =	seq.s32 s10, $0x1;
	s10 =	sld [smem:$0x3FB0]  }
0x3d: {  	_ =	shalt  }
0x3e: {  	_ =	shalt  }
0x3f: {  	_ =	shalt  }
0x40: {  	_ =	shalt  }
0x41: {  	_ =	shalt  }
0x42: {  	_ =	shalt  }
0x43: {  	_ =	shalt  }
0x44: {  	_ =	shalt  }
0x45: {  	_ =	shalt  }
0x46: {  	_ =	shalt  }
0x47: {  	_ =	shalt  }
0x48: {  	_ =	shalt  }
0x49: {  	_ =	shalt  }
0x4a: {  	_ =	shalt  }
0x4b: {  	_ =	shalt  }
0x4c: {  	_ =	shalt  }
0x4d: {  	_ =	shalt  }
0x4e: {  	_ =	shalt  }
0x4f: {  	_ =	shalt  }
0x50: {  	_ =	shalt  }
0x51: {  	_ =	shalt  }
0x52: {  	_ =	shalt  }
0x53: {  	_ =	shalt  }
0x54: {  	_ =	shalt  }
0x55: {  	_ =	shalt  }
0x56: {  	_ =	shalt  }
0x57: {  	_ =	shalt  }
0x58: {  	_ =	shalt  }
0x59: {  	_ =	shalt  }
0x5a: {  	_ =	shalt  }
0x5b: {  	_ =	shalt  }
0x5c: {  	_ =	shalt  }
0x5d: {  	_ =	shalt  }
0x5e: {  	_ =	shalt  }
0x5f: {  	_ =	shalt  }
0x60: {  	_ =	shalt  }
0x61: {  	_ =	shalt  }
0x62: {  	_ =	shalt  }
0x63: {  	_ =	shalt  }
0x64: {  	_ =	shalt  }
0x65: {  	_ =	shalt  }
0x66: {  	_ =	shalt  }
0x67: {  	_ =	shalt  }
0x68: {  	_ =	shalt  }
0x69: {  	_ =	shalt  }
0x6a: {  	_ =	shalt  }
0x6b: {  	_ =	shalt  }
0x6c: {  	_ =	shalt  }
0x6d: {  	_ =	shalt  }
0x6e: {  	_ =	shalt  }
0x6f: {  	_ =	shalt  }
0x70: {  	_ =	shalt  }
0x71: {  	_ =	shalt  }
0x72: {  	_ =	shalt  }
0x73: {  	_ =	shalt  }
0x74: {  	_ =	shalt  }
0x75: {  	_ =	shalt  }
0x76: {  	_ =	shalt  }
0x77: {  	_ =	shalt  }
0x78: {  	_ =	shalt  }
0x79: {  	_ =	shalt  }
0x7a: {  	_ =	shalt  }
0x7b: {  	_ =	shalt  }
0x7c: {  	_ =	shalt  }
0x7d: {  	_ =	shalt  }
0x7e: {  	_ =	shalt  }
0x7f: {  	_ =	shalt  }
0x80: {  	_ =	shalt  }
0x81: {  	_ =	shalt  }
0x82: {  	_ =	shalt  }
0x83: {  	_ =	shalt  }
0x84: {  	_ =	shalt  }
0x85: {  	_ =	shalt  }
0x86: {  	_ =	shalt  }
0x87: {  	_ =	shalt  }
.Lfunc_end0:
.L_simem_size_0:
called_computation.2_lowered:
.L_overlay_start_0:
0x88: {  	s2 =	sld [smem:$0x3FD9]  }
0x89: {  	s3 =	sld [smem:$0x3FFE];
	_ =	sdelay $0x1  }
0x8a: {  	s1 =	srdreg.scid  }
0x8b: {  	s0 =	sand.u32 $0x1, s1  }
0x8c: {  	s17 =	sshll.u32 s0, $0xA;
	s2 =	sadd.s32 s3, s2  }
0x8d: {  	s2 =	sadd.s32 s2, s17  }
0x8e: {  	[smem:$0x3FBC] =	sst s2  }
0x8f: {  	_ = 	snop  }
0x90: {  	s2 =	sld [smem:$0x3FD0];
	(tm) =	ssettm $0x1  }
0x91: {  	s18 =	sld [smem:$0x3FFB];
	_ =	sdelay $0x3  }
0x92: {  	_ =	strace s18  }
0x93: {  	s3 =	sld [smem:$0x3FFC];
	_ =	sdelay $0x3  }
0x94: {  	_ =	strace s3  }
0x95: {  	s3 =	sld [smem:$0x3FFD];
	_ =	sdelay $0x3  }
0x96: {  	_ =	strace s3  }
0x97: {  	_ =	strace $0x8FFFFFFF  }
0x98: {  	s19 =	sld [smem:$0x3FDB];
	_ =	sdelay $0x1  }
0x99: {  	s4 =	simm.s32 $_scs_section_size  }
0x9a: {  	s5 =	simm.s32 $_size__tile_overlayer_lowered;
	s6 =	simm.s32 $_tile_overlayer_lowered  }
0x9b: {  	s22 =	simm.s32 $0x1BFF;
	s21 =	sshll.u32 s6, $0x1;
	s3 =	sadd.s32 s4, s19  }
0x9c: {  	s7 =	simm.s32 $0x0;
	s20 =	sshll.u32 s5, $0x1;
	s5 =	sadd.s32 s21, s3  }
0x9d: {  	[timem:s7], [sflag:s22] =	dma.local [hbm:s5], s20  }
0x9e: {  	_ =	swait.ge [sflag:s22], s20  }
0x9f: {  	s4 =	ssub.s32 $0x0, s20;
	[sflag:s22] =	ssyncset.done $0x0  }
0xa0: {  	[sflag:s22] =	ssyncadd.s32 s4;
	_ =	sdelay $0x1  }
0xa1: {  	s23 =	simm.s32 $0x1B8B  }
0xa2: {  	_ =	swait.ge [sflag:s23], $0x1  }
0xa3: {  	[sflag:s23] =	ssyncset.done $0x0  }
0xa4: {  	s25 =	simm.s32 $0x1B8E;
	s24 =	sld [smem:$0x3FFE];
	[sflag:s23] =	ssyncadd.s32 $0xFFFFFFFF  }
0xa5: {  	s26 =	simm.s32 $execute0_lowered;
	[smem:$0x3FD2] =	sst s25  }
0xa6: {  	s5 =	sshll.u32 s26, $0x1;
	_ =	strace $0x8000004C;
	[dreg:$0x1] =	wrdreg $0xFFFFFFFF  }
0xa7: {  	s28 =	simm.s32 $_size_execute0_lowered;
	s3 =	sadd.s32 s3, s5;
	[dreg:$0x0] =	wrdreg $0x0  }
0xa8: {  	s5 =	sshll.u32 s28, $0x1;
	[dreg:$0x2] =	wrdreg s3  }
0xa9: {  	[dreg:$0x3] =	wrdreg s5  }
0xaa: {  	[dreg:$0x4] =	wrdreg $0xC0  }
0xab: {  	_ =	task [dreg:s7], $0x5FFFF  }
0xac: {  	[dreg:$0x1] =	wrdreg $0xFFFFFFFF  }
0xad: {  	[dreg:$0x0] =	wrdreg $0x60  }
0xae: {  	[dreg:$0x2] =	wrdreg s2  }
0xaf: {  	[dreg:$0x3] =	wrdreg s24  }
0xb0: {  	[dreg:$0x4] =	wrdreg $0x69000  }
0xb1: {  	[dreg:$0x5] =	wrdreg $0x9  }
0xb2: {  	_ =	task.clear_ibuf [dreg:s7], $0x6FFFF;
	_ =	strace $0x9000004C  }
0xb3: {  	s29 =	simm.s32 $0x9;
	_ =	strace $0x8000004E  }
0xb4: {  	_ =	swait.ge [sflag:s29], $0x1  }
0xb5: {  	[sflag:s29] =	ssyncadd.s32 $0xFFFFFFFF  }
0xb6: {  	_ =	strace $0x9000004E  }
0xb7: {  	_ =	sfence  }
0xb8: {  	s30 =	sld [smem:$0x0];
	_ =	sdelay $0x2  }
0xb9: {  	s31 =	sshll.u32 s1, $0xD;
	s1 =	sshrl.u32 s1, $0x2  }
0xba: {  	s3 =	sand.u32 $0x4000, s31;
	s1 =	sadd.s32 s1, s30  }
0xbb: {  	s0 =	sor.u32 s3, s0;
	s1 =	sshll.u32 s1, $0x11  }
0xbc: {  	s0 =	sor.u32 s1, s0  }
0xbd: {  	s0 =	sadd.s32 $0x8F2B, s0  }
0xbe: {  	[sflag:s0] =	ssyncadd.remote.s32 $0x1  }
0xbf: {  	_ =	sfence.sel $0xFFFF  }
0xc0: {  	[dreg:$0x0] =	wrdreg $0xFFFFFFFF;
	(pc) =	sbr.abs _section_cstart, $3  }
0xc1: {  	[dreg:$0x1] =	wrdreg $0xFFFFFFFF  }
0xc2: {  	_ =	task.clear_ibuf [dreg:s7], $0x2FFFF;
	_ =	strace $0x9FFFFFFF  }
0xc3: {  	(tm) =	ssettm $0x7FFFFFFF  }
tec
execute0_lowered:
.L_overlay_start_1:
0x0: {  	(tag) =	ssettag $0x1  }
0x1: {  	s1 =	rddreg [dreg:$0x0];
	s0 =	stileid.u32  }
0x2: {  	s2 =	srdreg.scid;
	s7 =	smul.u32 $0x4E20, s0  }
0x3: {  	s5 =	rddreg [dreg:$0x1];
	s9 =	smul.u32 $0x280, s0  }
0x4: {  	s3 =	rddreg [dreg:$0x2];
	s4 =	simm.s32 $0x0;
	s26 =	smul.u32 $0x50000, s0  }
0x5: {  	s17 =	simm.s32 $0x1;
	s6 =	sand.u32 $0x1, s2;
	s19 =	smul.u32 $0x2800, s0  }
0x6: {  	s18 =	simm.s32 $0x80;
	s2 =	rddreg [dreg:$0x3];
	s8 =	smul.u32 $0x2710, s6  }
0x7: {  	[smem:$0x7FF] =	sst s4;
	s25 =	smul.u32 $0x28000, s6;
	s28 =	ssub.s32 $0x2, s6  }
0x8: {  	_ =	strace $0x8000004D;
	s11 =	sadd.s32 $0x80, s9;
	s6 =	sshrl.u32 s28, $0x1  }
0x9: {  	s14 =	sadd.s32 $0x100, s9;
	s15 =	sadd.s32 $0x180, s9;
	s16 =	sadd.s32 $0x200, s9  }
0xa: {  	s7 =	sadd.s32 s8, s7;
	s10 =	sadd.s32 s25, s5;
	s29 =	sshll.u32 s11, $0x7  }
0xb: {  	s13 =	ssub.s32 s28, s6;
	s30 =	sshll.u32 s14, $0x7;
	s31 =	sshll.u32 s15, $0x7  }
0xc: {  	s9 =	sshll.u32 s16, $0x7;
	s20 =	sshll.u32 s11, $0x4;
	s21 =	sshll.u32 s14, $0x4  }
0xd: {  	s22 =	sshll.u32 s15, $0x4;
	s24 =	sshll.u32 s16, $0x4;
	s14 =	simm.s32 $0x2  }
0xe: {  	s15 =	simm.s32 $0x50;
	s16 =	simm.s32 $0x100;
	s7 =	sshrl.u32 s7, $0x3  }
0xf: {  	s6 =	sadd.s32 s29, s3;
	s8 =	sadd.s32 s31, s3;
	s9 =	sadd.s32 s9, s3  }
0x10: {  	s23 =	sadd.s32 $0x17600, s10;
	s10 =	smax.u32 s13, $0x1;
	s13 =	simm.s32 $0x2900  }
0x11: {  	s12 =	sadd.s32 s7, s5;
	s7 =	sshrl.u32 s26, $0x2;
	s19 =	sadd.s32 s19, s23  }
0x12: {  	s20 =	sadd.s32 s20, s23;
	s21 =	sadd.s32 s21, s23;
	s22 =	sadd.s32 s22, s23  }
0x13: {  	s23 =	sadd.s32 s24, s23;
	s24 =	simm.s32 $0x0;
	s5 =	sadd.s32 s7, s3  }
0x14: {  	v0 =	vimm.f32 $0.0e+00;
	s7 =	sadd.s32 s30, s3;
	s11 =	sadd.s32 $0x3A00, s12;
	s12 =	sadd.s32 $0xD800, s12  }
.LBB2_1:
0x15: {  	s25 =	simm.s32 $0x0;
	s26 =	simm.s32 $0x200  }
.LBB2_2:
0x16: {  	p0 =	sne.s32 s26, $0xFE00;
	[tilespmem:s25+$0x2970] =	vst v0  }
0x17: {  	[tilespmem:s25+$0x2900] =	vst v0  }
0x18: {  	[tilespmem:s25+$0x2910] =	vst v0  }
.Ltmp0:
0x19: {  	[tilespmem:s25+$0x2920] =	vst v0;
	(pc) =	sbr.rel @p0 .LBB2_2-.Ltmp0, $4  }
0x1a: {  	[tilespmem:s25+$0x2930] =	vst v0  }
0x1b: {  	[tilespmem:s25+$0x2940] =	vst v0  }
0x1c: {  	[tilespmem:s25+$0x2950] =	vst v0  }
0x1d: {  	[tilespmem:s25+$0x2960] =	vst v0;
	s25 =	sshra.s32 s26, $0x2;
	s26 =	sadd.s32 $0x200, s26  }
0x1e: {  	[tilespmem:s25+$0x2970] =	vst v0  }
0x1f: {  	[tilespmem:s25+$0x2900] =	vst v0  }
0x20: {  	[tilespmem:s25+$0x2910] =	vst v0  }
0x21: {  	[tilespmem:s25+$0x2920] =	vst v0  }
0x22: {  	[tilespmem:s25+$0x2930] =	vst v0  }
0x23: {  	[tilespmem:s25+$0x2940] =	vst v0  }
0x24: {  	[tilespmem:s25+$0x2950] =	vst v0  }
0x25: {  	[tilespmem:s25+$0x2960] =	vst v0  }
0x26: {  	[spmem:s5] =	stream.linear.scatter [tilespmem:s13], [sflag:$0x2], $0x4000, $0x38;
	[tilespmem:$0x1A900] =	vst v63  }
0x27: {  	_ =	swait.ge [sflag:s14], $0x4000  }
0x28: {  	[sflag:s14] =	ssyncset.done $0x0  }
0x29: {  	[sflag:s14] =	ssyncadd.s32 $0xFFFFC000  }
0x2a: {  	[spmem:s6] =	stream.linear.scatter [tilespmem:s13], [sflag:$0x2], $0x4000, $0x38;
	[tilespmem:$0x1A900] =	vst v63  }
0x2b: {  	_ =	swait.ge [sflag:s14], $0x4000  }
0x2c: {  	[sflag:s14] =	ssyncset.done $0x0  }
0x2d: {  	[sflag:s14] =	ssyncadd.s32 $0xFFFFC000  }
0x2e: {  	[spmem:s7] =	stream.linear.scatter [tilespmem:s13], [sflag:$0x2], $0x4000, $0x38;
	[tilespmem:$0x1A900] =	vst v63  }
0x2f: {  	_ =	swait.ge [sflag:s14], $0x4000  }
0x30: {  	[sflag:s14] =	ssyncset.done $0x0  }
0x31: {  	[sflag:s14] =	ssyncadd.s32 $0xFFFFC000  }
0x32: {  	[spmem:s8] =	stream.linear.scatter [tilespmem:s13], [sflag:$0x2], $0x4000, $0x38;
	[tilespmem:$0x1A900] =	vst v63  }
0x33: {  	_ =	swait.ge [sflag:s14], $0x4000  }
0x34: {  	[sflag:s14] =	ssyncset.done $0x0  }
0x35: {  	[sflag:s14] =	ssyncadd.s32 $0xFFFFC000  }
0x36: {  	[spmem:s9] =	stream.linear.scatter [tilespmem:s13], [sflag:$0x2], $0x4000, $0x38;
	[tilespmem:$0x1A900] =	vst v63  }
0x37: {  	_ =	swait.ge [sflag:s14], $0x4000  }
0x38: {  	[sflag:s14] =	ssyncset.done $0x0  }
0x39: {  	[sflag:s14] =	ssyncadd.s32 $0xFFFFC000  }
0x3a: {  	s30 =	sadd.s32 $0x0, s12;
	[bflag:$0x0] =	sbarrier.arrive $0xFFFF  }
0x3b: {  	[tilespmem:s4], [sflag:$0x2] =	stream.linear.gather [hbm4b:s30+s4], $0x50, $0x38;
	[tilespmem:$0x1A900] =	vst v63  }
0x3c: {  	_ =	swait.ge [sflag:s14], $0x50  }
0x3d: {  	[sflag:s14] =	ssyncset.done $0x0  }
0x3e: {  	[sflag:s14] =	ssyncadd.s32 $0xFFFFFFB0  }
0x3f: {  	[tilespmem:s16], [sflag:$0x1] =	stream.indirect.gather [hbm4b:s1+s15], $0x80, s4, s15, $0xb8;
	[tilespmem:$0x1A900] =	vst v63  }
0x40: {  	_ =	swait.ge [sflag:s17], $0x2800  }
0x41: {  	[sflag:s17] =	ssyncset.done $0x0  }
0x42: {  	s31 =	sadd.s32 $0x0, s11;
	[sflag:s17] =	ssyncadd.s32 $0xFFFFD800  }
0x43: {  	[tilespmem:s18], [sflag:$0x2] =	stream.linear.gather [hbm4b:s31+s4], $0x50, $0x38;
	[tilespmem:$0x1A900] =	vst v63  }
0x44: {  	_ =	swait.ge [sflag:s14], $0x50  }
0x45: {  	[sflag:s14] =	ssyncset.done $0x0  }
0x46: {  	[sflag:s14] =	ssyncadd.s32 $0xFFFFFFB0  }
0x47: {  	[spmem:s3] =	stream.indirect.scatter.add.f32 [tilespmem:s16], [sflag:$0x2], $0x80, s18, s15, $0xb8;
	[tilespmem:$0x1A900] =	vst v63  }
0x48: {  	_ =	swait.ge [sflag:s14], $0x2800  }
0x49: {  	s25 =	simm.s32 $0xA;
	s26 =	simm.s32 $0x14;
	[sflag:s14] =	ssyncset.done $0x0  }
.LBB2_4:
0x4a: {  	s28 =	sadd.s32 s25, s12  }
0x4b: {  	[sflag:s14] =	ssyncadd.s32 $0xFFFFD800;
	s29 =	smov.u32 s26;
	s30 =	sadd.s32 $0xA, s26  }
0x4c: {  	[tilespmem:s4], [sflag:$0x2] =	stream.linear.gather [hbm4b:s28+s4], $0x50, $0x38;
	[tilespmem:$0x1A900] =	vst v63  }
0x4d: {  	p0 =	sne.s32 s26, $0x4D8;
	_ =	swait.ge [sflag:s14], $0x50  }
0x4e: {  	[sflag:s14] =	ssyncset.done $0x0  }
0x4f: {  	[sflag:s14] =	ssyncadd.s32 $0xFFFFFFB0  }
0x50: {  	[tilespmem:s16], [sflag:$0x1] =	stream.indirect.gather [hbm4b:s1+s15], $0x80, s4, s15, $0xb8;
	[tilespmem:$0x1A900] =	vst v63  }
0x51: {  	_ =	swait.ge [sflag:s17], $0x2800  }
0x52: {  	[sflag:s17] =	ssyncset.done $0x0  }
0x53: {  	s26 =	sadd.s32 s25, s11;
	s25 =	smov.u32 s29;
	[sflag:s17] =	ssyncadd.s32 $0xFFFFD800  }
0x54: {  	[tilespmem:s18], [sflag:$0x2] =	stream.linear.gather [hbm4b:s26+s4], $0x50, $0x38;
	[tilespmem:$0x1A900] =	vst v63  }
0x55: {  	_ =	swait.ge [sflag:s14], $0x50  }
.Ltmp1:
0x56: {  	[sflag:s14] =	ssyncset.done $0x0;
	(pc) =	sbr.rel @p0 .LBB2_4-.Ltmp1, $4  }
0x57: {  	[sflag:s14] =	ssyncadd.s32 $0xFFFFFFB0  }
0x58: {  	[spmem:s3] =	stream.indirect.scatter.add.f32 [tilespmem:s16], [sflag:$0x2], $0x80, s18, s15, $0xb8;
	[tilespmem:$0x1A900] =	vst v63  }
0x59: {  	_ =	swait.ge [sflag:s14], $0x2800  }
0x5a: {  	s26 =	smov.u32 s30;
	[sflag:s14] =	ssyncset.done $0x0  }
0x5b: {  	s26 =	sadd.s32 s25, s12;
	[sflag:s14] =	ssyncadd.s32 $0xFFFFD800  }
0x5c: {  	[tilespmem:s4], [sflag:$0x2] =	stream.linear.gather [hbm4b:s26+s4], $0x50, $0x38;
	[tilespmem:$0x1A900] =	vst v63  }
0x5d: {  	_ =	swait.ge [sflag:s14], $0x50  }
0x5e: {  	[sflag:s14] =	ssyncset.done $0x0  }
0x5f: {  	[sflag:s14] =	ssyncadd.s32 $0xFFFFFFB0  }
0x60: {  	[tilespmem:s16], [sflag:$0x1] =	stream.indirect.gather [hbm4b:s1+s15], $0x80, s4, s15, $0xb8;
	[tilespmem:$0x1A900] =	vst v63  }
0x61: {  	_ =	swait.ge [sflag:s17], $0x2800  }
0x62: {  	[sflag:s17] =	ssyncset.done $0x0  }
0x63: {  	s31 =	sadd.s32 s25, s11;
	[sflag:s17] =	ssyncadd.s32 $0xFFFFD800  }
0x64: {  	[tilespmem:s18], [sflag:$0x2] =	stream.linear.gather [hbm4b:s31+s4], $0x50, $0x38;
	[tilespmem:$0x1A900] =	vst v63  }
0x65: {  	_ =	swait.ge [sflag:s14], $0x50  }
0x66: {  	[sflag:s14] =	ssyncset.done $0x0  }
0x67: {  	[sflag:s14] =	ssyncadd.s32 $0xFFFFFFB0  }
0x68: {  	[spmem:s3] =	stream.indirect.scatter.add.f32 [tilespmem:s16], [sflag:$0x2], $0x80, s18, s15, $0xb8;
	[tilespmem:$0x1A900] =	vst v63  }
0x69: {  	_ =	swait.ge [sflag:s14], $0x2800  }
0x6a: {  	[sflag:s14] =	ssyncset.done $0x0  }
0x6b: {  	[sflag:s14] =	ssyncadd.s32 $0xFFFFD800  }
0x6c: {  	[bflag:$0x0] =	sbarrier.arrive $0xFFFF  }
0x6d: {  	[tilespmem:s13], [sflag:$0x2] =	stream.linear.gather [spmem:s5], $0x4000, $0x38;
	[tilespmem:$0x1A900] =	vst v63  }
0x6e: {  	_ =	swait.ge [sflag:s14], $0x4000  }
0x6f: {  	[sflag:s14] =	ssyncset.done $0x0  }
0x70: {  	[sflag:s14] =	ssyncadd.s32 $0xFFFFC000  }
0x71: {  	[hbm4b:s19+s4] =	stream.linear.scatter [tilespmem:s13], [sflag:$0x2], $0x4000, $0x38;
	[tilespmem:$0x1A900] =	vst v63  }
0x72: {  	_ =	swait.ge [sflag:s14], $0x4000  }
0x73: {  	[sflag:s14] =	ssyncset.done $0x0  }
0x74: {  	[sflag:s14] =	ssyncadd.s32 $0xFFFFC000  }
0x75: {  	[tilespmem:s13], [sflag:$0x2] =	stream.linear.gather [spmem:s6], $0x4000, $0x38;
	[tilespmem:$0x1A900] =	vst v63  }
0x76: {  	_ =	swait.ge [sflag:s14], $0x4000  }
0x77: {  	[sflag:s14] =	ssyncset.done $0x0  }
0x78: {  	[sflag:s14] =	ssyncadd.s32 $0xFFFFC000  }
0x79: {  	[hbm4b:s20+s4] =	stream.linear.scatter [tilespmem:s13], [sflag:$0x2], $0x4000, $0x38;
	[tilespmem:$0x1A900] =	vst v63  }
0x7a: {  	_ =	swait.ge [sflag:s14], $0x4000  }
0x7b: {  	[sflag:s14] =	ssyncset.done $0x0  }
0x7c: {  	[sflag:s14] =	ssyncadd.s32 $0xFFFFC000  }
0x7d: {  	[tilespmem:s13], [sflag:$0x2] =	stream.linear.gather [spmem:s7], $0x4000, $0x38;
	[tilespmem:$0x1A900] =	vst v63  }
0x7e: {  	_ =	swait.ge [sflag:s14], $0x4000  }
0x7f: {  	[sflag:s14] =	ssyncset.done $0x0  }
0x80: {  	[sflag:s14] =	ssyncadd.s32 $0xFFFFC000  }
0x81: {  	[hbm4b:s21+s4] =	stream.linear.scatter [tilespmem:s13], [sflag:$0x2], $0x4000, $0x38;
	[tilespmem:$0x1A900] =	vst v63  }
0x82: {  	_ =	swait.ge [sflag:s14], $0x4000  }
0x83: {  	[sflag:s14] =	ssyncset.done $0x0  }
0x84: {  	[sflag:s14] =	ssyncadd.s32 $0xFFFFC000  }
0x85: {  	[tilespmem:s13], [sflag:$0x2] =	stream.linear.gather [spmem:s8], $0x4000, $0x38;
	[tilespmem:$0x1A900] =	vst v63  }
0x86: {  	_ =	swait.ge [sflag:s14], $0x4000  }
0x87: {  	[sflag:s14] =	ssyncset.done $0x0  }
0x88: {  	[sflag:s14] =	ssyncadd.s32 $0xFFFFC000  }
0x89: {  	[hbm4b:s22+s4] =	stream.linear.scatter [tilespmem:s13], [sflag:$0x2], $0x4000, $0x38;
	[tilespmem:$0x1A900] =	vst v63  }
0x8a: {  	_ =	swait.ge [sflag:s14], $0x4000  }
0x8b: {  	[sflag:s14] =	ssyncset.done $0x0  }
0x8c: {  	[sflag:s14] =	ssyncadd.s32 $0xFFFFC000  }
0x8d: {  	[tilespmem:s13], [sflag:$0x2] =	stream.linear.gather [spmem:s9], $0x4000, $0x38;
	[tilespmem:$0x1A900] =	vst v63  }
0x8e: {  	s24 =	sadd.s32 $0x1, s24;
	_ =	swait.ge [sflag:s14], $0x4000  }
0x8f: {  	p0 =	sne.s32 s24, s10;
	[sflag:s14] =	ssyncset.done $0x0  }
.Ltmp2:
0x90: {  	[sflag:s14] =	ssyncadd.s32 $0xFFFFC000;
	(pc) =	sbr.rel @p0 .LBB2_1-.Ltmp2, $4  }
0x91: {  	[hbm4b:s23+s4] =	stream.linear.scatter [tilespmem:s13], [sflag:$0x2], $0x4000, $0x38;
	[tilespmem:$0x1A900] =	vst v63  }
0x92: {  	_ =	swait.ge [sflag:s14], $0x4000  }
0x93: {  	[sflag:s14] =	ssyncset.done $0x0  }
0x94: {  	[sflag:s14] =	ssyncadd.s32 $0xFFFFC000  }
0x95: {  	_ =	sfence.sel $0x180000  }
0x96: {  	[bflag:$0x0] =	sbarrier.arrive $0xFFFF  }
0x97: {  	p0 =	sne.s32 s0, $0x0;
	_ =	strace $0x9000004D  }
0x98: {  	s0 =	sadd.s32 @!p0 $0x100000, s2;
	[bflag:$0x2] =	sbarrier.arrive $0xFFFF  }
0x99: {  	[sflag:s0] =	ssyncadd.tile.s32 @!p0 $0x1;
	_ =	shalt  }
.Lfunc_end2:
_tile_overlayer_lowered:
.L_overlay_start_2:
0x9a: {  	(tag) =	ssettag $0x2  }
0x9b: {  	s0 =	rddreg [dreg:$0x0];
	s2 =	stileid.u32  }
0x9c: {  	s1 =	rddreg [dreg:$0x1];
	p0 =	sne.s32 s2, $0x0  }
0x9d: {  	s3 =	rddreg [dreg:$0x2];
	[bflag:$0x3] =	sbarrier.arrive $0xFFFF;
	s2 =	simm.s32 @!p0 $0x1C02  }
0x9e: {  	[timem:s3], [sflag:s2] =	dma.local @!p0 [hbm:s0], s1  }
0x9f: {  	s0 =	simm.s32 @!p0 $0x2  }
0xa0: {  	_ =	swait.ge @!p0 [sflag:s0], s1  }
0xa1: {  	s1 =	ssub.s32 @!p0 $0x0, s1;
	[sflag:s0] =	ssyncset.done @!p0 $0x0  }
0xa2: {  	[sflag:s0] =	ssyncadd.s32 @!p0 s1  }
0xa3: {  	[bflag:$0x3] =	sbarrier.arrive $0xFFFF  }
0xa4: {  	_ =	shalt  }

// kernel: kernel.23.cloned.1.call-start
scs
__scs_entry_jumppad:
0x0: {  	(pc) =	sbr.rel $0x88, $3  }
0x1: {  	(tag) =	ssettag $0x0;
	lr =	simm.s32 $0x1  }
0x2: {  	[smem:$0x3F95] =	sst lr;
	_ =	strace $0xD0000000  }
0x3: {  	_ = 	snop  }
0x4: {  	_ = 	snop  }
0x5: {  	_ = 	snop  }
0x6: {  	_ = 	snop  }
0x7: {  	_ = 	snop  }
__scs_overlays_trampoline_lowered:
0x8: {  	[smem:$0x3FA4] =	sst s0  }
0x9: {  	[smem:$0x3FA5] =	sst s1  }
0xa: {  	[smem:$0x3FA6] =	sst s2  }
0xb: {  	[smem:$0x3FA7] =	sst s3  }
0xc: {  	[smem:$0x3FA8] =	sst s4  }
0xd: {  	[smem:$0x3FA9] =	sst s5  }
0xe: {  	[smem:$0x3FAA] =	sst s6  }
0xf: {  	[smem:$0x3FAB] =	sst s7  }
0x10: {  	[smem:$0x3FAC] =	sst s8  }
0x11: {  	[smem:$0x3FAD] =	sst s9;
	s0 =	simm.s32 @!p0 $0x0  }
0x12: {  	s1 =	sld [smem:$0x3F93];
	s0 =	simm.s32 @p0 $0x1  }
0x13: {  	[smem:$0x3FAE] =	sst s0;
	s0 =	simm.s32 @!p1 $0x0  }
0x14: {  	s2 =	sld [smem:$0x3F92];
	s0 =	simm.s32 @p1 $0x1  }
0x15: {  	[smem:$0x3FAF] =	sst s0;
	s0 =	simm.s32 @!p2 $0x0  }
0x16: {  	s3 =	sld [smem:$0x3FDB];
	s0 =	simm.s32 @p2 $0x1  }
0x17: {  	s4 =	simm.s32 $0x1BF5;
	[smem:$0x3FB1] =	sst s0  }
0x18: {  	s0 =	sld [smem:$0x3F94];
	_ =	swait.ge [sflag:s4], $0x0  }
0x19: {  	s7 =	sld [smem:$0x3F95]  }
0x1a: {  	s8 =	sadd.s32 $0xFFFFE003, lr  }
0x1b: {  	s9 =	sadd.s32 $0xFFFFFEF7, lr;
	s5 =	simm.s32 $0xFFFFFFFF;
	p2 =	slt.u32 s8, $0xFFFFF086  }
0x1c: {  	p1 =	slt.u32 s9, $0xF7A;
	s5 =	simm.s32 @!p2 $0x0  }
0x1d: {  	s5 =	simm.s32 @p1 $0x1;
	p0 =	seq.s32 s7, s2  }
0x1e: {  	s7 =	smul.u32 @!p0 $0xF7A, s2;
	p2 =	seq.s32 @!p0 s5, $0x0  }
0x1f: {  	s9 =	smul.u32 $0xF7A, s1;
	s8 =	simm.s32 @!p0 $0x1BF5;
	p2 =	por !p2, p0  }
0x20: {  	[sflag:s8] =	ssyncset.s32 @!p0 $0xFFFFF086;
	s6 =	sadd.s32 @!p0 s3, s7;
	s7 =	simm.s32 @!p0 $0x108  }
0x21: {  	s3 =	sadd.s32 s3, s9;
	s6 =	sadd.s32 @!p0 $0x88, s6;
	s7 =	simm.s32 @p2 $0x1082  }
0x22: {  	[simem:s7], [sflag:s8] =	dma.local @!p0 [hbm:s6], $0xF7A  }
0x23: {  	s9 =	sor.u32 $0xD0000000, s2;
	s6 =	simm.s32 $0x108;
	_ =	swait.ge @!p0 [sflag:s8], $0x0  }
0x24: {  	s3 =	sadd.s32 $0x88, s3;
	s6 =	simm.s32 @!p1 $0x1082;
	[sflag:s4] =	ssyncset.s32 $0xFFFFF086  }
0x25: {  	[simem:s6], [sflag:s4] =	dma.local [hbm:s3], $0xF7A  }
0x26: {  	[smem:$0x3F95] =	sst s1;
	(tag) =	ssettag s2;
	_ =	strace s9  }
0x27: {  	s1 =	sld [smem:$0x3FA5]  }
0x28: {  	s2 =	sld [smem:$0x3FA6]  }
0x29: {  	s4 =	sld [smem:$0x3FA8]  }
0x2a: {  	p0 =	seq.s32 s5, $0x0;
	s5 =	sld [smem:$0x3FA9]  }
0x2b: {  	s6 =	sld [smem:$0x3FAA]  }
0x2c: {  	s7 =	sld [smem:$0x3FAB]  }
0x2d: {  	s3 =	simm.s32 $0x108;
	s8 =	sld [smem:$0x3FAC]  }
0x2e: {  	s3 =	simm.s32 @!p0 $0x1082;
	s9 =	sld [smem:$0x3FAD]  }
0x2f: {  	lr =	sadd.s32 s0, s3;
	s0 =	sld [smem:$0x3FA4]  }
0x30: {  	s3 =	sld [smem:$0x3FA7]  }
0x31: {  	[smem:$0x3FB0] =	sst s10  }
0x32: {  	s10 =	sld [smem:$0x3FAE];
	_ =	sdelay $0x3  }
0x33: {  	p0 =	seq.s32 s10, $0x1;
	s10 =	sld [smem:$0x3FB0];
	_ =	sdelay $0x3  }
0x34: {  	[smem:$0x3FB0] =	sst s10  }
0x35: {  	s10 =	sld [smem:$0x3FAF];
	_ =	sdelay $0x3  }
0x36: {  	p1 =	seq.s32 s10, $0x1;
	s10 =	sld [smem:$0x3FB0];
	_ =	sdelay $0x3  }
0x37: {  	[smem:$0x3FB0] =	sst s10  }
0x38: {  	s10 =	sld [smem:$0x3FB1]  }
0x39: {  	_ = 	snop;
	(pc) =	sbr.ind lr, $3  }
0x3a: {  	_ = 	snop  }
0x3b: {  	_ = 	snop  }
0x3c: {  	p2 =	seq.s32 s10, $0x1;
	s10 =	sld [smem:$0x3FB0]  }
0x3d: {  	_ =	shalt  }
0x3e: {  	_ =	shalt  }
0x3f: {  	_ =	shalt  }
0x40: {  	_ =	shalt  }
0x41: {  	_ =	shalt  }
0x42: {  	_ =	shalt  }
0x43: {  	_ =	shalt  }
0x44: {  	_ =	shalt  }
0x45: {  	_ =	shalt  }
0x46: {  	_ =	shalt  }
0x47: {  	_ =	shalt  }
0x48: {  	_ =	shalt  }
0x49: {  	_ =	shalt  }
0x4a: {  	_ =	shalt  }
0x4b: {  	_ =	shalt  }
0x4c: {  	_ =	shalt  }
0x4d: {  	_ =	shalt  }
0x4e: {  	_ =	shalt  }
0x4f: {  	_ =	shalt  }
0x50: {  	_ =	shalt  }
0x51: {  	_ =	shalt  }
0x52: {  	_ =	shalt  }
0x53: {  	_ =	shalt  }
0x54: {  	_ =	shalt  }
0x55: {  	_ =	shalt  }
0x56: {  	_ =	shalt  }
0x57: {  	_ =	shalt  }
0x58: {  	_ =	shalt  }
0x59: {  	_ =	shalt  }
0x5a: {  	_ =	shalt  }
0x5b: {  	_ =	shalt  }
0x5c: {  	_ =	shalt  }
0x5d: {  	_ =	shalt  }
0x5e: {  	_ =	shalt  }
0x5f: {  	_ =	shalt  }
0x60: {  	_ =	shalt  }
0x61: {  	_ =	shalt  }
0x62: {  	_ =	shalt  }
0x63: {  	_ =	shalt  }
0x64: {  	_ =	shalt  }
0x65: {  	_ =	shalt  }
0x66: {  	_ =	shalt  }
0x67: {  	_ =	shalt  }
0x68: {  	_ =	shalt  }
0x69: {  	_ =	shalt  }
0x6a: {  	_ =	shalt  }
0x6b: {  	_ =	shalt  }
0x6c: {  	_ =	shalt  }
0x6d: {  	_ =	shalt  }
0x6e: {  	_ =	shalt  }
0x6f: {  	_ =	shalt  }
0x70: {  	_ =	shalt  }
0x71: {  	_ =	shalt  }
0x72: {  	_ =	shalt  }
0x73: {  	_ =	shalt  }
0x74: {  	_ =	shalt  }
0x75: {  	_ =	shalt  }
0x76: {  	_ =	shalt  }
0x77: {  	_ =	shalt  }
0x78: {  	_ =	shalt  }
0x79: {  	_ =	shalt  }
0x7a: {  	_ =	shalt  }
0x7b: {  	_ =	shalt  }
0x7c: {  	_ =	shalt  }
0x7d: {  	_ =	shalt  }
0x7e: {  	_ =	shalt  }
0x7f: {  	_ =	shalt  }
0x80: {  	_ =	shalt  }
0x81: {  	_ =	shalt  }
0x82: {  	_ =	shalt  }
0x83: {  	_ =	shalt  }
0x84: {  	_ =	shalt  }
0x85: {  	_ =	shalt  }
0x86: {  	_ =	shalt  }
0x87: {  	_ =	shalt  }
.Lfunc_end0:
.L_simem_size_0:
called_computation.3_lowered:
.L_overlay_start_0:
0x88: {  	s2 =	sld [smem:$0x3FD9]  }
0x89: {  	s3 =	sld [smem:$0x3FFE];
	_ =	sdelay $0x1  }
0x8a: {  	s1 =	srdreg.scid  }
0x8b: {  	s0 =	sand.u32 $0x1, s1  }
0x8c: {  	s17 =	sshll.u32 s0, $0xA;
	s2 =	sadd.s32 s3, s2  }
0x8d: {  	s2 =	sadd.s32 s2, s17  }
0x8e: {  	[smem:$0x3FBC] =	sst s2  }
0x8f: {  	_ = 	snop  }
0x90: {  	s2 =	sld [smem:$0x3FD0];
	(tm) =	ssettm $0x1  }
0x91: {  	s18 =	sld [smem:$0x3FFB];
	_ =	sdelay $0x3  }
0x92: {  	_ =	strace s18  }
0x93: {  	s3 =	sld [smem:$0x3FFC];
	_ =	sdelay $0x3  }
0x94: {  	_ =	strace s3  }
0x95: {  	s3 =	sld [smem:$0x3FFD];
	_ =	sdelay $0x3  }
0x96: {  	_ =	strace s3  }
0x97: {  	_ =	strace $0x8FFFFFFF  }
0x98: {  	s19 =	sld [smem:$0x3FDB];
	_ =	sdelay $0x1  }
0x99: {  	s4 =	simm.s32 $_scs_section_size  }
0x9a: {  	s5 =	simm.s32 $_size__tile_overlayer_lowered;
	s6 =	simm.s32 $_tile_overlayer_lowered  }
0x9b: {  	s22 =	simm.s32 $0x1BFF;
	s21 =	sshll.u32 s6, $0x1;
	s3 =	sadd.s32 s4, s19  }
0x9c: {  	s7 =	simm.s32 $0x0;
	s20 =	sshll.u32 s5, $0x1;
	s5 =	sadd.s32 s21, s3  }
0x9d: {  	[timem:s7], [sflag:s22] =	dma.local [hbm:s5], s20  }
0x9e: {  	_ =	swait.ge [sflag:s22], s20  }
0x9f: {  	s4 =	ssub.s32 $0x0, s20;
	[sflag:s22] =	ssyncset.done $0x0  }
0xa0: {  	[sflag:s22] =	ssyncadd.s32 s4;
	_ =	sdelay $0x1  }
0xa1: {  	s23 =	simm.s32 $0x1B8B  }
0xa2: {  	_ =	swait.ge [sflag:s23], $0x1  }
0xa3: {  	[sflag:s23] =	ssyncset.done $0x0  }
0xa4: {  	s25 =	simm.s32 $0x1B8E;
	s24 =	sld [smem:$0x3FFE];
	[sflag:s23] =	ssyncadd.s32 $0xFFFFFFFF  }
0xa5: {  	s26 =	simm.s32 $execute0_lowered;
	[smem:$0x3FD2] =	sst s25  }
0xa6: {  	s5 =	sshll.u32 s26, $0x1;
	_ =	strace $0x8000004F;
	[dreg:$0x1] =	wrdreg $0xFFFFFFFF  }
0xa7: {  	s28 =	simm.s32 $_size_execute0_lowered;
	s3 =	sadd.s32 s3, s5;
	[dreg:$0x0] =	wrdreg $0x0  }
0xa8: {  	s5 =	sshll.u32 s28, $0x1;
	[dreg:$0x2] =	wrdreg s3  }
0xa9: {  	[dreg:$0x3] =	wrdreg s5  }
0xaa: {  	[dreg:$0x4] =	wrdreg $0xC0  }
0xab: {  	_ =	task [dreg:s7], $0x5FFFF  }
0xac: {  	[dreg:$0x1] =	wrdreg $0xFFFFFFFF  }
0xad: {  	[dreg:$0x0] =	wrdreg $0x60  }
0xae: {  	[dreg:$0x2] =	wrdreg s2  }
0xaf: {  	[dreg:$0x3] =	wrdreg s24  }
0xb0: {  	[dreg:$0x4] =	wrdreg $0x69000  }
0xb1: {  	[dreg:$0x5] =	wrdreg $0x9  }
0xb2: {  	_ =	task.clear_ibuf [dreg:s7], $0x6FFFF;
	_ =	strace $0x9000004F  }
0xb3: {  	s29 =	simm.s32 $0x9;
	_ =	strace $0x80000051  }
0xb4: {  	_ =	swait.ge [sflag:s29], $0x1  }
0xb5: {  	[sflag:s29] =	ssyncadd.s32 $0xFFFFFFFF  }
0xb6: {  	_ =	strace $0x90000051  }
0xb7: {  	_ =	sfence  }
0xb8: {  	s30 =	sld [smem:$0x0];
	_ =	sdelay $0x2  }
0xb9: {  	s31 =	sshll.u32 s1, $0xD;
	s1 =	sshrl.u32 s1, $0x2  }
0xba: {  	s3 =	sand.u32 $0x4000, s31;
	s1 =	sadd.s32 s1, s30  }
0xbb: {  	s0 =	sor.u32 s3, s0;
	s1 =	sshll.u32 s1, $0x11  }
0xbc: {  	s0 =	sor.u32 s1, s0  }
0xbd: {  	s0 =	sadd.s32 $0x8F2B, s0  }
0xbe: {  	[sflag:s0] =	ssyncadd.remote.s32 $0x1  }
0xbf: {  	_ =	sfence.sel $0xFFFF  }
0xc0: {  	[dreg:$0x0] =	wrdreg $0xFFFFFFFF;
	(pc) =	sbr.abs _section_cstart, $3  }
0xc1: {  	[dreg:$0x1] =	wrdreg $0xFFFFFFFF  }
0xc2: {  	_ =	task.clear_ibuf [dreg:s7], $0x2FFFF;
	_ =	strace $0x9FFFFFFF  }
0xc3: {  	(tm) =	ssettm $0x7FFFFFFF  }
tec
execute0_lowered:
.L_overlay_start_1:
0x0: {  	(tag) =	ssettag $0x1  }
0x1: {  	s1 =	rddreg [dreg:$0x0];
	s0 =	stileid.u32  }
0x2: {  	s2 =	srdreg.scid;
	s7 =	smul.u32 $0x4E20, s0  }
0x3: {  	s5 =	rddreg [dreg:$0x1];
	s9 =	smul.u32 $0x280, s0  }
0x4: {  	s3 =	rddreg [dreg:$0x2];
	s4 =	simm.s32 $0x0;
	s26 =	smul.u32 $0x50000, s0  }
0x5: {  	s17 =	simm.s32 $0x1;
	s6 =	sand.u32 $0x1, s2;
	s19 =	smul.u32 $0x2800, s0  }
0x6: {  	s18 =	simm.s32 $0x80;
	s2 =	rddreg [dreg:$0x3];
	s8 =	smul.u32 $0x2710, s6  }
0x7: {  	[smem:$0x7FF] =	sst s4;
	s25 =	smul.u32 $0x28000, s6;
	s28 =	ssub.s32 $0x2, s6  }
0x8: {  	_ =	strace $0x80000050;
	s11 =	sadd.s32 $0x80, s9;
	s6 =	sshrl.u32 s28, $0x1  }
0x9: {  	s14 =	sadd.s32 $0x100, s9;
	s15 =	sadd.s32 $0x180, s9;
	s16 =	sadd.s32 $0x200, s9  }
0xa: {  	s7 =	sadd.s32 s8, s7;
	s10 =	sadd.s32 s25, s5;
	s29 =	sshll.u32 s11, $0x7  }
0xb: {  	s13 =	ssub.s32 s28, s6;
	s30 =	sshll.u32 s14, $0x7;
	s31 =	sshll.u32 s15, $0x7  }
0xc: {  	s9 =	sshll.u32 s16, $0x7;
	s20 =	sshll.u32 s11, $0x4;
	s21 =	sshll.u32 s14, $0x4  }
0xd: {  	s22 =	sshll.u32 s15, $0x4;
	s24 =	sshll.u32 s16, $0x4;
	s14 =	simm.s32 $0x2  }
0xe: {  	s15 =	simm.s32 $0x50;
	s16 =	simm.s32 $0x100;
	s7 =	sshrl.u32 s7, $0x3  }
0xf: {  	s6 =	sadd.s32 s29, s3;
	s8 =	sadd.s32 s31, s3;
	s9 =	sadd.s32 s9, s3  }
0x10: {  	s23 =	sadd.s32 $0x17600, s10;
	s10 =	smax.u32 s13, $0x1;
	s13 =	simm.s32 $0x2900  }
0x11: {  	s12 =	sadd.s32 s7, s5;
	s7 =	sshrl.u32 s26, $0x2;
	s19 =	sadd.s32 s19, s23  }
0x12: {  	s20 =	sadd.s32 s20, s23;
	s21 =	sadd.s32 s21, s23;
	s22 =	sadd.s32 s22, s23  }
0x13: {  	s23 =	sadd.s32 s24, s23;
	s24 =	simm.s32 $0x0;
	s5 =	sadd.s32 s7, s3  }
0x14: {  	v0 =	vimm.f32 $0.0e+00;
	s7 =	sadd.s32 s30, s3;
	s11 =	sadd.s32 $0x3A00, s12;
	s12 =	sadd.s32 $0xD800, s12  }
.LBB2_1:
0x15: {  	s25 =	simm.s32 $0x0;
	s26 =	simm.s32 $0x200  }
.LBB2_2:
0x16: {  	p0 =	sne.s32 s26, $0xFE00;
	[tilespmem:s25+$0x2970] =	vst v0  }
0x17: {  	[tilespmem:s25+$0x2900] =	vst v0  }
0x18: {  	[tilespmem:s25+$0x2910] =	vst v0  }
.Ltmp0:
0x19: {  	[tilespmem:s25+$0x2920] =	vst v0;
	(pc) =	sbr.rel @p0 .LBB2_2-.Ltmp0, $4  }
0x1a: {  	[tilespmem:s25+$0x2930] =	vst v0  }
0x1b: {  	[tilespmem:s25+$0x2940] =	vst v0  }
0x1c: {  	[tilespmem:s25+$0x2950] =	vst v0  }
0x1d: {  	[tilespmem:s25+$0x2960] =	vst v0;
	s25 =	sshra.s32 s26, $0x2;
	s26 =	sadd.s32 $0x200, s26  }
0x1e: {  	[tilespmem:s25+$0x2970] =	vst v0  }
0x1f: {  	[tilespmem:s25+$0x2900] =	vst v0  }
0x20: {  	[tilespmem:s25+$0x2910] =	vst v0  }
0x21: {  	[tilespmem:s25+$0x2920] =	vst v0  }
0x22: {  	[tilespmem:s25+$0x2930] =	vst v0  }
0x23: {  	[tilespmem:s25+$0x2940] =	vst v0  }
0x24: {  	[tilespmem:s25+$0x2950] =	vst v0  }
0x25: {  	[tilespmem:s25+$0x2960] =	vst v0  }
0x26: {  	[spmem:s5] =	stream.linear.scatter [tilespmem:s13], [sflag:$0x2], $0x4000, $0x38;
	[tilespmem:$0x1A900] =	vst v63  }
0x27: {  	_ =	swait.ge [sflag:s14], $0x4000  }
0x28: {  	[sflag:s14] =	ssyncset.done $0x0  }
0x29: {  	[sflag:s14] =	ssyncadd.s32 $0xFFFFC000  }
0x2a: {  	[spmem:s6] =	stream.linear.scatter [tilespmem:s13], [sflag:$0x2], $0x4000, $0x38;
	[tilespmem:$0x1A900] =	vst v63  }
0x2b: {  	_ =	swait.ge [sflag:s14], $0x4000  }
0x2c: {  	[sflag:s14] =	ssyncset.done $0x0  }
0x2d: {  	[sflag:s14] =	ssyncadd.s32 $0xFFFFC000  }
0x2e: {  	[spmem:s7] =	stream.linear.scatter [tilespmem:s13], [sflag:$0x2], $0x4000, $0x38;
	[tilespmem:$0x1A900] =	vst v63  }
0x2f: {  	_ =	swait.ge [sflag:s14], $0x4000  }
0x30: {  	[sflag:s14] =	ssyncset.done $0x0  }
0x31: {  	[sflag:s14] =	ssyncadd.s32 $0xFFFFC000  }
0x32: {  	[spmem:s8] =	stream.linear.scatter [tilespmem:s13], [sflag:$0x2], $0x4000, $0x38;
	[tilespmem:$0x1A900] =	vst v63  }
0x33: {  	_ =	swait.ge [sflag:s14], $0x4000  }
0x34: {  	[sflag:s14] =	ssyncset.done $0x0  }
0x35: {  	[sflag:s14] =	ssyncadd.s32 $0xFFFFC000  }
0x36: {  	[spmem:s9] =	stream.linear.scatter [tilespmem:s13], [sflag:$0x2], $0x4000, $0x38;
	[tilespmem:$0x1A900] =	vst v63  }
0x37: {  	_ =	swait.ge [sflag:s14], $0x4000  }
0x38: {  	[sflag:s14] =	ssyncset.done $0x0  }
0x39: {  	[sflag:s14] =	ssyncadd.s32 $0xFFFFC000  }
0x3a: {  	s30 =	sadd.s32 $0x0, s12;
	[bflag:$0x0] =	sbarrier.arrive $0xFFFF  }
0x3b: {  	[tilespmem:s4], [sflag:$0x2] =	stream.linear.gather [hbm4b:s30+s4], $0x50, $0x38;
	[tilespmem:$0x1A900] =	vst v63  }
0x3c: {  	_ =	swait.ge [sflag:s14], $0x50  }
0x3d: {  	[sflag:s14] =	ssyncset.done $0x0  }
0x3e: {  	[sflag:s14] =	ssyncadd.s32 $0xFFFFFFB0  }
0x3f: {  	[tilespmem:s16], [sflag:$0x1] =	stream.indirect.gather [hbm4b:s1+s15], $0x80, s4, s15, $0xb8;
	[tilespmem:$0x1A900] =	vst v63  }
0x40: {  	_ =	swait.ge [sflag:s17], $0x2800  }
0x41: {  	[sflag:s17] =	ssyncset.done $0x0  }
0x42: {  	s31 =	sadd.s32 $0x0, s11;
	[sflag:s17] =	ssyncadd.s32 $0xFFFFD800  }
0x43: {  	[tilespmem:s18], [sflag:$0x2] =	stream.linear.gather [hbm4b:s31+s4], $0x50, $0x38;
	[tilespmem:$0x1A900] =	vst v63  }
0x44: {  	_ =	swait.ge [sflag:s14], $0x50  }
0x45: {  	[sflag:s14] =	ssyncset.done $0x0  }
0x46: {  	[sflag:s14] =	ssyncadd.s32 $0xFFFFFFB0  }
0x47: {  	[spmem:s3] =	stream.indirect.scatter.add.f32 [tilespmem:s16], [sflag:$0x2], $0x80, s18, s15, $0xb8;
	[tilespmem:$0x1A900] =	vst v63  }
0x48: {  	_ =	swait.ge [sflag:s14], $0x2800  }
0x49: {  	s25 =	simm.s32 $0xA;
	s26 =	simm.s32 $0x14;
	[sflag:s14] =	ssyncset.done $0x0  }
.LBB2_4:
0x4a: {  	s28 =	sadd.s32 s25, s12  }
0x4b: {  	[sflag:s14] =	ssyncadd.s32 $0xFFFFD800;
	s29 =	smov.u32 s26;
	s30 =	sadd.s32 $0xA, s26  }
0x4c: {  	[tilespmem:s4], [sflag:$0x2] =	stream.linear.gather [hbm4b:s28+s4], $0x50, $0x38;
	[tilespmem:$0x1A900] =	vst v63  }
0x4d: {  	p0 =	sne.s32 s26, $0x4D8;
	_ =	swait.ge [sflag:s14], $0x50  }
0x4e: {  	[sflag:s14] =	ssyncset.done $0x0  }
0x4f: {  	[sflag:s14] =	ssyncadd.s32 $0xFFFFFFB0  }
0x50: {  	[tilespmem:s16], [sflag:$0x1] =	stream.indirect.gather [hbm4b:s1+s15], $0x80, s4, s15, $0xb8;
	[tilespmem:$0x1A900] =	vst v63  }
0x51: {  	_ =	swait.ge [sflag:s17], $0x2800  }
0x52: {  	[sflag:s17] =	ssyncset.done $0x0  }
0x53: {  	s26 =	sadd.s32 s25, s11;
	s25 =	smov.u32 s29;
	[sflag:s17] =	ssyncadd.s32 $0xFFFFD800  }
0x54: {  	[tilespmem:s18], [sflag:$0x2] =	stream.linear.gather [hbm4b:s26+s4], $0x50, $0x38;
	[tilespmem:$0x1A900] =	vst v63  }
0x55: {  	_ =	swait.ge [sflag:s14], $0x50  }
.Ltmp1:
0x56: {  	[sflag:s14] =	ssyncset.done $0x0;
	(pc) =	sbr.rel @p0 .LBB2_4-.Ltmp1, $4  }
0x57: {  	[sflag:s14] =	ssyncadd.s32 $0xFFFFFFB0  }
0x58: {  	[spmem:s3] =	stream.indirect.scatter.add.f32 [tilespmem:s16], [sflag:$0x2], $0x80, s18, s15, $0xb8;
	[tilespmem:$0x1A900] =	vst v63  }
0x59: {  	_ =	swait.ge [sflag:s14], $0x2800  }
0x5a: {  	s26 =	smov.u32 s30;
	[sflag:s14] =	ssyncset.done $0x0  }
0x5b: {  	s26 =	sadd.s32 s25, s12;
	[sflag:s14] =	ssyncadd.s32 $0xFFFFD800  }
0x5c: {  	[tilespmem:s4], [sflag:$0x2] =	stream.linear.gather [hbm4b:s26+s4], $0x50, $0x38;
	[tilespmem:$0x1A900] =	vst v63  }
0x5d: {  	_ =	swait.ge [sflag:s14], $0x50  }
0x5e: {  	[sflag:s14] =	ssyncset.done $0x0  }
0x5f: {  	[sflag:s14] =	ssyncadd.s32 $0xFFFFFFB0  }
0x60: {  	[tilespmem:s16], [sflag:$0x1] =	stream.indirect.gather [hbm4b:s1+s15], $0x80, s4, s15, $0xb8;
	[tilespmem:$0x1A900] =	vst v63  }
0x61: {  	_ =	swait.ge [sflag:s17], $0x2800  }
0x62: {  	[sflag:s17] =	ssyncset.done $0x0  }
0x63: {  	s31 =	sadd.s32 s25, s11;
	[sflag:s17] =	ssyncadd.s32 $0xFFFFD800  }
0x64: {  	[tilespmem:s18], [sflag:$0x2] =	stream.linear.gather [hbm4b:s31+s4], $0x50, $0x38;
	[tilespmem:$0x1A900] =	vst v63  }
0x65: {  	_ =	swait.ge [sflag:s14], $0x50  }
0x66: {  	[sflag:s14] =	ssyncset.done $0x0  }
0x67: {  	[sflag:s14] =	ssyncadd.s32 $0xFFFFFFB0  }
0x68: {  	[spmem:s3] =	stream.indirect.scatter.add.f32 [tilespmem:s16], [sflag:$0x2], $0x80, s18, s15, $0xb8;
	[tilespmem:$0x1A900] =	vst v63  }
0x69: {  	_ =	swait.ge [sflag:s14], $0x2800  }
0x6a: {  	[sflag:s14] =	ssyncset.done $0x0  }
0x6b: {  	[sflag:s14] =	ssyncadd.s32 $0xFFFFD800  }
0x6c: {  	[bflag:$0x0] =	sbarrier.arrive $0xFFFF  }
0x6d: {  	[tilespmem:s13], [sflag:$0x2] =	stream.linear.gather [spmem:s5], $0x4000, $0x38;
	[tilespmem:$0x1A900] =	vst v63  }
0x6e: {  	_ =	swait.ge [sflag:s14], $0x4000  }
0x6f: {  	[sflag:s14] =	ssyncset.done $0x0  }
0x70: {  	[sflag:s14] =	ssyncadd.s32 $0xFFFFC000  }
0x71: {  	[hbm4b:s19+s4] =	stream.linear.scatter [tilespmem:s13], [sflag:$0x2], $0x4000, $0x38;
	[tilespmem:$0x1A900] =	vst v63  }
0x72: {  	_ =	swait.ge [sflag:s14], $0x4000  }
0x73: {  	[sflag:s14] =	ssyncset.done $0x0  }
0x74: {  	[sflag:s14] =	ssyncadd.s32 $0xFFFFC000  }
0x75: {  	[tilespmem:s13], [sflag:$0x2] =	stream.linear.gather [spmem:s6], $0x4000, $0x38;
	[tilespmem:$0x1A900] =	vst v63  }
0x76: {  	_ =	swait.ge [sflag:s14], $0x4000  }
0x77: {  	[sflag:s14] =	ssyncset.done $0x0  }
0x78: {  	[sflag:s14] =	ssyncadd.s32 $0xFFFFC000  }
0x79: {  	[hbm4b:s20+s4] =	stream.linear.scatter [tilespmem:s13], [sflag:$0x2], $0x4000, $0x38;
	[tilespmem:$0x1A900] =	vst v63  }
0x7a: {  	_ =	swait.ge [sflag:s14], $0x4000  }
0x7b: {  	[sflag:s14] =	ssyncset.done $0x0  }
0x7c: {  	[sflag:s14] =	ssyncadd.s32 $0xFFFFC000  }
0x7d: {  	[tilespmem:s13], [sflag:$0x2] =	stream.linear.gather [spmem:s7], $0x4000, $0x38;
	[tilespmem:$0x1A900] =	vst v63  }
0x7e: {  	_ =	swait.ge [sflag:s14], $0x4000  }
0x7f: {  	[sflag:s14] =	ssyncset.done $0x0  }
0x80: {  	[sflag:s14] =	ssyncadd.s32 $0xFFFFC000  }
0x81: {  	[hbm4b:s21+s4] =	stream.linear.scatter [tilespmem:s13], [sflag:$0x2], $0x4000, $0x38;
	[tilespmem:$0x1A900] =	vst v63  }
0x82: {  	_ =	swait.ge [sflag:s14], $0x4000  }
0x83: {  	[sflag:s14] =	ssyncset.done $0x0  }
0x84: {  	[sflag:s14] =	ssyncadd.s32 $0xFFFFC000  }
0x85: {  	[tilespmem:s13], [sflag:$0x2] =	stream.linear.gather [spmem:s8], $0x4000, $0x38;
	[tilespmem:$0x1A900] =	vst v63  }
0x86: {  	_ =	swait.ge [sflag:s14], $0x4000  }
0x87: {  	[sflag:s14] =	ssyncset.done $0x0  }
0x88: {  	[sflag:s14] =	ssyncadd.s32 $0xFFFFC000  }
0x89: {  	[hbm4b:s22+s4] =	stream.linear.scatter [tilespmem:s13], [sflag:$0x2], $0x4000, $0x38;
	[tilespmem:$0x1A900] =	vst v63  }
0x8a: {  	_ =	swait.ge [sflag:s14], $0x4000  }
0x8b: {  	[sflag:s14] =	ssyncset.done $0x0  }
0x8c: {  	[sflag:s14] =	ssyncadd.s32 $0xFFFFC000  }
0x8d: {  	[tilespmem:s13], [sflag:$0x2] =	stream.linear.gather [spmem:s9], $0x4000, $0x38;
	[tilespmem:$0x1A900] =	vst v63  }
0x8e: {  	s24 =	sadd.s32 $0x1, s24;
	_ =	swait.ge [sflag:s14], $0x4000  }
0x8f: {  	p0 =	sne.s32 s24, s10;
	[sflag:s14] =	ssyncset.done $0x0  }
.Ltmp2:
0x90: {  	[sflag:s14] =	ssyncadd.s32 $0xFFFFC000;
	(pc) =	sbr.rel @p0 .LBB2_1-.Ltmp2, $4  }
0x91: {  	[hbm4b:s23+s4] =	stream.linear.scatter [tilespmem:s13], [sflag:$0x2], $0x4000, $0x38;
	[tilespmem:$0x1A900] =	vst v63  }
0x92: {  	_ =	swait.ge [sflag:s14], $0x4000  }
0x93: {  	[sflag:s14] =	ssyncset.done $0x0  }
0x94: {  	[sflag:s14] =	ssyncadd.s32 $0xFFFFC000  }
0x95: {  	_ =	sfence.sel $0x180000  }
0x96: {  	[bflag:$0x0] =	sbarrier.arrive $0xFFFF  }
0x97: {  	p0 =	sne.s32 s0, $0x0;
	_ =	strace $0x90000050  }
0x98: {  	s0 =	sadd.s32 @!p0 $0x100000, s2;
	[bflag:$0x2] =	sbarrier.arrive $0xFFFF  }
0x99: {  	[sflag:s0] =	ssyncadd.tile.s32 @!p0 $0x1;
	_ =	shalt  }
.Lfunc_end2:
_tile_overlayer_lowered:
.L_overlay_start_2:
0x9a: {  	(tag) =	ssettag $0x2  }
0x9b: {  	s0 =	rddreg [dreg:$0x0];
	s2 =	stileid.u32  }
0x9c: {  	s1 =	rddreg [dreg:$0x1];
	p0 =	sne.s32 s2, $0x0  }
0x9d: {  	s3 =	rddreg [dreg:$0x2];
	[bflag:$0x3] =	sbarrier.arrive $0xFFFF;
	s2 =	simm.s32 @!p0 $0x1C02  }
0x9e: {  	[timem:s3], [sflag:s2] =	dma.local @!p0 [hbm:s0], s1  }
0x9f: {  	s0 =	simm.s32 @!p0 $0x2  }
0xa0: {  	_ =	swait.ge @!p0 [sflag:s0], s1  }
0xa1: {  	s1 =	ssub.s32 @!p0 $0x0, s1;
	[sflag:s0] =	ssyncset.done @!p0 $0x0  }
0xa2: {  	[sflag:s0] =	ssyncadd.s32 @!p0 s1  }
0xa3: {  	[bflag:$0x3] =	sbarrier.arrive $0xFFFF  }
0xa4: {  	_ =	shalt  }

// kernel: kernel.26.cloned.1.call-start
scs
__scs_entry_jumppad:
0x0: {  	(pc) =	sbr.rel $0x88, $3  }
0x1: {  	(tag) =	ssettag $0x0;
	lr =	simm.s32 $0x1  }
0x2: {  	[smem:$0x3F95] =	sst lr;
	_ =	strace $0xD0000000  }
0x3: {  	_ = 	snop  }
0x4: {  	_ = 	snop  }
0x5: {  	_ = 	snop  }
0x6: {  	_ = 	snop  }
0x7: {  	_ = 	snop  }
__scs_overlays_trampoline_lowered:
0x8: {  	[smem:$0x3FA4] =	sst s0  }
0x9: {  	[smem:$0x3FA5] =	sst s1  }
0xa: {  	[smem:$0x3FA6] =	sst s2  }
0xb: {  	[smem:$0x3FA7] =	sst s3  }
0xc: {  	[smem:$0x3FA8] =	sst s4  }
0xd: {  	[smem:$0x3FA9] =	sst s5  }
0xe: {  	[smem:$0x3FAA] =	sst s6  }
0xf: {  	[smem:$0x3FAB] =	sst s7  }
0x10: {  	[smem:$0x3FAC] =	sst s8  }
0x11: {  	[smem:$0x3FAD] =	sst s9;
	s0 =	simm.s32 @!p0 $0x0  }
0x12: {  	s1 =	sld [smem:$0x3F93];
	s0 =	simm.s32 @p0 $0x1  }
0x13: {  	[smem:$0x3FAE] =	sst s0;
	s0 =	simm.s32 @!p1 $0x0  }
0x14: {  	s2 =	sld [smem:$0x3F92];
	s0 =	simm.s32 @p1 $0x1  }
0x15: {  	[smem:$0x3FAF] =	sst s0;
	s0 =	simm.s32 @!p2 $0x0  }
0x16: {  	s3 =	sld [smem:$0x3FDB];
	s0 =	simm.s32 @p2 $0x1  }
0x17: {  	s4 =	simm.s32 $0x1BF5;
	[smem:$0x3FB1] =	sst s0  }
0x18: {  	s0 =	sld [smem:$0x3F94];
	_ =	swait.ge [sflag:s4], $0x0  }
0x19: {  	s7 =	sld [smem:$0x3F95]  }
0x1a: {  	s8 =	sadd.s32 $0xFFFFE003, lr  }
0x1b: {  	s9 =	sadd.s32 $0xFFFFFEF7, lr;
	s5 =	simm.s32 $0xFFFFFFFF;
	p2 =	slt.u32 s8, $0xFFFFF086  }
0x1c: {  	p1 =	slt.u32 s9, $0xF7A;
	s5 =	simm.s32 @!p2 $0x0  }
0x1d: {  	s5 =	simm.s32 @p1 $0x1;
	p0 =	seq.s32 s7, s2  }
0x1e: {  	s7 =	smul.u32 @!p0 $0xF7A, s2;
	p2 =	seq.s32 @!p0 s5, $0x0  }
0x1f: {  	s9 =	smul.u32 $0xF7A, s1;
	s8 =	simm.s32 @!p0 $0x1BF5;
	p2 =	por !p2, p0  }
0x20: {  	[sflag:s8] =	ssyncset.s32 @!p0 $0xFFFFF086;
	s6 =	sadd.s32 @!p0 s3, s7;
	s7 =	simm.s32 @!p0 $0x108  }
0x21: {  	s3 =	sadd.s32 s3, s9;
	s6 =	sadd.s32 @!p0 $0x88, s6;
	s7 =	simm.s32 @p2 $0x1082  }
0x22: {  	[simem:s7], [sflag:s8] =	dma.local @!p0 [hbm:s6], $0xF7A  }
0x23: {  	s9 =	sor.u32 $0xD0000000, s2;
	s6 =	simm.s32 $0x108;
	_ =	swait.ge @!p0 [sflag:s8], $0x0  }
0x24: {  	s3 =	sadd.s32 $0x88, s3;
	s6 =	simm.s32 @!p1 $0x1082;
	[sflag:s4] =	ssyncset.s32 $0xFFFFF086  }
0x25: {  	[simem:s6], [sflag:s4] =	dma.local [hbm:s3], $0xF7A  }
0x26: {  	[smem:$0x3F95] =	sst s1;
	(tag) =	ssettag s2;
	_ =	strace s9  }
0x27: {  	s1 =	sld [smem:$0x3FA5]  }
0x28: {  	s2 =	sld [smem:$0x3FA6]  }
0x29: {  	s4 =	sld [smem:$0x3FA8]  }
0x2a: {  	p0 =	seq.s32 s5, $0x0;
	s5 =	sld [smem:$0x3FA9]  }
0x2b: {  	s6 =	sld [smem:$0x3FAA]  }
0x2c: {  	s7 =	sld [smem:$0x3FAB]  }
0x2d: {  	s3 =	simm.s32 $0x108;
	s8 =	sld [smem:$0x3FAC]  }
0x2e: {  	s3 =	simm.s32 @!p0 $0x1082;
	s9 =	sld [smem:$0x3FAD]  }
0x2f: {  	lr =	sadd.s32 s0, s3;
	s0 =	sld [smem:$0x3FA4]  }
0x30: {  	s3 =	sld [smem:$0x3FA7]  }
0x31: {  	[smem:$0x3FB0] =	sst s10  }
0x32: {  	s10 =	sld [smem:$0x3FAE];
	_ =	sdelay $0x3  }
0x33: {  	p0 =	seq.s32 s10, $0x1;
	s10 =	sld [smem:$0x3FB0];
	_ =	sdelay $0x3  }
0x34: {  	[smem:$0x3FB0] =	sst s10  }
0x35: {  	s10 =	sld [smem:$0x3FAF];
	_ =	sdelay $0x3  }
0x36: {  	p1 =	seq.s32 s10, $0x1;
	s10 =	sld [smem:$0x3FB0];
	_ =	sdelay $0x3  }
0x37: {  	[smem:$0x3FB0] =	sst s10  }
0x38: {  	s10 =	sld [smem:$0x3FB1]  }
0x39: {  	_ = 	snop;
	(pc) =	sbr.ind lr, $3  }
0x3a: {  	_ = 	snop  }
0x3b: {  	_ = 	snop  }
0x3c: {  	p2 =	seq.s32 s10, $0x1;
	s10 =	sld [smem:$0x3FB0]  }
0x3d: {  	_ =	shalt  }
0x3e: {  	_ =	shalt  }
0x3f: {  	_ =	shalt  }
0x40: {  	_ =	shalt  }
0x41: {  	_ =	shalt  }
0x42: {  	_ =	shalt  }
0x43: {  	_ =	shalt  }
0x44: {  	_ =	shalt  }
0x45: {  	_ =	shalt  }
0x46: {  	_ =	shalt  }
0x47: {  	_ =	shalt  }
0x48: {  	_ =	shalt  }
0x49: {  	_ =	shalt  }
0x4a: {  	_ =	shalt  }
0x4b: {  	_ =	shalt  }
0x4c: {  	_ =	shalt  }
0x4d: {  	_ =	shalt  }
0x4e: {  	_ =	shalt  }
0x4f: {  	_ =	shalt  }
0x50: {  	_ =	shalt  }
0x51: {  	_ =	shalt  }
0x52: {  	_ =	shalt  }
0x53: {  	_ =	shalt  }
0x54: {  	_ =	shalt  }
0x55: {  	_ =	shalt  }
0x56: {  	_ =	shalt  }
0x57: {  	_ =	shalt  }
0x58: {  	_ =	shalt  }
0x59: {  	_ =	shalt  }
0x5a: {  	_ =	shalt  }
0x5b: {  	_ =	shalt  }
0x5c: {  	_ =	shalt  }
0x5d: {  	_ =	shalt  }
0x5e: {  	_ =	shalt  }
0x5f: {  	_ =	shalt  }
0x60: {  	_ =	shalt  }
0x61: {  	_ =	shalt  }
0x62: {  	_ =	shalt  }
0x63: {  	_ =	shalt  }
0x64: {  	_ =	shalt  }
0x65: {  	_ =	shalt  }
0x66: {  	_ =	shalt  }
0x67: {  	_ =	shalt  }
0x68: {  	_ =	shalt  }
0x69: {  	_ =	shalt  }
0x6a: {  	_ =	shalt  }
0x6b: {  	_ =	shalt  }
0x6c: {  	_ =	shalt  }
0x6d: {  	_ =	shalt  }
0x6e: {  	_ =	shalt  }
0x6f: {  	_ =	shalt  }
0x70: {  	_ =	shalt  }
0x71: {  	_ =	shalt  }
0x72: {  	_ =	shalt  }
0x73: {  	_ =	shalt  }
0x74: {  	_ =	shalt  }
0x75: {  	_ =	shalt  }
0x76: {  	_ =	shalt  }
0x77: {  	_ =	shalt  }
0x78: {  	_ =	shalt  }
0x79: {  	_ =	shalt  }
0x7a: {  	_ =	shalt  }
0x7b: {  	_ =	shalt  }
0x7c: {  	_ =	shalt  }
0x7d: {  	_ =	shalt  }
0x7e: {  	_ =	shalt  }
0x7f: {  	_ =	shalt  }
0x80: {  	_ =	shalt  }
0x81: {  	_ =	shalt  }
0x82: {  	_ =	shalt  }
0x83: {  	_ =	shalt  }
0x84: {  	_ =	shalt  }
0x85: {  	_ =	shalt  }
0x86: {  	_ =	shalt  }
0x87: {  	_ =	shalt  }
.Lfunc_end0:
.L_simem_size_0:
called_computation.4_lowered:
.L_overlay_start_0:
0x88: {  	s2 =	sld [smem:$0x3FD9]  }
0x89: {  	s3 =	sld [smem:$0x3FFE];
	_ =	sdelay $0x1  }
0x8a: {  	s1 =	srdreg.scid  }
0x8b: {  	s0 =	sand.u32 $0x1, s1  }
0x8c: {  	s17 =	sshll.u32 s0, $0xA;
	s2 =	sadd.s32 s3, s2  }
0x8d: {  	s2 =	sadd.s32 s2, s17  }
0x8e: {  	[smem:$0x3FBC] =	sst s2  }
0x8f: {  	_ = 	snop  }
0x90: {  	s2 =	sld [smem:$0x3FD0];
	(tm) =	ssettm $0x1  }
0x91: {  	s18 =	sld [smem:$0x3FFB];
	_ =	sdelay $0x3  }
0x92: {  	_ =	strace s18  }
0x93: {  	s3 =	sld [smem:$0x3FFC];
	_ =	sdelay $0x3  }
0x94: {  	_ =	strace s3  }
0x95: {  	s3 =	sld [smem:$0x3FFD];
	_ =	sdelay $0x3  }
0x96: {  	_ =	strace s3  }
0x97: {  	_ =	strace $0x8FFFFFFF  }
0x98: {  	s19 =	sld [smem:$0x3FDB];
	_ =	sdelay $0x1  }
0x99: {  	s4 =	simm.s32 $_scs_section_size  }
0x9a: {  	s5 =	simm.s32 $_size__tile_overlayer_lowered;
	s6 =	simm.s32 $_tile_overlayer_lowered  }
0x9b: {  	s22 =	simm.s32 $0x1BFF;
	s21 =	sshll.u32 s6, $0x1;
	s3 =	sadd.s32 s4, s19  }
0x9c: {  	s7 =	simm.s32 $0x0;
	s20 =	sshll.u32 s5, $0x1;
	s5 =	sadd.s32 s21, s3  }
0x9d: {  	[timem:s7], [sflag:s22] =	dma.local [hbm:s5], s20  }
0x9e: {  	_ =	swait.ge [sflag:s22], s20  }
0x9f: {  	s4 =	ssub.s32 $0x0, s20;
	[sflag:s22] =	ssyncset.done $0x0  }
0xa0: {  	[sflag:s22] =	ssyncadd.s32 s4;
	_ =	sdelay $0x1  }
0xa1: {  	s23 =	simm.s32 $0x1B8B  }
0xa2: {  	_ =	swait.ge [sflag:s23], $0x1  }
0xa3: {  	[sflag:s23] =	ssyncset.done $0x0  }
0xa4: {  	s25 =	simm.s32 $0x1B8E;
	s24 =	sld [smem:$0x3FFE];
	[sflag:s23] =	ssyncadd.s32 $0xFFFFFFFF  }
0xa5: {  	s26 =	simm.s32 $execute0_lowered;
	[smem:$0x3FD2] =	sst s25  }
0xa6: {  	s5 =	sshll.u32 s26, $0x1;
	_ =	strace $0x80000052;
	[dreg:$0x1] =	wrdreg $0xFFFFFFFF  }
0xa7: {  	s28 =	simm.s32 $_size_execute0_lowered;
	s3 =	sadd.s32 s3, s5;
	[dreg:$0x0] =	wrdreg $0x0  }
0xa8: {  	s5 =	sshll.u32 s28, $0x1;
	[dreg:$0x2] =	wrdreg s3  }
0xa9: {  	[dreg:$0x3] =	wrdreg s5  }
0xaa: {  	[dreg:$0x4] =	wrdreg $0xC0  }
0xab: {  	_ =	task [dreg:s7], $0x5FFFF  }
0xac: {  	[dreg:$0x1] =	wrdreg $0xFFFFFFFF  }
0xad: {  	[dreg:$0x0] =	wrdreg $0x60  }
0xae: {  	[dreg:$0x2] =	wrdreg s2  }
0xaf: {  	[dreg:$0x3] =	wrdreg s24  }
0xb0: {  	[dreg:$0x4] =	wrdreg $0x69000  }
0xb1: {  	[dreg:$0x5] =	wrdreg $0x9  }
0xb2: {  	_ =	task.clear_ibuf [dreg:s7], $0x6FFFF;
	_ =	strace $0x90000052  }
0xb3: {  	s29 =	simm.s32 $0x9;
	_ =	strace $0x80000054  }
0xb4: {  	_ =	swait.ge [sflag:s29], $0x1  }
0xb5: {  	[sflag:s29] =	ssyncadd.s32 $0xFFFFFFFF  }
0xb6: {  	_ =	strace $0x90000054  }
0xb7: {  	_ =	sfence  }
0xb8: {  	s30 =	sld [smem:$0x0];
	_ =	sdelay $0x2  }
0xb9: {  	s31 =	sshll.u32 s1, $0xD;
	s1 =	sshrl.u32 s1, $0x2  }
0xba: {  	s3 =	sand.u32 $0x4000, s31;
	s1 =	sadd.s32 s1, s30  }
0xbb: {  	s0 =	sor.u32 s3, s0;
	s1 =	sshll.u32 s1, $0x11  }
0xbc: {  	s0 =	sor.u32 s1, s0  }
0xbd: {  	s0 =	sadd.s32 $0x8F2B, s0  }
0xbe: {  	[sflag:s0] =	ssyncadd.remote.s32 $0x1  }
0xbf: {  	_ =	sfence.sel $0xFFFF  }
0xc0: {  	[dreg:$0x0] =	wrdreg $0xFFFFFFFF;
	(pc) =	sbr.abs _section_cstart, $3  }
0xc1: {  	[dreg:$0x1] =	wrdreg $0xFFFFFFFF  }
0xc2: {  	_ =	task.clear_ibuf [dreg:s7], $0x2FFFF;
	_ =	strace $0x9FFFFFFF  }
0xc3: {  	(tm) =	ssettm $0x7FFFFFFF  }
tec
execute0_lowered:
.L_overlay_start_1:
0x0: {  	(tag) =	ssettag $0x1  }
0x1: {  	s1 =	rddreg [dreg:$0x0];
	s0 =	stileid.u32  }
0x2: {  	s2 =	srdreg.scid;
	s7 =	smul.u32 $0x4E20, s0  }
0x3: {  	s5 =	rddreg [dreg:$0x1];
	s9 =	smul.u32 $0x280, s0  }
0x4: {  	s3 =	rddreg [dreg:$0x2];
	s4 =	simm.s32 $0x0;
	s26 =	smul.u32 $0x50000, s0  }
0x5: {  	s17 =	simm.s32 $0x1;
	s6 =	sand.u32 $0x1, s2;
	s19 =	smul.u32 $0x2800, s0  }
0x6: {  	s18 =	simm.s32 $0x80;
	s2 =	rddreg [dreg:$0x3];
	s8 =	smul.u32 $0x2710, s6  }
0x7: {  	[smem:$0x7FF] =	sst s4;
	s25 =	smul.u32 $0x28000, s6;
	s28 =	ssub.s32 $0x2, s6  }
0x8: {  	_ =	strace $0x80000053;
	s11 =	sadd.s32 $0x80, s9;
	s6 =	sshrl.u32 s28, $0x1  }
0x9: {  	s14 =	sadd.s32 $0x100, s9;
	s15 =	sadd.s32 $0x180, s9;
	s16 =	sadd.s32 $0x200, s9  }
0xa: {  	s7 =	sadd.s32 s8, s7;
	s10 =	sadd.s32 s25, s5;
	s29 =	sshll.u32 s11, $0x7  }
0xb: {  	s13 =	ssub.s32 s28, s6;
	s30 =	sshll.u32 s14, $0x7;
	s31 =	sshll.u32 s15, $0x7  }
0xc: {  	s9 =	sshll.u32 s16, $0x7;
	s20 =	sshll.u32 s11, $0x4;
	s21 =	sshll.u32 s14, $0x4  }
0xd: {  	s22 =	sshll.u32 s15, $0x4;
	s24 =	sshll.u32 s16, $0x4;
	s14 =	simm.s32 $0x2  }
0xe: {  	s15 =	simm.s32 $0x50;
	s16 =	simm.s32 $0x100;
	s7 =	sshrl.u32 s7, $0x3  }
0xf: {  	s6 =	sadd.s32 s29, s3;
	s8 =	sadd.s32 s31, s3;
	s9 =	sadd.s32 s9, s3  }
0x10: {  	s23 =	sadd.s32 $0x17600, s10;
	s10 =	smax.u32 s13, $0x1;
	s13 =	simm.s32 $0x2900  }
0x11: {  	s12 =	sadd.s32 s7, s5;
	s7 =	sshrl.u32 s26, $0x2;
	s19 =	sadd.s32 s19, s23  }
0x12: {  	s20 =	sadd.s32 s20, s23;
	s21 =	sadd.s32 s21, s23;
	s22 =	sadd.s32 s22, s23  }
0x13: {  	s23 =	sadd.s32 s24, s23;
	s24 =	simm.s32 $0x0;
	s5 =	sadd.s32 s7, s3  }
0x14: {  	v0 =	vimm.f32 $0.0e+00;
	s7 =	sadd.s32 s30, s3;
	s11 =	sadd.s32 $0x3A00, s12;
	s12 =	sadd.s32 $0xD800, s12  }
.LBB2_1:
0x15: {  	s25 =	simm.s32 $0x0;
	s26 =	simm.s32 $0x200  }
.LBB2_2:
0x16: {  	p0 =	sne.s32 s26, $0xFE00;
	[tilespmem:s25+$0x2970] =	vst v0  }
0x17: {  	[tilespmem:s25+$0x2900] =	vst v0  }
0x18: {  	[tilespmem:s25+$0x2910] =	vst v0  }
.Ltmp0:
0x19: {  	[tilespmem:s25+$0x2920] =	vst v0;
	(pc) =	sbr.rel @p0 .LBB2_2-.Ltmp0, $4  }
0x1a: {  	[tilespmem:s25+$0x2930] =	vst v0  }
0x1b: {  	[tilespmem:s25+$0x2940] =	vst v0  }
0x1c: {  	[tilespmem:s25+$0x2950] =	vst v0  }
0x1d: {  	[tilespmem:s25+$0x2960] =	vst v0;
	s25 =	sshra.s32 s26, $0x2;
	s26 =	sadd.s32 $0x200, s26  }
0x1e: {  	[tilespmem:s25+$0x2970] =	vst v0  }
0x1f: {  	[tilespmem:s25+$0x2900] =	vst v0  }
0x20: {  	[tilespmem:s25+$0x2910] =	vst v0  }
0x21: {  	[tilespmem:s25+$0x2920] =	vst v0  }
0x22: {  	[tilespmem:s25+$0x2930] =	vst v0  }
0x23: {  	[tilespmem:s25+$0x2940] =	vst v0  }
0x24: {  	[tilespmem:s25+$0x2950] =	vst v0  }
0x25: {  	[tilespmem:s25+$0x2960] =	vst v0  }
0x26: {  	[spmem:s5] =	stream.linear.scatter [tilespmem:s13], [sflag:$0x2], $0x4000, $0x38;
	[tilespmem:$0x1A900] =	vst v63  }
0x27: {  	_ =	swait.ge [sflag:s14], $0x4000  }
0x28: {  	[sflag:s14] =	ssyncset.done $0x0  }
0x29: {  	[sflag:s14] =	ssyncadd.s32 $0xFFFFC000  }
0x2a: {  	[spmem:s6] =	stream.linear.scatter [tilespmem:s13], [sflag:$0x2], $0x4000, $0x38;
	[tilespmem:$0x1A900] =	vst v63  }
0x2b: {  	_ =	swait.ge [sflag:s14], $0x4000  }
0x2c: {  	[sflag:s14] =	ssyncset.done $0x0  }
0x2d: {  	[sflag:s14] =	ssyncadd.s32 $0xFFFFC000  }
0x2e: {  	[spmem:s7] =	stream.linear.scatter [tilespmem:s13], [sflag:$0x2], $0x4000, $0x38;
	[tilespmem:$0x1A900] =	vst v63  }
0x2f: {  	_ =	swait.ge [sflag:s14], $0x4000  }
0x30: {  	[sflag:s14] =	ssyncset.done $0x0  }
0x31: {  	[sflag:s14] =	ssyncadd.s32 $0xFFFFC000  }
0x32: {  	[spmem:s8] =	stream.linear.scatter [tilespmem:s13], [sflag:$0x2], $0x4000, $0x38;
	[tilespmem:$0x1A900] =	vst v63  }
0x33: {  	_ =	swait.ge [sflag:s14], $0x4000  }
0x34: {  	[sflag:s14] =	ssyncset.done $0x0  }
0x35: {  	[sflag:s14] =	ssyncadd.s32 $0xFFFFC000  }
0x36: {  	[spmem:s9] =	stream.linear.scatter [tilespmem:s13], [sflag:$0x2], $0x4000, $0x38;
	[tilespmem:$0x1A900] =	vst v63  }
0x37: {  	_ =	swait.ge [sflag:s14], $0x4000  }
0x38: {  	[sflag:s14] =	ssyncset.done $0x0  }
0x39: {  	[sflag:s14] =	ssyncadd.s32 $0xFFFFC000  }
0x3a: {  	s30 =	sadd.s32 $0x0, s12;
	[bflag:$0x0] =	sbarrier.arrive $0xFFFF  }
0x3b: {  	[tilespmem:s4], [sflag:$0x2] =	stream.linear.gather [hbm4b:s30+s4], $0x50, $0x38;
	[tilespmem:$0x1A900] =	vst v63  }
0x3c: {  	_ =	swait.ge [sflag:s14], $0x50  }
0x3d: {  	[sflag:s14] =	ssyncset.done $0x0  }
0x3e: {  	[sflag:s14] =	ssyncadd.s32 $0xFFFFFFB0  }
0x3f: {  	[tilespmem:s16], [sflag:$0x1] =	stream.indirect.gather [hbm4b:s1+s15], $0x80, s4, s15, $0xb8;
	[tilespmem:$0x1A900] =	vst v63  }
0x40: {  	_ =	swait.ge [sflag:s17], $0x2800  }
0x41: {  	[sflag:s17] =	ssyncset.done $0x0  }
0x42: {  	s31 =	sadd.s32 $0x0, s11;
	[sflag:s17] =	ssyncadd.s32 $0xFFFFD800  }
0x43: {  	[tilespmem:s18], [sflag:$0x2] =	stream.linear.gather [hbm4b:s31+s4], $0x50, $0x38;
	[tilespmem:$0x1A900] =	vst v63  }
0x44: {  	_ =	swait.ge [sflag:s14], $0x50  }
0x45: {  	[sflag:s14] =	ssyncset.done $0x0  }
0x46: {  	[sflag:s14] =	ssyncadd.s32 $0xFFFFFFB0  }
0x47: {  	[spmem:s3] =	stream.indirect.scatter.add.f32 [tilespmem:s16], [sflag:$0x2], $0x80, s18, s15, $0xb8;
	[tilespmem:$0x1A900] =	vst v63  }
0x48: {  	_ =	swait.ge [sflag:s14], $0x2800  }
0x49: {  	s25 =	simm.s32 $0xA;
	s26 =	simm.s32 $0x14;
	[sflag:s14] =	ssyncset.done $0x0  }
.LBB2_4:
0x4a: {  	s28 =	sadd.s32 s25, s12  }
0x4b: {  	[sflag:s14] =	ssyncadd.s32 $0xFFFFD800;
	s29 =	smov.u32 s26;
	s30 =	sadd.s32 $0xA, s26  }
0x4c: {  	[tilespmem:s4], [sflag:$0x2] =	stream.linear.gather [hbm4b:s28+s4], $0x50, $0x38;
	[tilespmem:$0x1A900] =	vst v63  }
0x4d: {  	p0 =	sne.s32 s26, $0x4D8;
	_ =	swait.ge [sflag:s14], $0x50  }
0x4e: {  	[sflag:s14] =	ssyncset.done $0x0  }
0x4f: {  	[sflag:s14] =	ssyncadd.s32 $0xFFFFFFB0  }
0x50: {  	[tilespmem:s16], [sflag:$0x1] =	stream.indirect.gather [hbm4b:s1+s15], $0x80, s4, s15, $0xb8;
	[tilespmem:$0x1A900] =	vst v63  }
0x51: {  	_ =	swait.ge [sflag:s17], $0x2800  }
0x52: {  	[sflag:s17] =	ssyncset.done $0x0  }
0x53: {  	s26 =	sadd.s32 s25, s11;
	s25 =	smov.u32 s29;
	[sflag:s17] =	ssyncadd.s32 $0xFFFFD800  }
0x54: {  	[tilespmem:s18], [sflag:$0x2] =	stream.linear.gather [hbm4b:s26+s4], $0x50, $0x38;
	[tilespmem:$0x1A900] =	vst v63  }
0x55: {  	_ =	swait.ge [sflag:s14], $0x50  }
.Ltmp1:
0x56: {  	[sflag:s14] =	ssyncset.done $0x0;
	(pc) =	sbr.rel @p0 .LBB2_4-.Ltmp1, $4  }
0x57: {  	[sflag:s14] =	ssyncadd.s32 $0xFFFFFFB0  }
0x58: {  	[spmem:s3] =	stream.indirect.scatter.add.f32 [tilespmem:s16], [sflag:$0x2], $0x80, s18, s15, $0xb8;
	[tilespmem:$0x1A900] =	vst v63  }
0x59: {  	_ =	swait.ge [sflag:s14], $0x2800  }
0x5a: {  	s26 =	smov.u32 s30;
	[sflag:s14] =	ssyncset.done $0x0  }
0x5b: {  	s26 =	sadd.s32 s25, s12;
	[sflag:s14] =	ssyncadd.s32 $0xFFFFD800  }
0x5c: {  	[tilespmem:s4], [sflag:$0x2] =	stream.linear.gather [hbm4b:s26+s4], $0x50, $0x38;
	[tilespmem:$0x1A900] =	vst v63  }
0x5d: {  	_ =	swait.ge [sflag:s14], $0x50  }
0x5e: {  	[sflag:s14] =	ssyncset.done $0x0  }
0x5f: {  	[sflag:s14] =	ssyncadd.s32 $0xFFFFFFB0  }
0x60: {  	[tilespmem:s16], [sflag:$0x1] =	stream.indirect.gather [hbm4b:s1+s15], $0x80, s4, s15, $0xb8;
	[tilespmem:$0x1A900] =	vst v63  }
0x61: {  	_ =	swait.ge [sflag:s17], $0x2800  }
0x62: {  	[sflag:s17] =	ssyncset.done $0x0  }
0x63: {  	s31 =	sadd.s32 s25, s11;
	[sflag:s17] =	ssyncadd.s32 $0xFFFFD800  }
0x64: {  	[tilespmem:s18], [sflag:$0x2] =	stream.linear.gather [hbm4b:s31+s4], $0x50, $0x38;
	[tilespmem:$0x1A900] =	vst v63  }
0x65: {  	_ =	swait.ge [sflag:s14], $0x50  }
0x66: {  	[sflag:s14] =	ssyncset.done $0x0  }
0x67: {  	[sflag:s14] =	ssyncadd.s32 $0xFFFFFFB0  }
0x68: {  	[spmem:s3] =	stream.indirect.scatter.add.f32 [tilespmem:s16], [sflag:$0x2], $0x80, s18, s15, $0xb8;
	[tilespmem:$0x1A900] =	vst v63  }
0x69: {  	_ =	swait.ge [sflag:s14], $0x2800  }
0x6a: {  	[sflag:s14] =	ssyncset.done $0x0  }
0x6b: {  	[sflag:s14] =	ssyncadd.s32 $0xFFFFD800  }
0x6c: {  	[bflag:$0x0] =	sbarrier.arrive $0xFFFF  }
0x6d: {  	[tilespmem:s13], [sflag:$0x2] =	stream.linear.gather [spmem:s5], $0x4000, $0x38;
	[tilespmem:$0x1A900] =	vst v63  }
0x6e: {  	_ =	swait.ge [sflag:s14], $0x4000  }
0x6f: {  	[sflag:s14] =	ssyncset.done $0x0  }
0x70: {  	[sflag:s14] =	ssyncadd.s32 $0xFFFFC000  }
0x71: {  	[hbm4b:s19+s4] =	stream.linear.scatter [tilespmem:s13], [sflag:$0x2], $0x4000, $0x38;
	[tilespmem:$0x1A900] =	vst v63  }
0x72: {  	_ =	swait.ge [sflag:s14], $0x4000  }
0x73: {  	[sflag:s14] =	ssyncset.done $0x0  }
0x74: {  	[sflag:s14] =	ssyncadd.s32 $0xFFFFC000  }
0x75: {  	[tilespmem:s13], [sflag:$0x2] =	stream.linear.gather [spmem:s6], $0x4000, $0x38;
	[tilespmem:$0x1A900] =	vst v63  }
0x76: {  	_ =	swait.ge [sflag:s14], $0x4000  }
0x77: {  	[sflag:s14] =	ssyncset.done $0x0  }
0x78: {  	[sflag:s14] =	ssyncadd.s32 $0xFFFFC000  }
0x79: {  	[hbm4b:s20+s4] =	stream.linear.scatter [tilespmem:s13], [sflag:$0x2], $0x4000, $0x38;
	[tilespmem:$0x1A900] =	vst v63  }
0x7a: {  	_ =	swait.ge [sflag:s14], $0x4000  }
0x7b: {  	[sflag:s14] =	ssyncset.done $0x0  }
0x7c: {  	[sflag:s14] =	ssyncadd.s32 $0xFFFFC000  }
0x7d: {  	[tilespmem:s13], [sflag:$0x2] =	stream.linear.gather [spmem:s7], $0x4000, $0x38;
	[tilespmem:$0x1A900] =	vst v63  }
0x7e: {  	_ =	swait.ge [sflag:s14], $0x4000  }
0x7f: {  	[sflag:s14] =	ssyncset.done $0x0  }
0x80: {  	[sflag:s14] =	ssyncadd.s32 $0xFFFFC000  }
0x81: {  	[hbm4b:s21+s4] =	stream.linear.scatter [tilespmem:s13], [sflag:$0x2], $0x4000, $0x38;
	[tilespmem:$0x1A900] =	vst v63  }
0x82: {  	_ =	swait.ge [sflag:s14], $0x4000  }
0x83: {  	[sflag:s14] =	ssyncset.done $0x0  }
0x84: {  	[sflag:s14] =	ssyncadd.s32 $0xFFFFC000  }
0x85: {  	[tilespmem:s13], [sflag:$0x2] =	stream.linear.gather [spmem:s8], $0x4000, $0x38;
	[tilespmem:$0x1A900] =	vst v63  }
0x86: {  	_ =	swait.ge [sflag:s14], $0x4000  }
0x87: {  	[sflag:s14] =	ssyncset.done $0x0  }
0x88: {  	[sflag:s14] =	ssyncadd.s32 $0xFFFFC000  }
0x89: {  	[hbm4b:s22+s4] =	stream.linear.scatter [tilespmem:s13], [sflag:$0x2], $0x4000, $0x38;
	[tilespmem:$0x1A900] =	vst v63  }
0x8a: {  	_ =	swait.ge [sflag:s14], $0x4000  }
0x8b: {  	[sflag:s14] =	ssyncset.done $0x0  }
0x8c: {  	[sflag:s14] =	ssyncadd.s32 $0xFFFFC000  }
0x8d: {  	[tilespmem:s13], [sflag:$0x2] =	stream.linear.gather [spmem:s9], $0x4000, $0x38;
	[tilespmem:$0x1A900] =	vst v63  }
0x8e: {  	s24 =	sadd.s32 $0x1, s24;
	_ =	swait.ge [sflag:s14], $0x4000  }
0x8f: {  	p0 =	sne.s32 s24, s10;
	[sflag:s14] =	ssyncset.done $0x0  }
.Ltmp2:
0x90: {  	[sflag:s14] =	ssyncadd.s32 $0xFFFFC000;
	(pc) =	sbr.rel @p0 .LBB2_1-.Ltmp2, $4  }
0x91: {  	[hbm4b:s23+s4] =	stream.linear.scatter [tilespmem:s13], [sflag:$0x2], $0x4000, $0x38;
	[tilespmem:$0x1A900] =	vst v63  }
0x92: {  	_ =	swait.ge [sflag:s14], $0x4000  }
0x93: {  	[sflag:s14] =	ssyncset.done $0x0  }
0x94: {  	[sflag:s14] =	ssyncadd.s32 $0xFFFFC000  }
0x95: {  	_ =	sfence.sel $0x180000  }
0x96: {  	[bflag:$0x0] =	sbarrier.arrive $0xFFFF  }
0x97: {  	p0 =	sne.s32 s0, $0x0;
	_ =	strace $0x90000053  }
0x98: {  	s0 =	sadd.s32 @!p0 $0x100000, s2;
	[bflag:$0x2] =	sbarrier.arrive $0xFFFF  }
0x99: {  	[sflag:s0] =	ssyncadd.tile.s32 @!p0 $0x1;
	_ =	shalt  }
.Lfunc_end2:
_tile_overlayer_lowered:
.L_overlay_start_2:
0x9a: {  	(tag) =	ssettag $0x2  }
0x9b: {  	s0 =	rddreg [dreg:$0x0];
	s2 =	stileid.u32  }
0x9c: {  	s1 =	rddreg [dreg:$0x1];
	p0 =	sne.s32 s2, $0x0  }
0x9d: {  	s3 =	rddreg [dreg:$0x2];
	[bflag:$0x3] =	sbarrier.arrive $0xFFFF;
	s2 =	simm.s32 @!p0 $0x1C02  }
0x9e: {  	[timem:s3], [sflag:s2] =	dma.local @!p0 [hbm:s0], s1  }
0x9f: {  	s0 =	simm.s32 @!p0 $0x2  }
0xa0: {  	_ =	swait.ge @!p0 [sflag:s0], s1  }
0xa1: {  	s1 =	ssub.s32 @!p0 $0x0, s1;
	[sflag:s0] =	ssyncset.done @!p0 $0x0  }
0xa2: {  	[sflag:s0] =	ssyncadd.s32 @!p0 s1  }
0xa3: {  	[bflag:$0x3] =	sbarrier.arrive $0xFFFF  }
0xa4: {  	_ =	shalt  }

// kernel: kernel.29.cloned.1.call-start
scs
__scs_entry_jumppad:
0x0: {  	(pc) =	sbr.rel $0x88, $3  }
0x1: {  	(tag) =	ssettag $0x0;
	lr =	simm.s32 $0x1  }
0x2: {  	[smem:$0x3F95] =	sst lr;
	_ =	strace $0xD0000000  }
0x3: {  	_ = 	snop  }
0x4: {  	_ = 	snop  }
0x5: {  	_ = 	snop  }
0x6: {  	_ = 	snop  }
0x7: {  	_ = 	snop  }
__scs_overlays_trampoline_lowered:
0x8: {  	[smem:$0x3FA4] =	sst s0  }
0x9: {  	[smem:$0x3FA5] =	sst s1  }
0xa: {  	[smem:$0x3FA6] =	sst s2  }
0xb: {  	[smem:$0x3FA7] =	sst s3  }
0xc: {  	[smem:$0x3FA8] =	sst s4  }
0xd: {  	[smem:$0x3FA9] =	sst s5  }
0xe: {  	[smem:$0x3FAA] =	sst s6  }
0xf: {  	[smem:$0x3FAB] =	sst s7  }
0x10: {  	[smem:$0x3FAC] =	sst s8  }
0x11: {  	[smem:$0x3FAD] =	sst s9;
	s0 =	simm.s32 @!p0 $0x0  }
0x12: {  	s1 =	sld [smem:$0x3F93];
	s0 =	simm.s32 @p0 $0x1  }
0x13: {  	[smem:$0x3FAE] =	sst s0;
	s0 =	simm.s32 @!p1 $0x0  }
0x14: {  	s2 =	sld [smem:$0x3F92];
	s0 =	simm.s32 @p1 $0x1  }
0x15: {  	[smem:$0x3FAF] =	sst s0;
	s0 =	simm.s32 @!p2 $0x0  }
0x16: {  	s3 =	sld [smem:$0x3FDB];
	s0 =	simm.s32 @p2 $0x1  }
0x17: {  	s4 =	simm.s32 $0x1BF5;
	[smem:$0x3FB1] =	sst s0  }
0x18: {  	s0 =	sld [smem:$0x3F94];
	_ =	swait.ge [sflag:s4], $0x0  }
0x19: {  	s7 =	sld [smem:$0x3F95]  }
0x1a: {  	s8 =	sadd.s32 $0xFFFFE003, lr  }
0x1b: {  	s9 =	sadd.s32 $0xFFFFFEF7, lr;
	s5 =	simm.s32 $0xFFFFFFFF;
	p2 =	slt.u32 s8, $0xFFFFF086  }
0x1c: {  	p1 =	slt.u32 s9, $0xF7A;
	s5 =	simm.s32 @!p2 $0x0  }
0x1d: {  	s5 =	simm.s32 @p1 $0x1;
	p0 =	seq.s32 s7, s2  }
0x1e: {  	s7 =	smul.u32 @!p0 $0xF7A, s2;
	p2 =	seq.s32 @!p0 s5, $0x0  }
0x1f: {  	s9 =	smul.u32 $0xF7A, s1;
	s8 =	simm.s32 @!p0 $0x1BF5;
	p2 =	por !p2, p0  }
0x20: {  	[sflag:s8] =	ssyncset.s32 @!p0 $0xFFFFF086;
	s6 =	sadd.s32 @!p0 s3, s7;
	s7 =	simm.s32 @!p0 $0x108  }
0x21: {  	s3 =	sadd.s32 s3, s9;
	s6 =	sadd.s32 @!p0 $0x88, s6;
	s7 =	simm.s32 @p2 $0x1082  }
0x22: {  	[simem:s7], [sflag:s8] =	dma.local @!p0 [hbm:s6], $0xF7A  }
0x23: {  	s9 =	sor.u32 $0xD0000000, s2;
	s6 =	simm.s32 $0x108;
	_ =	swait.ge @!p0 [sflag:s8], $0x0  }
0x24: {  	s3 =	sadd.s32 $0x88, s3;
	s6 =	simm.s32 @!p1 $0x1082;
	[sflag:s4] =	ssyncset.s32 $0xFFFFF086  }
0x25: {  	[simem:s6], [sflag:s4] =	dma.local [hbm:s3], $0xF7A  }
0x26: {  	[smem:$0x3F95] =	sst s1;
	(tag) =	ssettag s2;
	_ =	strace s9  }
0x27: {  	s1 =	sld [smem:$0x3FA5]  }
0x28: {  	s2 =	sld [smem:$0x3FA6]  }
0x29: {  	s4 =	sld [smem:$0x3FA8]  }
0x2a: {  	p0 =	seq.s32 s5, $0x0;
	s5 =	sld [smem:$0x3FA9]  }
0x2b: {  	s6 =	sld [smem:$0x3FAA]  }
0x2c: {  	s7 =	sld [smem:$0x3FAB]  }
0x2d: {  	s3 =	simm.s32 $0x108;
	s8 =	sld [smem:$0x3FAC]  }
0x2e: {  	s3 =	simm.s32 @!p0 $0x1082;
	s9 =	sld [smem:$0x3FAD]  }
0x2f: {  	lr =	sadd.s32 s0, s3;
	s0 =	sld [smem:$0x3FA4]  }
0x30: {  	s3 =	sld [smem:$0x3FA7]  }
0x31: {  	[smem:$0x3FB0] =	sst s10  }
0x32: {  	s10 =	sld [smem:$0x3FAE];
	_ =	sdelay $0x3  }
0x33: {  	p0 =	seq.s32 s10, $0x1;
	s10 =	sld [smem:$0x3FB0];
	_ =	sdelay $0x3  }
0x34: {  	[smem:$0x3FB0] =	sst s10  }
0x35: {  	s10 =	sld [smem:$0x3FAF];
	_ =	sdelay $0x3  }
0x36: {  	p1 =	seq.s32 s10, $0x1;
	s10 =	sld [smem:$0x3FB0];
	_ =	sdelay $0x3  }
0x37: {  	[smem:$0x3FB0] =	sst s10  }
0x38: {  	s10 =	sld [smem:$0x3FB1]  }
0x39: {  	_ = 	snop;
	(pc) =	sbr.ind lr, $3  }
0x3a: {  	_ = 	snop  }
0x3b: {  	_ = 	snop  }
0x3c: {  	p2 =	seq.s32 s10, $0x1;
	s10 =	sld [smem:$0x3FB0]  }
0x3d: {  	_ =	shalt  }
0x3e: {  	_ =	shalt  }
0x3f: {  	_ =	shalt  }
0x40: {  	_ =	shalt  }
0x41: {  	_ =	shalt  }
0x42: {  	_ =	shalt  }
0x43: {  	_ =	shalt  }
0x44: {  	_ =	shalt  }
0x45: {  	_ =	shalt  }
0x46: {  	_ =	shalt  }
0x47: {  	_ =	shalt  }
0x48: {  	_ =	shalt  }
0x49: {  	_ =	shalt  }
0x4a: {  	_ =	shalt  }
0x4b: {  	_ =	shalt  }
0x4c: {  	_ =	shalt  }
0x4d: {  	_ =	shalt  }
0x4e: {  	_ =	shalt  }
0x4f: {  	_ =	shalt  }
0x50: {  	_ =	shalt  }
0x51: {  	_ =	shalt  }
0x52: {  	_ =	shalt  }
0x53: {  	_ =	shalt  }
0x54: {  	_ =	shalt  }
0x55: {  	_ =	shalt  }
0x56: {  	_ =	shalt  }
0x57: {  	_ =	shalt  }
0x58: {  	_ =	shalt  }
0x59: {  	_ =	shalt  }
0x5a: {  	_ =	shalt  }
0x5b: {  	_ =	shalt  }
0x5c: {  	_ =	shalt  }
0x5d: {  	_ =	shalt  }
0x5e: {  	_ =	shalt  }
0x5f: {  	_ =	shalt  }
0x60: {  	_ =	shalt  }
0x61: {  	_ =	shalt  }
0x62: {  	_ =	shalt  }
0x63: {  	_ =	shalt  }
0x64: {  	_ =	shalt  }
0x65: {  	_ =	shalt  }
0x66: {  	_ =	shalt  }
0x67: {  	_ =	shalt  }
0x68: {  	_ =	shalt  }
0x69: {  	_ =	shalt  }
0x6a: {  	_ =	shalt  }
0x6b: {  	_ =	shalt  }
0x6c: {  	_ =	shalt  }
0x6d: {  	_ =	shalt  }
0x6e: {  	_ =	shalt  }
0x6f: {  	_ =	shalt  }
0x70: {  	_ =	shalt  }
0x71: {  	_ =	shalt  }
0x72: {  	_ =	shalt  }
0x73: {  	_ =	shalt  }
0x74: {  	_ =	shalt  }
0x75: {  	_ =	shalt  }
0x76: {  	_ =	shalt  }
0x77: {  	_ =	shalt  }
0x78: {  	_ =	shalt  }
0x79: {  	_ =	shalt  }
0x7a: {  	_ =	shalt  }
0x7b: {  	_ =	shalt  }
0x7c: {  	_ =	shalt  }
0x7d: {  	_ =	shalt  }
0x7e: {  	_ =	shalt  }
0x7f: {  	_ =	shalt  }
0x80: {  	_ =	shalt  }
0x81: {  	_ =	shalt  }
0x82: {  	_ =	shalt  }
0x83: {  	_ =	shalt  }
0x84: {  	_ =	shalt  }
0x85: {  	_ =	shalt  }
0x86: {  	_ =	shalt  }
0x87: {  	_ =	shalt  }
.Lfunc_end0:
.L_simem_size_0:
called_computation.5_lowered:
.L_overlay_start_0:
0x88: {  	s2 =	sld [smem:$0x3FD9]  }
0x89: {  	s3 =	sld [smem:$0x3FFE];
	_ =	sdelay $0x1  }
0x8a: {  	s1 =	srdreg.scid  }
0x8b: {  	s0 =	sand.u32 $0x1, s1  }
0x8c: {  	s17 =	sshll.u32 s0, $0xA;
	s2 =	sadd.s32 s3, s2  }
0x8d: {  	s2 =	sadd.s32 s2, s17  }
0x8e: {  	[smem:$0x3FBC] =	sst s2  }
0x8f: {  	_ = 	snop  }
0x90: {  	s2 =	sld [smem:$0x3FD0];
	(tm) =	ssettm $0x1  }
0x91: {  	s18 =	sld [smem:$0x3FFB];
	_ =	sdelay $0x3  }
0x92: {  	_ =	strace s18  }
0x93: {  	s3 =	sld [smem:$0x3FFC];
	_ =	sdelay $0x3  }
0x94: {  	_ =	strace s3  }
0x95: {  	s3 =	sld [smem:$0x3FFD];
	_ =	sdelay $0x3  }
0x96: {  	_ =	strace s3  }
0x97: {  	_ =	strace $0x8FFFFFFF  }
0x98: {  	s19 =	sld [smem:$0x3FDB];
	_ =	sdelay $0x1  }
0x99: {  	s4 =	simm.s32 $_scs_section_size  }
0x9a: {  	s5 =	simm.s32 $_size__tile_overlayer_lowered;
	s6 =	simm.s32 $_tile_overlayer_lowered  }
0x9b: {  	s22 =	simm.s32 $0x1BFF;
	s21 =	sshll.u32 s6, $0x1;
	s3 =	sadd.s32 s4, s19  }
0x9c: {  	s7 =	simm.s32 $0x0;
	s20 =	sshll.u32 s5, $0x1;
	s5 =	sadd.s32 s21, s3  }
0x9d: {  	[timem:s7], [sflag:s22] =	dma.local [hbm:s5], s20  }
0x9e: {  	_ =	swait.ge [sflag:s22], s20  }
0x9f: {  	s4 =	ssub.s32 $0x0, s20;
	[sflag:s22] =	ssyncset.done $0x0  }
0xa0: {  	[sflag:s22] =	ssyncadd.s32 s4;
	_ =	sdelay $0x1  }
0xa1: {  	s23 =	simm.s32 $0x1B8B  }
0xa2: {  	_ =	swait.ge [sflag:s23], $0x1  }
0xa3: {  	[sflag:s23] =	ssyncset.done $0x0  }
0xa4: {  	s25 =	simm.s32 $0x1B8E;
	s24 =	sld [smem:$0x3FFE];
	[sflag:s23] =	ssyncadd.s32 $0xFFFFFFFF  }
0xa5: {  	s26 =	simm.s32 $execute0_lowered;
	[smem:$0x3FD2] =	sst s25  }
0xa6: {  	s5 =	sshll.u32 s26, $0x1;
	_ =	strace $0x80000055;
	[dreg:$0x1] =	wrdreg $0xFFFFFFFF  }
0xa7: {  	s28 =	simm.s32 $_size_execute0_lowered;
	s3 =	sadd.s32 s3, s5;
	[dreg:$0x0] =	wrdreg $0x0  }
0xa8: {  	s5 =	sshll.u32 s28, $0x1;
	[dreg:$0x2] =	wrdreg s3  }
0xa9: {  	[dreg:$0x3] =	wrdreg s5  }
0xaa: {  	[dreg:$0x4] =	wrdreg $0xC0  }
0xab: {  	_ =	task [dreg:s7], $0x5FFFF  }
0xac: {  	[dreg:$0x1] =	wrdreg $0xFFFFFFFF  }
0xad: {  	[dreg:$0x0] =	wrdreg $0x60  }
0xae: {  	[dreg:$0x2] =	wrdreg s2  }
0xaf: {  	[dreg:$0x3] =	wrdreg s24  }
0xb0: {  	[dreg:$0x4] =	wrdreg $0x69000  }
0xb1: {  	[dreg:$0x5] =	wrdreg $0x9  }
0xb2: {  	_ =	task.clear_ibuf [dreg:s7], $0x6FFFF;
	_ =	strace $0x90000055  }
0xb3: {  	s29 =	simm.s32 $0x9;
	_ =	strace $0x80000057  }
0xb4: {  	_ =	swait.ge [sflag:s29], $0x1  }
0xb5: {  	[sflag:s29] =	ssyncadd.s32 $0xFFFFFFFF  }
0xb6: {  	_ =	strace $0x90000057  }
0xb7: {  	_ =	sfence  }
0xb8: {  	s30 =	sld [smem:$0x0];
	_ =	sdelay $0x2  }
0xb9: {  	s31 =	sshll.u32 s1, $0xD;
	s1 =	sshrl.u32 s1, $0x2  }
0xba: {  	s3 =	sand.u32 $0x4000, s31;
	s1 =	sadd.s32 s1, s30  }
0xbb: {  	s0 =	sor.u32 s3, s0;
	s1 =	sshll.u32 s1, $0x11  }
0xbc: {  	s0 =	sor.u32 s1, s0  }
0xbd: {  	s0 =	sadd.s32 $0x8F2B, s0  }
0xbe: {  	[sflag:s0] =	ssyncadd.remote.s32 $0x1  }
0xbf: {  	_ =	sfence.sel $0xFFFF  }
0xc0: {  	[dreg:$0x0] =	wrdreg $0xFFFFFFFF;
	(pc) =	sbr.abs _section_cstart, $3  }
0xc1: {  	[dreg:$0x1] =	wrdreg $0xFFFFFFFF  }
0xc2: {  	_ =	task.clear_ibuf [dreg:s7], $0x2FFFF;
	_ =	strace $0x9FFFFFFF  }
0xc3: {  	(tm) =	ssettm $0x7FFFFFFF  }
tec
execute0_lowered:
.L_overlay_start_1:
0x0: {  	(tag) =	ssettag $0x1  }
0x1: {  	s1 =	rddreg [dreg:$0x0];
	s0 =	stileid.u32  }
0x2: {  	s2 =	srdreg.scid;
	s7 =	smul.u32 $0x4E20, s0  }
0x3: {  	s5 =	rddreg [dreg:$0x1];
	s9 =	smul.u32 $0x280, s0  }
0x4: {  	s3 =	rddreg [dreg:$0x2];
	s4 =	simm.s32 $0x0;
	s26 =	smul.u32 $0x50000, s0  }
0x5: {  	s17 =	simm.s32 $0x1;
	s6 =	sand.u32 $0x1, s2;
	s19 =	smul.u32 $0x2800, s0  }
0x6: {  	s18 =	simm.s32 $0x80;
	s2 =	rddreg [dreg:$0x3];
	s8 =	smul.u32 $0x2710, s6  }
0x7: {  	[smem:$0x7FF] =	sst s4;
	s25 =	smul.u32 $0x28000, s6;
	s28 =	ssub.s32 $0x2, s6  }
0x8: {  	_ =	strace $0x80000056;
	s11 =	sadd.s32 $0x80, s9;
	s6 =	sshrl.u32 s28, $0x1  }
0x9: {  	s14 =	sadd.s32 $0x100, s9;
	s15 =	sadd.s32 $0x180, s9;
	s16 =	sadd.s32 $0x200, s9  }
0xa: {  	s7 =	sadd.s32 s8, s7;
	s10 =	sadd.s32 s25, s5;
	s29 =	sshll.u32 s11, $0x7  }
0xb: {  	s13 =	ssub.s32 s28, s6;
	s30 =	sshll.u32 s14, $0x7;
	s31 =	sshll.u32 s15, $0x7  }
0xc: {  	s9 =	sshll.u32 s16, $0x7;
	s20 =	sshll.u32 s11, $0x4;
	s21 =	sshll.u32 s14, $0x4  }
0xd: {  	s22 =	sshll.u32 s15, $0x4;
	s24 =	sshll.u32 s16, $0x4;
	s14 =	simm.s32 $0x2  }
0xe: {  	s15 =	simm.s32 $0x50;
	s16 =	simm.s32 $0x100;
	s7 =	sshrl.u32 s7, $0x3  }
0xf: {  	s6 =	sadd.s32 s29, s3;
	s8 =	sadd.s32 s31, s3;
	s9 =	sadd.s32 s9, s3  }
0x10: {  	s23 =	sadd.s32 $0x17600, s10;
	s10 =	smax.u32 s13, $0x1;
	s13 =	simm.s32 $0x2900  }
0x11: {  	s12 =	sadd.s32 s7, s5;
	s7 =	sshrl.u32 s26, $0x2;
	s19 =	sadd.s32 s19, s23  }
0x12: {  	s20 =	sadd.s32 s20, s23;
	s21 =	sadd.s32 s21, s23;
	s22 =	sadd.s32 s22, s23  }
0x13: {  	s23 =	sadd.s32 s24, s23;
	s24 =	simm.s32 $0x0;
	s5 =	sadd.s32 s7, s3  }
0x14: {  	v0 =	vimm.f32 $0.0e+00;
	s7 =	sadd.s32 s30, s3;
	s11 =	sadd.s32 $0x3A00, s12;
	s12 =	sadd.s32 $0xD800, s12  }
.LBB2_1:
0x15: {  	s25 =	simm.s32 $0x0;
	s26 =	simm.s32 $0x200  }
.LBB2_2:
0x16: {  	p0 =	sne.s32 s26, $0xFE00;
	[tilespmem:s25+$0x2970] =	vst v0  }
0x17: {  	[tilespmem:s25+$0x2900] =	vst v0  }
0x18: {  	[tilespmem:s25+$0x2910] =	vst v0  }
.Ltmp0:
0x19: {  	[tilespmem:s25+$0x2920] =	vst v0;
	(pc) =	sbr.rel @p0 .LBB2_2-.Ltmp0, $4  }
0x1a: {  	[tilespmem:s25+$0x2930] =	vst v0  }
0x1b: {  	[tilespmem:s25+$0x2940] =	vst v0  }
0x1c: {  	[tilespmem:s25+$0x2950] =	vst v0  }
0x1d: {  	[tilespmem:s25+$0x2960] =	vst v0;
	s25 =	sshra.s32 s26, $0x2;
	s26 =	sadd.s32 $0x200, s26  }
0x1e: {  	[tilespmem:s25+$0x2970] =	vst v0  }
0x1f: {  	[tilespmem:s25+$0x2900] =	vst v0  }
0x20: {  	[tilespmem:s25+$0x2910] =	vst v0  }
0x21: {  	[tilespmem:s25+$0x2920] =	vst v0  }
0x22: {  	[tilespmem:s25+$0x2930] =	vst v0  }
0x23: {  	[tilespmem:s25+$0x2940] =	vst v0  }
0x24: {  	[tilespmem:s25+$0x2950] =	vst v0  }
0x25: {  	[tilespmem:s25+$0x2960] =	vst v0  }
0x26: {  	[spmem:s5] =	stream.linear.scatter [tilespmem:s13], [sflag:$0x2], $0x4000, $0x38;
	[tilespmem:$0x1A900] =	vst v63  }
0x27: {  	_ =	swait.ge [sflag:s14], $0x4000  }
0x28: {  	[sflag:s14] =	ssyncset.done $0x0  }
0x29: {  	[sflag:s14] =	ssyncadd.s32 $0xFFFFC000  }
0x2a: {  	[spmem:s6] =	stream.linear.scatter [tilespmem:s13], [sflag:$0x2], $0x4000, $0x38;
	[tilespmem:$0x1A900] =	vst v63  }
0x2b: {  	_ =	swait.ge [sflag:s14], $0x4000  }
0x2c: {  	[sflag:s14] =	ssyncset.done $0x0  }
0x2d: {  	[sflag:s14] =	ssyncadd.s32 $0xFFFFC000  }
0x2e: {  	[spmem:s7] =	stream.linear.scatter [tilespmem:s13], [sflag:$0x2], $0x4000, $0x38;
	[tilespmem:$0x1A900] =	vst v63  }
0x2f: {  	_ =	swait.ge [sflag:s14], $0x4000  }
0x30: {  	[sflag:s14] =	ssyncset.done $0x0  }
0x31: {  	[sflag:s14] =	ssyncadd.s32 $0xFFFFC000  }
0x32: {  	[spmem:s8] =	stream.linear.scatter [tilespmem:s13], [sflag:$0x2], $0x4000, $0x38;
	[tilespmem:$0x1A900] =	vst v63  }
0x33: {  	_ =	swait.ge [sflag:s14], $0x4000  }
0x34: {  	[sflag:s14] =	ssyncset.done $0x0  }
0x35: {  	[sflag:s14] =	ssyncadd.s32 $0xFFFFC000  }
0x36: {  	[spmem:s9] =	stream.linear.scatter [tilespmem:s13], [sflag:$0x2], $0x4000, $0x38;
	[tilespmem:$0x1A900] =	vst v63  }
0x37: {  	_ =	swait.ge [sflag:s14], $0x4000  }
0x38: {  	[sflag:s14] =	ssyncset.done $0x0  }
0x39: {  	[sflag:s14] =	ssyncadd.s32 $0xFFFFC000  }
0x3a: {  	s30 =	sadd.s32 $0x0, s12;
	[bflag:$0x0] =	sbarrier.arrive $0xFFFF  }
0x3b: {  	[tilespmem:s4], [sflag:$0x2] =	stream.linear.gather [hbm4b:s30+s4], $0x50, $0x38;
	[tilespmem:$0x1A900] =	vst v63  }
0x3c: {  	_ =	swait.ge [sflag:s14], $0x50  }
0x3d: {  	[sflag:s14] =	ssyncset.done $0x0  }
0x3e: {  	[sflag:s14] =	ssyncadd.s32 $0xFFFFFFB0  }
0x3f: {  	[tilespmem:s16], [sflag:$0x1] =	stream.indirect.gather [hbm4b:s1+s15], $0x80, s4, s15, $0xb8;
	[tilespmem:$0x1A900] =	vst v63  }
0x40: {  	_ =	swait.ge [sflag:s17], $0x2800  }
0x41: {  	[sflag:s17] =	ssyncset.done $0x0  }
0x42: {  	s31 =	sadd.s32 $0x0, s11;
	[sflag:s17] =	ssyncadd.s32 $0xFFFFD800  }
0x43: {  	[tilespmem:s18], [sflag:$0x2] =	stream.linear.gather [hbm4b:s31+s4], $0x50, $0x38;
	[tilespmem:$0x1A900] =	vst v63  }
0x44: {  	_ =	swait.ge [sflag:s14], $0x50  }
0x45: {  	[sflag:s14] =	ssyncset.done $0x0  }
0x46: {  	[sflag:s14] =	ssyncadd.s32 $0xFFFFFFB0  }
0x47: {  	[spmem:s3] =	stream.indirect.scatter.add.f32 [tilespmem:s16], [sflag:$0x2], $0x80, s18, s15, $0xb8;
	[tilespmem:$0x1A900] =	vst v63  }
0x48: {  	_ =	swait.ge [sflag:s14], $0x2800  }
0x49: {  	s25 =	simm.s32 $0xA;
	s26 =	simm.s32 $0x14;
	[sflag:s14] =	ssyncset.done $0x0  }
.LBB2_4:
0x4a: {  	s28 =	sadd.s32 s25, s12  }
0x4b: {  	[sflag:s14] =	ssyncadd.s32 $0xFFFFD800;
	s29 =	smov.u32 s26;
	s30 =	sadd.s32 $0xA, s26  }
0x4c: {  	[tilespmem:s4], [sflag:$0x2] =	stream.linear.gather [hbm4b:s28+s4], $0x50, $0x38;
	[tilespmem:$0x1A900] =	vst v63  }
0x4d: {  	p0 =	sne.s32 s26, $0x4D8;
	_ =	swait.ge [sflag:s14], $0x50  }
0x4e: {  	[sflag:s14] =	ssyncset.done $0x0  }
0x4f: {  	[sflag:s14] =	ssyncadd.s32 $0xFFFFFFB0  }
0x50: {  	[tilespmem:s16], [sflag:$0x1] =	stream.indirect.gather [hbm4b:s1+s15], $0x80, s4, s15, $0xb8;
	[tilespmem:$0x1A900] =	vst v63  }
0x51: {  	_ =	swait.ge [sflag:s17], $0x2800  }
0x52: {  	[sflag:s17] =	ssyncset.done $0x0  }
0x53: {  	s26 =	sadd.s32 s25, s11;
	s25 =	smov.u32 s29;
	[sflag:s17] =	ssyncadd.s32 $0xFFFFD800  }
0x54: {  	[tilespmem:s18], [sflag:$0x2] =	stream.linear.gather [hbm4b:s26+s4], $0x50, $0x38;
	[tilespmem:$0x1A900] =	vst v63  }
0x55: {  	_ =	swait.ge [sflag:s14], $0x50  }
.Ltmp1:
0x56: {  	[sflag:s14] =	ssyncset.done $0x0;
	(pc) =	sbr.rel @p0 .LBB2_4-.Ltmp1, $4  }
0x57: {  	[sflag:s14] =	ssyncadd.s32 $0xFFFFFFB0  }
0x58: {  	[spmem:s3] =	stream.indirect.scatter.add.f32 [tilespmem:s16], [sflag:$0x2], $0x80, s18, s15, $0xb8;
	[tilespmem:$0x1A900] =	vst v63  }
0x59: {  	_ =	swait.ge [sflag:s14], $0x2800  }
0x5a: {  	s26 =	smov.u32 s30;
	[sflag:s14] =	ssyncset.done $0x0  }
0x5b: {  	s26 =	sadd.s32 s25, s12;
	[sflag:s14] =	ssyncadd.s32 $0xFFFFD800  }
0x5c: {  	[tilespmem:s4], [sflag:$0x2] =	stream.linear.gather [hbm4b:s26+s4], $0x50, $0x38;
	[tilespmem:$0x1A900] =	vst v63  }
0x5d: {  	_ =	swait.ge [sflag:s14], $0x50  }
0x5e: {  	[sflag:s14] =	ssyncset.done $0x0  }
0x5f: {  	[sflag:s14] =	ssyncadd.s32 $0xFFFFFFB0  }
0x60: {  	[tilespmem:s16], [sflag:$0x1] =	stream.indirect.gather [hbm4b:s1+s15], $0x80, s4, s15, $0xb8;
	[tilespmem:$0x1A900] =	vst v63  }
0x61: {  	_ =	swait.ge [sflag:s17], $0x2800  }
0x62: {  	[sflag:s17] =	ssyncset.done $0x0  }
0x63: {  	s31 =	sadd.s32 s25, s11;
	[sflag:s17] =	ssyncadd.s32 $0xFFFFD800  }
0x64: {  	[tilespmem:s18], [sflag:$0x2] =	stream.linear.gather [hbm4b:s31+s4], $0x50, $0x38;
	[tilespmem:$0x1A900] =	vst v63  }
0x65: {  	_ =	swait.ge [sflag:s14], $0x50  }
0x66: {  	[sflag:s14] =	ssyncset.done $0x0  }
0x67: {  	[sflag:s14] =	ssyncadd.s32 $0xFFFFFFB0  }
0x68: {  	[spmem:s3] =	stream.indirect.scatter.add.f32 [tilespmem:s16], [sflag:$0x2], $0x80, s18, s15, $0xb8;
	[tilespmem:$0x1A900] =	vst v63  }
0x69: {  	_ =	swait.ge [sflag:s14], $0x2800  }
0x6a: {  	[sflag:s14] =	ssyncset.done $0x0  }
0x6b: {  	[sflag:s14] =	ssyncadd.s32 $0xFFFFD800  }
0x6c: {  	[bflag:$0x0] =	sbarrier.arrive $0xFFFF  }
0x6d: {  	[tilespmem:s13], [sflag:$0x2] =	stream.linear.gather [spmem:s5], $0x4000, $0x38;
	[tilespmem:$0x1A900] =	vst v63  }
0x6e: {  	_ =	swait.ge [sflag:s14], $0x4000  }
0x6f: {  	[sflag:s14] =	ssyncset.done $0x0  }
0x70: {  	[sflag:s14] =	ssyncadd.s32 $0xFFFFC000  }
0x71: {  	[hbm4b:s19+s4] =	stream.linear.scatter [tilespmem:s13], [sflag:$0x2], $0x4000, $0x38;
	[tilespmem:$0x1A900] =	vst v63  }
0x72: {  	_ =	swait.ge [sflag:s14], $0x4000  }
0x73: {  	[sflag:s14] =	ssyncset.done $0x0  }
0x74: {  	[sflag:s14] =	ssyncadd.s32 $0xFFFFC000  }
0x75: {  	[tilespmem:s13], [sflag:$0x2] =	stream.linear.gather [spmem:s6], $0x4000, $0x38;
	[tilespmem:$0x1A900] =	vst v63  }
0x76: {  	_ =	swait.ge [sflag:s14], $0x4000  }
0x77: {  	[sflag:s14] =	ssyncset.done $0x0  }
0x78: {  	[sflag:s14] =	ssyncadd.s32 $0xFFFFC000  }
0x79: {  	[hbm4b:s20+s4] =	stream.linear.scatter [tilespmem:s13], [sflag:$0x2], $0x4000, $0x38;
	[tilespmem:$0x1A900] =	vst v63  }
0x7a: {  	_ =	swait.ge [sflag:s14], $0x4000  }
0x7b: {  	[sflag:s14] =	ssyncset.done $0x0  }
0x7c: {  	[sflag:s14] =	ssyncadd.s32 $0xFFFFC000  }
0x7d: {  	[tilespmem:s13], [sflag:$0x2] =	stream.linear.gather [spmem:s7], $0x4000, $0x38;
	[tilespmem:$0x1A900] =	vst v63  }
0x7e: {  	_ =	swait.ge [sflag:s14], $0x4000  }
0x7f: {  	[sflag:s14] =	ssyncset.done $0x0  }
0x80: {  	[sflag:s14] =	ssyncadd.s32 $0xFFFFC000  }
0x81: {  	[hbm4b:s21+s4] =	stream.linear.scatter [tilespmem:s13], [sflag:$0x2], $0x4000, $0x38;
	[tilespmem:$0x1A900] =	vst v63  }
0x82: {  	_ =	swait.ge [sflag:s14], $0x4000  }
0x83: {  	[sflag:s14] =	ssyncset.done $0x0  }
0x84: {  	[sflag:s14] =	ssyncadd.s32 $0xFFFFC000  }
0x85: {  	[tilespmem:s13], [sflag:$0x2] =	stream.linear.gather [spmem:s8], $0x4000, $0x38;
	[tilespmem:$0x1A900] =	vst v63  }
0x86: {  	_ =	swait.ge [sflag:s14], $0x4000  }
0x87: {  	[sflag:s14] =	ssyncset.done $0x0  }
0x88: {  	[sflag:s14] =	ssyncadd.s32 $0xFFFFC000  }
0x89: {  	[hbm4b:s22+s4] =	stream.linear.scatter [tilespmem:s13], [sflag:$0x2], $0x4000, $0x38;
	[tilespmem:$0x1A900] =	vst v63  }
0x8a: {  	_ =	swait.ge [sflag:s14], $0x4000  }
0x8b: {  	[sflag:s14] =	ssyncset.done $0x0  }
0x8c: {  	[sflag:s14] =	ssyncadd.s32 $0xFFFFC000  }
0x8d: {  	[tilespmem:s13], [sflag:$0x2] =	stream.linear.gather [spmem:s9], $0x4000, $0x38;
	[tilespmem:$0x1A900] =	vst v63  }
0x8e: {  	s24 =	sadd.s32 $0x1, s24;
	_ =	swait.ge [sflag:s14], $0x4000  }
0x8f: {  	p0 =	sne.s32 s24, s10;
	[sflag:s14] =	ssyncset.done $0x0  }
.Ltmp2:
0x90: {  	[sflag:s14] =	ssyncadd.s32 $0xFFFFC000;
	(pc) =	sbr.rel @p0 .LBB2_1-.Ltmp2, $4  }
0x91: {  	[hbm4b:s23+s4] =	stream.linear.scatter [tilespmem:s13], [sflag:$0x2], $0x4000, $0x38;
	[tilespmem:$0x1A900] =	vst v63  }
0x92: {  	_ =	swait.ge [sflag:s14], $0x4000  }
0x93: {  	[sflag:s14] =	ssyncset.done $0x0  }
0x94: {  	[sflag:s14] =	ssyncadd.s32 $0xFFFFC000  }
0x95: {  	_ =	sfence.sel $0x180000  }
0x96: {  	[bflag:$0x0] =	sbarrier.arrive $0xFFFF  }
0x97: {  	p0 =	sne.s32 s0, $0x0;
	_ =	strace $0x90000056  }
0x98: {  	s0 =	sadd.s32 @!p0 $0x100000, s2;
	[bflag:$0x2] =	sbarrier.arrive $0xFFFF  }
0x99: {  	[sflag:s0] =	ssyncadd.tile.s32 @!p0 $0x1;
	_ =	shalt  }
.Lfunc_end2:
_tile_overlayer_lowered:
.L_overlay_start_2:
0x9a: {  	(tag) =	ssettag $0x2  }
0x9b: {  	s0 =	rddreg [dreg:$0x0];
	s2 =	stileid.u32  }
0x9c: {  	s1 =	rddreg [dreg:$0x1];
	p0 =	sne.s32 s2, $0x0  }
0x9d: {  	s3 =	rddreg [dreg:$0x2];
	[bflag:$0x3] =	sbarrier.arrive $0xFFFF;
	s2 =	simm.s32 @!p0 $0x1C02  }
0x9e: {  	[timem:s3], [sflag:s2] =	dma.local @!p0 [hbm:s0], s1  }
0x9f: {  	s0 =	simm.s32 @!p0 $0x2  }
0xa0: {  	_ =	swait.ge @!p0 [sflag:s0], s1  }
0xa1: {  	s1 =	ssub.s32 @!p0 $0x0, s1;
	[sflag:s0] =	ssyncset.done @!p0 $0x0  }
0xa2: {  	[sflag:s0] =	ssyncadd.s32 @!p0 s1  }
0xa3: {  	[bflag:$0x3] =	sbarrier.arrive $0xFFFF  }
0xa4: {  	_ =	shalt  }

</sc_bundles>
